<compile_context>
chip_gen: v7x
topology: tpu7x:2x2x1
jax: 0.10.2.dev20260603
libtpu: 0.0.44.dev20260713+nightly
codegen_flags: <defaults>
</compile_context>

<pallas_src>
import functools

import jax
import jax.numpy as jnp
import numpy as np
from jax import lax
from jax.experimental import pallas as pl
from jax.experimental.pallas import tpu as pltpu
from jax.experimental.pallas import tpu_sc as plsc

VOCAB = 100000
D_MODEL = 128
MAX_LEN = 512
B = 1024
L = 200

NUM_CORES = 2
NUM_SUBCORES = 16
NW = NUM_CORES * NUM_SUBCORES

N_ROWS = B * L
ROWS_PER_W = N_ROWS // NW
WIN = 40
NSEQ = 4
CHUNK = NSEQ * WIN
GROW = WIN
NG = CHUNK // GROW
NPHASE = L // WIN
CHUNKS_PER_W = ROWS_PER_W // CHUNK
NBUF = 4
NCOL = D_MODEL // 16


def _pos_encoding() -> np.ndarray:
    pos = np.arange(MAX_LEN, dtype=np.float64)[:, None]
    i = np.arange(0, D_MODEL, 2, dtype=np.float64)[None, :]
    loc = pos / (10000.0 ** (i / D_MODEL))
    enc = np.zeros((MAX_LEN, D_MODEL), dtype=np.float32)
    enc[:, 0::2] = np.sin(loc)
    enc[:, 1::2] = np.cos(loc)
    return enc[:L]


_ENC = _pos_encoding()


def _sc_kernel():
    mesh = plsc.VectorSubcoreMesh(core_axis_name="c", subcore_axis_name="s")

    @functools.partial(
        pl.kernel,
        mesh=mesh,
        out_type=jax.ShapeDtypeStruct((B, L, D_MODEL), jnp.float32),
        scratch_types=[
            pltpu.VMEM((NG * CHUNKS_PER_W, GROW), jnp.int32),
            pltpu.VMEM((L, D_MODEL), jnp.float32),
        ]
        + [pltpu.VMEM((CHUNK, D_MODEL), jnp.float32) for _ in range(NBUF)]
        + [pltpu.SemaphoreType.DMA for _ in range(2 * NBUF + 1)],
    )
    def k(table_hbm, xr_hbm, enc_hbm, out_hbm, idx_v, enc_v,
          b0, b1, b2, b3, g0, g1, g2, g3, s0, s1, s2, s3, esem):
        bufs = (b0, b1, b2, b3)
        gsems = (g0, g1, g2, g3)
        ssems = (s0, s1, s2, s3)
        wid = lax.axis_index("s") * NUM_CORES + lax.axis_index("c")
        irow0 = wid * NG * CHUNKS_PER_W
        seq0 = wid * (ROWS_PER_W // L)

        enc_copy = pltpu.make_async_copy(enc_hbm, enc_v, esem)
        enc_copy.start()
        pltpu.sync_copy(xr_hbm.at[pl.ds(irow0, NG * CHUNKS_PER_W)], idx_v)

        def idx_row(c, g):
            q = lax.div(c, NPHASE)
            f = lax.rem(c, NPHASE)
            return (NSEQ * q + g) * NPHASE + f

        def start_gather(c, b):
            for g in range(NG):
                pltpu.make_async_copy(
                    table_hbm.at[idx_v.at[idx_row(c, g)]],
                    bufs[b].at[pl.ds(g * GROW, GROW)], gsems[b]).start()

        def wait_gather(c, b):
            for g in range(NG):
                pltpu.make_async_copy(
                    table_hbm.at[idx_v.at[idx_row(c, g)]],
                    bufs[b].at[pl.ds(g * GROW, GROW)], gsems[b]).wait()

        def out_dst(c, half):
            q = lax.div(c, NPHASE)
            f = lax.rem(c, NPHASE)
            return out_hbm.at[seq0 + NSEQ * q + half, pl.ds(f * WIN, WIN)]

        def start_store(c, b):
            for half in range(NSEQ):
                pltpu.make_async_copy(bufs[b].at[pl.ds(half * WIN, WIN)],
                                      out_dst(c, half), ssems[b]).start()

        def wait_store(c, b):
            for half in range(NSEQ):
                pltpu.make_async_copy(bufs[b].at[pl.ds(half * WIN, WIN)],
                                      out_dst(c, half), ssems[b]).wait()

        def add_enc(c, b):
            base = lax.rem(c, NPHASE) * WIN

            def row_body(r, _):
                cols = range(NCOL)
                e = [enc_v[base + r, pl.ds(col * 16, 16)] for col in cols]
                for half in range(NSEQ):
                    row = half * WIN + r
                    g = [bufs[b][row, pl.ds(col * 16, 16)] for col in cols]
                    for col in cols:
                        bufs[b][row, pl.ds(col * 16, 16)] = g[col] + e[col]
                return 0

            lax.fori_loop(0, WIN, row_body, 0)

        for b in range(NBUF):
            start_gather(b, b)
        enc_copy.wait()

        def outer(i, _):
            c0 = i * NBUF
            for b in range(NBUF):
                c = c0 + b
                wait_gather(c, b)
                add_enc(c, b)
                start_store(c, b)
            for b in range(NBUF):
                c = c0 + b

                @pl.when(c + NBUF < CHUNKS_PER_W)
                def _():
                    wait_store(c, b)
                    start_gather(c + NBUF, b)
            return 0

        lax.fori_loop(0, CHUNKS_PER_W // NBUF, outer, 0)

        for b in range(NBUF):
            c = CHUNKS_PER_W - NBUF + b
            wait_store(c, b)

    return k


_K = _sc_kernel()


def kernel(x, embed_table):
    xr = jnp.asarray(x, jnp.int32).reshape(N_ROWS // GROW, GROW)
    enc = jnp.asarray(_ENC)
    return _K(embed_table, xr, enc)

# --- scband reference (transcript-rebuilt; emitter-appended) ---
"""Pipeline reference for scband-transformer-embedding-6339371728915 (READ-ONLY COPY).

The authoritative reference and input builder live on the scoring server;
editing this copy changes nothing except your own understanding.
"""

import jax, jax.numpy as jnp
import numpy as np

VOCAB = 100000
D_MODEL = 128
MAX_LEN = 512


def make_pos_encoding(max_len, d_model):
    pos = np.arange(max_len, dtype=np.float64)[:, None]
    i = np.arange(0, d_model, 2, dtype=np.float64)[None, :]
    loc = pos / (10000.0 ** (i / d_model))
    enc = np.zeros((max_len, d_model), dtype=np.float32)
    enc[:, 0::2] = np.sin(loc)
    enc[:, 1::2] = np.cos(loc)
    return jnp.asarray(enc)  # [max_len, d_model]


def setup_inputs(seed: int = 0) -> dict:
    key = jax.random.key(seed)
    k1, k2 = jax.random.split(key)
    x = jax.random.randint(k1, (1024, 200), 0, VOCAB, dtype=jnp.int64 if jax.config.jax_enable_x64 else jnp.int32)
    embed_table = jax.random.normal(k2, (VOCAB, D_MODEL), dtype=jnp.float32)
    return {"x": x, "embed_table": embed_table}


def reference(x, embed_table):
    # PositionalEncoding: slice first seq_len rows
    seq_len = x.shape[1]
    enc = make_pos_encoding(MAX_LEN, D_MODEL)
    pos = enc[None, :seq_len, :]  # [1, L, d_model]
    # nn.Embedding lookup -> gather
    emb = jnp.take(embed_table, x, axis=0)  # [B, L, d_model]
    # Dropout in eval mode is identity
    return emb + pos

if __name__ == "__main__":
    import jax
    _d = setup_inputs()
    print(jax.jit(kernel)(*tuple(_d.values())))

</pallas_src>

<mosaic_0001>
#map = affine_map<(d0, d1) -> (0, 0)>
#map1 = affine_map<(d0, d1) -> (0, 0, 0)>
module attributes {stable_mosaic.version = 14 : i64} {
  func.func @k(%arg0: i32, %arg1: i32, %arg2: memref<100000x128xf32, #tpu.memory_space<hbm>>, %arg3: memref<5120x40xi32, #tpu.memory_space<hbm>>, %arg4: memref<200x128xf32, #tpu.memory_space<hbm>>, %arg5: memref<1024x200x128xf32, #tpu.memory_space<hbm>>, %arg6: memref<160x40xi32, #tpu.memory_space<vmem>>, %arg7: memref<200x128xf32, #tpu.memory_space<vmem>>, %arg8: memref<160x128xf32, #tpu.memory_space<vmem>>, %arg9: memref<160x128xf32, #tpu.memory_space<vmem>>, %arg10: memref<160x128xf32, #tpu.memory_space<vmem>>, %arg11: memref<160x128xf32, #tpu.memory_space<vmem>>, %arg12: memref<!tpu.dma_semaphore, #tpu.memory_space<semaphore_mem>>, %arg13: memref<!tpu.dma_semaphore, #tpu.memory_space<semaphore_mem>>, %arg14: memref<!tpu.dma_semaphore, #tpu.memory_space<semaphore_mem>>, %arg15: memref<!tpu.dma_semaphore, #tpu.memory_space<semaphore_mem>>, %arg16: memref<!tpu.dma_semaphore, #tpu.memory_space<semaphore_mem>>, %arg17: memref<!tpu.dma_semaphore, #tpu.memory_space<semaphore_mem>>, %arg18: memref<!tpu.dma_semaphore, #tpu.memory_space<semaphore_mem>>, %arg19: memref<!tpu.dma_semaphore, #tpu.memory_space<semaphore_mem>>, %arg20: memref<!tpu.dma_semaphore, #tpu.memory_space<semaphore_mem>>) attributes {dimension_semantics = [#tpu.dimension_semantics<core_parallel>, #tpu.dimension_semantics<subcore_parallel>], iteration_bounds = array<i64: 2, 16>, scalar_prefetch = 0 : i64, scratch_operands = 15 : i64, tpu.core_type = #tpu.core_type<sc_vector_subcore>, window_params = [{transform_indices = #map}, {transform_indices = #map}, {transform_indices = #map}, {transform_indices = #map1}]} {
    %mul3A = arith.constant 2 : i32
    %mul3A_0 = arith.muli %arg1, %mul3A : i32
    %add3A = arith.addi %mul3A_0, %arg0 : i32
    %mul3A_1 = arith.constant 4 : i32
    %mul3A_2 = arith.muli %add3A, %mul3A_1 : i32
    %mul3A_3 = arith.constant 40 : i32
    %mul3A_4 = arith.muli %mul3A_2, %mul3A_3 : i32
    %mul3A_5 = arith.constant 32 : i32
    %mul3A_6 = arith.muli %add3A, %mul3A_5 : i32
    tpu.enqueue_dma source(%arg4 : memref<200x128xf32, #tpu.memory_space<hbm>>) target(%arg7 : memref<200x128xf32, #tpu.memory_space<vmem>>) target_semaphore(%arg20 : memref<!tpu.dma_semaphore, #tpu.memory_space<semaphore_mem>>)
    "tpu.region"() ({
      %run_scoped3A = tpu.sem_alloc : memref<!tpu.dma_semaphore, #tpu.memory_space<semaphore_mem>>
      %dma_start3A_761 = arith.constant 0 : i32
      %dma_start3A_762 = tpu.memref_slice %arg3[%mul3A_4, %dma_start3A_761] : memref<5120x40xi32, #tpu.memory_space<hbm>> -> memref<160x40xi32, #tpu.memory_space<hbm>>
      %dma_start3A_763 = arith.constant 0 : i32
      %dma_start3A_764 = tpu.memref_slice %arg3[%mul3A_4, %dma_start3A_763] : memref<5120x40xi32, #tpu.memory_space<hbm>> -> memref<160x40xi32, #tpu.memory_space<hbm>>
      tpu.enqueue_dma source(%dma_start3A_764 : memref<160x40xi32, #tpu.memory_space<hbm>>) target(%arg6 : memref<160x40xi32, #tpu.memory_space<vmem>>) target_semaphore(%run_scoped3A : memref<!tpu.dma_semaphore, #tpu.memory_space<semaphore_mem>>)
      %dma_wait3A_765 = arith.constant 0 : i32
      %dma_wait3A_766 = tpu.memref_slice %arg3[%mul3A_4, %dma_wait3A_765] : memref<5120x40xi32, #tpu.memory_space<hbm>> -> memref<160x40xi32, #tpu.memory_space<hbm>>
      %dma_wait3A_767 = arith.constant 0 : i32
      %dma_wait3A_768 = tpu.memref_slice %arg3[%mul3A_4, %dma_wait3A_767] : memref<5120x40xi32, #tpu.memory_space<hbm>> -> memref<160x40xi32, #tpu.memory_space<hbm>>
      tpu.wait_dma2 semaphore(%run_scoped3A : memref<!tpu.dma_semaphore, #tpu.memory_space<semaphore_mem>>) src(%dma_wait3A_768 : memref<160x40xi32, #tpu.memory_space<hbm>>) dst(%arg6 : memref<160x40xi32, #tpu.memory_space<vmem>>)
      tpu.yield
    }) : () -> ()
    %div3A = arith.constant 0 : i32
    %div3A_7 = arith.constant 5 : i32
    %div3A_8 = arith.divsi %div3A, %div3A_7 : i32
    %rem3A = arith.constant 0 : i32
    %rem3A_9 = arith.constant 5 : i32
    %rem3A_10 = arith.remsi %rem3A, %rem3A_9 : i32
    %mul3A_11 = arith.constant 4 : i32
    %mul3A_12 = arith.muli %mul3A_11, %div3A_8 : i32
    %add3A_13 = arith.constant 0 : i32
    %add3A_14 = arith.addi %mul3A_12, %add3A_13 : i32
    %mul3A_15 = arith.constant 5 : i32
    %mul3A_16 = arith.muli %add3A_14, %mul3A_15 : i32
    %add3A_17 = arith.addi %mul3A_16, %rem3A_10 : i32
    %dma_start3A = arith.constant 0 : i32
    %dma_start3A_18 = arith.constant 0 : i32
    %dma_start3A_19 = tpu.memref_slice %arg8[%dma_start3A, %dma_start3A_18] : memref<160x128xf32, #tpu.memory_space<vmem>> -> memref<40x128xf32, #tpu.memory_space<vmem>>
    %dma_start3A_20 = arith.constant 0 : i32
    %dma_start3A_21 = tpu.memref_slice %arg6[%add3A_17, %dma_start3A_20] : memref<160x40xi32, #tpu.memory_space<vmem>> -> memref<1x40xi32, #tpu.memory_space<vmem>>
    %dma_start3A_22 = tpu.memref_squeeze %dma_start3A_21 : memref<1x40xi32, #tpu.memory_space<vmem>> -> memref<40xi32, #tpu.memory_space<vmem>>
    %dma_start3A_23 = arith.constant 0 : i32
    %dma_start3A_24 = arith.constant 0 : i32
    %dma_start3A_25 = tpu.memref_slice %arg2[%dma_start3A_23, %dma_start3A_24] : memref<100000x128xf32, #tpu.memory_space<hbm>> -> memref<100000x128xf32, #tpu.memory_space<hbm>>
    tpu.enqueue_indirect_dma source(%dma_start3A_25 : memref<100000x128xf32, #tpu.memory_space<hbm>>) target(%dma_start3A_19 : memref<40x128xf32, #tpu.memory_space<vmem>>) offsets(%dma_start3A_22 : memref<40xi32, #tpu.memory_space<vmem>>) semaphore(%arg12 : memref<!tpu.dma_semaphore, #tpu.memory_space<semaphore_mem>>)
    %div3A_26 = arith.constant 0 : i32
    %div3A_27 = arith.constant 5 : i32
    %div3A_28 = arith.divsi %div3A_26, %div3A_27 : i32
    %rem3A_29 = arith.constant 0 : i32
    %rem3A_30 = arith.constant 5 : i32
    %rem3A_31 = arith.remsi %rem3A_29, %rem3A_30 : i32
    %mul3A_32 = arith.constant 4 : i32
    %mul3A_33 = arith.muli %mul3A_32, %div3A_28 : i32
    %add3A_34 = arith.constant 1 : i32
    %add3A_35 = arith.addi %mul3A_33, %add3A_34 : i32
    %mul3A_36 = arith.constant 5 : i32
    %mul3A_37 = arith.muli %add3A_35, %mul3A_36 : i32
    %add3A_38 = arith.addi %mul3A_37, %rem3A_31 : i32
    %dma_start3A_39 = arith.constant 40 : i32
    %dma_start3A_40 = arith.constant 0 : i32
    %dma_start3A_41 = tpu.memref_slice %arg8[%dma_start3A_39, %dma_start3A_40] : memref<160x128xf32, #tpu.memory_space<vmem>> -> memref<40x128xf32, #tpu.memory_space<vmem>>
    %dma_start3A_42 = arith.constant 0 : i32
    %dma_start3A_43 = tpu.memref_slice %arg6[%add3A_38, %dma_start3A_42] : memref<160x40xi32, #tpu.memory_space<vmem>> -> memref<1x40xi32, #tpu.memory_space<vmem>>
    %dma_start3A_44 = tpu.memref_squeeze %dma_start3A_43 : memref<1x40xi32, #tpu.memory_space<vmem>> -> memref<40xi32, #tpu.memory_space<vmem>>
    %dma_start3A_45 = arith.constant 0 : i32
    %dma_start3A_46 = arith.constant 0 : i32
    %dma_start3A_47 = tpu.memref_slice %arg2[%dma_start3A_45, %dma_start3A_46] : memref<100000x128xf32, #tpu.memory_space<hbm>> -> memref<100000x128xf32, #tpu.memory_space<hbm>>
    tpu.enqueue_indirect_dma source(%dma_start3A_47 : memref<100000x128xf32, #tpu.memory_space<hbm>>) target(%dma_start3A_41 : memref<40x128xf32, #tpu.memory_space<vmem>>) offsets(%dma_start3A_44 : memref<40xi32, #tpu.memory_space<vmem>>) semaphore(%arg12 : memref<!tpu.dma_semaphore, #tpu.memory_space<semaphore_mem>>)
    %div3A_48 = arith.constant 0 : i32
    %div3A_49 = arith.constant 5 : i32
    %div3A_50 = arith.divsi %div3A_48, %div3A_49 : i32
    %rem3A_51 = arith.constant 0 : i32
    %rem3A_52 = arith.constant 5 : i32
    %rem3A_53 = arith.remsi %rem3A_51, %rem3A_52 : i32
    %mul3A_54 = arith.constant 4 : i32
    %mul3A_55 = arith.muli %mul3A_54, %div3A_50 : i32
    %add3A_56 = arith.constant 2 : i32
    %add3A_57 = arith.addi %mul3A_55, %add3A_56 : i32
    %mul3A_58 = arith.constant 5 : i32
    %mul3A_59 = arith.muli %add3A_57, %mul3A_58 : i32
    %add3A_60 = arith.addi %mul3A_59, %rem3A_53 : i32
    %dma_start3A_61 = arith.constant 80 : i32
    %dma_start3A_62 = arith.constant 0 : i32
    %dma_start3A_63 = tpu.memref_slice %arg8[%dma_start3A_61, %dma_start3A_62] : memref<160x128xf32, #tpu.memory_space<vmem>> -> memref<40x128xf32, #tpu.memory_space<vmem>>
    %dma_start3A_64 = arith.constant 0 : i32
    %dma_start3A_65 = tpu.memref_slice %arg6[%add3A_60, %dma_start3A_64] : memref<160x40xi32, #tpu.memory_space<vmem>> -> memref<1x40xi32, #tpu.memory_space<vmem>>
    %dma_start3A_66 = tpu.memref_squeeze %dma_start3A_65 : memref<1x40xi32, #tpu.memory_space<vmem>> -> memref<40xi32, #tpu.memory_space<vmem>>
    %dma_start3A_67 = arith.constant 0 : i32
    %dma_start3A_68 = arith.constant 0 : i32
    %dma_start3A_69 = tpu.memref_slice %arg2[%dma_start3A_67, %dma_start3A_68] : memref<100000x128xf32, #tpu.memory_space<hbm>> -> memref<100000x128xf32, #tpu.memory_space<hbm>>
    tpu.enqueue_indirect_dma source(%dma_start3A_69 : memref<100000x128xf32, #tpu.memory_space<hbm>>) target(%dma_start3A_63 : memref<40x128xf32, #tpu.memory_space<vmem>>) offsets(%dma_start3A_66 : memref<40xi32, #tpu.memory_space<vmem>>) semaphore(%arg12 : memref<!tpu.dma_semaphore, #tpu.memory_space<semaphore_mem>>)
    %div3A_70 = arith.constant 0 : i32
    %div3A_71 = arith.constant 5 : i32
    %div3A_72 = arith.divsi %div3A_70, %div3A_71 : i32
    %rem3A_73 = arith.constant 0 : i32
    %rem3A_74 = arith.constant 5 : i32
    %rem3A_75 = arith.remsi %rem3A_73, %rem3A_74 : i32
    %mul3A_76 = arith.constant 4 : i32
    %mul3A_77 = arith.muli %mul3A_76, %div3A_72 : i32
    %add3A_78 = arith.constant 3 : i32
    %add3A_79 = arith.addi %mul3A_77, %add3A_78 : i32
    %mul3A_80 = arith.constant 5 : i32
    %mul3A_81 = arith.muli %add3A_79, %mul3A_80 : i32
    %add3A_82 = arith.addi %mul3A_81, %rem3A_75 : i32
    %dma_start3A_83 = arith.constant 120 : i32
    %dma_start3A_84 = arith.constant 0 : i32
    %dma_start3A_85 = tpu.memref_slice %arg8[%dma_start3A_83, %dma_start3A_84] : memref<160x128xf32, #tpu.memory_space<vmem>> -> memref<40x128xf32, #tpu.memory_space<vmem>>
    %dma_start3A_86 = arith.constant 0 : i32
    %dma_start3A_87 = tpu.memref_slice %arg6[%add3A_82, %dma_start3A_86] : memref<160x40xi32, #tpu.memory_space<vmem>> -> memref<1x40xi32, #tpu.memory_space<vmem>>
    %dma_start3A_88 = tpu.memref_squeeze %dma_start3A_87 : memref<1x40xi32, #tpu.memory_space<vmem>> -> memref<40xi32, #tpu.memory_space<vmem>>
    %dma_start3A_89 = arith.constant 0 : i32
    %dma_start3A_90 = arith.constant 0 : i32
    %dma_start3A_91 = tpu.memref_slice %arg2[%dma_start3A_89, %dma_start3A_90] : memref<100000x128xf32, #tpu.memory_space<hbm>> -> memref<100000x128xf32, #tpu.memory_space<hbm>>
    tpu.enqueue_indirect_dma source(%dma_start3A_91 : memref<100000x128xf32, #tpu.memory_space<hbm>>) target(%dma_start3A_85 : memref<40x128xf32, #tpu.memory_space<vmem>>) offsets(%dma_start3A_88 : memref<40xi32, #tpu.memory_space<vmem>>) semaphore(%arg12 : memref<!tpu.dma_semaphore, #tpu.memory_space<semaphore_mem>>)
    %div3A_92 = arith.constant 1 : i32
    %div3A_93 = arith.constant 5 : i32
    %div3A_94 = arith.divsi %div3A_92, %div3A_93 : i32
    %rem3A_95 = arith.constant 1 : i32
    %rem3A_96 = arith.constant 5 : i32
    %rem3A_97 = arith.remsi %rem3A_95, %rem3A_96 : i32
    %mul3A_98 = arith.constant 4 : i32
    %mul3A_99 = arith.muli %mul3A_98, %div3A_94 : i32
    %add3A_100 = arith.constant 0 : i32
    %add3A_101 = arith.addi %mul3A_99, %add3A_100 : i32
    %mul3A_102 = arith.constant 5 : i32
    %mul3A_103 = arith.muli %add3A_101, %mul3A_102 : i32
    %add3A_104 = arith.addi %mul3A_103, %rem3A_97 : i32
    %dma_start3A_105 = arith.constant 0 : i32
    %dma_start3A_106 = arith.constant 0 : i32
    %dma_start3A_107 = tpu.memref_slice %arg9[%dma_start3A_105, %dma_start3A_106] : memref<160x128xf32, #tpu.memory_space<vmem>> -> memref<40x128xf32, #tpu.memory_space<vmem>>
    %dma_start3A_108 = arith.constant 0 : i32
    %dma_start3A_109 = tpu.memref_slice %arg6[%add3A_104, %dma_start3A_108] : memref<160x40xi32, #tpu.memory_space<vmem>> -> memref<1x40xi32, #tpu.memory_space<vmem>>
    %dma_start3A_110 = tpu.memref_squeeze %dma_start3A_109 : memref<1x40xi32, #tpu.memory_space<vmem>> -> memref<40xi32, #tpu.memory_space<vmem>>
    %dma_start3A_111 = arith.constant 0 : i32
    %dma_start3A_112 = arith.constant 0 : i32
    %dma_start3A_113 = tpu.memref_slice %arg2[%dma_start3A_111, %dma_start3A_112] : memref<100000x128xf32, #tpu.memory_space<hbm>> -> memref<100000x128xf32, #tpu.memory_space<hbm>>
    tpu.enqueue_indirect_dma source(%dma_start3A_113 : memref<100000x128xf32, #tpu.memory_space<hbm>>) target(%dma_start3A_107 : memref<40x128xf32, #tpu.memory_space<vmem>>) offsets(%dma_start3A_110 : memref<40xi32, #tpu.memory_space<vmem>>) semaphore(%arg13 : memref<!tpu.dma_semaphore, #tpu.memory_space<semaphore_mem>>)
    %div3A_114 = arith.constant 1 : i32
    %div3A_115 = arith.constant 5 : i32
    %div3A_116 = arith.divsi %div3A_114, %div3A_115 : i32
    %rem3A_117 = arith.constant 1 : i32
    %rem3A_118 = arith.constant 5 : i32
    %rem3A_119 = arith.remsi %rem3A_117, %rem3A_118 : i32
    %mul3A_120 = arith.constant 4 : i32
    %mul3A_121 = arith.muli %mul3A_120, %div3A_116 : i32
    %add3A_122 = arith.constant 1 : i32
    %add3A_123 = arith.addi %mul3A_121, %add3A_122 : i32
    %mul3A_124 = arith.constant 5 : i32
    %mul3A_125 = arith.muli %add3A_123, %mul3A_124 : i32
    %add3A_126 = arith.addi %mul3A_125, %rem3A_119 : i32
    %dma_start3A_127 = arith.constant 40 : i32
    %dma_start3A_128 = arith.constant 0 : i32
    %dma_start3A_129 = tpu.memref_slice %arg9[%dma_start3A_127, %dma_start3A_128] : memref<160x128xf32, #tpu.memory_space<vmem>> -> memref<40x128xf32, #tpu.memory_space<vmem>>
    %dma_start3A_130 = arith.constant 0 : i32
    %dma_start3A_131 = tpu.memref_slice %arg6[%add3A_126, %dma_start3A_130] : memref<160x40xi32, #tpu.memory_space<vmem>> -> memref<1x40xi32, #tpu.memory_space<vmem>>
    %dma_start3A_132 = tpu.memref_squeeze %dma_start3A_131 : memref<1x40xi32, #tpu.memory_space<vmem>> -> memref<40xi32, #tpu.memory_space<vmem>>
    %dma_start3A_133 = arith.constant 0 : i32
    %dma_start3A_134 = arith.constant 0 : i32
    %dma_start3A_135 = tpu.memref_slice %arg2[%dma_start3A_133, %dma_start3A_134] : memref<100000x128xf32, #tpu.memory_space<hbm>> -> memref<100000x128xf32, #tpu.memory_space<hbm>>
    tpu.enqueue_indirect_dma source(%dma_start3A_135 : memref<100000x128xf32, #tpu.memory_space<hbm>>) target(%dma_start3A_129 : memref<40x128xf32, #tpu.memory_space<vmem>>) offsets(%dma_start3A_132 : memref<40xi32, #tpu.memory_space<vmem>>) semaphore(%arg13 : memref<!tpu.dma_semaphore, #tpu.memory_space<semaphore_mem>>)
    %div3A_136 = arith.constant 1 : i32
    %div3A_137 = arith.constant 5 : i32
    %div3A_138 = arith.divsi %div3A_136, %div3A_137 : i32
    %rem3A_139 = arith.constant 1 : i32
    %rem3A_140 = arith.constant 5 : i32
    %rem3A_141 = arith.remsi %rem3A_139, %rem3A_140 : i32
    %mul3A_142 = arith.constant 4 : i32
    %mul3A_143 = arith.muli %mul3A_142, %div3A_138 : i32
    %add3A_144 = arith.constant 2 : i32
    %add3A_145 = arith.addi %mul3A_143, %add3A_144 : i32
    %mul3A_146 = arith.constant 5 : i32
    %mul3A_147 = arith.muli %add3A_145, %mul3A_146 : i32
    %add3A_148 = arith.addi %mul3A_147, %rem3A_141 : i32
    %dma_start3A_149 = arith.constant 80 : i32
    %dma_start3A_150 = arith.constant 0 : i32
    %dma_start3A_151 = tpu.memref_slice %arg9[%dma_start3A_149, %dma_start3A_150] : memref<160x128xf32, #tpu.memory_space<vmem>> -> memref<40x128xf32, #tpu.memory_space<vmem>>
    %dma_start3A_152 = arith.constant 0 : i32
    %dma_start3A_153 = tpu.memref_slice %arg6[%add3A_148, %dma_start3A_152] : memref<160x40xi32, #tpu.memory_space<vmem>> -> memref<1x40xi32, #tpu.memory_space<vmem>>
    %dma_start3A_154 = tpu.memref_squeeze %dma_start3A_153 : memref<1x40xi32, #tpu.memory_space<vmem>> -> memref<40xi32, #tpu.memory_space<vmem>>
    %dma_start3A_155 = arith.constant 0 : i32
    %dma_start3A_156 = arith.constant 0 : i32
    %dma_start3A_157 = tpu.memref_slice %arg2[%dma_start3A_155, %dma_start3A_156] : memref<100000x128xf32, #tpu.memory_space<hbm>> -> memref<100000x128xf32, #tpu.memory_space<hbm>>
    tpu.enqueue_indirect_dma source(%dma_start3A_157 : memref<100000x128xf32, #tpu.memory_space<hbm>>) target(%dma_start3A_151 : memref<40x128xf32, #tpu.memory_space<vmem>>) offsets(%dma_start3A_154 : memref<40xi32, #tpu.memory_space<vmem>>) semaphore(%arg13 : memref<!tpu.dma_semaphore, #tpu.memory_space<semaphore_mem>>)
    %div3A_158 = arith.constant 1 : i32
    %div3A_159 = arith.constant 5 : i32
    %div3A_160 = arith.divsi %div3A_158, %div3A_159 : i32
    %rem3A_161 = arith.constant 1 : i32
    %rem3A_162 = arith.constant 5 : i32
    %rem3A_163 = arith.remsi %rem3A_161, %rem3A_162 : i32
    %mul3A_164 = arith.constant 4 : i32
    %mul3A_165 = arith.muli %mul3A_164, %div3A_160 : i32
    %add3A_166 = arith.constant 3 : i32
    %add3A_167 = arith.addi %mul3A_165, %add3A_166 : i32
    %mul3A_168 = arith.constant 5 : i32
    %mul3A_169 = arith.muli %add3A_167, %mul3A_168 : i32
    %add3A_170 = arith.addi %mul3A_169, %rem3A_163 : i32
    %dma_start3A_171 = arith.constant 120 : i32
    %dma_start3A_172 = arith.constant 0 : i32
    %dma_start3A_173 = tpu.memref_slice %arg9[%dma_start3A_171, %dma_start3A_172] : memref<160x128xf32, #tpu.memory_space<vmem>> -> memref<40x128xf32, #tpu.memory_space<vmem>>
    %dma_start3A_174 = arith.constant 0 : i32
    %dma_start3A_175 = tpu.memref_slice %arg6[%add3A_170, %dma_start3A_174] : memref<160x40xi32, #tpu.memory_space<vmem>> -> memref<1x40xi32, #tpu.memory_space<vmem>>
    %dma_start3A_176 = tpu.memref_squeeze %dma_start3A_175 : memref<1x40xi32, #tpu.memory_space<vmem>> -> memref<40xi32, #tpu.memory_space<vmem>>
    %dma_start3A_177 = arith.constant 0 : i32
    %dma_start3A_178 = arith.constant 0 : i32
    %dma_start3A_179 = tpu.memref_slice %arg2[%dma_start3A_177, %dma_start3A_178] : memref<100000x128xf32, #tpu.memory_space<hbm>> -> memref<100000x128xf32, #tpu.memory_space<hbm>>
    tpu.enqueue_indirect_dma source(%dma_start3A_179 : memref<100000x128xf32, #tpu.memory_space<hbm>>) target(%dma_start3A_173 : memref<40x128xf32, #tpu.memory_space<vmem>>) offsets(%dma_start3A_176 : memref<40xi32, #tpu.memory_space<vmem>>) semaphore(%arg13 : memref<!tpu.dma_semaphore, #tpu.memory_space<semaphore_mem>>)
    %div3A_180 = arith.constant 2 : i32
    %div3A_181 = arith.constant 5 : i32
    %div3A_182 = arith.divsi %div3A_180, %div3A_181 : i32
    %rem3A_183 = arith.constant 2 : i32
    %rem3A_184 = arith.constant 5 : i32
    %rem3A_185 = arith.remsi %rem3A_183, %rem3A_184 : i32
    %mul3A_186 = arith.constant 4 : i32
    %mul3A_187 = arith.muli %mul3A_186, %div3A_182 : i32
    %add3A_188 = arith.constant 0 : i32
    %add3A_189 = arith.addi %mul3A_187, %add3A_188 : i32
    %mul3A_190 = arith.constant 5 : i32
    %mul3A_191 = arith.muli %add3A_189, %mul3A_190 : i32
    %add3A_192 = arith.addi %mul3A_191, %rem3A_185 : i32
    %dma_start3A_193 = arith.constant 0 : i32
    %dma_start3A_194 = arith.constant 0 : i32
    %dma_start3A_195 = tpu.memref_slice %arg10[%dma_start3A_193, %dma_start3A_194] : memref<160x128xf32, #tpu.memory_space<vmem>> -> memref<40x128xf32, #tpu.memory_space<vmem>>
    %dma_start3A_196 = arith.constant 0 : i32
    %dma_start3A_197 = tpu.memref_slice %arg6[%add3A_192, %dma_start3A_196] : memref<160x40xi32, #tpu.memory_space<vmem>> -> memref<1x40xi32, #tpu.memory_space<vmem>>
    %dma_start3A_198 = tpu.memref_squeeze %dma_start3A_197 : memref<1x40xi32, #tpu.memory_space<vmem>> -> memref<40xi32, #tpu.memory_space<vmem>>
    %dma_start3A_199 = arith.constant 0 : i32
    %dma_start3A_200 = arith.constant 0 : i32
    %dma_start3A_201 = tpu.memref_slice %arg2[%dma_start3A_199, %dma_start3A_200] : memref<100000x128xf32, #tpu.memory_space<hbm>> -> memref<100000x128xf32, #tpu.memory_space<hbm>>
    tpu.enqueue_indirect_dma source(%dma_start3A_201 : memref<100000x128xf32, #tpu.memory_space<hbm>>) target(%dma_start3A_195 : memref<40x128xf32, #tpu.memory_space<vmem>>) offsets(%dma_start3A_198 : memref<40xi32, #tpu.memory_space<vmem>>) semaphore(%arg14 : memref<!tpu.dma_semaphore, #tpu.memory_space<semaphore_mem>>)
    %div3A_202 = arith.constant 2 : i32
    %div3A_203 = arith.constant 5 : i32
    %div3A_204 = arith.divsi %div3A_202, %div3A_203 : i32
    %rem3A_205 = arith.constant 2 : i32
    %rem3A_206 = arith.constant 5 : i32
    %rem3A_207 = arith.remsi %rem3A_205, %rem3A_206 : i32
    %mul3A_208 = arith.constant 4 : i32
    %mul3A_209 = arith.muli %mul3A_208, %div3A_204 : i32
    %add3A_210 = arith.constant 1 : i32
    %add3A_211 = arith.addi %mul3A_209, %add3A_210 : i32
    %mul3A_212 = arith.constant 5 : i32
    %mul3A_213 = arith.muli %add3A_211, %mul3A_212 : i32
    %add3A_214 = arith.addi %mul3A_213, %rem3A_207 : i32
    %dma_start3A_215 = arith.constant 40 : i32
    %dma_start3A_216 = arith.constant 0 : i32
    %dma_start3A_217 = tpu.memref_slice %arg10[%dma_start3A_215, %dma_start3A_216] : memref<160x128xf32, #tpu.memory_space<vmem>> -> memref<40x128xf32, #tpu.memory_space<vmem>>
    %dma_start3A_218 = arith.constant 0 : i32
    %dma_start3A_219 = tpu.memref_slice %arg6[%add3A_214, %dma_start3A_218] : memref<160x40xi32, #tpu.memory_space<vmem>> -> memref<1x40xi32, #tpu.memory_space<vmem>>
    %dma_start3A_220 = tpu.memref_squeeze %dma_start3A_219 : memref<1x40xi32, #tpu.memory_space<vmem>> -> memref<40xi32, #tpu.memory_space<vmem>>
    %dma_start3A_221 = arith.constant 0 : i32
    %dma_start3A_222 = arith.constant 0 : i32
    %dma_start3A_223 = tpu.memref_slice %arg2[%dma_start3A_221, %dma_start3A_222] : memref<100000x128xf32, #tpu.memory_space<hbm>> -> memref<100000x128xf32, #tpu.memory_space<hbm>>
    tpu.enqueue_indirect_dma source(%dma_start3A_223 : memref<100000x128xf32, #tpu.memory_space<hbm>>) target(%dma_start3A_217 : memref<40x128xf32, #tpu.memory_space<vmem>>) offsets(%dma_start3A_220 : memref<40xi32, #tpu.memory_space<vmem>>) semaphore(%arg14 : memref<!tpu.dma_semaphore, #tpu.memory_space<semaphore_mem>>)
    %div3A_224 = arith.constant 2 : i32
    %div3A_225 = arith.constant 5 : i32
    %div3A_226 = arith.divsi %div3A_224, %div3A_225 : i32
    %rem3A_227 = arith.constant 2 : i32
    %rem3A_228 = arith.constant 5 : i32
    %rem3A_229 = arith.remsi %rem3A_227, %rem3A_228 : i32
    %mul3A_230 = arith.constant 4 : i32
    %mul3A_231 = arith.muli %mul3A_230, %div3A_226 : i32
    %add3A_232 = arith.constant 2 : i32
    %add3A_233 = arith.addi %mul3A_231, %add3A_232 : i32
    %mul3A_234 = arith.constant 5 : i32
    %mul3A_235 = arith.muli %add3A_233, %mul3A_234 : i32
    %add3A_236 = arith.addi %mul3A_235, %rem3A_229 : i32
    %dma_start3A_237 = arith.constant 80 : i32
    %dma_start3A_238 = arith.constant 0 : i32
    %dma_start3A_239 = tpu.memref_slice %arg10[%dma_start3A_237, %dma_start3A_238] : memref<160x128xf32, #tpu.memory_space<vmem>> -> memref<40x128xf32, #tpu.memory_space<vmem>>
    %dma_start3A_240 = arith.constant 0 : i32
    %dma_start3A_241 = tpu.memref_slice %arg6[%add3A_236, %dma_start3A_240] : memref<160x40xi32, #tpu.memory_space<vmem>> -> memref<1x40xi32, #tpu.memory_space<vmem>>
    %dma_start3A_242 = tpu.memref_squeeze %dma_start3A_241 : memref<1x40xi32, #tpu.memory_space<vmem>> -> memref<40xi32, #tpu.memory_space<vmem>>
    %dma_start3A_243 = arith.constant 0 : i32
    %dma_start3A_244 = arith.constant 0 : i32
    %dma_start3A_245 = tpu.memref_slice %arg2[%dma_start3A_243, %dma_start3A_244] : memref<100000x128xf32, #tpu.memory_space<hbm>> -> memref<100000x128xf32, #tpu.memory_space<hbm>>
    tpu.enqueue_indirect_dma source(%dma_start3A_245 : memref<100000x128xf32, #tpu.memory_space<hbm>>) target(%dma_start3A_239 : memref<40x128xf32, #tpu.memory_space<vmem>>) offsets(%dma_start3A_242 : memref<40xi32, #tpu.memory_space<vmem>>) semaphore(%arg14 : memref<!tpu.dma_semaphore, #tpu.memory_space<semaphore_mem>>)
    %div3A_246 = arith.constant 2 : i32
    %div3A_247 = arith.constant 5 : i32
    %div3A_248 = arith.divsi %div3A_246, %div3A_247 : i32
    %rem3A_249 = arith.constant 2 : i32
    %rem3A_250 = arith.constant 5 : i32
    %rem3A_251 = arith.remsi %rem3A_249, %rem3A_250 : i32
    %mul3A_252 = arith.constant 4 : i32
    %mul3A_253 = arith.muli %mul3A_252, %div3A_248 : i32
    %add3A_254 = arith.constant 3 : i32
    %add3A_255 = arith.addi %mul3A_253, %add3A_254 : i32
    %mul3A_256 = arith.constant 5 : i32
    %mul3A_257 = arith.muli %add3A_255, %mul3A_256 : i32
    %add3A_258 = arith.addi %mul3A_257, %rem3A_251 : i32
    %dma_start3A_259 = arith.constant 120 : i32
    %dma_start3A_260 = arith.constant 0 : i32
    %dma_start3A_261 = tpu.memref_slice %arg10[%dma_start3A_259, %dma_start3A_260] : memref<160x128xf32, #tpu.memory_space<vmem>> -> memref<40x128xf32, #tpu.memory_space<vmem>>
    %dma_start3A_262 = arith.constant 0 : i32
    %dma_start3A_263 = tpu.memref_slice %arg6[%add3A_258, %dma_start3A_262] : memref<160x40xi32, #tpu.memory_space<vmem>> -> memref<1x40xi32, #tpu.memory_space<vmem>>
    %dma_start3A_264 = tpu.memref_squeeze %dma_start3A_263 : memref<1x40xi32, #tpu.memory_space<vmem>> -> memref<40xi32, #tpu.memory_space<vmem>>
    %dma_start3A_265 = arith.constant 0 : i32
    %dma_start3A_266 = arith.constant 0 : i32
    %dma_start3A_267 = tpu.memref_slice %arg2[%dma_start3A_265, %dma_start3A_266] : memref<100000x128xf32, #tpu.memory_space<hbm>> -> memref<100000x128xf32, #tpu.memory_space<hbm>>
    tpu.enqueue_indirect_dma source(%dma_start3A_267 : memref<100000x128xf32, #tpu.memory_space<hbm>>) target(%dma_start3A_261 : memref<40x128xf32, #tpu.memory_space<vmem>>) offsets(%dma_start3A_264 : memref<40xi32, #tpu.memory_space<vmem>>) semaphore(%arg14 : memref<!tpu.dma_semaphore, #tpu.memory_space<semaphore_mem>>)
    %div3A_268 = arith.constant 3 : i32
    %div3A_269 = arith.constant 5 : i32
    %div3A_270 = arith.divsi %div3A_268, %div3A_269 : i32
    %rem3A_271 = arith.constant 3 : i32
    %rem3A_272 = arith.constant 5 : i32
    %rem3A_273 = arith.remsi %rem3A_271, %rem3A_272 : i32
    %mul3A_274 = arith.constant 4 : i32
    %mul3A_275 = arith.muli %mul3A_274, %div3A_270 : i32
    %add3A_276 = arith.constant 0 : i32
    %add3A_277 = arith.addi %mul3A_275, %add3A_276 : i32
    %mul3A_278 = arith.constant 5 : i32
    %mul3A_279 = arith.muli %add3A_277, %mul3A_278 : i32
    %add3A_280 = arith.addi %mul3A_279, %rem3A_273 : i32
    %dma_start3A_281 = arith.constant 0 : i32
    %dma_start3A_282 = arith.constant 0 : i32
    %dma_start3A_283 = tpu.memref_slice %arg11[%dma_start3A_281, %dma_start3A_282] : memref<160x128xf32, #tpu.memory_space<vmem>> -> memref<40x128xf32, #tpu.memory_space<vmem>>
    %dma_start3A_284 = arith.constant 0 : i32
    %dma_start3A_285 = tpu.memref_slice %arg6[%add3A_280, %dma_start3A_284] : memref<160x40xi32, #tpu.memory_space<vmem>> -> memref<1x40xi32, #tpu.memory_space<vmem>>
    %dma_start3A_286 = tpu.memref_squeeze %dma_start3A_285 : memref<1x40xi32, #tpu.memory_space<vmem>> -> memref<40xi32, #tpu.memory_space<vmem>>
    %dma_start3A_287 = arith.constant 0 : i32
    %dma_start3A_288 = arith.constant 0 : i32
    %dma_start3A_289 = tpu.memref_slice %arg2[%dma_start3A_287, %dma_start3A_288] : memref<100000x128xf32, #tpu.memory_space<hbm>> -> memref<100000x128xf32, #tpu.memory_space<hbm>>
    tpu.enqueue_indirect_dma source(%dma_start3A_289 : memref<100000x128xf32, #tpu.memory_space<hbm>>) target(%dma_start3A_283 : memref<40x128xf32, #tpu.memory_space<vmem>>) offsets(%dma_start3A_286 : memref<40xi32, #tpu.memory_space<vmem>>) semaphore(%arg15 : memref<!tpu.dma_semaphore, #tpu.memory_space<semaphore_mem>>)
    %div3A_290 = arith.constant 3 : i32
    %div3A_291 = arith.constant 5 : i32
    %div3A_292 = arith.divsi %div3A_290, %div3A_291 : i32
    %rem3A_293 = arith.constant 3 : i32
    %rem3A_294 = arith.constant 5 : i32
    %rem3A_295 = arith.remsi %rem3A_293, %rem3A_294 : i32
    %mul3A_296 = arith.constant 4 : i32
    %mul3A_297 = arith.muli %mul3A_296, %div3A_292 : i32
    %add3A_298 = arith.constant 1 : i32
    %add3A_299 = arith.addi %mul3A_297, %add3A_298 : i32
    %mul3A_300 = arith.constant 5 : i32
    %mul3A_301 = arith.muli %add3A_299, %mul3A_300 : i32
    %add3A_302 = arith.addi %mul3A_301, %rem3A_295 : i32
    %dma_start3A_303 = arith.constant 40 : i32
    %dma_start3A_304 = arith.constant 0 : i32
    %dma_start3A_305 = tpu.memref_slice %arg11[%dma_start3A_303, %dma_start3A_304] : memref<160x128xf32, #tpu.memory_space<vmem>> -> memref<40x128xf32, #tpu.memory_space<vmem>>
    %dma_start3A_306 = arith.constant 0 : i32
    %dma_start3A_307 = tpu.memref_slice %arg6[%add3A_302, %dma_start3A_306] : memref<160x40xi32, #tpu.memory_space<vmem>> -> memref<1x40xi32, #tpu.memory_space<vmem>>
    %dma_start3A_308 = tpu.memref_squeeze %dma_start3A_307 : memref<1x40xi32, #tpu.memory_space<vmem>> -> memref<40xi32, #tpu.memory_space<vmem>>
    %dma_start3A_309 = arith.constant 0 : i32
    %dma_start3A_310 = arith.constant 0 : i32
    %dma_start3A_311 = tpu.memref_slice %arg2[%dma_start3A_309, %dma_start3A_310] : memref<100000x128xf32, #tpu.memory_space<hbm>> -> memref<100000x128xf32, #tpu.memory_space<hbm>>
    tpu.enqueue_indirect_dma source(%dma_start3A_311 : memref<100000x128xf32, #tpu.memory_space<hbm>>) target(%dma_start3A_305 : memref<40x128xf32, #tpu.memory_space<vmem>>) offsets(%dma_start3A_308 : memref<40xi32, #tpu.memory_space<vmem>>) semaphore(%arg15 : memref<!tpu.dma_semaphore, #tpu.memory_space<semaphore_mem>>)
    %div3A_312 = arith.constant 3 : i32
    %div3A_313 = arith.constant 5 : i32
    %div3A_314 = arith.divsi %div3A_312, %div3A_313 : i32
    %rem3A_315 = arith.constant 3 : i32
    %rem3A_316 = arith.constant 5 : i32
    %rem3A_317 = arith.remsi %rem3A_315, %rem3A_316 : i32
    %mul3A_318 = arith.constant 4 : i32
    %mul3A_319 = arith.muli %mul3A_318, %div3A_314 : i32
    %add3A_320 = arith.constant 2 : i32
    %add3A_321 = arith.addi %mul3A_319, %add3A_320 : i32
    %mul3A_322 = arith.constant 5 : i32
    %mul3A_323 = arith.muli %add3A_321, %mul3A_322 : i32
    %add3A_324 = arith.addi %mul3A_323, %rem3A_317 : i32
    %dma_start3A_325 = arith.constant 80 : i32
    %dma_start3A_326 = arith.constant 0 : i32
    %dma_start3A_327 = tpu.memref_slice %arg11[%dma_start3A_325, %dma_start3A_326] : memref<160x128xf32, #tpu.memory_space<vmem>> -> memref<40x128xf32, #tpu.memory_space<vmem>>
    %dma_start3A_328 = arith.constant 0 : i32
    %dma_start3A_329 = tpu.memref_slice %arg6[%add3A_324, %dma_start3A_328] : memref<160x40xi32, #tpu.memory_space<vmem>> -> memref<1x40xi32, #tpu.memory_space<vmem>>
    %dma_start3A_330 = tpu.memref_squeeze %dma_start3A_329 : memref<1x40xi32, #tpu.memory_space<vmem>> -> memref<40xi32, #tpu.memory_space<vmem>>
    %dma_start3A_331 = arith.constant 0 : i32
    %dma_start3A_332 = arith.constant 0 : i32
    %dma_start3A_333 = tpu.memref_slice %arg2[%dma_start3A_331, %dma_start3A_332] : memref<100000x128xf32, #tpu.memory_space<hbm>> -> memref<100000x128xf32, #tpu.memory_space<hbm>>
    tpu.enqueue_indirect_dma source(%dma_start3A_333 : memref<100000x128xf32, #tpu.memory_space<hbm>>) target(%dma_start3A_327 : memref<40x128xf32, #tpu.memory_space<vmem>>) offsets(%dma_start3A_330 : memref<40xi32, #tpu.memory_space<vmem>>) semaphore(%arg15 : memref<!tpu.dma_semaphore, #tpu.memory_space<semaphore_mem>>)
    %div3A_334 = arith.constant 3 : i32
    %div3A_335 = arith.constant 5 : i32
    %div3A_336 = arith.divsi %div3A_334, %div3A_335 : i32
    %rem3A_337 = arith.constant 3 : i32
    %rem3A_338 = arith.constant 5 : i32
    %rem3A_339 = arith.remsi %rem3A_337, %rem3A_338 : i32
    %mul3A_340 = arith.constant 4 : i32
    %mul3A_341 = arith.muli %mul3A_340, %div3A_336 : i32
    %add3A_342 = arith.constant 3 : i32
    %add3A_343 = arith.addi %mul3A_341, %add3A_342 : i32
    %mul3A_344 = arith.constant 5 : i32
    %mul3A_345 = arith.muli %add3A_343, %mul3A_344 : i32
    %add3A_346 = arith.addi %mul3A_345, %rem3A_339 : i32
    %dma_start3A_347 = arith.constant 120 : i32
    %dma_start3A_348 = arith.constant 0 : i32
    %dma_start3A_349 = tpu.memref_slice %arg11[%dma_start3A_347, %dma_start3A_348] : memref<160x128xf32, #tpu.memory_space<vmem>> -> memref<40x128xf32, #tpu.memory_space<vmem>>
    %dma_start3A_350 = arith.constant 0 : i32
    %dma_start3A_351 = tpu.memref_slice %arg6[%add3A_346, %dma_start3A_350] : memref<160x40xi32, #tpu.memory_space<vmem>> -> memref<1x40xi32, #tpu.memory_space<vmem>>
    %dma_start3A_352 = tpu.memref_squeeze %dma_start3A_351 : memref<1x40xi32, #tpu.memory_space<vmem>> -> memref<40xi32, #tpu.memory_space<vmem>>
    %dma_start3A_353 = arith.constant 0 : i32
    %dma_start3A_354 = arith.constant 0 : i32
    %dma_start3A_355 = tpu.memref_slice %arg2[%dma_start3A_353, %dma_start3A_354] : memref<100000x128xf32, #tpu.memory_space<hbm>> -> memref<100000x128xf32, #tpu.memory_space<hbm>>
    tpu.enqueue_indirect_dma source(%dma_start3A_355 : memref<100000x128xf32, #tpu.memory_space<hbm>>) target(%dma_start3A_349 : memref<40x128xf32, #tpu.memory_space<vmem>>) offsets(%dma_start3A_352 : memref<40xi32, #tpu.memory_space<vmem>>) semaphore(%arg15 : memref<!tpu.dma_semaphore, #tpu.memory_space<semaphore_mem>>)
    tpu.wait_dma2 semaphore(%arg20 : memref<!tpu.dma_semaphore, #tpu.memory_space<semaphore_mem>>) src(%arg4 : memref<200x128xf32, #tpu.memory_space<hbm>>) dst(%arg7 : memref<200x128xf32, #tpu.memory_space<vmem>>)
    %scan3A = arith.constant 0 : i32
    %scan3A_356 = arith.constant 0 : i32
    %scan3A_357 = arith.constant 10 : i32
    %scan3A_358 = arith.addi %scan3A_356, %scan3A_357 : i32
    %scan3A_359 = arith.constant 1 : i32
    %scan3A_360 = scf.for %scan3A_761 = %scan3A_356 to %scan3A_358 step %scan3A_359 iter_args(%scan3A_762 = %scan3A) -> (i32)  : i32 {
      %mul3A_763 = arith.constant 4 : i32
      %mul3A_764 = arith.muli %scan3A_761, %mul3A_763 : i32
      %add3A_765 = arith.constant 0 : i32
      %add3A_766 = arith.addi %mul3A_764, %add3A_765 : i32
      %div3A_767 = arith.constant 5 : i32
      %div3A_768 = arith.divsi %add3A_766, %div3A_767 : i32
      %rem3A_769 = arith.constant 5 : i32
      %rem3A_770 = arith.remsi %add3A_766, %rem3A_769 : i32
      %mul3A_771 = arith.constant 4 : i32
      %mul3A_772 = arith.muli %mul3A_771, %div3A_768 : i32
      %add3A_773 = arith.constant 0 : i32
      %add3A_774 = arith.addi %mul3A_772, %add3A_773 : i32
      %mul3A_775 = arith.constant 5 : i32
      %mul3A_776 = arith.muli %add3A_774, %mul3A_775 : i32
      %add3A_777 = arith.addi %mul3A_776, %rem3A_770 : i32
      %dma_wait3A_778 = arith.constant 0 : i32
      %dma_wait3A_779 = arith.constant 0 : i32
      %dma_wait3A_780 = tpu.memref_slice %arg8[%dma_wait3A_778, %dma_wait3A_779] : memref<160x128xf32, #tpu.memory_space<vmem>> -> memref<40x128xf32, #tpu.memory_space<vmem>>
      %dma_wait3A_781 = arith.constant 0 : i32
      %dma_wait3A_782 = tpu.memref_slice %arg6[%add3A_777, %dma_wait3A_781] : memref<160x40xi32, #tpu.memory_space<vmem>> -> memref<1x40xi32, #tpu.memory_space<vmem>>
      %dma_wait3A_783 = tpu.memref_squeeze %dma_wait3A_782 : memref<1x40xi32, #tpu.memory_space<vmem>> -> memref<40xi32, #tpu.memory_space<vmem>>
      %dma_wait3A_784 = arith.constant 0 : i32
      %dma_wait3A_785 = arith.constant 0 : i32
      %dma_wait3A_786 = tpu.memref_slice %arg2[%dma_wait3A_784, %dma_wait3A_785] : memref<100000x128xf32, #tpu.memory_space<hbm>> -> memref<100000x128xf32, #tpu.memory_space<hbm>>
      tpu.wait_indirect_dma semaphore(%arg12 : memref<!tpu.dma_semaphore, #tpu.memory_space<semaphore_mem>>) src(%dma_wait3A_786 : memref<100000x128xf32, #tpu.memory_space<hbm>>) dst(%dma_wait3A_780 : memref<40x128xf32, #tpu.memory_space<vmem>>)
      %div3A_787 = arith.constant 5 : i32
      %div3A_788 = arith.divsi %add3A_766, %div3A_787 : i32
      %rem3A_789 = arith.constant 5 : i32
      %rem3A_790 = arith.remsi %add3A_766, %rem3A_789 : i32
      %mul3A_791 = arith.constant 4 : i32
      %mul3A_792 = arith.muli %mul3A_791, %div3A_788 : i32
      %add3A_793 = arith.constant 1 : i32
      %add3A_794 = arith.addi %mul3A_792, %add3A_793 : i32
      %mul3A_795 = arith.constant 5 : i32
      %mul3A_796 = arith.muli %add3A_794, %mul3A_795 : i32
      %add3A_797 = arith.addi %mul3A_796, %rem3A_790 : i32
      %dma_wait3A_798 = arith.constant 40 : i32
      %dma_wait3A_799 = arith.constant 0 : i32
      %dma_wait3A_800 = tpu.memref_slice %arg8[%dma_wait3A_798, %dma_wait3A_799] : memref<160x128xf32, #tpu.memory_space<vmem>> -> memref<40x128xf32, #tpu.memory_space<vmem>>
      %dma_wait3A_801 = arith.constant 0 : i32
      %dma_wait3A_802 = tpu.memref_slice %arg6[%add3A_797, %dma_wait3A_801] : memref<160x40xi32, #tpu.memory_space<vmem>> -> memref<1x40xi32, #tpu.memory_space<vmem>>
      %dma_wait3A_803 = tpu.memref_squeeze %dma_wait3A_802 : memref<1x40xi32, #tpu.memory_space<vmem>> -> memref<40xi32, #tpu.memory_space<vmem>>
      %dma_wait3A_804 = arith.constant 0 : i32
      %dma_wait3A_805 = arith.constant 0 : i32
      %dma_wait3A_806 = tpu.memref_slice %arg2[%dma_wait3A_804, %dma_wait3A_805] : memref<100000x128xf32, #tpu.memory_space<hbm>> -> memref<100000x128xf32, #tpu.memory_space<hbm>>
      tpu.wait_indirect_dma semaphore(%arg12 : memref<!tpu.dma_semaphore, #tpu.memory_space<semaphore_mem>>) src(%dma_wait3A_806 : memref<100000x128xf32, #tpu.memory_space<hbm>>) dst(%dma_wait3A_800 : memref<40x128xf32, #tpu.memory_space<vmem>>)
      %div3A_807 = arith.constant 5 : i32
      %div3A_808 = arith.divsi %add3A_766, %div3A_807 : i32
      %rem3A_809 = arith.constant 5 : i32
      %rem3A_810 = arith.remsi %add3A_766, %rem3A_809 : i32
      %mul3A_811 = arith.constant 4 : i32
      %mul3A_812 = arith.muli %mul3A_811, %div3A_808 : i32
      %add3A_813 = arith.constant 2 : i32
      %add3A_814 = arith.addi %mul3A_812, %add3A_813 : i32
      %mul3A_815 = arith.constant 5 : i32
      %mul3A_816 = arith.muli %add3A_814, %mul3A_815 : i32
      %add3A_817 = arith.addi %mul3A_816, %rem3A_810 : i32
      %dma_wait3A_818 = arith.constant 80 : i32
      %dma_wait3A_819 = arith.constant 0 : i32
      %dma_wait3A_820 = tpu.memref_slice %arg8[%dma_wait3A_818, %dma_wait3A_819] : memref<160x128xf32, #tpu.memory_space<vmem>> -> memref<40x128xf32, #tpu.memory_space<vmem>>
      %dma_wait3A_821 = arith.constant 0 : i32
      %dma_wait3A_822 = tpu.memref_slice %arg6[%add3A_817, %dma_wait3A_821] : memref<160x40xi32, #tpu.memory_space<vmem>> -> memref<1x40xi32, #tpu.memory_space<vmem>>
      %dma_wait3A_823 = tpu.memref_squeeze %dma_wait3A_822 : memref<1x40xi32, #tpu.memory_space<vmem>> -> memref<40xi32, #tpu.memory_space<vmem>>
      %dma_wait3A_824 = arith.constant 0 : i32
      %dma_wait3A_825 = arith.constant 0 : i32
      %dma_wait3A_826 = tpu.memref_slice %arg2[%dma_wait3A_824, %dma_wait3A_825] : memref<100000x128xf32, #tpu.memory_space<hbm>> -> memref<100000x128xf32, #tpu.memory_space<hbm>>
      tpu.wait_indirect_dma semaphore(%arg12 : memref<!tpu.dma_semaphore, #tpu.memory_space<semaphore_mem>>) src(%dma_wait3A_826 : memref<100000x128xf32, #tpu.memory_space<hbm>>) dst(%dma_wait3A_820 : memref<40x128xf32, #tpu.memory_space<vmem>>)
      %div3A_827 = arith.constant 5 : i32
      %div3A_828 = arith.divsi %add3A_766, %div3A_827 : i32
      %rem3A_829 = arith.constant 5 : i32
      %rem3A_830 = arith.remsi %add3A_766, %rem3A_829 : i32
      %mul3A_831 = arith.constant 4 : i32
      %mul3A_832 = arith.muli %mul3A_831, %div3A_828 : i32
      %add3A_833 = arith.constant 3 : i32
      %add3A_834 = arith.addi %mul3A_832, %add3A_833 : i32
      %mul3A_835 = arith.constant 5 : i32
      %mul3A_836 = arith.muli %add3A_834, %mul3A_835 : i32
      %add3A_837 = arith.addi %mul3A_836, %rem3A_830 : i32
      %dma_wait3A_838 = arith.constant 120 : i32
      %dma_wait3A_839 = arith.constant 0 : i32
      %dma_wait3A_840 = tpu.memref_slice %arg8[%dma_wait3A_838, %dma_wait3A_839] : memref<160x128xf32, #tpu.memory_space<vmem>> -> memref<40x128xf32, #tpu.memory_space<vmem>>
      %dma_wait3A_841 = arith.constant 0 : i32
      %dma_wait3A_842 = tpu.memref_slice %arg6[%add3A_837, %dma_wait3A_841] : memref<160x40xi32, #tpu.memory_space<vmem>> -> memref<1x40xi32, #tpu.memory_space<vmem>>
      %dma_wait3A_843 = tpu.memref_squeeze %dma_wait3A_842 : memref<1x40xi32, #tpu.memory_space<vmem>> -> memref<40xi32, #tpu.memory_space<vmem>>
      %dma_wait3A_844 = arith.constant 0 : i32
      %dma_wait3A_845 = arith.constant 0 : i32
      %dma_wait3A_846 = tpu.memref_slice %arg2[%dma_wait3A_844, %dma_wait3A_845] : memref<100000x128xf32, #tpu.memory_space<hbm>> -> memref<100000x128xf32, #tpu.memory_space<hbm>>
      tpu.wait_indirect_dma semaphore(%arg12 : memref<!tpu.dma_semaphore, #tpu.memory_space<semaphore_mem>>) src(%dma_wait3A_846 : memref<100000x128xf32, #tpu.memory_space<hbm>>) dst(%dma_wait3A_840 : memref<40x128xf32, #tpu.memory_space<vmem>>)
      %rem3A_847 = arith.constant 5 : i32
      %rem3A_848 = arith.remsi %add3A_766, %rem3A_847 : i32
      %mul3A_849 = arith.constant 40 : i32
      %mul3A_850 = arith.muli %rem3A_848, %mul3A_849 : i32
      %scan3A_851 = arith.constant 0 : i32
      %scan3A_852 = arith.constant 0 : i32
      %scan3A_853 = arith.constant 40 : i32
      %scan3A_854 = arith.addi %scan3A_852, %scan3A_853 : i32
      %scan3A_855 = arith.constant 1 : i32
      %scan3A_856 = scf.for %scan3A_1539 = %scan3A_852 to %scan3A_854 step %scan3A_855 iter_args(%scan3A_1540 = %scan3A_851) -> (i32)  : i32 {
        %add3A_1541 = arith.addi %mul3A_850, %scan3A_1539 : i32
        %get3A = arith.index_cast %add3A_1541 : i32 to index
        %get3A_1542 = arith.constant 0 : index
        %get3A_1543 = tpu.vector_load %arg7[%get3A, %get3A_1542] {strides = array<i32>} : memref<200x128xf32, #tpu.memory_space<vmem>>, vector<1x16xf32>,
        %get3A_1544 = vector.shape_cast %get3A_1543 : vector<1x16xf32> to vector<16xf32>
        %add3A_1545 = arith.addi %mul3A_850, %scan3A_1539 : i32
        %get3A_1546 = arith.index_cast %add3A_1545 : i32 to index
        %get3A_1547 = arith.constant 16 : index
        %get3A_1548 = tpu.vector_load %arg7[%get3A_1546, %get3A_1547] {strides = array<i32>} : memref<200x128xf32, #tpu.memory_space<vmem>>, vector<1x16xf32>,
        %get3A_1549 = vector.shape_cast %get3A_1548 : vector<1x16xf32> to vector<16xf32>
        %add3A_1550 = arith.addi %mul3A_850, %scan3A_1539 : i32
        %get3A_1551 = arith.index_cast %add3A_1550 : i32 to index
        %get3A_1552 = arith.constant 32 : index
        %get3A_1553 = tpu.vector_load %arg7[%get3A_1551, %get3A_1552] {strides = array<i32>} : memref<200x128xf32, #tpu.memory_space<vmem>>, vector<1x16xf32>,
        %get3A_1554 = vector.shape_cast %get3A_1553 : vector<1x16xf32> to vector<16xf32>
        %add3A_1555 = arith.addi %mul3A_850, %scan3A_1539 : i32
        %get3A_1556 = arith.index_cast %add3A_1555 : i32 to index
        %get3A_1557 = arith.constant 48 : index
        %get3A_1558 = tpu.vector_load %arg7[%get3A_1556, %get3A_1557] {strides = array<i32>} : memref<200x128xf32, #tpu.memory_space<vmem>>, vector<1x16xf32>,
        %get3A_1559 = vector.shape_cast %get3A_1558 : vector<1x16xf32> to vector<16xf32>
        %add3A_1560 = arith.addi %mul3A_850, %scan3A_1539 : i32
        %get3A_1561 = arith.index_cast %add3A_1560 : i32 to index
        %get3A_1562 = arith.constant 64 : index
        %get3A_1563 = tpu.vector_load %arg7[%get3A_1561, %get3A_1562] {strides = array<i32>} : memref<200x128xf32, #tpu.memory_space<vmem>>, vector<1x16xf32>,
        %get3A_1564 = vector.shape_cast %get3A_1563 : vector<1x16xf32> to vector<16xf32>
        %add3A_1565 = arith.addi %mul3A_850, %scan3A_1539 : i32
        %get3A_1566 = arith.index_cast %add3A_1565 : i32 to index
        %get3A_1567 = arith.constant 80 : index
        %get3A_1568 = tpu.vector_load %arg7[%get3A_1566, %get3A_1567] {strides = array<i32>} : memref<200x128xf32, #tpu.memory_space<vmem>>, vector<1x16xf32>,
        %get3A_1569 = vector.shape_cast %get3A_1568 : vector<1x16xf32> to vector<16xf32>
        %add3A_1570 = arith.addi %mul3A_850, %scan3A_1539 : i32
        %get3A_1571 = arith.index_cast %add3A_1570 : i32 to index
        %get3A_1572 = arith.constant 96 : index
        %get3A_1573 = tpu.vector_load %arg7[%get3A_1571, %get3A_1572] {strides = array<i32>} : memref<200x128xf32, #tpu.memory_space<vmem>>, vector<1x16xf32>,
        %get3A_1574 = vector.shape_cast %get3A_1573 : vector<1x16xf32> to vector<16xf32>
        %add3A_1575 = arith.addi %mul3A_850, %scan3A_1539 : i32
        %get3A_1576 = arith.index_cast %add3A_1575 : i32 to index
        %get3A_1577 = arith.constant 112 : index
        %get3A_1578 = tpu.vector_load %arg7[%get3A_1576, %get3A_1577] {strides = array<i32>} : memref<200x128xf32, #tpu.memory_space<vmem>>, vector<1x16xf32>,
        %get3A_1579 = vector.shape_cast %get3A_1578 : vector<1x16xf32> to vector<16xf32>
        %add3A_1580 = arith.constant 0 : i32
        %add3A_1581 = arith.addi %add3A_1580, %scan3A_1539 : i32
        %get3A_1582 = arith.index_cast %add3A_1581 : i32 to index
        %get3A_1583 = arith.constant 0 : index
        %get3A_1584 = tpu.vector_load %arg8[%get3A_1582, %get3A_1583] {strides = array<i32>} : memref<160x128xf32, #tpu.memory_space<vmem>>, vector<1x16xf32>,
        %get3A_1585 = vector.shape_cast %get3A_1584 : vector<1x16xf32> to vector<16xf32>
        %get3A_1586 = arith.index_cast %add3A_1581 : i32 to index
        %get3A_1587 = arith.constant 16 : index
        %get3A_1588 = tpu.vector_load %arg8[%get3A_1586, %get3A_1587] {strides = array<i32>} : memref<160x128xf32, #tpu.memory_space<vmem>>, vector<1x16xf32>,
        %get3A_1589 = vector.shape_cast %get3A_1588 : vector<1x16xf32> to vector<16xf32>
        %get3A_1590 = arith.index_cast %add3A_1581 : i32 to index
        %get3A_1591 = arith.constant 32 : index
        %get3A_1592 = tpu.vector_load %arg8[%get3A_1590, %get3A_1591] {strides = array<i32>} : memref<160x128xf32, #tpu.memory_space<vmem>>, vector<1x16xf32>,
        %get3A_1593 = vector.shape_cast %get3A_1592 : vector<1x16xf32> to vector<16xf32>
        %get3A_1594 = arith.index_cast %add3A_1581 : i32 to index
        %get3A_1595 = arith.constant 48 : index
        %get3A_1596 = tpu.vector_load %arg8[%get3A_1594, %get3A_1595] {strides = array<i32>} : memref<160x128xf32, #tpu.memory_space<vmem>>, vector<1x16xf32>,
        %get3A_1597 = vector.shape_cast %get3A_1596 : vector<1x16xf32> to vector<16xf32>
        %get3A_1598 = arith.index_cast %add3A_1581 : i32 to index
        %get3A_1599 = arith.constant 64 : index
        %get3A_1600 = tpu.vector_load %arg8[%get3A_1598, %get3A_1599] {strides = array<i32>} : memref<160x128xf32, #tpu.memory_space<vmem>>, vector<1x16xf32>,
        %get3A_1601 = vector.shape_cast %get3A_1600 : vector<1x16xf32> to vector<16xf32>
        %get3A_1602 = arith.index_cast %add3A_1581 : i32 to index
        %get3A_1603 = arith.constant 80 : index
        %get3A_1604 = tpu.vector_load %arg8[%get3A_1602, %get3A_1603] {strides = array<i32>} : memref<160x128xf32, #tpu.memory_space<vmem>>, vector<1x16xf32>,
        %get3A_1605 = vector.shape_cast %get3A_1604 : vector<1x16xf32> to vector<16xf32>
        %get3A_1606 = arith.index_cast %add3A_1581 : i32 to index
        %get3A_1607 = arith.constant 96 : index
        %get3A_1608 = tpu.vector_load %arg8[%get3A_1606, %get3A_1607] {strides = array<i32>} : memref<160x128xf32, #tpu.memory_space<vmem>>, vector<1x16xf32>,
        %get3A_1609 = vector.shape_cast %get3A_1608 : vector<1x16xf32> to vector<16xf32>
        %get3A_1610 = arith.index_cast %add3A_1581 : i32 to index
        %get3A_1611 = arith.constant 112 : index
        %get3A_1612 = tpu.vector_load %arg8[%get3A_1610, %get3A_1611] {strides = array<i32>} : memref<160x128xf32, #tpu.memory_space<vmem>>, vector<1x16xf32>,
        %get3A_1613 = vector.shape_cast %get3A_1612 : vector<1x16xf32> to vector<16xf32>
        %add3A_1614 = arith.addf %get3A_1585, %get3A_1544 : vector<16xf32>
        %swap3A = arith.index_cast %add3A_1581 : i32 to index
        %swap3A_1615 = arith.constant 0 : index
        %swap3A_1616 = tpu.vector_load %arg8[%swap3A, %swap3A_1615] {strides = array<i32>} : memref<160x128xf32, #tpu.memory_space<vmem>>, vector<1x16xf32>,
        %swap3A_1617 = vector.shape_cast %swap3A_1616 : vector<1x16xf32> to vector<16xf32>
        %swap3A_1618 = vector.shape_cast %add3A_1614 : vector<16xf32> to vector<1x16xf32>
        tpu.vector_store %arg8[%swap3A, %swap3A_1615], %swap3A_1618 {strides = array<i32>} : memref<160x128xf32, #tpu.memory_space<vmem>>, vector<1x16xf32>,
        %add3A_1619 = arith.addf %get3A_1589, %get3A_1549 : vector<16xf32>
        %swap3A_1620 = arith.index_cast %add3A_1581 : i32 to index
        %swap3A_1621 = arith.constant 16 : index
        %swap3A_1622 = tpu.vector_load %arg8[%swap3A_1620, %swap3A_1621] {strides = array<i32>} : memref<160x128xf32, #tpu.memory_space<vmem>>, vector<1x16xf32>,
        %swap3A_1623 = vector.shape_cast %swap3A_1622 : vector<1x16xf32> to vector<16xf32>
        %swap3A_1624 = vector.shape_cast %add3A_1619 : vector<16xf32> to vector<1x16xf32>
        tpu.vector_store %arg8[%swap3A_1620, %swap3A_1621], %swap3A_1624 {strides = array<i32>} : memref<160x128xf32, #tpu.memory_space<vmem>>, vector<1x16xf32>,
        %add3A_1625 = arith.addf %get3A_1593, %get3A_1554 : vector<16xf32>
        %swap3A_1626 = arith.index_cast %add3A_1581 : i32 to index
        %swap3A_1627 = arith.constant 32 : index
        %swap3A_1628 = tpu.vector_load %arg8[%swap3A_1626, %swap3A_1627] {strides = array<i32>} : memref<160x128xf32, #tpu.memory_space<vmem>>, vector<1x16xf32>,
        %swap3A_1629 = vector.shape_cast %swap3A_1628 : vector<1x16xf32> to vector<16xf32>
        %swap3A_1630 = vector.shape_cast %add3A_1625 : vector<16xf32> to vector<1x16xf32>
        tpu.vector_store %arg8[%swap3A_1626, %swap3A_1627], %swap3A_1630 {strides = array<i32>} : memref<160x128xf32, #tpu.memory_space<vmem>>, vector<1x16xf32>,
        %add3A_1631 = arith.addf %get3A_1597, %get3A_1559 : vector<16xf32>
        %swap3A_1632 = arith.index_cast %add3A_1581 : i32 to index
        %swap3A_1633 = arith.constant 48 : index
        %swap3A_1634 = tpu.vector_load %arg8[%swap3A_1632, %swap3A_1633] {strides = array<i32>} : memref<160x128xf32, #tpu.memory_space<vmem>>, vector<1x16xf32>,
        %swap3A_1635 = vector.shape_cast %swap3A_1634 : vector<1x16xf32> to vector<16xf32>
        %swap3A_1636 = vector.shape_cast %add3A_1631 : vector<16xf32> to vector<1x16xf32>
        tpu.vector_store %arg8[%swap3A_1632, %swap3A_1633], %swap3A_1636 {strides = array<i32>} : memref<160x128xf32, #tpu.memory_space<vmem>>, vector<1x16xf32>,
        %add3A_1637 = arith.addf %get3A_1601, %get3A_1564 : vector<16xf32>
        %swap3A_1638 = arith.index_cast %add3A_1581 : i32 to index
        %swap3A_1639 = arith.constant 64 : index
        %swap3A_1640 = tpu.vector_load %arg8[%swap3A_1638, %swap3A_1639] {strides = array<i32>} : memref<160x128xf32, #tpu.memory_space<vmem>>, vector<1x16xf32>,
        %swap3A_1641 = vector.shape_cast %swap3A_1640 : vector<1x16xf32> to vector<16xf32>
        %swap3A_1642 = vector.shape_cast %add3A_1637 : vector<16xf32> to vector<1x16xf32>
        tpu.vector_store %arg8[%swap3A_1638, %swap3A_1639], %swap3A_1642 {strides = array<i32>} : memref<160x128xf32, #tpu.memory_space<vmem>>, vector<1x16xf32>,
        %add3A_1643 = arith.addf %get3A_1605, %get3A_1569 : vector<16xf32>
        %swap3A_1644 = arith.index_cast %add3A_1581 : i32 to index
        %swap3A_1645 = arith.constant 80 : index
        %swap3A_1646 = tpu.vector_load %arg8[%swap3A_1644, %swap3A_1645] {strides = array<i32>} : memref<160x128xf32, #tpu.memory_space<vmem>>, vector<1x16xf32>,
        %swap3A_1647 = vector.shape_cast %swap3A_1646 : vector<1x16xf32> to vector<16xf32>
        %swap3A_1648 = vector.shape_cast %add3A_1643 : vector<16xf32> to vector<1x16xf32>
        tpu.vector_store %arg8[%swap3A_1644, %swap3A_1645], %swap3A_1648 {strides = array<i32>} : memref<160x128xf32, #tpu.memory_space<vmem>>, vector<1x16xf32>,
        %add3A_1649 = arith.addf %get3A_1609, %get3A_1574 : vector<16xf32>
        %swap3A_1650 = arith.index_cast %add3A_1581 : i32 to index
        %swap3A_1651 = arith.constant 96 : index
        %swap3A_1652 = tpu.vector_load %arg8[%swap3A_1650, %swap3A_1651] {strides = array<i32>} : memref<160x128xf32, #tpu.memory_space<vmem>>, vector<1x16xf32>,
        %swap3A_1653 = vector.shape_cast %swap3A_1652 : vector<1x16xf32> to vector<16xf32>
        %swap3A_1654 = vector.shape_cast %add3A_1649 : vector<16xf32> to vector<1x16xf32>
        tpu.vector_store %arg8[%swap3A_1650, %swap3A_1651], %swap3A_1654 {strides = array<i32>} : memref<160x128xf32, #tpu.memory_space<vmem>>, vector<1x16xf32>,
        %add3A_1655 = arith.addf %get3A_1613, %get3A_1579 : vector<16xf32>
        %swap3A_1656 = arith.index_cast %add3A_1581 : i32 to index
        %swap3A_1657 = arith.constant 112 : index
        %swap3A_1658 = tpu.vector_load %arg8[%swap3A_1656, %swap3A_1657] {strides = array<i32>} : memref<160x128xf32, #tpu.memory_space<vmem>>, vector<1x16xf32>,
        %swap3A_1659 = vector.shape_cast %swap3A_1658 : vector<1x16xf32> to vector<16xf32>
        %swap3A_1660 = vector.shape_cast %add3A_1655 : vector<16xf32> to vector<1x16xf32>
        tpu.vector_store %arg8[%swap3A_1656, %swap3A_1657], %swap3A_1660 {strides = array<i32>} : memref<160x128xf32, #tpu.memory_space<vmem>>, vector<1x16xf32>,
        %add3A_1661 = arith.constant 40 : i32
        %add3A_1662 = arith.addi %add3A_1661, %scan3A_1539 : i32
        %get3A_1663 = arith.index_cast %add3A_1662 : i32 to index
        %get3A_1664 = arith.constant 0 : index
        %get3A_1665 = tpu.vector_load %arg8[%get3A_1663, %get3A_1664] {strides = array<i32>} : memref<160x128xf32, #tpu.memory_space<vmem>>, vector<1x16xf32>,
        %get3A_1666 = vector.shape_cast %get3A_1665 : vector<1x16xf32> to vector<16xf32>
        %get3A_1667 = arith.index_cast %add3A_1662 : i32 to index
        %get3A_1668 = arith.constant 16 : index
        %get3A_1669 = tpu.vector_load %arg8[%get3A_1667, %get3A_1668] {strides = array<i32>} : memref<160x128xf32, #tpu.memory_space<vmem>>, vector<1x16xf32>,
        %get3A_1670 = vector.shape_cast %get3A_1669 : vector<1x16xf32> to vector<16xf32>
        %get3A_1671 = arith.index_cast %add3A_1662 : i32 to index
        %get3A_1672 = arith.constant 32 : index
        %get3A_1673 = tpu.vector_load %arg8[%get3A_1671, %get3A_1672] {strides = array<i32>} : memref<160x128xf32, #tpu.memory_space<vmem>>, vector<1x16xf32>,
        %get3A_1674 = vector.shape_cast %get3A_1673 : vector<1x16xf32> to vector<16xf32>
        %get3A_1675 = arith.index_cast %add3A_1662 : i32 to index
        %get3A_1676 = arith.constant 48 : index
        %get3A_1677 = tpu.vector_load %arg8[%get3A_1675, %get3A_1676] {strides = array<i32>} : memref<160x128xf32, #tpu.memory_space<vmem>>, vector<1x16xf32>,
        %get3A_1678 = vector.shape_cast %get3A_1677 : vector<1x16xf32> to vector<16xf32>
        %get3A_1679 = arith.index_cast %add3A_1662 : i32 to index
        %get3A_1680 = arith.constant 64 : index
        %get3A_1681 = tpu.vector_load %arg8[%get3A_1679, %get3A_1680] {strides = array<i32>} : memref<160x128xf32, #tpu.memory_space<vmem>>, vector<1x16xf32>,
        %get3A_1682 = vector.shape_cast %get3A_1681 : vector<1x16xf32> to vector<16xf32>
        %get3A_1683 = arith.index_cast %add3A_1662 : i32 to index
        %get3A_1684 = arith.constant 80 : index
        %get3A_1685 = tpu.vector_load %arg8[%get3A_1683, %get3A_1684] {strides = array<i32>} : memref<160x128xf32, #tpu.memory_space<vmem>>, vector<1x16xf32>,
        %get3A_1686 = vector.shape_cast %get3A_1685 : vector<1x16xf32> to vector<16xf32>
        %get3A_1687 = arith.index_cast %add3A_1662 : i32 to index
        %get3A_1688 = arith.constant 96 : index
        %get3A_1689 = tpu.vector_load %arg8[%get3A_1687, %get3A_1688] {strides = array<i32>} : memref<160x128xf32, #tpu.memory_space<vmem>>, vector<1x16xf32>,
        %get3A_1690 = vector.shape_cast %get3A_1689 : vector<1x16xf32> to vector<16xf32>
        %get3A_1691 = arith.index_cast %add3A_1662 : i32 to index
        %get3A_1692 = arith.constant 112 : index
        %get3A_1693 = tpu.vector_load %arg8[%get3A_1691, %get3A_1692] {strides = array<i32>} : memref<160x128xf32, #tpu.memory_space<vmem>>, vector<1x16xf32>,
        %get3A_1694 = vector.shape_cast %get3A_1693 : vector<1x16xf32> to vector<16xf32>
        %add3A_1695 = arith.addf %get3A_1666, %get3A_1544 : vector<16xf32>
        %swap3A_1696 = arith.index_cast %add3A_1662 : i32 to index
        %swap3A_1697 = arith.constant 0 : index
        %swap3A_1698 = tpu.vector_load %arg8[%swap3A_1696, %swap3A_1697] {strides = array<i32>} : memref<160x128xf32, #tpu.memory_space<vmem>>, vector<1x16xf32>,
        %swap3A_1699 = vector.shape_cast %swap3A_1698 : vector<1x16xf32> to vector<16xf32>
        %swap3A_1700 = vector.shape_cast %add3A_1695 : vector<16xf32> to vector<1x16xf32>
        tpu.vector_store %arg8[%swap3A_1696, %swap3A_1697], %swap3A_1700 {strides = array<i32>} : memref<160x128xf32, #tpu.memory_space<vmem>>, vector<1x16xf32>,
        %add3A_1701 = arith.addf %get3A_1670, %get3A_1549 : vector<16xf32>
        %swap3A_1702 = arith.index_cast %add3A_1662 : i32 to index
        %swap3A_1703 = arith.constant 16 : index
        %swap3A_1704 = tpu.vector_load %arg8[%swap3A_1702, %swap3A_1703] {strides = array<i32>} : memref<160x128xf32, #tpu.memory_space<vmem>>, vector<1x16xf32>,
        %swap3A_1705 = vector.shape_cast %swap3A_1704 : vector<1x16xf32> to vector<16xf32>
        %swap3A_1706 = vector.shape_cast %add3A_1701 : vector<16xf32> to vector<1x16xf32>
        tpu.vector_store %arg8[%swap3A_1702, %swap3A_1703], %swap3A_1706 {strides = array<i32>} : memref<160x128xf32, #tpu.memory_space<vmem>>, vector<1x16xf32>,
        %add3A_1707 = arith.addf %get3A_1674, %get3A_1554 : vector<16xf32>
        %swap3A_1708 = arith.index_cast %add3A_1662 : i32 to index
        %swap3A_1709 = arith.constant 32 : index
        %swap3A_1710 = tpu.vector_load %arg8[%swap3A_1708, %swap3A_1709] {strides = array<i32>} : memref<160x128xf32, #tpu.memory_space<vmem>>, vector<1x16xf32>,
        %swap3A_1711 = vector.shape_cast %swap3A_1710 : vector<1x16xf32> to vector<16xf32>
        %swap3A_1712 = vector.shape_cast %add3A_1707 : vector<16xf32> to vector<1x16xf32>
        tpu.vector_store %arg8[%swap3A_1708, %swap3A_1709], %swap3A_1712 {strides = array<i32>} : memref<160x128xf32, #tpu.memory_space<vmem>>, vector<1x16xf32>,
        %add3A_1713 = arith.addf %get3A_1678, %get3A_1559 : vector<16xf32>
        %swap3A_1714 = arith.index_cast %add3A_1662 : i32 to index
        %swap3A_1715 = arith.constant 48 : index
        %swap3A_1716 = tpu.vector_load %arg8[%swap3A_1714, %swap3A_1715] {strides = array<i32>} : memref<160x128xf32, #tpu.memory_space<vmem>>, vector<1x16xf32>,
        %swap3A_1717 = vector.shape_cast %swap3A_1716 : vector<1x16xf32> to vector<16xf32>
        %swap3A_1718 = vector.shape_cast %add3A_1713 : vector<16xf32> to vector<1x16xf32>
        tpu.vector_store %arg8[%swap3A_1714, %swap3A_1715], %swap3A_1718 {strides = array<i32>} : memref<160x128xf32, #tpu.memory_space<vmem>>, vector<1x16xf32>,
        %add3A_1719 = arith.addf %get3A_1682, %get3A_1564 : vector<16xf32>
        %swap3A_1720 = arith.index_cast %add3A_1662 : i32 to index
        %swap3A_1721 = arith.constant 64 : index
        %swap3A_1722 = tpu.vector_load %arg8[%swap3A_1720, %swap3A_1721] {strides = array<i32>} : memref<160x128xf32, #tpu.memory_space<vmem>>, vector<1x16xf32>,
        %swap3A_1723 = vector.shape_cast %swap3A_1722 : vector<1x16xf32> to vector<16xf32>
        %swap3A_1724 = vector.shape_cast %add3A_1719 : vector<16xf32> to vector<1x16xf32>
        tpu.vector_store %arg8[%swap3A_1720, %swap3A_1721], %swap3A_1724 {strides = array<i32>} : memref<160x128xf32, #tpu.memory_space<vmem>>, vector<1x16xf32>,
        %add3A_1725 = arith.addf %get3A_1686, %get3A_1569 : vector<16xf32>
        %swap3A_1726 = arith.index_cast %add3A_1662 : i32 to index
        %swap3A_1727 = arith.constant 80 : index
        %swap3A_1728 = tpu.vector_load %arg8[%swap3A_1726, %swap3A_1727] {strides = array<i32>} : memref<160x128xf32, #tpu.memory_space<vmem>>, vector<1x16xf32>,
        %swap3A_1729 = vector.shape_cast %swap3A_1728 : vector<1x16xf32> to vector<16xf32>
        %swap3A_1730 = vector.shape_cast %add3A_1725 : vector<16xf32> to vector<1x16xf32>
        tpu.vector_store %arg8[%swap3A_1726, %swap3A_1727], %swap3A_1730 {strides = array<i32>} : memref<160x128xf32, #tpu.memory_space<vmem>>, vector<1x16xf32>,
        %add3A_1731 = arith.addf %get3A_1690, %get3A_1574 : vector<16xf32>
        %swap3A_1732 = arith.index_cast %add3A_1662 : i32 to index
        %swap3A_1733 = arith.constant 96 : index
        %swap3A_1734 = tpu.vector_load %arg8[%swap3A_1732, %swap3A_1733] {strides = array<i32>} : memref<160x128xf32, #tpu.memory_space<vmem>>, vector<1x16xf32>,
        %swap3A_1735 = vector.shape_cast %swap3A_1734 : vector<1x16xf32> to vector<16xf32>
        %swap3A_1736 = vector.shape_cast %add3A_1731 : vector<16xf32> to vector<1x16xf32>
        tpu.vector_store %arg8[%swap3A_1732, %swap3A_1733], %swap3A_1736 {strides = array<i32>} : memref<160x128xf32, #tpu.memory_space<vmem>>, vector<1x16xf32>,
        %add3A_1737 = arith.addf %get3A_1694, %get3A_1579 : vector<16xf32>
        %swap3A_1738 = arith.index_cast %add3A_1662 : i32 to index
        %swap3A_1739 = arith.constant 112 : index
        %swap3A_1740 = tpu.vector_load %arg8[%swap3A_1738, %swap3A_1739] {strides = array<i32>} : memref<160x128xf32, #tpu.memory_space<vmem>>, vector<1x16xf32>,
        %swap3A_1741 = vector.shape_cast %swap3A_1740 : vector<1x16xf32> to vector<16xf32>
        %swap3A_1742 = vector.shape_cast %add3A_1737 : vector<16xf32> to vector<1x16xf32>
        tpu.vector_store %arg8[%swap3A_1738, %swap3A_1739], %swap3A_1742 {strides = array<i32>} : memref<160x128xf32, #tpu.memory_space<vmem>>, vector<1x16xf32>,
        %add3A_1743 = arith.constant 80 : i32
        %add3A_1744 = arith.addi %add3A_1743, %scan3A_1539 : i32
        %get3A_1745 = arith.index_cast %add3A_1744 : i32 to index
        %get3A_1746 = arith.constant 0 : index
        %get3A_1747 = tpu.vector_load %arg8[%get3A_1745, %get3A_1746] {strides = array<i32>} : memref<160x128xf32, #tpu.memory_space<vmem>>, vector<1x16xf32>,
        %get3A_1748 = vector.shape_cast %get3A_1747 : vector<1x16xf32> to vector<16xf32>
        %get3A_1749 = arith.index_cast %add3A_1744 : i32 to index
        %get3A_1750 = arith.constant 16 : index
        %get3A_1751 = tpu.vector_load %arg8[%get3A_1749, %get3A_1750] {strides = array<i32>} : memref<160x128xf32, #tpu.memory_space<vmem>>, vector<1x16xf32>,
        %get3A_1752 = vector.shape_cast %get3A_1751 : vector<1x16xf32> to vector<16xf32>
        %get3A_1753 = arith.index_cast %add3A_1744 : i32 to index
        %get3A_1754 = arith.constant 32 : index
        %get3A_1755 = tpu.vector_load %arg8[%get3A_1753, %get3A_1754] {strides = array<i32>} : memref<160x128xf32, #tpu.memory_space<vmem>>, vector<1x16xf32>,
        %get3A_1756 = vector.shape_cast %get3A_1755 : vector<1x16xf32> to vector<16xf32>
        %get3A_1757 = arith.index_cast %add3A_1744 : i32 to index
        %get3A_1758 = arith.constant 48 : index
        %get3A_1759 = tpu.vector_load %arg8[%get3A_1757, %get3A_1758] {strides = array<i32>} : memref<160x128xf32, #tpu.memory_space<vmem>>, vector<1x16xf32>,
        %get3A_1760 = vector.shape_cast %get3A_1759 : vector<1x16xf32> to vector<16xf32>
        %get3A_1761 = arith.index_cast %add3A_1744 : i32 to index
        %get3A_1762 = arith.constant 64 : index
        %get3A_1763 = tpu.vector_load %arg8[%get3A_1761, %get3A_1762] {strides = array<i32>} : memref<160x128xf32, #tpu.memory_space<vmem>>, vector<1x16xf32>,
        %get3A_1764 = vector.shape_cast %get3A_1763 : vector<1x16xf32> to vector<16xf32>
        %get3A_1765 = arith.index_cast %add3A_1744 : i32 to index
        %get3A_1766 = arith.constant 80 : index
        %get3A_1767 = tpu.vector_load %arg8[%get3A_1765, %get3A_1766] {strides = array<i32>} : memref<160x128xf32, #tpu.memory_space<vmem>>, vector<1x16xf32>,
        %get3A_1768 = vector.shape_cast %get3A_1767 : vector<1x16xf32> to vector<16xf32>
        %get3A_1769 = arith.index_cast %add3A_1744 : i32 to index
        %get3A_1770 = arith.constant 96 : index
        %get3A_1771 = tpu.vector_load %arg8[%get3A_1769, %get3A_1770] {strides = array<i32>} : memref<160x128xf32, #tpu.memory_space<vmem>>, vector<1x16xf32>,
        %get3A_1772 = vector.shape_cast %get3A_1771 : vector<1x16xf32> to vector<16xf32>
        %get3A_1773 = arith.index_cast %add3A_1744 : i32 to index
        %get3A_1774 = arith.constant 112 : index
        %get3A_1775 = tpu.vector_load %arg8[%get3A_1773, %get3A_1774] {strides = array<i32>} : memref<160x128xf32, #tpu.memory_space<vmem>>, vector<1x16xf32>,
        %get3A_1776 = vector.shape_cast %get3A_1775 : vector<1x16xf32> to vector<16xf32>
        %add3A_1777 = arith.addf %get3A_1748, %get3A_1544 : vector<16xf32>
        %swap3A_1778 = arith.index_cast %add3A_1744 : i32 to index
        %swap3A_1779 = arith.constant 0 : index
        %swap3A_1780 = tpu.vector_load %arg8[%swap3A_1778, %swap3A_1779] {strides = array<i32>} : memref<160x128xf32, #tpu.memory_space<vmem>>, vector<1x16xf32>,
        %swap3A_1781 = vector.shape_cast %swap3A_1780 : vector<1x16xf32> to vector<16xf32>
        %swap3A_1782 = vector.shape_cast %add3A_1777 : vector<16xf32> to vector<1x16xf32>
        tpu.vector_store %arg8[%swap3A_1778, %swap3A_1779], %swap3A_1782 {strides = array<i32>} : memref<160x128xf32, #tpu.memory_space<vmem>>, vector<1x16xf32>,
        %add3A_1783 = arith.addf %get3A_1752, %get3A_1549 : vector<16xf32>
        %swap3A_1784 = arith.index_cast %add3A_1744 : i32 to index
        %swap3A_1785 = arith.constant 16 : index
        %swap3A_1786 = tpu.vector_load %arg8[%swap3A_1784, %swap3A_1785] {strides = array<i32>} : memref<160x128xf32, #tpu.memory_space<vmem>>, vector<1x16xf32>,
        %swap3A_1787 = vector.shape_cast %swap3A_1786 : vector<1x16xf32> to vector<16xf32>
        %swap3A_1788 = vector.shape_cast %add3A_1783 : vector<16xf32> to vector<1x16xf32>
        tpu.vector_store %arg8[%swap3A_1784, %swap3A_1785], %swap3A_1788 {strides = array<i32>} : memref<160x128xf32, #tpu.memory_space<vmem>>, vector<1x16xf32>,
        %add3A_1789 = arith.addf %get3A_1756, %get3A_1554 : vector<16xf32>
        %swap3A_1790 = arith.index_cast %add3A_1744 : i32 to index
        %swap3A_1791 = arith.constant 32 : index
        %swap3A_1792 = tpu.vector_load %arg8[%swap3A_1790, %swap3A_1791] {strides = array<i32>} : memref<160x128xf32, #tpu.memory_space<vmem>>, vector<1x16xf32>,
        %swap3A_1793 = vector.shape_cast %swap3A_1792 : vector<1x16xf32> to vector<16xf32>
        %swap3A_1794 = vector.shape_cast %add3A_1789 : vector<16xf32> to vector<1x16xf32>
        tpu.vector_store %arg8[%swap3A_1790, %swap3A_1791], %swap3A_1794 {strides = array<i32>} : memref<160x128xf32, #tpu.memory_space<vmem>>, vector<1x16xf32>,
        %add3A_1795 = arith.addf %get3A_1760, %get3A_1559 : vector<16xf32>
        %swap3A_1796 = arith.index_cast %add3A_1744 : i32 to index
        %swap3A_1797 = arith.constant 48 : index
        %swap3A_1798 = tpu.vector_load %arg8[%swap3A_1796, %swap3A_1797] {strides = array<i32>} : memref<160x128xf32, #tpu.memory_space<vmem>>, vector<1x16xf32>,
        %swap3A_1799 = vector.shape_cast %swap3A_1798 : vector<1x16xf32> to vector<16xf32>
        %swap3A_1800 = vector.shape_cast %add3A_1795 : vector<16xf32> to vector<1x16xf32>
        tpu.vector_store %arg8[%swap3A_1796, %swap3A_1797], %swap3A_1800 {strides = array<i32>} : memref<160x128xf32, #tpu.memory_space<vmem>>, vector<1x16xf32>,
        %add3A_1801 = arith.addf %get3A_1764, %get3A_1564 : vector<16xf32>
        %swap3A_1802 = arith.index_cast %add3A_1744 : i32 to index
        %swap3A_1803 = arith.constant 64 : index
        %swap3A_1804 = tpu.vector_load %arg8[%swap3A_1802, %swap3A_1803] {strides = array<i32>} : memref<160x128xf32, #tpu.memory_space<vmem>>, vector<1x16xf32>,
        %swap3A_1805 = vector.shape_cast %swap3A_1804 : vector<1x16xf32> to vector<16xf32>
        %swap3A_1806 = vector.shape_cast %add3A_1801 : vector<16xf32> to vector<1x16xf32>
        tpu.vector_store %arg8[%swap3A_1802, %swap3A_1803], %swap3A_1806 {strides = array<i32>} : memref<160x128xf32, #tpu.memory_space<vmem>>, vector<1x16xf32>,
        %add3A_1807 = arith.addf %get3A_1768, %get3A_1569 : vector<16xf32>
        %swap3A_1808 = arith.index_cast %add3A_1744 : i32 to index
        %swap3A_1809 = arith.constant 80 : index
        %swap3A_1810 = tpu.vector_load %arg8[%swap3A_1808, %swap3A_1809] {strides = array<i32>} : memref<160x128xf32, #tpu.memory_space<vmem>>, vector<1x16xf32>,
        %swap3A_1811 = vector.shape_cast %swap3A_1810 : vector<1x16xf32> to vector<16xf32>
        %swap3A_1812 = vector.shape_cast %add3A_1807 : vector<16xf32> to vector<1x16xf32>
        tpu.vector_store %arg8[%swap3A_1808, %swap3A_1809], %swap3A_1812 {strides = array<i32>} : memref<160x128xf32, #tpu.memory_space<vmem>>, vector<1x16xf32>,
        %add3A_1813 = arith.addf %get3A_1772, %get3A_1574 : vector<16xf32>
        %swap3A_1814 = arith.index_cast %add3A_1744 : i32 to index
        %swap3A_1815 = arith.constant 96 : index
        %swap3A_1816 = tpu.vector_load %arg8[%swap3A_1814, %swap3A_1815] {strides = array<i32>} : memref<160x128xf32, #tpu.memory_space<vmem>>, vector<1x16xf32>,
        %swap3A_1817 = vector.shape_cast %swap3A_1816 : vector<1x16xf32> to vector<16xf32>
        %swap3A_1818 = vector.shape_cast %add3A_1813 : vector<16xf32> to vector<1x16xf32>
        tpu.vector_store %arg8[%swap3A_1814, %swap3A_1815], %swap3A_1818 {strides = array<i32>} : memref<160x128xf32, #tpu.memory_space<vmem>>, vector<1x16xf32>,
        %add3A_1819 = arith.addf %get3A_1776, %get3A_1579 : vector<16xf32>
        %swap3A_1820 = arith.index_cast %add3A_1744 : i32 to index
        %swap3A_1821 = arith.constant 112 : index
        %swap3A_1822 = tpu.vector_load %arg8[%swap3A_1820, %swap3A_1821] {strides = array<i32>} : memref<160x128xf32, #tpu.memory_space<vmem>>, vector<1x16xf32>,
        %swap3A_1823 = vector.shape_cast %swap3A_1822 : vector<1x16xf32> to vector<16xf32>
        %swap3A_1824 = vector.shape_cast %add3A_1819 : vector<16xf32> to vector<1x16xf32>
        tpu.vector_store %arg8[%swap3A_1820, %swap3A_1821], %swap3A_1824 {strides = array<i32>} : memref<160x128xf32, #tpu.memory_space<vmem>>, vector<1x16xf32>,
        %add3A_1825 = arith.constant 120 : i32
        %add3A_1826 = arith.addi %add3A_1825, %scan3A_1539 : i32
        %get3A_1827 = arith.index_cast %add3A_1826 : i32 to index
        %get3A_1828 = arith.constant 0 : index
        %get3A_1829 = tpu.vector_load %arg8[%get3A_1827, %get3A_1828] {strides = array<i32>} : memref<160x128xf32, #tpu.memory_space<vmem>>, vector<1x16xf32>,
        %get3A_1830 = vector.shape_cast %get3A_1829 : vector<1x16xf32> to vector<16xf32>
        %get3A_1831 = arith.index_cast %add3A_1826 : i32 to index
        %get3A_1832 = arith.constant 16 : index
        %get3A_1833 = tpu.vector_load %arg8[%get3A_1831, %get3A_1832] {strides = array<i32>} : memref<160x128xf32, #tpu.memory_space<vmem>>, vector<1x16xf32>,
        %get3A_1834 = vector.shape_cast %get3A_1833 : vector<1x16xf32> to vector<16xf32>
        %get3A_1835 = arith.index_cast %add3A_1826 : i32 to index
        %get3A_1836 = arith.constant 32 : index
        %get3A_1837 = tpu.vector_load %arg8[%get3A_1835, %get3A_1836] {strides = array<i32>} : memref<160x128xf32, #tpu.memory_space<vmem>>, vector<1x16xf32>,
        %get3A_1838 = vector.shape_cast %get3A_1837 : vector<1x16xf32> to vector<16xf32>
        %get3A_1839 = arith.index_cast %add3A_1826 : i32 to index
        %get3A_1840 = arith.constant 48 : index
        %get3A_1841 = tpu.vector_load %arg8[%get3A_1839, %get3A_1840] {strides = array<i32>} : memref<160x128xf32, #tpu.memory_space<vmem>>, vector<1x16xf32>,
        %get3A_1842 = vector.shape_cast %get3A_1841 : vector<1x16xf32> to vector<16xf32>
        %get3A_1843 = arith.index_cast %add3A_1826 : i32 to index
        %get3A_1844 = arith.constant 64 : index
        %get3A_1845 = tpu.vector_load %arg8[%get3A_1843, %get3A_1844] {strides = array<i32>} : memref<160x128xf32, #tpu.memory_space<vmem>>, vector<1x16xf32>,
        %get3A_1846 = vector.shape_cast %get3A_1845 : vector<1x16xf32> to vector<16xf32>
        %get3A_1847 = arith.index_cast %add3A_1826 : i32 to index
        %get3A_1848 = arith.constant 80 : index
        %get3A_1849 = tpu.vector_load %arg8[%get3A_1847, %get3A_1848] {strides = array<i32>} : memref<160x128xf32, #tpu.memory_space<vmem>>, vector<1x16xf32>,
        %get3A_1850 = vector.shape_cast %get3A_1849 : vector<1x16xf32> to vector<16xf32>
        %get3A_1851 = arith.index_cast %add3A_1826 : i32 to index
        %get3A_1852 = arith.constant 96 : index
        %get3A_1853 = tpu.vector_load %arg8[%get3A_1851, %get3A_1852] {strides = array<i32>} : memref<160x128xf32, #tpu.memory_space<vmem>>, vector<1x16xf32>,
        %get3A_1854 = vector.shape_cast %get3A_1853 : vector<1x16xf32> to vector<16xf32>
        %get3A_1855 = arith.index_cast %add3A_1826 : i32 to index
        %get3A_1856 = arith.constant 112 : index
        %get3A_1857 = tpu.vector_load %arg8[%get3A_1855, %get3A_1856] {strides = array<i32>} : memref<160x128xf32, #tpu.memory_space<vmem>>, vector<1x16xf32>,
        %get3A_1858 = vector.shape_cast %get3A_1857 : vector<1x16xf32> to vector<16xf32>
        %add3A_1859 = arith.addf %get3A_1830, %get3A_1544 : vector<16xf32>
        %swap3A_1860 = arith.index_cast %add3A_1826 : i32 to index
        %swap3A_1861 = arith.constant 0 : index
        %swap3A_1862 = tpu.vector_load %arg8[%swap3A_1860, %swap3A_1861] {strides = array<i32>} : memref<160x128xf32, #tpu.memory_space<vmem>>, vector<1x16xf32>,
        %swap3A_1863 = vector.shape_cast %swap3A_1862 : vector<1x16xf32> to vector<16xf32>
        %swap3A_1864 = vector.shape_cast %add3A_1859 : vector<16xf32> to vector<1x16xf32>
        tpu.vector_store %arg8[%swap3A_1860, %swap3A_1861], %swap3A_1864 {strides = array<i32>} : memref<160x128xf32, #tpu.memory_space<vmem>>, vector<1x16xf32>,
        %add3A_1865 = arith.addf %get3A_1834, %get3A_1549 : vector<16xf32>
        %swap3A_1866 = arith.index_cast %add3A_1826 : i32 to index
        %swap3A_1867 = arith.constant 16 : index
        %swap3A_1868 = tpu.vector_load %arg8[%swap3A_1866, %swap3A_1867] {strides = array<i32>} : memref<160x128xf32, #tpu.memory_space<vmem>>, vector<1x16xf32>,
        %swap3A_1869 = vector.shape_cast %swap3A_1868 : vector<1x16xf32> to vector<16xf32>
        %swap3A_1870 = vector.shape_cast %add3A_1865 : vector<16xf32> to vector<1x16xf32>
        tpu.vector_store %arg8[%swap3A_1866, %swap3A_1867], %swap3A_1870 {strides = array<i32>} : memref<160x128xf32, #tpu.memory_space<vmem>>, vector<1x16xf32>,
        %add3A_1871 = arith.addf %get3A_1838, %get3A_1554 : vector<16xf32>
        %swap3A_1872 = arith.index_cast %add3A_1826 : i32 to index
        %swap3A_1873 = arith.constant 32 : index
        %swap3A_1874 = tpu.vector_load %arg8[%swap3A_1872, %swap3A_1873] {strides = array<i32>} : memref<160x128xf32, #tpu.memory_space<vmem>>, vector<1x16xf32>,
        %swap3A_1875 = vector.shape_cast %swap3A_1874 : vector<1x16xf32> to vector<16xf32>
        %swap3A_1876 = vector.shape_cast %add3A_1871 : vector<16xf32> to vector<1x16xf32>
        tpu.vector_store %arg8[%swap3A_1872, %swap3A_1873], %swap3A_1876 {strides = array<i32>} : memref<160x128xf32, #tpu.memory_space<vmem>>, vector<1x16xf32>,
        %add3A_1877 = arith.addf %get3A_1842, %get3A_1559 : vector<16xf32>
        %swap3A_1878 = arith.index_cast %add3A_1826 : i32 to index
        %swap3A_1879 = arith.constant 48 : index
        %swap3A_1880 = tpu.vector_load %arg8[%swap3A_1878, %swap3A_1879] {strides = array<i32>} : memref<160x128xf32, #tpu.memory_space<vmem>>, vector<1x16xf32>,
        %swap3A_1881 = vector.shape_cast %swap3A_1880 : vector<1x16xf32> to vector<16xf32>
        %swap3A_1882 = vector.shape_cast %add3A_1877 : vector<16xf32> to vector<1x16xf32>
        tpu.vector_store %arg8[%swap3A_1878, %swap3A_1879], %swap3A_1882 {strides = array<i32>} : memref<160x128xf32, #tpu.memory_space<vmem>>, vector<1x16xf32>,
        %add3A_1883 = arith.addf %get3A_1846, %get3A_1564 : vector<16xf32>
        %swap3A_1884 = arith.index_cast %add3A_1826 : i32 to index
        %swap3A_1885 = arith.constant 64 : index
        %swap3A_1886 = tpu.vector_load %arg8[%swap3A_1884, %swap3A_1885] {strides = array<i32>} : memref<160x128xf32, #tpu.memory_space<vmem>>, vector<1x16xf32>,
        %swap3A_1887 = vector.shape_cast %swap3A_1886 : vector<1x16xf32> to vector<16xf32>
        %swap3A_1888 = vector.shape_cast %add3A_1883 : vector<16xf32> to vector<1x16xf32>
        tpu.vector_store %arg8[%swap3A_1884, %swap3A_1885], %swap3A_1888 {strides = array<i32>} : memref<160x128xf32, #tpu.memory_space<vmem>>, vector<1x16xf32>,
        %add3A_1889 = arith.addf %get3A_1850, %get3A_1569 : vector<16xf32>
        %swap3A_1890 = arith.index_cast %add3A_1826 : i32 to index
        %swap3A_1891 = arith.constant 80 : index
        %swap3A_1892 = tpu.vector_load %arg8[%swap3A_1890, %swap3A_1891] {strides = array<i32>} : memref<160x128xf32, #tpu.memory_space<vmem>>, vector<1x16xf32>,
        %swap3A_1893 = vector.shape_cast %swap3A_1892 : vector<1x16xf32> to vector<16xf32>
        %swap3A_1894 = vector.shape_cast %add3A_1889 : vector<16xf32> to vector<1x16xf32>
        tpu.vector_store %arg8[%swap3A_1890, %swap3A_1891], %swap3A_1894 {strides = array<i32>} : memref<160x128xf32, #tpu.memory_space<vmem>>, vector<1x16xf32>,
        %add3A_1895 = arith.addf %get3A_1854, %get3A_1574 : vector<16xf32>
        %swap3A_1896 = arith.index_cast %add3A_1826 : i32 to index
        %swap3A_1897 = arith.constant 96 : index
        %swap3A_1898 = tpu.vector_load %arg8[%swap3A_1896, %swap3A_1897] {strides = array<i32>} : memref<160x128xf32, #tpu.memory_space<vmem>>, vector<1x16xf32>,
        %swap3A_1899 = vector.shape_cast %swap3A_1898 : vector<1x16xf32> to vector<16xf32>
        %swap3A_1900 = vector.shape_cast %add3A_1895 : vector<16xf32> to vector<1x16xf32>
        tpu.vector_store %arg8[%swap3A_1896, %swap3A_1897], %swap3A_1900 {strides = array<i32>} : memref<160x128xf32, #tpu.memory_space<vmem>>, vector<1x16xf32>,
        %add3A_1901 = arith.addf %get3A_1858, %get3A_1579 : vector<16xf32>
        %swap3A_1902 = arith.index_cast %add3A_1826 : i32 to index
        %swap3A_1903 = arith.constant 112 : index
        %swap3A_1904 = tpu.vector_load %arg8[%swap3A_1902, %swap3A_1903] {strides = array<i32>} : memref<160x128xf32, #tpu.memory_space<vmem>>, vector<1x16xf32>,
        %swap3A_1905 = vector.shape_cast %swap3A_1904 : vector<1x16xf32> to vector<16xf32>
        %swap3A_1906 = vector.shape_cast %add3A_1901 : vector<16xf32> to vector<1x16xf32>
        tpu.vector_store %arg8[%swap3A_1902, %swap3A_1903], %swap3A_1906 {strides = array<i32>} : memref<160x128xf32, #tpu.memory_space<vmem>>, vector<1x16xf32>,
        %scan3A_1907 = arith.constant 0 : i32
        scf.yield %scan3A_1907 : i32
      }
      %scan3A_857 = arith.constant 40 : i32
      %div3A_858 = arith.constant 5 : i32
      %div3A_859 = arith.divsi %add3A_766, %div3A_858 : i32
      %rem3A_860 = arith.constant 5 : i32
      %rem3A_861 = arith.remsi %add3A_766, %rem3A_860 : i32
      %mul3A_862 = arith.constant 4 : i32
      %mul3A_863 = arith.muli %mul3A_862, %div3A_859 : i32
      %add3A_864 = arith.addi %mul3A_6, %mul3A_863 : i32
      %add3A_865 = arith.constant 0 : i32
      %add3A_866 = arith.addi %add3A_864, %add3A_865 : i32
      %mul3A_867 = arith.constant 40 : i32
      %mul3A_868 = arith.muli %rem3A_861, %mul3A_867 : i32
      %dma_start3A_869 = arith.constant 0 : i32
      %dma_start3A_870 = arith.constant 0 : i32
      %dma_start3A_871 = tpu.memref_slice %arg8[%dma_start3A_869, %dma_start3A_870] : memref<160x128xf32, #tpu.memory_space<vmem>> -> memref<40x128xf32, #tpu.memory_space<vmem>>
      %dma_start3A_872 = arith.constant 0 : i32
      %dma_start3A_873 = tpu.memref_slice %arg5[%add3A_866, %mul3A_868, %dma_start3A_872] : memref<1024x200x128xf32, #tpu.memory_space<hbm>> -> memref<1x40x128xf32, #tpu.memory_space<hbm>>
      %dma_start3A_874 = tpu.memref_squeeze %dma_start3A_873 : memref<1x40x128xf32, #tpu.memory_space<hbm>> -> memref<40x128xf32, #tpu.memory_space<hbm>>
      %dma_start3A_875 = arith.constant 0 : i32
      %dma_start3A_876 = tpu.memref_slice %arg5[%add3A_866, %mul3A_868, %dma_start3A_875] : memref<1024x200x128xf32, #tpu.memory_space<hbm>> -> memref<1x40x128xf32, #tpu.memory_space<hbm>>
      %dma_start3A_877 = tpu.memref_squeeze %dma_start3A_876 : memref<1x40x128xf32, #tpu.memory_space<hbm>> -> memref<40x128xf32, #tpu.memory_space<hbm>>
      %dma_start3A_878 = arith.constant 0 : i32
      %dma_start3A_879 = arith.constant 0 : i32
      %dma_start3A_880 = tpu.memref_slice %arg8[%dma_start3A_878, %dma_start3A_879] : memref<160x128xf32, #tpu.memory_space<vmem>> -> memref<40x128xf32, #tpu.memory_space<vmem>>
      tpu.enqueue_dma source(%dma_start3A_880 : memref<40x128xf32, #tpu.memory_space<vmem>>) target(%dma_start3A_877 : memref<40x128xf32, #tpu.memory_space<hbm>>) target_semaphore(%arg16 : memref<!tpu.dma_semaphore, #tpu.memory_space<semaphore_mem>>)
      %div3A_881 = arith.constant 5 : i32
      %div3A_882 = arith.divsi %add3A_766, %div3A_881 : i32
      %rem3A_883 = arith.constant 5 : i32
      %rem3A_884 = arith.remsi %add3A_766, %rem3A_883 : i32
      %mul3A_885 = arith.constant 4 : i32
      %mul3A_886 = arith.muli %mul3A_885, %div3A_882 : i32
      %add3A_887 = arith.addi %mul3A_6, %mul3A_886 : i32
      %add3A_888 = arith.constant 1 : i32
      %add3A_889 = arith.addi %add3A_887, %add3A_888 : i32
      %mul3A_890 = arith.constant 40 : i32
      %mul3A_891 = arith.muli %rem3A_884, %mul3A_890 : i32
      %dma_start3A_892 = arith.constant 40 : i32
      %dma_start3A_893 = arith.constant 0 : i32
      %dma_start3A_894 = tpu.memref_slice %arg8[%dma_start3A_892, %dma_start3A_893] : memref<160x128xf32, #tpu.memory_space<vmem>> -> memref<40x128xf32, #tpu.memory_space<vmem>>
      %dma_start3A_895 = arith.constant 0 : i32
      %dma_start3A_896 = tpu.memref_slice %arg5[%add3A_889, %mul3A_891, %dma_start3A_895] : memref<1024x200x128xf32, #tpu.memory_space<hbm>> -> memref<1x40x128xf32, #tpu.memory_space<hbm>>
      %dma_start3A_897 = tpu.memref_squeeze %dma_start3A_896 : memref<1x40x128xf32, #tpu.memory_space<hbm>> -> memref<40x128xf32, #tpu.memory_space<hbm>>
      %dma_start3A_898 = arith.constant 0 : i32
      %dma_start3A_899 = tpu.memref_slice %arg5[%add3A_889, %mul3A_891, %dma_start3A_898] : memref<1024x200x128xf32, #tpu.memory_space<hbm>> -> memref<1x40x128xf32, #tpu.memory_space<hbm>>
      %dma_start3A_900 = tpu.memref_squeeze %dma_start3A_899 : memref<1x40x128xf32, #tpu.memory_space<hbm>> -> memref<40x128xf32, #tpu.memory_space<hbm>>
      %dma_start3A_901 = arith.constant 40 : i32
      %dma_start3A_902 = arith.constant 0 : i32
      %dma_start3A_903 = tpu.memref_slice %arg8[%dma_start3A_901, %dma_start3A_902] : memref<160x128xf32, #tpu.memory_space<vmem>> -> memref<40x128xf32, #tpu.memory_space<vmem>>
      tpu.enqueue_dma source(%dma_start3A_903 : memref<40x128xf32, #tpu.memory_space<vmem>>) target(%dma_start3A_900 : memref<40x128xf32, #tpu.memory_space<hbm>>) target_semaphore(%arg16 : memref<!tpu.dma_semaphore, #tpu.memory_space<semaphore_mem>>)
      %div3A_904 = arith.constant 5 : i32
      %div3A_905 = arith.divsi %add3A_766, %div3A_904 : i32
      %rem3A_906 = arith.constant 5 : i32
      %rem3A_907 = arith.remsi %add3A_766, %rem3A_906 : i32
      %mul3A_908 = arith.constant 4 : i32
      %mul3A_909 = arith.muli %mul3A_908, %div3A_905 : i32
      %add3A_910 = arith.addi %mul3A_6, %mul3A_909 : i32
      %add3A_911 = arith.constant 2 : i32
      %add3A_912 = arith.addi %add3A_910, %add3A_911 : i32
      %mul3A_913 = arith.constant 40 : i32
      %mul3A_914 = arith.muli %rem3A_907, %mul3A_913 : i32
      %dma_start3A_915 = arith.constant 80 : i32
      %dma_start3A_916 = arith.constant 0 : i32
      %dma_start3A_917 = tpu.memref_slice %arg8[%dma_start3A_915, %dma_start3A_916] : memref<160x128xf32, #tpu.memory_space<vmem>> -> memref<40x128xf32, #tpu.memory_space<vmem>>
      %dma_start3A_918 = arith.constant 0 : i32
      %dma_start3A_919 = tpu.memref_slice %arg5[%add3A_912, %mul3A_914, %dma_start3A_918] : memref<1024x200x128xf32, #tpu.memory_space<hbm>> -> memref<1x40x128xf32, #tpu.memory_space<hbm>>
      %dma_start3A_920 = tpu.memref_squeeze %dma_start3A_919 : memref<1x40x128xf32, #tpu.memory_space<hbm>> -> memref<40x128xf32, #tpu.memory_space<hbm>>
      %dma_start3A_921 = arith.constant 0 : i32
      %dma_start3A_922 = tpu.memref_slice %arg5[%add3A_912, %mul3A_914, %dma_start3A_921] : memref<1024x200x128xf32, #tpu.memory_space<hbm>> -> memref<1x40x128xf32, #tpu.memory_space<hbm>>
      %dma_start3A_923 = tpu.memref_squeeze %dma_start3A_922 : memref<1x40x128xf32, #tpu.memory_space<hbm>> -> memref<40x128xf32, #tpu.memory_space<hbm>>
      %dma_start3A_924 = arith.constant 80 : i32
      %dma_start3A_925 = arith.constant 0 : i32
      %dma_start3A_926 = tpu.memref_slice %arg8[%dma_start3A_924, %dma_start3A_925] : memref<160x128xf32, #tpu.memory_space<vmem>> -> memref<40x128xf32, #tpu.memory_space<vmem>>
      tpu.enqueue_dma source(%dma_start3A_926 : memref<40x128xf32, #tpu.memory_space<vmem>>) target(%dma_start3A_923 : memref<40x128xf32, #tpu.memory_space<hbm>>) target_semaphore(%arg16 : memref<!tpu.dma_semaphore, #tpu.memory_space<semaphore_mem>>)
      %div3A_927 = arith.constant 5 : i32
      %div3A_928 = arith.divsi %add3A_766, %div3A_927 : i32
      %rem3A_929 = arith.constant 5 : i32
      %rem3A_930 = arith.remsi %add3A_766, %rem3A_929 : i32
      %mul3A_931 = arith.constant 4 : i32
      %mul3A_932 = arith.muli %mul3A_931, %div3A_928 : i32
      %add3A_933 = arith.addi %mul3A_6, %mul3A_932 : i32
      %add3A_934 = arith.constant 3 : i32
      %add3A_935 = arith.addi %add3A_933, %add3A_934 : i32
      %mul3A_936 = arith.constant 40 : i32
      %mul3A_937 = arith.muli %rem3A_930, %mul3A_936 : i32
      %dma_start3A_938 = arith.constant 120 : i32
      %dma_start3A_939 = arith.constant 0 : i32
      %dma_start3A_940 = tpu.memref_slice %arg8[%dma_start3A_938, %dma_start3A_939] : memref<160x128xf32, #tpu.memory_space<vmem>> -> memref<40x128xf32, #tpu.memory_space<vmem>>
      %dma_start3A_941 = arith.constant 0 : i32
      %dma_start3A_942 = tpu.memref_slice %arg5[%add3A_935, %mul3A_937, %dma_start3A_941] : memref<1024x200x128xf32, #tpu.memory_space<hbm>> -> memref<1x40x128xf32, #tpu.memory_space<hbm>>
      %dma_start3A_943 = tpu.memref_squeeze %dma_start3A_942 : memref<1x40x128xf32, #tpu.memory_space<hbm>> -> memref<40x128xf32, #tpu.memory_space<hbm>>
      %dma_start3A_944 = arith.constant 0 : i32
      %dma_start3A_945 = tpu.memref_slice %arg5[%add3A_935, %mul3A_937, %dma_start3A_944] : memref<1024x200x128xf32, #tpu.memory_space<hbm>> -> memref<1x40x128xf32, #tpu.memory_space<hbm>>
      %dma_start3A_946 = tpu.memref_squeeze %dma_start3A_945 : memref<1x40x128xf32, #tpu.memory_space<hbm>> -> memref<40x128xf32, #tpu.memory_space<hbm>>
      %dma_start3A_947 = arith.constant 120 : i32
      %dma_start3A_948 = arith.constant 0 : i32
      %dma_start3A_949 = tpu.memref_slice %arg8[%dma_start3A_947, %dma_start3A_948] : memref<160x128xf32, #tpu.memory_space<vmem>> -> memref<40x128xf32, #tpu.memory_space<vmem>>
      tpu.enqueue_dma source(%dma_start3A_949 : memref<40x128xf32, #tpu.memory_space<vmem>>) target(%dma_start3A_946 : memref<40x128xf32, #tpu.memory_space<hbm>>) target_semaphore(%arg16 : memref<!tpu.dma_semaphore, #tpu.memory_space<semaphore_mem>>)
      %add3A_950 = arith.constant 1 : i32
      %add3A_951 = arith.addi %mul3A_764, %add3A_950 : i32
      %div3A_952 = arith.constant 5 : i32
      %div3A_953 = arith.divsi %add3A_951, %div3A_952 : i32
      %rem3A_954 = arith.constant 5 : i32
      %rem3A_955 = arith.remsi %add3A_951, %rem3A_954 : i32
      %mul3A_956 = arith.constant 4 : i32
      %mul3A_957 = arith.muli %mul3A_956, %div3A_953 : i32
      %add3A_958 = arith.constant 0 : i32
      %add3A_959 = arith.addi %mul3A_957, %add3A_958 : i32
      %mul3A_960 = arith.constant 5 : i32
      %mul3A_961 = arith.muli %add3A_959, %mul3A_960 : i32
      %add3A_962 = arith.addi %mul3A_961, %rem3A_955 : i32
      %dma_wait3A_963 = arith.constant 0 : i32
      %dma_wait3A_964 = arith.constant 0 : i32
      %dma_wait3A_965 = tpu.memref_slice %arg9[%dma_wait3A_963, %dma_wait3A_964] : memref<160x128xf32, #tpu.memory_space<vmem>> -> memref<40x128xf32, #tpu.memory_space<vmem>>
      %dma_wait3A_966 = arith.constant 0 : i32
      %dma_wait3A_967 = tpu.memref_slice %arg6[%add3A_962, %dma_wait3A_966] : memref<160x40xi32, #tpu.memory_space<vmem>> -> memref<1x40xi32, #tpu.memory_space<vmem>>
      %dma_wait3A_968 = tpu.memref_squeeze %dma_wait3A_967 : memref<1x40xi32, #tpu.memory_space<vmem>> -> memref<40xi32, #tpu.memory_space<vmem>>
      %dma_wait3A_969 = arith.constant 0 : i32
      %dma_wait3A_970 = arith.constant 0 : i32
      %dma_wait3A_971 = tpu.memref_slice %arg2[%dma_wait3A_969, %dma_wait3A_970] : memref<100000x128xf32, #tpu.memory_space<hbm>> -> memref<100000x128xf32, #tpu.memory_space<hbm>>
      tpu.wait_indirect_dma semaphore(%arg13 : memref<!tpu.dma_semaphore, #tpu.memory_space<semaphore_mem>>) src(%dma_wait3A_971 : memref<100000x128xf32, #tpu.memory_space<hbm>>) dst(%dma_wait3A_965 : memref<40x128xf32, #tpu.memory_space<vmem>>)
      %div3A_972 = arith.constant 5 : i32
      %div3A_973 = arith.divsi %add3A_951, %div3A_972 : i32
      %rem3A_974 = arith.constant 5 : i32
      %rem3A_975 = arith.remsi %add3A_951, %rem3A_974 : i32
      %mul3A_976 = arith.constant 4 : i32
      %mul3A_977 = arith.muli %mul3A_976, %div3A_973 : i32
      %add3A_978 = arith.constant 1 : i32
      %add3A_979 = arith.addi %mul3A_977, %add3A_978 : i32
      %mul3A_980 = arith.constant 5 : i32
      %mul3A_981 = arith.muli %add3A_979, %mul3A_980 : i32
      %add3A_982 = arith.addi %mul3A_981, %rem3A_975 : i32
      %dma_wait3A_983 = arith.constant 40 : i32
      %dma_wait3A_984 = arith.constant 0 : i32
      %dma_wait3A_985 = tpu.memref_slice %arg9[%dma_wait3A_983, %dma_wait3A_984] : memref<160x128xf32, #tpu.memory_space<vmem>> -> memref<40x128xf32, #tpu.memory_space<vmem>>
      %dma_wait3A_986 = arith.constant 0 : i32
      %dma_wait3A_987 = tpu.memref_slice %arg6[%add3A_982, %dma_wait3A_986] : memref<160x40xi32, #tpu.memory_space<vmem>> -> memref<1x40xi32, #tpu.memory_space<vmem>>
      %dma_wait3A_988 = tpu.memref_squeeze %dma_wait3A_987 : memref<1x40xi32, #tpu.memory_space<vmem>> -> memref<40xi32, #tpu.memory_space<vmem>>
      %dma_wait3A_989 = arith.constant 0 : i32
      %dma_wait3A_990 = arith.constant 0 : i32
      %dma_wait3A_991 = tpu.memref_slice %arg2[%dma_wait3A_989, %dma_wait3A_990] : memref<100000x128xf32, #tpu.memory_space<hbm>> -> memref<100000x128xf32, #tpu.memory_space<hbm>>
      tpu.wait_indirect_dma semaphore(%arg13 : memref<!tpu.dma_semaphore, #tpu.memory_space<semaphore_mem>>) src(%dma_wait3A_991 : memref<100000x128xf32, #tpu.memory_space<hbm>>) dst(%dma_wait3A_985 : memref<40x128xf32, #tpu.memory_space<vmem>>)
      %div3A_992 = arith.constant 5 : i32
      %div3A_993 = arith.divsi %add3A_951, %div3A_992 : i32
      %rem3A_994 = arith.constant 5 : i32
      %rem3A_995 = arith.remsi %add3A_951, %rem3A_994 : i32
      %mul3A_996 = arith.constant 4 : i32
      %mul3A_997 = arith.muli %mul3A_996, %div3A_993 : i32
      %add3A_998 = arith.constant 2 : i32
      %add3A_999 = arith.addi %mul3A_997, %add3A_998 : i32
      %mul3A_1000 = arith.constant 5 : i32
      %mul3A_1001 = arith.muli %add3A_999, %mul3A_1000 : i32
      %add3A_1002 = arith.addi %mul3A_1001, %rem3A_995 : i32
      %dma_wait3A_1003 = arith.constant 80 : i32
      %dma_wait3A_1004 = arith.constant 0 : i32
      %dma_wait3A_1005 = tpu.memref_slice %arg9[%dma_wait3A_1003, %dma_wait3A_1004] : memref<160x128xf32, #tpu.memory_space<vmem>> -> memref<40x128xf32, #tpu.memory_space<vmem>>
      %dma_wait3A_1006 = arith.constant 0 : i32
      %dma_wait3A_1007 = tpu.memref_slice %arg6[%add3A_1002, %dma_wait3A_1006] : memref<160x40xi32, #tpu.memory_space<vmem>> -> memref<1x40xi32, #tpu.memory_space<vmem>>
      %dma_wait3A_1008 = tpu.memref_squeeze %dma_wait3A_1007 : memref<1x40xi32, #tpu.memory_space<vmem>> -> memref<40xi32, #tpu.memory_space<vmem>>
      %dma_wait3A_1009 = arith.constant 0 : i32
      %dma_wait3A_1010 = arith.constant 0 : i32
      %dma_wait3A_1011 = tpu.memref_slice %arg2[%dma_wait3A_1009, %dma_wait3A_1010] : memref<100000x128xf32, #tpu.memory_space<hbm>> -> memref<100000x128xf32, #tpu.memory_space<hbm>>
      tpu.wait_indirect_dma semaphore(%arg13 : memref<!tpu.dma_semaphore, #tpu.memory_space<semaphore_mem>>) src(%dma_wait3A_1011 : memref<100000x128xf32, #tpu.memory_space<hbm>>) dst(%dma_wait3A_1005 : memref<40x128xf32, #tpu.memory_space<vmem>>)
      %div3A_1012 = arith.constant 5 : i32
      %div3A_1013 = arith.divsi %add3A_951, %div3A_1012 : i32
      %rem3A_1014 = arith.constant 5 : i32
      %rem3A_1015 = arith.remsi %add3A_951, %rem3A_1014 : i32
      %mul3A_1016 = arith.constant 4 : i32
      %mul3A_1017 = arith.muli %mul3A_1016, %div3A_1013 : i32
      %add3A_1018 = arith.constant 3 : i32
      %add3A_1019 = arith.addi %mul3A_1017, %add3A_1018 : i32
      %mul3A_1020 = arith.constant 5 : i32
      %mul3A_1021 = arith.muli %add3A_1019, %mul3A_1020 : i32
      %add3A_1022 = arith.addi %mul3A_1021, %rem3A_1015 : i32
      %dma_wait3A_1023 = arith.constant 120 : i32
      %dma_wait3A_1024 = arith.constant 0 : i32
      %dma_wait3A_1025 = tpu.memref_slice %arg9[%dma_wait3A_1023, %dma_wait3A_1024] : memref<160x128xf32, #tpu.memory_space<vmem>> -> memref<40x128xf32, #tpu.memory_space<vmem>>
      %dma_wait3A_1026 = arith.constant 0 : i32
      %dma_wait3A_1027 = tpu.memref_slice %arg6[%add3A_1022, %dma_wait3A_1026] : memref<160x40xi32, #tpu.memory_space<vmem>> -> memref<1x40xi32, #tpu.memory_space<vmem>>
      %dma_wait3A_1028 = tpu.memref_squeeze %dma_wait3A_1027 : memref<1x40xi32, #tpu.memory_space<vmem>> -> memref<40xi32, #tpu.memory_space<vmem>>
      %dma_wait3A_1029 = arith.constant 0 : i32
      %dma_wait3A_1030 = arith.constant 0 : i32
      %dma_wait3A_1031 = tpu.memref_slice %arg2[%dma_wait3A_1029, %dma_wait3A_1030] : memref<100000x128xf32, #tpu.memory_space<hbm>> -> memref<100000x128xf32, #tpu.memory_space<hbm>>
      tpu.wait_indirect_dma semaphore(%arg13 : memref<!tpu.dma_semaphore, #tpu.memory_space<semaphore_mem>>) src(%dma_wait3A_1031 : memref<100000x128xf32, #tpu.memory_space<hbm>>) dst(%dma_wait3A_1025 : memref<40x128xf32, #tpu.memory_space<vmem>>)
      %rem3A_1032 = arith.constant 5 : i32
      %rem3A_1033 = arith.remsi %add3A_951, %rem3A_1032 : i32
      %mul3A_1034 = arith.constant 40 : i32
      %mul3A_1035 = arith.muli %rem3A_1033, %mul3A_1034 : i32
      %scan3A_1036 = arith.constant 0 : i32
      %scan3A_1037 = arith.constant 0 : i32
      %scan3A_1038 = arith.constant 40 : i32
      %scan3A_1039 = arith.addi %scan3A_1037, %scan3A_1038 : i32
      %scan3A_1040 = arith.constant 1 : i32
      %scan3A_1041 = scf.for %scan3A_1539 = %scan3A_1037 to %scan3A_1039 step %scan3A_1040 iter_args(%scan3A_1540 = %scan3A_1036) -> (i32)  : i32 {
        %add3A_1541 = arith.addi %mul3A_1035, %scan3A_1539 : i32
        %get3A = arith.index_cast %add3A_1541 : i32 to index
        %get3A_1542 = arith.constant 0 : index
        %get3A_1543 = tpu.vector_load %arg7[%get3A, %get3A_1542] {strides = array<i32>} : memref<200x128xf32, #tpu.memory_space<vmem>>, vector<1x16xf32>,
        %get3A_1544 = vector.shape_cast %get3A_1543 : vector<1x16xf32> to vector<16xf32>
        %add3A_1545 = arith.addi %mul3A_1035, %scan3A_1539 : i32
        %get3A_1546 = arith.index_cast %add3A_1545 : i32 to index
        %get3A_1547 = arith.constant 16 : index
        %get3A_1548 = tpu.vector_load %arg7[%get3A_1546, %get3A_1547] {strides = array<i32>} : memref<200x128xf32, #tpu.memory_space<vmem>>, vector<1x16xf32>,
        %get3A_1549 = vector.shape_cast %get3A_1548 : vector<1x16xf32> to vector<16xf32>
        %add3A_1550 = arith.addi %mul3A_1035, %scan3A_1539 : i32
        %get3A_1551 = arith.index_cast %add3A_1550 : i32 to index
        %get3A_1552 = arith.constant 32 : index
        %get3A_1553 = tpu.vector_load %arg7[%get3A_1551, %get3A_1552] {strides = array<i32>} : memref<200x128xf32, #tpu.memory_space<vmem>>, vector<1x16xf32>,
        %get3A_1554 = vector.shape_cast %get3A_1553 : vector<1x16xf32> to vector<16xf32>
        %add3A_1555 = arith.addi %mul3A_1035, %scan3A_1539 : i32
        %get3A_1556 = arith.index_cast %add3A_1555 : i32 to index
        %get3A_1557 = arith.constant 48 : index
        %get3A_1558 = tpu.vector_load %arg7[%get3A_1556, %get3A_1557] {strides = array<i32>} : memref<200x128xf32, #tpu.memory_space<vmem>>, vector<1x16xf32>,
        %get3A_1559 = vector.shape_cast %get3A_1558 : vector<1x16xf32> to vector<16xf32>
        %add3A_1560 = arith.addi %mul3A_1035, %scan3A_1539 : i32
        %get3A_1561 = arith.index_cast %add3A_1560 : i32 to index
        %get3A_1562 = arith.constant 64 : index
        %get3A_1563 = tpu.vector_load %arg7[%get3A_1561, %get3A_1562] {strides = array<i32>} : memref<200x128xf32, #tpu.memory_space<vmem>>, vector<1x16xf32>,
        %get3A_1564 = vector.shape_cast %get3A_1563 : vector<1x16xf32> to vector<16xf32>
        %add3A_1565 = arith.addi %mul3A_1035, %scan3A_1539 : i32
        %get3A_1566 = arith.index_cast %add3A_1565 : i32 to index
        %get3A_1567 = arith.constant 80 : index
        %get3A_1568 = tpu.vector_load %arg7[%get3A_1566, %get3A_1567] {strides = array<i32>} : memref<200x128xf32, #tpu.memory_space<vmem>>, vector<1x16xf32>,
        %get3A_1569 = vector.shape_cast %get3A_1568 : vector<1x16xf32> to vector<16xf32>
        %add3A_1570 = arith.addi %mul3A_1035, %scan3A_1539 : i32
        %get3A_1571 = arith.index_cast %add3A_1570 : i32 to index
        %get3A_1572 = arith.constant 96 : index
        %get3A_1573 = tpu.vector_load %arg7[%get3A_1571, %get3A_1572] {strides = array<i32>} : memref<200x128xf32, #tpu.memory_space<vmem>>, vector<1x16xf32>,
        %get3A_1574 = vector.shape_cast %get3A_1573 : vector<1x16xf32> to vector<16xf32>
        %add3A_1575 = arith.addi %mul3A_1035, %scan3A_1539 : i32
        %get3A_1576 = arith.index_cast %add3A_1575 : i32 to index
        %get3A_1577 = arith.constant 112 : index
        %get3A_1578 = tpu.vector_load %arg7[%get3A_1576, %get3A_1577] {strides = array<i32>} : memref<200x128xf32, #tpu.memory_space<vmem>>, vector<1x16xf32>,
        %get3A_1579 = vector.shape_cast %get3A_1578 : vector<1x16xf32> to vector<16xf32>
        %add3A_1580 = arith.constant 0 : i32
        %add3A_1581 = arith.addi %add3A_1580, %scan3A_1539 : i32
        %get3A_1582 = arith.index_cast %add3A_1581 : i32 to index
        %get3A_1583 = arith.constant 0 : index
        %get3A_1584 = tpu.vector_load %arg9[%get3A_1582, %get3A_1583] {strides = array<i32>} : memref<160x128xf32, #tpu.memory_space<vmem>>, vector<1x16xf32>,
        %get3A_1585 = vector.shape_cast %get3A_1584 : vector<1x16xf32> to vector<16xf32>
        %get3A_1586 = arith.index_cast %add3A_1581 : i32 to index
        %get3A_1587 = arith.constant 16 : index
        %get3A_1588 = tpu.vector_load %arg9[%get3A_1586, %get3A_1587] {strides = array<i32>} : memref<160x128xf32, #tpu.memory_space<vmem>>, vector<1x16xf32>,
        %get3A_1589 = vector.shape_cast %get3A_1588 : vector<1x16xf32> to vector<16xf32>
        %get3A_1590 = arith.index_cast %add3A_1581 : i32 to index
        %get3A_1591 = arith.constant 32 : index
        %get3A_1592 = tpu.vector_load %arg9[%get3A_1590, %get3A_1591] {strides = array<i32>} : memref<160x128xf32, #tpu.memory_space<vmem>>, vector<1x16xf32>,
        %get3A_1593 = vector.shape_cast %get3A_1592 : vector<1x16xf32> to vector<16xf32>
        %get3A_1594 = arith.index_cast %add3A_1581 : i32 to index
        %get3A_1595 = arith.constant 48 : index
        %get3A_1596 = tpu.vector_load %arg9[%get3A_1594, %get3A_1595] {strides = array<i32>} : memref<160x128xf32, #tpu.memory_space<vmem>>, vector<1x16xf32>,
        %get3A_1597 = vector.shape_cast %get3A_1596 : vector<1x16xf32> to vector<16xf32>
        %get3A_1598 = arith.index_cast %add3A_1581 : i32 to index
        %get3A_1599 = arith.constant 64 : index
        %get3A_1600 = tpu.vector_load %arg9[%get3A_1598, %get3A_1599] {strides = array<i32>} : memref<160x128xf32, #tpu.memory_space<vmem>>, vector<1x16xf32>,
        %get3A_1601 = vector.shape_cast %get3A_1600 : vector<1x16xf32> to vector<16xf32>
        %get3A_1602 = arith.index_cast %add3A_1581 : i32 to index
        %get3A_1603 = arith.constant 80 : index
        %get3A_1604 = tpu.vector_load %arg9[%get3A_1602, %get3A_1603] {strides = array<i32>} : memref<160x128xf32, #tpu.memory_space<vmem>>, vector<1x16xf32>,
        %get3A_1605 = vector.shape_cast %get3A_1604 : vector<1x16xf32> to vector<16xf32>
        %get3A_1606 = arith.index_cast %add3A_1581 : i32 to index
        %get3A_1607 = arith.constant 96 : index
        %get3A_1608 = tpu.vector_load %arg9[%get3A_1606, %get3A_1607] {strides = array<i32>} : memref<160x128xf32, #tpu.memory_space<vmem>>, vector<1x16xf32>,
        %get3A_1609 = vector.shape_cast %get3A_1608 : vector<1x16xf32> to vector<16xf32>
        %get3A_1610 = arith.index_cast %add3A_1581 : i32 to index
        %get3A_1611 = arith.constant 112 : index
        %get3A_1612 = tpu.vector_load %arg9[%get3A_1610, %get3A_1611] {strides = array<i32>} : memref<160x128xf32, #tpu.memory_space<vmem>>, vector<1x16xf32>,
        %get3A_1613 = vector.shape_cast %get3A_1612 : vector<1x16xf32> to vector<16xf32>
        %add3A_1614 = arith.addf %get3A_1585, %get3A_1544 : vector<16xf32>
        %swap3A = arith.index_cast %add3A_1581 : i32 to index
        %swap3A_1615 = arith.constant 0 : index
        %swap3A_1616 = tpu.vector_load %arg9[%swap3A, %swap3A_1615] {strides = array<i32>} : memref<160x128xf32, #tpu.memory_space<vmem>>, vector<1x16xf32>,
        %swap3A_1617 = vector.shape_cast %swap3A_1616 : vector<1x16xf32> to vector<16xf32>
        %swap3A_1618 = vector.shape_cast %add3A_1614 : vector<16xf32> to vector<1x16xf32>
        tpu.vector_store %arg9[%swap3A, %swap3A_1615], %swap3A_1618 {strides = array<i32>} : memref<160x128xf32, #tpu.memory_space<vmem>>, vector<1x16xf32>,
        %add3A_1619 = arith.addf %get3A_1589, %get3A_1549 : vector<16xf32>
        %swap3A_1620 = arith.index_cast %add3A_1581 : i32 to index
        %swap3A_1621 = arith.constant 16 : index
        %swap3A_1622 = tpu.vector_load %arg9[%swap3A_1620, %swap3A_1621] {strides = array<i32>} : memref<160x128xf32, #tpu.memory_space<vmem>>, vector<1x16xf32>,
        %swap3A_1623 = vector.shape_cast %swap3A_1622 : vector<1x16xf32> to vector<16xf32>
        %swap3A_1624 = vector.shape_cast %add3A_1619 : vector<16xf32> to vector<1x16xf32>
        tpu.vector_store %arg9[%swap3A_1620, %swap3A_1621], %swap3A_1624 {strides = array<i32>} : memref<160x128xf32, #tpu.memory_space<vmem>>, vector<1x16xf32>,
        %add3A_1625 = arith.addf %get3A_1593, %get3A_1554 : vector<16xf32>
        %swap3A_1626 = arith.index_cast %add3A_1581 : i32 to index
        %swap3A_1627 = arith.constant 32 : index
        %swap3A_1628 = tpu.vector_load %arg9[%swap3A_1626, %swap3A_1627] {strides = array<i32>} : memref<160x128xf32, #tpu.memory_space<vmem>>, vector<1x16xf32>,
        %swap3A_1629 = vector.shape_cast %swap3A_1628 : vector<1x16xf32> to vector<16xf32>
        %swap3A_1630 = vector.shape_cast %add3A_1625 : vector<16xf32> to vector<1x16xf32>
        tpu.vector_store %arg9[%swap3A_1626, %swap3A_1627], %swap3A_1630 {strides = array<i32>} : memref<160x128xf32, #tpu.memory_space<vmem>>, vector<1x16xf32>,
        %add3A_1631 = arith.addf %get3A_1597, %get3A_1559 : vector<16xf32>
        %swap3A_1632 = arith.index_cast %add3A_1581 : i32 to index
        %swap3A_1633 = arith.constant 48 : index
        %swap3A_1634 = tpu.vector_load %arg9[%swap3A_1632, %swap3A_1633] {strides = array<i32>} : memref<160x128xf32, #tpu.memory_space<vmem>>, vector<1x16xf32>,
        %swap3A_1635 = vector.shape_cast %swap3A_1634 : vector<1x16xf32> to vector<16xf32>
        %swap3A_1636 = vector.shape_cast %add3A_1631 : vector<16xf32> to vector<1x16xf32>
        tpu.vector_store %arg9[%swap3A_1632, %swap3A_1633], %swap3A_1636 {strides = array<i32>} : memref<160x128xf32, #tpu.memory_space<vmem>>, vector<1x16xf32>,
        %add3A_1637 = arith.addf %get3A_1601, %get3A_1564 : vector<16xf32>
        %swap3A_1638 = arith.index_cast %add3A_1581 : i32 to index
        %swap3A_1639 = arith.constant 64 : index
        %swap3A_1640 = tpu.vector_load %arg9[%swap3A_1638, %swap3A_1639] {strides = array<i32>} : memref<160x128xf32, #tpu.memory_space<vmem>>, vector<1x16xf32>,
        %swap3A_1641 = vector.shape_cast %swap3A_1640 : vector<1x16xf32> to vector<16xf32>
        %swap3A_1642 = vector.shape_cast %add3A_1637 : vector<16xf32> to vector<1x16xf32>
        tpu.vector_store %arg9[%swap3A_1638, %swap3A_1639], %swap3A_1642 {strides = array<i32>} : memref<160x128xf32, #tpu.memory_space<vmem>>, vector<1x16xf32>,
        %add3A_1643 = arith.addf %get3A_1605, %get3A_1569 : vector<16xf32>
        %swap3A_1644 = arith.index_cast %add3A_1581 : i32 to index
        %swap3A_1645 = arith.constant 80 : index
        %swap3A_1646 = tpu.vector_load %arg9[%swap3A_1644, %swap3A_1645] {strides = array<i32>} : memref<160x128xf32, #tpu.memory_space<vmem>>, vector<1x16xf32>,
        %swap3A_1647 = vector.shape_cast %swap3A_1646 : vector<1x16xf32> to vector<16xf32>
        %swap3A_1648 = vector.shape_cast %add3A_1643 : vector<16xf32> to vector<1x16xf32>
        tpu.vector_store %arg9[%swap3A_1644, %swap3A_1645], %swap3A_1648 {strides = array<i32>} : memref<160x128xf32, #tpu.memory_space<vmem>>, vector<1x16xf32>,
        %add3A_1649 = arith.addf %get3A_1609, %get3A_1574 : vector<16xf32>
        %swap3A_1650 = arith.index_cast %add3A_1581 : i32 to index
        %swap3A_1651 = arith.constant 96 : index
        %swap3A_1652 = tpu.vector_load %arg9[%swap3A_1650, %swap3A_1651] {strides = array<i32>} : memref<160x128xf32, #tpu.memory_space<vmem>>, vector<1x16xf32>,
        %swap3A_1653 = vector.shape_cast %swap3A_1652 : vector<1x16xf32> to vector<16xf32>
        %swap3A_1654 = vector.shape_cast %add3A_1649 : vector<16xf32> to vector<1x16xf32>
        tpu.vector_store %arg9[%swap3A_1650, %swap3A_1651], %swap3A_1654 {strides = array<i32>} : memref<160x128xf32, #tpu.memory_space<vmem>>, vector<1x16xf32>,
        %add3A_1655 = arith.addf %get3A_1613, %get3A_1579 : vector<16xf32>
        %swap3A_1656 = arith.index_cast %add3A_1581 : i32 to index
        %swap3A_1657 = arith.constant 112 : index
        %swap3A_1658 = tpu.vector_load %arg9[%swap3A_1656, %swap3A_1657] {strides = array<i32>} : memref<160x128xf32, #tpu.memory_space<vmem>>, vector<1x16xf32>,
        %swap3A_1659 = vector.shape_cast %swap3A_1658 : vector<1x16xf32> to vector<16xf32>
        %swap3A_1660 = vector.shape_cast %add3A_1655 : vector<16xf32> to vector<1x16xf32>
        tpu.vector_store %arg9[%swap3A_1656, %swap3A_1657], %swap3A_1660 {strides = array<i32>} : memref<160x128xf32, #tpu.memory_space<vmem>>, vector<1x16xf32>,
        %add3A_1661 = arith.constant 40 : i32
        %add3A_1662 = arith.addi %add3A_1661, %scan3A_1539 : i32
        %get3A_1663 = arith.index_cast %add3A_1662 : i32 to index
        %get3A_1664 = arith.constant 0 : index
        %get3A_1665 = tpu.vector_load %arg9[%get3A_1663, %get3A_1664] {strides = array<i32>} : memref<160x128xf32, #tpu.memory_space<vmem>>, vector<1x16xf32>,
        %get3A_1666 = vector.shape_cast %get3A_1665 : vector<1x16xf32> to vector<16xf32>
        %get3A_1667 = arith.index_cast %add3A_1662 : i32 to index
        %get3A_1668 = arith.constant 16 : index
        %get3A_1669 = tpu.vector_load %arg9[%get3A_1667, %get3A_1668] {strides = array<i32>} : memref<160x128xf32, #tpu.memory_space<vmem>>, vector<1x16xf32>,
        %get3A_1670 = vector.shape_cast %get3A_1669 : vector<1x16xf32> to vector<16xf32>
        %get3A_1671 = arith.index_cast %add3A_1662 : i32 to index
        %get3A_1672 = arith.constant 32 : index
        %get3A_1673 = tpu.vector_load %arg9[%get3A_1671, %get3A_1672] {strides = array<i32>} : memref<160x128xf32, #tpu.memory_space<vmem>>, vector<1x16xf32>,
        %get3A_1674 = vector.shape_cast %get3A_1673 : vector<1x16xf32> to vector<16xf32>
        %get3A_1675 = arith.index_cast %add3A_1662 : i32 to index
        %get3A_1676 = arith.constant 48 : index
        %get3A_1677 = tpu.vector_load %arg9[%get3A_1675, %get3A_1676] {strides = array<i32>} : memref<160x128xf32, #tpu.memory_space<vmem>>, vector<1x16xf32>,
        %get3A_1678 = vector.shape_cast %get3A_1677 : vector<1x16xf32> to vector<16xf32>
        %get3A_1679 = arith.index_cast %add3A_1662 : i32 to index
        %get3A_1680 = arith.constant 64 : index
        %get3A_1681 = tpu.vector_load %arg9[%get3A_1679, %get3A_1680] {strides = array<i32>} : memref<160x128xf32, #tpu.memory_space<vmem>>, vector<1x16xf32>,
        %get3A_1682 = vector.shape_cast %get3A_1681 : vector<1x16xf32> to vector<16xf32>
        %get3A_1683 = arith.index_cast %add3A_1662 : i32 to index
        %get3A_1684 = arith.constant 80 : index
        %get3A_1685 = tpu.vector_load %arg9[%get3A_1683, %get3A_1684] {strides = array<i32>} : memref<160x128xf32, #tpu.memory_space<vmem>>, vector<1x16xf32>,
        %get3A_1686 = vector.shape_cast %get3A_1685 : vector<1x16xf32> to vector<16xf32>
        %get3A_1687 = arith.index_cast %add3A_1662 : i32 to index
        %get3A_1688 = arith.constant 96 : index
        %get3A_1689 = tpu.vector_load %arg9[%get3A_1687, %get3A_1688] {strides = array<i32>} : memref<160x128xf32, #tpu.memory_space<vmem>>, vector<1x16xf32>,
        %get3A_1690 = vector.shape_cast %get3A_1689 : vector<1x16xf32> to vector<16xf32>
        %get3A_1691 = arith.index_cast %add3A_1662 : i32 to index
        %get3A_1692 = arith.constant 112 : index
        %get3A_1693 = tpu.vector_load %arg9[%get3A_1691, %get3A_1692] {strides = array<i32>} : memref<160x128xf32, #tpu.memory_space<vmem>>, vector<1x16xf32>,
        %get3A_1694 = vector.shape_cast %get3A_1693 : vector<1x16xf32> to vector<16xf32>
        %add3A_1695 = arith.addf %get3A_1666, %get3A_1544 : vector<16xf32>
        %swap3A_1696 = arith.index_cast %add3A_1662 : i32 to index
        %swap3A_1697 = arith.constant 0 : index
        %swap3A_1698 = tpu.vector_load %arg9[%swap3A_1696, %swap3A_1697] {strides = array<i32>} : memref<160x128xf32, #tpu.memory_space<vmem>>, vector<1x16xf32>,
        %swap3A_1699 = vector.shape_cast %swap3A_1698 : vector<1x16xf32> to vector<16xf32>
        %swap3A_1700 = vector.shape_cast %add3A_1695 : vector<16xf32> to vector<1x16xf32>
        tpu.vector_store %arg9[%swap3A_1696, %swap3A_1697], %swap3A_1700 {strides = array<i32>} : memref<160x128xf32, #tpu.memory_space<vmem>>, vector<1x16xf32>,
        %add3A_1701 = arith.addf %get3A_1670, %get3A_1549 : vector<16xf32>
        %swap3A_1702 = arith.index_cast %add3A_1662 : i32 to index
        %swap3A_1703 = arith.constant 16 : index
        %swap3A_1704 = tpu.vector_load %arg9[%swap3A_1702, %swap3A_1703] {strides = array<i32>} : memref<160x128xf32, #tpu.memory_space<vmem>>, vector<1x16xf32>,
        %swap3A_1705 = vector.shape_cast %swap3A_1704 : vector<1x16xf32> to vector<16xf32>
        %swap3A_1706 = vector.shape_cast %add3A_1701 : vector<16xf32> to vector<1x16xf32>
        tpu.vector_store %arg9[%swap3A_1702, %swap3A_1703], %swap3A_1706 {strides = array<i32>} : memref<160x128xf32, #tpu.memory_space<vmem>>, vector<1x16xf32>,
        %add3A_1707 = arith.addf %get3A_1674, %get3A_1554 : vector<16xf32>
        %swap3A_1708 = arith.index_cast %add3A_1662 : i32 to index
        %swap3A_1709 = arith.constant 32 : index
        %swap3A_1710 = tpu.vector_load %arg9[%swap3A_1708, %swap3A_1709] {strides = array<i32>} : memref<160x128xf32, #tpu.memory_space<vmem>>, vector<1x16xf32>,
        %swap3A_1711 = vector.shape_cast %swap3A_1710 : vector<1x16xf32> to vector<16xf32>
        %swap3A_1712 = vector.shape_cast %add3A_1707 : vector<16xf32> to vector<1x16xf32>
        tpu.vector_store %arg9[%swap3A_1708, %swap3A_1709], %swap3A_1712 {strides = array<i32>} : memref<160x128xf32, #tpu.memory_space<vmem>>, vector<1x16xf32>,
        %add3A_1713 = arith.addf %get3A_1678, %get3A_1559 : vector<16xf32>
        %swap3A_1714 = arith.index_cast %add3A_1662 : i32 to index
        %swap3A_1715 = arith.constant 48 : index
        %swap3A_1716 = tpu.vector_load %arg9[%swap3A_1714, %swap3A_1715] {strides = array<i32>} : memref<160x128xf32, #tpu.memory_space<vmem>>, vector<1x16xf32>,
        %swap3A_1717 = vector.shape_cast %swap3A_1716 : vector<1x16xf32> to vector<16xf32>
        %swap3A_1718 = vector.shape_cast %add3A_1713 : vector<16xf32> to vector<1x16xf32>
        tpu.vector_store %arg9[%swap3A_1714, %swap3A_1715], %swap3A_1718 {strides = array<i32>} : memref<160x128xf32, #tpu.memory_space<vmem>>, vector<1x16xf32>,
        %add3A_1719 = arith.addf %get3A_1682, %get3A_1564 : vector<16xf32>
        %swap3A_1720 = arith.index_cast %add3A_1662 : i32 to index
        %swap3A_1721 = arith.constant 64 : index
        %swap3A_1722 = tpu.vector_load %arg9[%swap3A_1720, %swap3A_1721] {strides = array<i32>} : memref<160x128xf32, #tpu.memory_space<vmem>>, vector<1x16xf32>,
        %swap3A_1723 = vector.shape_cast %swap3A_1722 : vector<1x16xf32> to vector<16xf32>
        %swap3A_1724 = vector.shape_cast %add3A_1719 : vector<16xf32> to vector<1x16xf32>
        tpu.vector_store %arg9[%swap3A_1720, %swap3A_1721], %swap3A_1724 {strides = array<i32>} : memref<160x128xf32, #tpu.memory_space<vmem>>, vector<1x16xf32>,
        %add3A_1725 = arith.addf %get3A_1686, %get3A_1569 : vector<16xf32>
        %swap3A_1726 = arith.index_cast %add3A_1662 : i32 to index
        %swap3A_1727 = arith.constant 80 : index
        %swap3A_1728 = tpu.vector_load %arg9[%swap3A_1726, %swap3A_1727] {strides = array<i32>} : memref<160x128xf32, #tpu.memory_space<vmem>>, vector<1x16xf32>,
        %swap3A_1729 = vector.shape_cast %swap3A_1728 : vector<1x16xf32> to vector<16xf32>
        %swap3A_1730 = vector.shape_cast %add3A_1725 : vector<16xf32> to vector<1x16xf32>
        tpu.vector_store %arg9[%swap3A_1726, %swap3A_1727], %swap3A_1730 {strides = array<i32>} : memref<160x128xf32, #tpu.memory_space<vmem>>, vector<1x16xf32>,
        %add3A_1731 = arith.addf %get3A_1690, %get3A_1574 : vector<16xf32>
        %swap3A_1732 = arith.index_cast %add3A_1662 : i32 to index
        %swap3A_1733 = arith.constant 96 : index
        %swap3A_1734 = tpu.vector_load %arg9[%swap3A_1732, %swap3A_1733] {strides = array<i32>} : memref<160x128xf32, #tpu.memory_space<vmem>>, vector<1x16xf32>,
        %swap3A_1735 = vector.shape_cast %swap3A_1734 : vector<1x16xf32> to vector<16xf32>
        %swap3A_1736 = vector.shape_cast %add3A_1731 : vector<16xf32> to vector<1x16xf32>
        tpu.vector_store %arg9[%swap3A_1732, %swap3A_1733], %swap3A_1736 {strides = array<i32>} : memref<160x128xf32, #tpu.memory_space<vmem>>, vector<1x16xf32>,
        %add3A_1737 = arith.addf %get3A_1694, %get3A_1579 : vector<16xf32>
        %swap3A_1738 = arith.index_cast %add3A_1662 : i32 to index
        %swap3A_1739 = arith.constant 112 : index
        %swap3A_1740 = tpu.vector_load %arg9[%swap3A_1738, %swap3A_1739] {strides = array<i32>} : memref<160x128xf32, #tpu.memory_space<vmem>>, vector<1x16xf32>,
        %swap3A_1741 = vector.shape_cast %swap3A_1740 : vector<1x16xf32> to vector<16xf32>
        %swap3A_1742 = vector.shape_cast %add3A_1737 : vector<16xf32> to vector<1x16xf32>
        tpu.vector_store %arg9[%swap3A_1738, %swap3A_1739], %swap3A_1742 {strides = array<i32>} : memref<160x128xf32, #tpu.memory_space<vmem>>, vector<1x16xf32>,
        %add3A_1743 = arith.constant 80 : i32
        %add3A_1744 = arith.addi %add3A_1743, %scan3A_1539 : i32
        %get3A_1745 = arith.index_cast %add3A_1744 : i32 to index
        %get3A_1746 = arith.constant 0 : index
        %get3A_1747 = tpu.vector_load %arg9[%get3A_1745, %get3A_1746] {strides = array<i32>} : memref<160x128xf32, #tpu.memory_space<vmem>>, vector<1x16xf32>,
        %get3A_1748 = vector.shape_cast %get3A_1747 : vector<1x16xf32> to vector<16xf32>
        %get3A_1749 = arith.index_cast %add3A_1744 : i32 to index
        %get3A_1750 = arith.constant 16 : index
        %get3A_1751 = tpu.vector_load %arg9[%get3A_1749, %get3A_1750] {strides = array<i32>} : memref<160x128xf32, #tpu.memory_space<vmem>>, vector<1x16xf32>,
        %get3A_1752 = vector.shape_cast %get3A_1751 : vector<1x16xf32> to vector<16xf32>
        %get3A_1753 = arith.index_cast %add3A_1744 : i32 to index
        %get3A_1754 = arith.constant 32 : index
        %get3A_1755 = tpu.vector_load %arg9[%get3A_1753, %get3A_1754] {strides = array<i32>} : memref<160x128xf32, #tpu.memory_space<vmem>>, vector<1x16xf32>,
        %get3A_1756 = vector.shape_cast %get3A_1755 : vector<1x16xf32> to vector<16xf32>
        %get3A_1757 = arith.index_cast %add3A_1744 : i32 to index
        %get3A_1758 = arith.constant 48 : index
        %get3A_1759 = tpu.vector_load %arg9[%get3A_1757, %get3A_1758] {strides = array<i32>} : memref<160x128xf32, #tpu.memory_space<vmem>>, vector<1x16xf32>,
        %get3A_1760 = vector.shape_cast %get3A_1759 : vector<1x16xf32> to vector<16xf32>
        %get3A_1761 = arith.index_cast %add3A_1744 : i32 to index
        %get3A_1762 = arith.constant 64 : index
        %get3A_1763 = tpu.vector_load %arg9[%get3A_1761, %get3A_1762] {strides = array<i32>} : memref<160x128xf32, #tpu.memory_space<vmem>>, vector<1x16xf32>,
        %get3A_1764 = vector.shape_cast %get3A_1763 : vector<1x16xf32> to vector<16xf32>
        %get3A_1765 = arith.index_cast %add3A_1744 : i32 to index
        %get3A_1766 = arith.constant 80 : index
        %get3A_1767 = tpu.vector_load %arg9[%get3A_1765, %get3A_1766] {strides = array<i32>} : memref<160x128xf32, #tpu.memory_space<vmem>>, vector<1x16xf32>,
        %get3A_1768 = vector.shape_cast %get3A_1767 : vector<1x16xf32> to vector<16xf32>
        %get3A_1769 = arith.index_cast %add3A_1744 : i32 to index
        %get3A_1770 = arith.constant 96 : index
        %get3A_1771 = tpu.vector_load %arg9[%get3A_1769, %get3A_1770] {strides = array<i32>} : memref<160x128xf32, #tpu.memory_space<vmem>>, vector<1x16xf32>,
        %get3A_1772 = vector.shape_cast %get3A_1771 : vector<1x16xf32> to vector<16xf32>
        %get3A_1773 = arith.index_cast %add3A_1744 : i32 to index
        %get3A_1774 = arith.constant 112 : index
        %get3A_1775 = tpu.vector_load %arg9[%get3A_1773, %get3A_1774] {strides = array<i32>} : memref<160x128xf32, #tpu.memory_space<vmem>>, vector<1x16xf32>,
        %get3A_1776 = vector.shape_cast %get3A_1775 : vector<1x16xf32> to vector<16xf32>
        %add3A_1777 = arith.addf %get3A_1748, %get3A_1544 : vector<16xf32>
        %swap3A_1778 = arith.index_cast %add3A_1744 : i32 to index
        %swap3A_1779 = arith.constant 0 : index
        %swap3A_1780 = tpu.vector_load %arg9[%swap3A_1778, %swap3A_1779] {strides = array<i32>} : memref<160x128xf32, #tpu.memory_space<vmem>>, vector<1x16xf32>,
        %swap3A_1781 = vector.shape_cast %swap3A_1780 : vector<1x16xf32> to vector<16xf32>
        %swap3A_1782 = vector.shape_cast %add3A_1777 : vector<16xf32> to vector<1x16xf32>
        tpu.vector_store %arg9[%swap3A_1778, %swap3A_1779], %swap3A_1782 {strides = array<i32>} : memref<160x128xf32, #tpu.memory_space<vmem>>, vector<1x16xf32>,
        %add3A_1783 = arith.addf %get3A_1752, %get3A_1549 : vector<16xf32>
        %swap3A_1784 = arith.index_cast %add3A_1744 : i32 to index
        %swap3A_1785 = arith.constant 16 : index
        %swap3A_1786 = tpu.vector_load %arg9[%swap3A_1784, %swap3A_1785] {strides = array<i32>} : memref<160x128xf32, #tpu.memory_space<vmem>>, vector<1x16xf32>,
        %swap3A_1787 = vector.shape_cast %swap3A_1786 : vector<1x16xf32> to vector<16xf32>
        %swap3A_1788 = vector.shape_cast %add3A_1783 : vector<16xf32> to vector<1x16xf32>
        tpu.vector_store %arg9[%swap3A_1784, %swap3A_1785], %swap3A_1788 {strides = array<i32>} : memref<160x128xf32, #tpu.memory_space<vmem>>, vector<1x16xf32>,
        %add3A_1789 = arith.addf %get3A_1756, %get3A_1554 : vector<16xf32>
        %swap3A_1790 = arith.index_cast %add3A_1744 : i32 to index
        %swap3A_1791 = arith.constant 32 : index
        %swap3A_1792 = tpu.vector_load %arg9[%swap3A_1790, %swap3A_1791] {strides = array<i32>} : memref<160x128xf32, #tpu.memory_space<vmem>>, vector<1x16xf32>,
        %swap3A_1793 = vector.shape_cast %swap3A_1792 : vector<1x16xf32> to vector<16xf32>
        %swap3A_1794 = vector.shape_cast %add3A_1789 : vector<16xf32> to vector<1x16xf32>
        tpu.vector_store %arg9[%swap3A_1790, %swap3A_1791], %swap3A_1794 {strides = array<i32>} : memref<160x128xf32, #tpu.memory_space<vmem>>, vector<1x16xf32>,
        %add3A_1795 = arith.addf %get3A_1760, %get3A_1559 : vector<16xf32>
        %swap3A_1796 = arith.index_cast %add3A_1744 : i32 to index
        %swap3A_1797 = arith.constant 48 : index
        %swap3A_1798 = tpu.vector_load %arg9[%swap3A_1796, %swap3A_1797] {strides = array<i32>} : memref<160x128xf32, #tpu.memory_space<vmem>>, vector<1x16xf32>,
        %swap3A_1799 = vector.shape_cast %swap3A_1798 : vector<1x16xf32> to vector<16xf32>
        %swap3A_1800 = vector.shape_cast %add3A_1795 : vector<16xf32> to vector<1x16xf32>
        tpu.vector_store %arg9[%swap3A_1796, %swap3A_1797], %swap3A_1800 {strides = array<i32>} : memref<160x128xf32, #tpu.memory_space<vmem>>, vector<1x16xf32>,
        %add3A_1801 = arith.addf %get3A_1764, %get3A_1564 : vector<16xf32>
        %swap3A_1802 = arith.index_cast %add3A_1744 : i32 to index
        %swap3A_1803 = arith.constant 64 : index
        %swap3A_1804 = tpu.vector_load %arg9[%swap3A_1802, %swap3A_1803] {strides = array<i32>} : memref<160x128xf32, #tpu.memory_space<vmem>>, vector<1x16xf32>,
        %swap3A_1805 = vector.shape_cast %swap3A_1804 : vector<1x16xf32> to vector<16xf32>
        %swap3A_1806 = vector.shape_cast %add3A_1801 : vector<16xf32> to vector<1x16xf32>
        tpu.vector_store %arg9[%swap3A_1802, %swap3A_1803], %swap3A_1806 {strides = array<i32>} : memref<160x128xf32, #tpu.memory_space<vmem>>, vector<1x16xf32>,
        %add3A_1807 = arith.addf %get3A_1768, %get3A_1569 : vector<16xf32>
        %swap3A_1808 = arith.index_cast %add3A_1744 : i32 to index
        %swap3A_1809 = arith.constant 80 : index
        %swap3A_1810 = tpu.vector_load %arg9[%swap3A_1808, %swap3A_1809] {strides = array<i32>} : memref<160x128xf32, #tpu.memory_space<vmem>>, vector<1x16xf32>,
        %swap3A_1811 = vector.shape_cast %swap3A_1810 : vector<1x16xf32> to vector<16xf32>
        %swap3A_1812 = vector.shape_cast %add3A_1807 : vector<16xf32> to vector<1x16xf32>
        tpu.vector_store %arg9[%swap3A_1808, %swap3A_1809], %swap3A_1812 {strides = array<i32>} : memref<160x128xf32, #tpu.memory_space<vmem>>, vector<1x16xf32>,
        %add3A_1813 = arith.addf %get3A_1772, %get3A_1574 : vector<16xf32>
        %swap3A_1814 = arith.index_cast %add3A_1744 : i32 to index
        %swap3A_1815 = arith.constant 96 : index
        %swap3A_1816 = tpu.vector_load %arg9[%swap3A_1814, %swap3A_1815] {strides = array<i32>} : memref<160x128xf32, #tpu.memory_space<vmem>>, vector<1x16xf32>,
        %swap3A_1817 = vector.shape_cast %swap3A_1816 : vector<1x16xf32> to vector<16xf32>
        %swap3A_1818 = vector.shape_cast %add3A_1813 : vector<16xf32> to vector<1x16xf32>
        tpu.vector_store %arg9[%swap3A_1814, %swap3A_1815], %swap3A_1818 {strides = array<i32>} : memref<160x128xf32, #tpu.memory_space<vmem>>, vector<1x16xf32>,
        %add3A_1819 = arith.addf %get3A_1776, %get3A_1579 : vector<16xf32>
        %swap3A_1820 = arith.index_cast %add3A_1744 : i32 to index
        %swap3A_1821 = arith.constant 112 : index
        %swap3A_1822 = tpu.vector_load %arg9[%swap3A_1820, %swap3A_1821] {strides = array<i32>} : memref<160x128xf32, #tpu.memory_space<vmem>>, vector<1x16xf32>,
        %swap3A_1823 = vector.shape_cast %swap3A_1822 : vector<1x16xf32> to vector<16xf32>
        %swap3A_1824 = vector.shape_cast %add3A_1819 : vector<16xf32> to vector<1x16xf32>
        tpu.vector_store %arg9[%swap3A_1820, %swap3A_1821], %swap3A_1824 {strides = array<i32>} : memref<160x128xf32, #tpu.memory_space<vmem>>, vector<1x16xf32>,
        %add3A_1825 = arith.constant 120 : i32
        %add3A_1826 = arith.addi %add3A_1825, %scan3A_1539 : i32
        %get3A_1827 = arith.index_cast %add3A_1826 : i32 to index
        %get3A_1828 = arith.constant 0 : index
        %get3A_1829 = tpu.vector_load %arg9[%get3A_1827, %get3A_1828] {strides = array<i32>} : memref<160x128xf32, #tpu.memory_space<vmem>>, vector<1x16xf32>,
        %get3A_1830 = vector.shape_cast %get3A_1829 : vector<1x16xf32> to vector<16xf32>
        %get3A_1831 = arith.index_cast %add3A_1826 : i32 to index
        %get3A_1832 = arith.constant 16 : index
        %get3A_1833 = tpu.vector_load %arg9[%get3A_1831, %get3A_1832] {strides = array<i32>} : memref<160x128xf32, #tpu.memory_space<vmem>>, vector<1x16xf32>,
        %get3A_1834 = vector.shape_cast %get3A_1833 : vector<1x16xf32> to vector<16xf32>
        %get3A_1835 = arith.index_cast %add3A_1826 : i32 to index
        %get3A_1836 = arith.constant 32 : index
        %get3A_1837 = tpu.vector_load %arg9[%get3A_1835, %get3A_1836] {strides = array<i32>} : memref<160x128xf32, #tpu.memory_space<vmem>>, vector<1x16xf32>,
        %get3A_1838 = vector.shape_cast %get3A_1837 : vector<1x16xf32> to vector<16xf32>
        %get3A_1839 = arith.index_cast %add3A_1826 : i32 to index
        %get3A_1840 = arith.constant 48 : index
        %get3A_1841 = tpu.vector_load %arg9[%get3A_1839, %get3A_1840] {strides = array<i32>} : memref<160x128xf32, #tpu.memory_space<vmem>>, vector<1x16xf32>,
        %get3A_1842 = vector.shape_cast %get3A_1841 : vector<1x16xf32> to vector<16xf32>
        %get3A_1843 = arith.index_cast %add3A_1826 : i32 to index
        %get3A_1844 = arith.constant 64 : index
        %get3A_1845 = tpu.vector_load %arg9[%get3A_1843, %get3A_1844] {strides = array<i32>} : memref<160x128xf32, #tpu.memory_space<vmem>>, vector<1x16xf32>,
        %get3A_1846 = vector.shape_cast %get3A_1845 : vector<1x16xf32> to vector<16xf32>
        %get3A_1847 = arith.index_cast %add3A_1826 : i32 to index
        %get3A_1848 = arith.constant 80 : index
        %get3A_1849 = tpu.vector_load %arg9[%get3A_1847, %get3A_1848] {strides = array<i32>} : memref<160x128xf32, #tpu.memory_space<vmem>>, vector<1x16xf32>,
        %get3A_1850 = vector.shape_cast %get3A_1849 : vector<1x16xf32> to vector<16xf32>
        %get3A_1851 = arith.index_cast %add3A_1826 : i32 to index
        %get3A_1852 = arith.constant 96 : index
        %get3A_1853 = tpu.vector_load %arg9[%get3A_1851, %get3A_1852] {strides = array<i32>} : memref<160x128xf32, #tpu.memory_space<vmem>>, vector<1x16xf32>,
        %get3A_1854 = vector.shape_cast %get3A_1853 : vector<1x16xf32> to vector<16xf32>
        %get3A_1855 = arith.index_cast %add3A_1826 : i32 to index
        %get3A_1856 = arith.constant 112 : index
        %get3A_1857 = tpu.vector_load %arg9[%get3A_1855, %get3A_1856] {strides = array<i32>} : memref<160x128xf32, #tpu.memory_space<vmem>>, vector<1x16xf32>,
        %get3A_1858 = vector.shape_cast %get3A_1857 : vector<1x16xf32> to vector<16xf32>
        %add3A_1859 = arith.addf %get3A_1830, %get3A_1544 : vector<16xf32>
        %swap3A_1860 = arith.index_cast %add3A_1826 : i32 to index
        %swap3A_1861 = arith.constant 0 : index
        %swap3A_1862 = tpu.vector_load %arg9[%swap3A_1860, %swap3A_1861] {strides = array<i32>} : memref<160x128xf32, #tpu.memory_space<vmem>>, vector<1x16xf32>,
        %swap3A_1863 = vector.shape_cast %swap3A_1862 : vector<1x16xf32> to vector<16xf32>
        %swap3A_1864 = vector.shape_cast %add3A_1859 : vector<16xf32> to vector<1x16xf32>
        tpu.vector_store %arg9[%swap3A_1860, %swap3A_1861], %swap3A_1864 {strides = array<i32>} : memref<160x128xf32, #tpu.memory_space<vmem>>, vector<1x16xf32>,
        %add3A_1865 = arith.addf %get3A_1834, %get3A_1549 : vector<16xf32>
        %swap3A_1866 = arith.index_cast %add3A_1826 : i32 to index
        %swap3A_1867 = arith.constant 16 : index
        %swap3A_1868 = tpu.vector_load %arg9[%swap3A_1866, %swap3A_1867] {strides = array<i32>} : memref<160x128xf32, #tpu.memory_space<vmem>>, vector<1x16xf32>,
        %swap3A_1869 = vector.shape_cast %swap3A_1868 : vector<1x16xf32> to vector<16xf32>
        %swap3A_1870 = vector.shape_cast %add3A_1865 : vector<16xf32> to vector<1x16xf32>
        tpu.vector_store %arg9[%swap3A_1866, %swap3A_1867], %swap3A_1870 {strides = array<i32>} : memref<160x128xf32, #tpu.memory_space<vmem>>, vector<1x16xf32>,
        %add3A_1871 = arith.addf %get3A_1838, %get3A_1554 : vector<16xf32>
        %swap3A_1872 = arith.index_cast %add3A_1826 : i32 to index
        %swap3A_1873 = arith.constant 32 : index
        %swap3A_1874 = tpu.vector_load %arg9[%swap3A_1872, %swap3A_1873] {strides = array<i32>} : memref<160x128xf32, #tpu.memory_space<vmem>>, vector<1x16xf32>,
        %swap3A_1875 = vector.shape_cast %swap3A_1874 : vector<1x16xf32> to vector<16xf32>
        %swap3A_1876 = vector.shape_cast %add3A_1871 : vector<16xf32> to vector<1x16xf32>
        tpu.vector_store %arg9[%swap3A_1872, %swap3A_1873], %swap3A_1876 {strides = array<i32>} : memref<160x128xf32, #tpu.memory_space<vmem>>, vector<1x16xf32>,
        %add3A_1877 = arith.addf %get3A_1842, %get3A_1559 : vector<16xf32>
        %swap3A_1878 = arith.index_cast %add3A_1826 : i32 to index
        %swap3A_1879 = arith.constant 48 : index
        %swap3A_1880 = tpu.vector_load %arg9[%swap3A_1878, %swap3A_1879] {strides = array<i32>} : memref<160x128xf32, #tpu.memory_space<vmem>>, vector<1x16xf32>,
        %swap3A_1881 = vector.shape_cast %swap3A_1880 : vector<1x16xf32> to vector<16xf32>
        %swap3A_1882 = vector.shape_cast %add3A_1877 : vector<16xf32> to vector<1x16xf32>
        tpu.vector_store %arg9[%swap3A_1878, %swap3A_1879], %swap3A_1882 {strides = array<i32>} : memref<160x128xf32, #tpu.memory_space<vmem>>, vector<1x16xf32>,
        %add3A_1883 = arith.addf %get3A_1846, %get3A_1564 : vector<16xf32>
        %swap3A_1884 = arith.index_cast %add3A_1826 : i32 to index
        %swap3A_1885 = arith.constant 64 : index
        %swap3A_1886 = tpu.vector_load %arg9[%swap3A_1884, %swap3A_1885] {strides = array<i32>} : memref<160x128xf32, #tpu.memory_space<vmem>>, vector<1x16xf32>,
        %swap3A_1887 = vector.shape_cast %swap3A_1886 : vector<1x16xf32> to vector<16xf32>
        %swap3A_1888 = vector.shape_cast %add3A_1883 : vector<16xf32> to vector<1x16xf32>
        tpu.vector_store %arg9[%swap3A_1884, %swap3A_1885], %swap3A_1888 {strides = array<i32>} : memref<160x128xf32, #tpu.memory_space<vmem>>, vector<1x16xf32>,
        %add3A_1889 = arith.addf %get3A_1850, %get3A_1569 : vector<16xf32>
        %swap3A_1890 = arith.index_cast %add3A_1826 : i32 to index
        %swap3A_1891 = arith.constant 80 : index
        %swap3A_1892 = tpu.vector_load %arg9[%swap3A_1890, %swap3A_1891] {strides = array<i32>} : memref<160x128xf32, #tpu.memory_space<vmem>>, vector<1x16xf32>,
        %swap3A_1893 = vector.shape_cast %swap3A_1892 : vector<1x16xf32> to vector<16xf32>
        %swap3A_1894 = vector.shape_cast %add3A_1889 : vector<16xf32> to vector<1x16xf32>
        tpu.vector_store %arg9[%swap3A_1890, %swap3A_1891], %swap3A_1894 {strides = array<i32>} : memref<160x128xf32, #tpu.memory_space<vmem>>, vector<1x16xf32>,
        %add3A_1895 = arith.addf %get3A_1854, %get3A_1574 : vector<16xf32>
        %swap3A_1896 = arith.index_cast %add3A_1826 : i32 to index
        %swap3A_1897 = arith.constant 96 : index
        %swap3A_1898 = tpu.vector_load %arg9[%swap3A_1896, %swap3A_1897] {strides = array<i32>} : memref<160x128xf32, #tpu.memory_space<vmem>>, vector<1x16xf32>,
        %swap3A_1899 = vector.shape_cast %swap3A_1898 : vector<1x16xf32> to vector<16xf32>
        %swap3A_1900 = vector.shape_cast %add3A_1895 : vector<16xf32> to vector<1x16xf32>
        tpu.vector_store %arg9[%swap3A_1896, %swap3A_1897], %swap3A_1900 {strides = array<i32>} : memref<160x128xf32, #tpu.memory_space<vmem>>, vector<1x16xf32>,
        %add3A_1901 = arith.addf %get3A_1858, %get3A_1579 : vector<16xf32>
        %swap3A_1902 = arith.index_cast %add3A_1826 : i32 to index
        %swap3A_1903 = arith.constant 112 : index
        %swap3A_1904 = tpu.vector_load %arg9[%swap3A_1902, %swap3A_1903] {strides = array<i32>} : memref<160x128xf32, #tpu.memory_space<vmem>>, vector<1x16xf32>,
        %swap3A_1905 = vector.shape_cast %swap3A_1904 : vector<1x16xf32> to vector<16xf32>
        %swap3A_1906 = vector.shape_cast %add3A_1901 : vector<16xf32> to vector<1x16xf32>
        tpu.vector_store %arg9[%swap3A_1902, %swap3A_1903], %swap3A_1906 {strides = array<i32>} : memref<160x128xf32, #tpu.memory_space<vmem>>, vector<1x16xf32>,
        %scan3A_1907 = arith.constant 0 : i32
        scf.yield %scan3A_1907 : i32
      }
      %scan3A_1042 = arith.constant 40 : i32
      %div3A_1043 = arith.constant 5 : i32
      %div3A_1044 = arith.divsi %add3A_951, %div3A_1043 : i32
      %rem3A_1045 = arith.constant 5 : i32
      %rem3A_1046 = arith.remsi %add3A_951, %rem3A_1045 : i32
      %mul3A_1047 = arith.constant 4 : i32
      %mul3A_1048 = arith.muli %mul3A_1047, %div3A_1044 : i32
      %add3A_1049 = arith.addi %mul3A_6, %mul3A_1048 : i32
      %add3A_1050 = arith.constant 0 : i32
      %add3A_1051 = arith.addi %add3A_1049, %add3A_1050 : i32
      %mul3A_1052 = arith.constant 40 : i32
      %mul3A_1053 = arith.muli %rem3A_1046, %mul3A_1052 : i32
      %dma_start3A_1054 = arith.constant 0 : i32
      %dma_start3A_1055 = arith.constant 0 : i32
      %dma_start3A_1056 = tpu.memref_slice %arg9[%dma_start3A_1054, %dma_start3A_1055] : memref<160x128xf32, #tpu.memory_space<vmem>> -> memref<40x128xf32, #tpu.memory_space<vmem>>
      %dma_start3A_1057 = arith.constant 0 : i32
      %dma_start3A_1058 = tpu.memref_slice %arg5[%add3A_1051, %mul3A_1053, %dma_start3A_1057] : memref<1024x200x128xf32, #tpu.memory_space<hbm>> -> memref<1x40x128xf32, #tpu.memory_space<hbm>>
      %dma_start3A_1059 = tpu.memref_squeeze %dma_start3A_1058 : memref<1x40x128xf32, #tpu.memory_space<hbm>> -> memref<40x128xf32, #tpu.memory_space<hbm>>
      %dma_start3A_1060 = arith.constant 0 : i32
      %dma_start3A_1061 = tpu.memref_slice %arg5[%add3A_1051, %mul3A_1053, %dma_start3A_1060] : memref<1024x200x128xf32, #tpu.memory_space<hbm>> -> memref<1x40x128xf32, #tpu.memory_space<hbm>>
      %dma_start3A_1062 = tpu.memref_squeeze %dma_start3A_1061 : memref<1x40x128xf32, #tpu.memory_space<hbm>> -> memref<40x128xf32, #tpu.memory_space<hbm>>
      %dma_start3A_1063 = arith.constant 0 : i32
      %dma_start3A_1064 = arith.constant 0 : i32
      %dma_start3A_1065 = tpu.memref_slice %arg9[%dma_start3A_1063, %dma_start3A_1064] : memref<160x128xf32, #tpu.memory_space<vmem>> -> memref<40x128xf32, #tpu.memory_space<vmem>>
      tpu.enqueue_dma source(%dma_start3A_1065 : memref<40x128xf32, #tpu.memory_space<vmem>>) target(%dma_start3A_1062 : memref<40x128xf32, #tpu.memory_space<hbm>>) target_semaphore(%arg17 : memref<!tpu.dma_semaphore, #tpu.memory_space<semaphore_mem>>)
      %div3A_1066 = arith.constant 5 : i32
      %div3A_1067 = arith.divsi %add3A_951, %div3A_1066 : i32
      %rem3A_1068 = arith.constant 5 : i32
      %rem3A_1069 = arith.remsi %add3A_951, %rem3A_1068 : i32
      %mul3A_1070 = arith.constant 4 : i32
      %mul3A_1071 = arith.muli %mul3A_1070, %div3A_1067 : i32
      %add3A_1072 = arith.addi %mul3A_6, %mul3A_1071 : i32
      %add3A_1073 = arith.constant 1 : i32
      %add3A_1074 = arith.addi %add3A_1072, %add3A_1073 : i32
      %mul3A_1075 = arith.constant 40 : i32
      %mul3A_1076 = arith.muli %rem3A_1069, %mul3A_1075 : i32
      %dma_start3A_1077 = arith.constant 40 : i32
      %dma_start3A_1078 = arith.constant 0 : i32
      %dma_start3A_1079 = tpu.memref_slice %arg9[%dma_start3A_1077, %dma_start3A_1078] : memref<160x128xf32, #tpu.memory_space<vmem>> -> memref<40x128xf32, #tpu.memory_space<vmem>>
      %dma_start3A_1080 = arith.constant 0 : i32
      %dma_start3A_1081 = tpu.memref_slice %arg5[%add3A_1074, %mul3A_1076, %dma_start3A_1080] : memref<1024x200x128xf32, #tpu.memory_space<hbm>> -> memref<1x40x128xf32, #tpu.memory_space<hbm>>
      %dma_start3A_1082 = tpu.memref_squeeze %dma_start3A_1081 : memref<1x40x128xf32, #tpu.memory_space<hbm>> -> memref<40x128xf32, #tpu.memory_space<hbm>>
      %dma_start3A_1083 = arith.constant 0 : i32
      %dma_start3A_1084 = tpu.memref_slice %arg5[%add3A_1074, %mul3A_1076, %dma_start3A_1083] : memref<1024x200x128xf32, #tpu.memory_space<hbm>> -> memref<1x40x128xf32, #tpu.memory_space<hbm>>
      %dma_start3A_1085 = tpu.memref_squeeze %dma_start3A_1084 : memref<1x40x128xf32, #tpu.memory_space<hbm>> -> memref<40x128xf32, #tpu.memory_space<hbm>>
      %dma_start3A_1086 = arith.constant 40 : i32
      %dma_start3A_1087 = arith.constant 0 : i32
      %dma_start3A_1088 = tpu.memref_slice %arg9[%dma_start3A_1086, %dma_start3A_1087] : memref<160x128xf32, #tpu.memory_space<vmem>> -> memref<40x128xf32, #tpu.memory_space<vmem>>
      tpu.enqueue_dma source(%dma_start3A_1088 : memref<40x128xf32, #tpu.memory_space<vmem>>) target(%dma_start3A_1085 : memref<40x128xf32, #tpu.memory_space<hbm>>) target_semaphore(%arg17 : memref<!tpu.dma_semaphore, #tpu.memory_space<semaphore_mem>>)
      %div3A_1089 = arith.constant 5 : i32
      %div3A_1090 = arith.divsi %add3A_951, %div3A_1089 : i32
      %rem3A_1091 = arith.constant 5 : i32
      %rem3A_1092 = arith.remsi %add3A_951, %rem3A_1091 : i32
      %mul3A_1093 = arith.constant 4 : i32
      %mul3A_1094 = arith.muli %mul3A_1093, %div3A_1090 : i32
      %add3A_1095 = arith.addi %mul3A_6, %mul3A_1094 : i32
      %add3A_1096 = arith.constant 2 : i32
      %add3A_1097 = arith.addi %add3A_1095, %add3A_1096 : i32
      %mul3A_1098 = arith.constant 40 : i32
      %mul3A_1099 = arith.muli %rem3A_1092, %mul3A_1098 : i32
      %dma_start3A_1100 = arith.constant 80 : i32
      %dma_start3A_1101 = arith.constant 0 : i32
      %dma_start3A_1102 = tpu.memref_slice %arg9[%dma_start3A_1100, %dma_start3A_1101] : memref<160x128xf32, #tpu.memory_space<vmem>> -> memref<40x128xf32, #tpu.memory_space<vmem>>
      %dma_start3A_1103 = arith.constant 0 : i32
      %dma_start3A_1104 = tpu.memref_slice %arg5[%add3A_1097, %mul3A_1099, %dma_start3A_1103] : memref<1024x200x128xf32, #tpu.memory_space<hbm>> -> memref<1x40x128xf32, #tpu.memory_space<hbm>>
      %dma_start3A_1105 = tpu.memref_squeeze %dma_start3A_1104 : memref<1x40x128xf32, #tpu.memory_space<hbm>> -> memref<40x128xf32, #tpu.memory_space<hbm>>
      %dma_start3A_1106 = arith.constant 0 : i32
      %dma_start3A_1107 = tpu.memref_slice %arg5[%add3A_1097, %mul3A_1099, %dma_start3A_1106] : memref<1024x200x128xf32, #tpu.memory_space<hbm>> -> memref<1x40x128xf32, #tpu.memory_space<hbm>>
      %dma_start3A_1108 = tpu.memref_squeeze %dma_start3A_1107 : memref<1x40x128xf32, #tpu.memory_space<hbm>> -> memref<40x128xf32, #tpu.memory_space<hbm>>
      %dma_start3A_1109 = arith.constant 80 : i32
      %dma_start3A_1110 = arith.constant 0 : i32
      %dma_start3A_1111 = tpu.memref_slice %arg9[%dma_start3A_1109, %dma_start3A_1110] : memref<160x128xf32, #tpu.memory_space<vmem>> -> memref<40x128xf32, #tpu.memory_space<vmem>>
      tpu.enqueue_dma source(%dma_start3A_1111 : memref<40x128xf32, #tpu.memory_space<vmem>>) target(%dma_start3A_1108 : memref<40x128xf32, #tpu.memory_space<hbm>>) target_semaphore(%arg17 : memref<!tpu.dma_semaphore, #tpu.memory_space<semaphore_mem>>)
      %div3A_1112 = arith.constant 5 : i32
      %div3A_1113 = arith.divsi %add3A_951, %div3A_1112 : i32
      %rem3A_1114 = arith.constant 5 : i32
      %rem3A_1115 = arith.remsi %add3A_951, %rem3A_1114 : i32
      %mul3A_1116 = arith.constant 4 : i32
      %mul3A_1117 = arith.muli %mul3A_1116, %div3A_1113 : i32
      %add3A_1118 = arith.addi %mul3A_6, %mul3A_1117 : i32
      %add3A_1119 = arith.constant 3 : i32
      %add3A_1120 = arith.addi %add3A_1118, %add3A_1119 : i32
      %mul3A_1121 = arith.constant 40 : i32
      %mul3A_1122 = arith.muli %rem3A_1115, %mul3A_1121 : i32
      %dma_start3A_1123 = arith.constant 120 : i32
      %dma_start3A_1124 = arith.constant 0 : i32
      %dma_start3A_1125 = tpu.memref_slice %arg9[%dma_start3A_1123, %dma_start3A_1124] : memref<160x128xf32, #tpu.memory_space<vmem>> -> memref<40x128xf32, #tpu.memory_space<vmem>>
      %dma_start3A_1126 = arith.constant 0 : i32
      %dma_start3A_1127 = tpu.memref_slice %arg5[%add3A_1120, %mul3A_1122, %dma_start3A_1126] : memref<1024x200x128xf32, #tpu.memory_space<hbm>> -> memref<1x40x128xf32, #tpu.memory_space<hbm>>
      %dma_start3A_1128 = tpu.memref_squeeze %dma_start3A_1127 : memref<1x40x128xf32, #tpu.memory_space<hbm>> -> memref<40x128xf32, #tpu.memory_space<hbm>>
      %dma_start3A_1129 = arith.constant 0 : i32
      %dma_start3A_1130 = tpu.memref_slice %arg5[%add3A_1120, %mul3A_1122, %dma_start3A_1129] : memref<1024x200x128xf32, #tpu.memory_space<hbm>> -> memref<1x40x128xf32, #tpu.memory_space<hbm>>
      %dma_start3A_1131 = tpu.memref_squeeze %dma_start3A_1130 : memref<1x40x128xf32, #tpu.memory_space<hbm>> -> memref<40x128xf32, #tpu.memory_space<hbm>>
      %dma_start3A_1132 = arith.constant 120 : i32
      %dma_start3A_1133 = arith.constant 0 : i32
      %dma_start3A_1134 = tpu.memref_slice %arg9[%dma_start3A_1132, %dma_start3A_1133] : memref<160x128xf32, #tpu.memory_space<vmem>> -> memref<40x128xf32, #tpu.memory_space<vmem>>
      tpu.enqueue_dma source(%dma_start3A_1134 : memref<40x128xf32, #tpu.memory_space<vmem>>) target(%dma_start3A_1131 : memref<40x128xf32, #tpu.memory_space<hbm>>) target_semaphore(%arg17 : memref<!tpu.dma_semaphore, #tpu.memory_space<semaphore_mem>>)
      %add3A_1135 = arith.constant 2 : i32
      %add3A_1136 = arith.addi %mul3A_764, %add3A_1135 : i32
      %div3A_1137 = arith.constant 5 : i32
      %div3A_1138 = arith.divsi %add3A_1136, %div3A_1137 : i32
      %rem3A_1139 = arith.constant 5 : i32
      %rem3A_1140 = arith.remsi %add3A_1136, %rem3A_1139 : i32
      %mul3A_1141 = arith.constant 4 : i32
      %mul3A_1142 = arith.muli %mul3A_1141, %div3A_1138 : i32
      %add3A_1143 = arith.constant 0 : i32
      %add3A_1144 = arith.addi %mul3A_1142, %add3A_1143 : i32
      %mul3A_1145 = arith.constant 5 : i32
      %mul3A_1146 = arith.muli %add3A_1144, %mul3A_1145 : i32
      %add3A_1147 = arith.addi %mul3A_1146, %rem3A_1140 : i32
      %dma_wait3A_1148 = arith.constant 0 : i32
      %dma_wait3A_1149 = arith.constant 0 : i32
      %dma_wait3A_1150 = tpu.memref_slice %arg10[%dma_wait3A_1148, %dma_wait3A_1149] : memref<160x128xf32, #tpu.memory_space<vmem>> -> memref<40x128xf32, #tpu.memory_space<vmem>>
      %dma_wait3A_1151 = arith.constant 0 : i32
      %dma_wait3A_1152 = tpu.memref_slice %arg6[%add3A_1147, %dma_wait3A_1151] : memref<160x40xi32, #tpu.memory_space<vmem>> -> memref<1x40xi32, #tpu.memory_space<vmem>>
      %dma_wait3A_1153 = tpu.memref_squeeze %dma_wait3A_1152 : memref<1x40xi32, #tpu.memory_space<vmem>> -> memref<40xi32, #tpu.memory_space<vmem>>
      %dma_wait3A_1154 = arith.constant 0 : i32
      %dma_wait3A_1155 = arith.constant 0 : i32
      %dma_wait3A_1156 = tpu.memref_slice %arg2[%dma_wait3A_1154, %dma_wait3A_1155] : memref<100000x128xf32, #tpu.memory_space<hbm>> -> memref<100000x128xf32, #tpu.memory_space<hbm>>
      tpu.wait_indirect_dma semaphore(%arg14 : memref<!tpu.dma_semaphore, #tpu.memory_space<semaphore_mem>>) src(%dma_wait3A_1156 : memref<100000x128xf32, #tpu.memory_space<hbm>>) dst(%dma_wait3A_1150 : memref<40x128xf32, #tpu.memory_space<vmem>>)
      %div3A_1157 = arith.constant 5 : i32
      %div3A_1158 = arith.divsi %add3A_1136, %div3A_1157 : i32
      %rem3A_1159 = arith.constant 5 : i32
      %rem3A_1160 = arith.remsi %add3A_1136, %rem3A_1159 : i32
      %mul3A_1161 = arith.constant 4 : i32
      %mul3A_1162 = arith.muli %mul3A_1161, %div3A_1158 : i32
      %add3A_1163 = arith.constant 1 : i32
      %add3A_1164 = arith.addi %mul3A_1162, %add3A_1163 : i32
      %mul3A_1165 = arith.constant 5 : i32
      %mul3A_1166 = arith.muli %add3A_1164, %mul3A_1165 : i32
      %add3A_1167 = arith.addi %mul3A_1166, %rem3A_1160 : i32
      %dma_wait3A_1168 = arith.constant 40 : i32
      %dma_wait3A_1169 = arith.constant 0 : i32
      %dma_wait3A_1170 = tpu.memref_slice %arg10[%dma_wait3A_1168, %dma_wait3A_1169] : memref<160x128xf32, #tpu.memory_space<vmem>> -> memref<40x128xf32, #tpu.memory_space<vmem>>
      %dma_wait3A_1171 = arith.constant 0 : i32
      %dma_wait3A_1172 = tpu.memref_slice %arg6[%add3A_1167, %dma_wait3A_1171] : memref<160x40xi32, #tpu.memory_space<vmem>> -> memref<1x40xi32, #tpu.memory_space<vmem>>
      %dma_wait3A_1173 = tpu.memref_squeeze %dma_wait3A_1172 : memref<1x40xi32, #tpu.memory_space<vmem>> -> memref<40xi32, #tpu.memory_space<vmem>>
      %dma_wait3A_1174 = arith.constant 0 : i32
      %dma_wait3A_1175 = arith.constant 0 : i32
      %dma_wait3A_1176 = tpu.memref_slice %arg2[%dma_wait3A_1174, %dma_wait3A_1175] : memref<100000x128xf32, #tpu.memory_space<hbm>> -> memref<100000x128xf32, #tpu.memory_space<hbm>>
      tpu.wait_indirect_dma semaphore(%arg14 : memref<!tpu.dma_semaphore, #tpu.memory_space<semaphore_mem>>) src(%dma_wait3A_1176 : memref<100000x128xf32, #tpu.memory_space<hbm>>) dst(%dma_wait3A_1170 : memref<40x128xf32, #tpu.memory_space<vmem>>)
      %div3A_1177 = arith.constant 5 : i32
      %div3A_1178 = arith.divsi %add3A_1136, %div3A_1177 : i32
      %rem3A_1179 = arith.constant 5 : i32
      %rem3A_1180 = arith.remsi %add3A_1136, %rem3A_1179 : i32
      %mul3A_1181 = arith.constant 4 : i32
      %mul3A_1182 = arith.muli %mul3A_1181, %div3A_1178 : i32
      %add3A_1183 = arith.constant 2 : i32
      %add3A_1184 = arith.addi %mul3A_1182, %add3A_1183 : i32
      %mul3A_1185 = arith.constant 5 : i32
      %mul3A_1186 = arith.muli %add3A_1184, %mul3A_1185 : i32
      %add3A_1187 = arith.addi %mul3A_1186, %rem3A_1180 : i32
      %dma_wait3A_1188 = arith.constant 80 : i32
      %dma_wait3A_1189 = arith.constant 0 : i32
      %dma_wait3A_1190 = tpu.memref_slice %arg10[%dma_wait3A_1188, %dma_wait3A_1189] : memref<160x128xf32, #tpu.memory_space<vmem>> -> memref<40x128xf32, #tpu.memory_space<vmem>>
      %dma_wait3A_1191 = arith.constant 0 : i32
      %dma_wait3A_1192 = tpu.memref_slice %arg6[%add3A_1187, %dma_wait3A_1191] : memref<160x40xi32, #tpu.memory_space<vmem>> -> memref<1x40xi32, #tpu.memory_space<vmem>>
      %dma_wait3A_1193 = tpu.memref_squeeze %dma_wait3A_1192 : memref<1x40xi32, #tpu.memory_space<vmem>> -> memref<40xi32, #tpu.memory_space<vmem>>
      %dma_wait3A_1194 = arith.constant 0 : i32
      %dma_wait3A_1195 = arith.constant 0 : i32
      %dma_wait3A_1196 = tpu.memref_slice %arg2[%dma_wait3A_1194, %dma_wait3A_1195] : memref<100000x128xf32, #tpu.memory_space<hbm>> -> memref<100000x128xf32, #tpu.memory_space<hbm>>
      tpu.wait_indirect_dma semaphore(%arg14 : memref<!tpu.dma_semaphore, #tpu.memory_space<semaphore_mem>>) src(%dma_wait3A_1196 : memref<100000x128xf32, #tpu.memory_space<hbm>>) dst(%dma_wait3A_1190 : memref<40x128xf32, #tpu.memory_space<vmem>>)
      %div3A_1197 = arith.constant 5 : i32
      %div3A_1198 = arith.divsi %add3A_1136, %div3A_1197 : i32
      %rem3A_1199 = arith.constant 5 : i32
      %rem3A_1200 = arith.remsi %add3A_1136, %rem3A_1199 : i32
      %mul3A_1201 = arith.constant 4 : i32
      %mul3A_1202 = arith.muli %mul3A_1201, %div3A_1198 : i32
      %add3A_1203 = arith.constant 3 : i32
      %add3A_1204 = arith.addi %mul3A_1202, %add3A_1203 : i32
      %mul3A_1205 = arith.constant 5 : i32
      %mul3A_1206 = arith.muli %add3A_1204, %mul3A_1205 : i32
      %add3A_1207 = arith.addi %mul3A_1206, %rem3A_1200 : i32
      %dma_wait3A_1208 = arith.constant 120 : i32
      %dma_wait3A_1209 = arith.constant 0 : i32
      %dma_wait3A_1210 = tpu.memref_slice %arg10[%dma_wait3A_1208, %dma_wait3A_1209] : memref<160x128xf32, #tpu.memory_space<vmem>> -> memref<40x128xf32, #tpu.memory_space<vmem>>
      %dma_wait3A_1211 = arith.constant 0 : i32
      %dma_wait3A_1212 = tpu.memref_slice %arg6[%add3A_1207, %dma_wait3A_1211] : memref<160x40xi32, #tpu.memory_space<vmem>> -> memref<1x40xi32, #tpu.memory_space<vmem>>
      %dma_wait3A_1213 = tpu.memref_squeeze %dma_wait3A_1212 : memref<1x40xi32, #tpu.memory_space<vmem>> -> memref<40xi32, #tpu.memory_space<vmem>>
      %dma_wait3A_1214 = arith.constant 0 : i32
      %dma_wait3A_1215 = arith.constant 0 : i32
      %dma_wait3A_1216 = tpu.memref_slice %arg2[%dma_wait3A_1214, %dma_wait3A_1215] : memref<100000x128xf32, #tpu.memory_space<hbm>> -> memref<100000x128xf32, #tpu.memory_space<hbm>>
      tpu.wait_indirect_dma semaphore(%arg14 : memref<!tpu.dma_semaphore, #tpu.memory_space<semaphore_mem>>) src(%dma_wait3A_1216 : memref<100000x128xf32, #tpu.memory_space<hbm>>) dst(%dma_wait3A_1210 : memref<40x128xf32, #tpu.memory_space<vmem>>)
      %rem3A_1217 = arith.constant 5 : i32
      %rem3A_1218 = arith.remsi %add3A_1136, %rem3A_1217 : i32
      %mul3A_1219 = arith.constant 40 : i32
      %mul3A_1220 = arith.muli %rem3A_1218, %mul3A_1219 : i32
      %scan3A_1221 = arith.constant 0 : i32
      %scan3A_1222 = arith.constant 0 : i32
      %scan3A_1223 = arith.constant 40 : i32
      %scan3A_1224 = arith.addi %scan3A_1222, %scan3A_1223 : i32
      %scan3A_1225 = arith.constant 1 : i32
      %scan3A_1226 = scf.for %scan3A_1539 = %scan3A_1222 to %scan3A_1224 step %scan3A_1225 iter_args(%scan3A_1540 = %scan3A_1221) -> (i32)  : i32 {
        %add3A_1541 = arith.addi %mul3A_1220, %scan3A_1539 : i32
        %get3A = arith.index_cast %add3A_1541 : i32 to index
        %get3A_1542 = arith.constant 0 : index
        %get3A_1543 = tpu.vector_load %arg7[%get3A, %get3A_1542] {strides = array<i32>} : memref<200x128xf32, #tpu.memory_space<vmem>>, vector<1x16xf32>,
        %get3A_1544 = vector.shape_cast %get3A_1543 : vector<1x16xf32> to vector<16xf32>
        %add3A_1545 = arith.addi %mul3A_1220, %scan3A_1539 : i32
        %get3A_1546 = arith.index_cast %add3A_1545 : i32 to index
        %get3A_1547 = arith.constant 16 : index
        %get3A_1548 = tpu.vector_load %arg7[%get3A_1546, %get3A_1547] {strides = array<i32>} : memref<200x128xf32, #tpu.memory_space<vmem>>, vector<1x16xf32>,
        %get3A_1549 = vector.shape_cast %get3A_1548 : vector<1x16xf32> to vector<16xf32>
        %add3A_1550 = arith.addi %mul3A_1220, %scan3A_1539 : i32
        %get3A_1551 = arith.index_cast %add3A_1550 : i32 to index
        %get3A_1552 = arith.constant 32 : index
        %get3A_1553 = tpu.vector_load %arg7[%get3A_1551, %get3A_1552] {strides = array<i32>} : memref<200x128xf32, #tpu.memory_space<vmem>>, vector<1x16xf32>,
        %get3A_1554 = vector.shape_cast %get3A_1553 : vector<1x16xf32> to vector<16xf32>
        %add3A_1555 = arith.addi %mul3A_1220, %scan3A_1539 : i32
        %get3A_1556 = arith.index_cast %add3A_1555 : i32 to index
        %get3A_1557 = arith.constant 48 : index
        %get3A_1558 = tpu.vector_load %arg7[%get3A_1556, %get3A_1557] {strides = array<i32>} : memref<200x128xf32, #tpu.memory_space<vmem>>, vector<1x16xf32>,
        %get3A_1559 = vector.shape_cast %get3A_1558 : vector<1x16xf32> to vector<16xf32>
        %add3A_1560 = arith.addi %mul3A_1220, %scan3A_1539 : i32
        %get3A_1561 = arith.index_cast %add3A_1560 : i32 to index
        %get3A_1562 = arith.constant 64 : index
        %get3A_1563 = tpu.vector_load %arg7[%get3A_1561, %get3A_1562] {strides = array<i32>} : memref<200x128xf32, #tpu.memory_space<vmem>>, vector<1x16xf32>,
        %get3A_1564 = vector.shape_cast %get3A_1563 : vector<1x16xf32> to vector<16xf32>
        %add3A_1565 = arith.addi %mul3A_1220, %scan3A_1539 : i32
        %get3A_1566 = arith.index_cast %add3A_1565 : i32 to index
        %get3A_1567 = arith.constant 80 : index
        %get3A_1568 = tpu.vector_load %arg7[%get3A_1566, %get3A_1567] {strides = array<i32>} : memref<200x128xf32, #tpu.memory_space<vmem>>, vector<1x16xf32>,
        %get3A_1569 = vector.shape_cast %get3A_1568 : vector<1x16xf32> to vector<16xf32>
        %add3A_1570 = arith.addi %mul3A_1220, %scan3A_1539 : i32
        %get3A_1571 = arith.index_cast %add3A_1570 : i32 to index
        %get3A_1572 = arith.constant 96 : index
        %get3A_1573 = tpu.vector_load %arg7[%get3A_1571, %get3A_1572] {strides = array<i32>} : memref<200x128xf32, #tpu.memory_space<vmem>>, vector<1x16xf32>,
        %get3A_1574 = vector.shape_cast %get3A_1573 : vector<1x16xf32> to vector<16xf32>
        %add3A_1575 = arith.addi %mul3A_1220, %scan3A_1539 : i32
        %get3A_1576 = arith.index_cast %add3A_1575 : i32 to index
        %get3A_1577 = arith.constant 112 : index
        %get3A_1578 = tpu.vector_load %arg7[%get3A_1576, %get3A_1577] {strides = array<i32>} : memref<200x128xf32, #tpu.memory_space<vmem>>, vector<1x16xf32>,
        %get3A_1579 = vector.shape_cast %get3A_1578 : vector<1x16xf32> to vector<16xf32>
        %add3A_1580 = arith.constant 0 : i32
        %add3A_1581 = arith.addi %add3A_1580, %scan3A_1539 : i32
        %get3A_1582 = arith.index_cast %add3A_1581 : i32 to index
        %get3A_1583 = arith.constant 0 : index
        %get3A_1584 = tpu.vector_load %arg10[%get3A_1582, %get3A_1583] {strides = array<i32>} : memref<160x128xf32, #tpu.memory_space<vmem>>, vector<1x16xf32>,
        %get3A_1585 = vector.shape_cast %get3A_1584 : vector<1x16xf32> to vector<16xf32>
        %get3A_1586 = arith.index_cast %add3A_1581 : i32 to index
        %get3A_1587 = arith.constant 16 : index
        %get3A_1588 = tpu.vector_load %arg10[%get3A_1586, %get3A_1587] {strides = array<i32>} : memref<160x128xf32, #tpu.memory_space<vmem>>, vector<1x16xf32>,
        %get3A_1589 = vector.shape_cast %get3A_1588 : vector<1x16xf32> to vector<16xf32>
        %get3A_1590 = arith.index_cast %add3A_1581 : i32 to index
        %get3A_1591 = arith.constant 32 : index
        %get3A_1592 = tpu.vector_load %arg10[%get3A_1590, %get3A_1591] {strides = array<i32>} : memref<160x128xf32, #tpu.memory_space<vmem>>, vector<1x16xf32>,
        %get3A_1593 = vector.shape_cast %get3A_1592 : vector<1x16xf32> to vector<16xf32>
        %get3A_1594 = arith.index_cast %add3A_1581 : i32 to index
        %get3A_1595 = arith.constant 48 : index
        %get3A_1596 = tpu.vector_load %arg10[%get3A_1594, %get3A_1595] {strides = array<i32>} : memref<160x128xf32, #tpu.memory_space<vmem>>, vector<1x16xf32>,
        %get3A_1597 = vector.shape_cast %get3A_1596 : vector<1x16xf32> to vector<16xf32>
        %get3A_1598 = arith.index_cast %add3A_1581 : i32 to index
        %get3A_1599 = arith.constant 64 : index
        %get3A_1600 = tpu.vector_load %arg10[%get3A_1598, %get3A_1599] {strides = array<i32>} : memref<160x128xf32, #tpu.memory_space<vmem>>, vector<1x16xf32>,
        %get3A_1601 = vector.shape_cast %get3A_1600 : vector<1x16xf32> to vector<16xf32>
        %get3A_1602 = arith.index_cast %add3A_1581 : i32 to index
        %get3A_1603 = arith.constant 80 : index
        %get3A_1604 = tpu.vector_load %arg10[%get3A_1602, %get3A_1603] {strides = array<i32>} : memref<160x128xf32, #tpu.memory_space<vmem>>, vector<1x16xf32>,
        %get3A_1605 = vector.shape_cast %get3A_1604 : vector<1x16xf32> to vector<16xf32>
        %get3A_1606 = arith.index_cast %add3A_1581 : i32 to index
        %get3A_1607 = arith.constant 96 : index
        %get3A_1608 = tpu.vector_load %arg10[%get3A_1606, %get3A_1607] {strides = array<i32>} : memref<160x128xf32, #tpu.memory_space<vmem>>, vector<1x16xf32>,
        %get3A_1609 = vector.shape_cast %get3A_1608 : vector<1x16xf32> to vector<16xf32>
        %get3A_1610 = arith.index_cast %add3A_1581 : i32 to index
        %get3A_1611 = arith.constant 112 : index
        %get3A_1612 = tpu.vector_load %arg10[%get3A_1610, %get3A_1611] {strides = array<i32>} : memref<160x128xf32, #tpu.memory_space<vmem>>, vector<1x16xf32>,
        %get3A_1613 = vector.shape_cast %get3A_1612 : vector<1x16xf32> to vector<16xf32>
        %add3A_1614 = arith.addf %get3A_1585, %get3A_1544 : vector<16xf32>
        %swap3A = arith.index_cast %add3A_1581 : i32 to index
        %swap3A_1615 = arith.constant 0 : index
        %swap3A_1616 = tpu.vector_load %arg10[%swap3A, %swap3A_1615] {strides = array<i32>} : memref<160x128xf32, #tpu.memory_space<vmem>>, vector<1x16xf32>,
        %swap3A_1617 = vector.shape_cast %swap3A_1616 : vector<1x16xf32> to vector<16xf32>
        %swap3A_1618 = vector.shape_cast %add3A_1614 : vector<16xf32> to vector<1x16xf32>
        tpu.vector_store %arg10[%swap3A, %swap3A_1615], %swap3A_1618 {strides = array<i32>} : memref<160x128xf32, #tpu.memory_space<vmem>>, vector<1x16xf32>,
        %add3A_1619 = arith.addf %get3A_1589, %get3A_1549 : vector<16xf32>
        %swap3A_1620 = arith.index_cast %add3A_1581 : i32 to index
        %swap3A_1621 = arith.constant 16 : index
        %swap3A_1622 = tpu.vector_load %arg10[%swap3A_1620, %swap3A_1621] {strides = array<i32>} : memref<160x128xf32, #tpu.memory_space<vmem>>, vector<1x16xf32>,
        %swap3A_1623 = vector.shape_cast %swap3A_1622 : vector<1x16xf32> to vector<16xf32>
        %swap3A_1624 = vector.shape_cast %add3A_1619 : vector<16xf32> to vector<1x16xf32>
        tpu.vector_store %arg10[%swap3A_1620, %swap3A_1621], %swap3A_1624 {strides = array<i32>} : memref<160x128xf32, #tpu.memory_space<vmem>>, vector<1x16xf32>,
        %add3A_1625 = arith.addf %get3A_1593, %get3A_1554 : vector<16xf32>
        %swap3A_1626 = arith.index_cast %add3A_1581 : i32 to index
        %swap3A_1627 = arith.constant 32 : index
        %swap3A_1628 = tpu.vector_load %arg10[%swap3A_1626, %swap3A_1627] {strides = array<i32>} : memref<160x128xf32, #tpu.memory_space<vmem>>, vector<1x16xf32>,
        %swap3A_1629 = vector.shape_cast %swap3A_1628 : vector<1x16xf32> to vector<16xf32>
        %swap3A_1630 = vector.shape_cast %add3A_1625 : vector<16xf32> to vector<1x16xf32>
        tpu.vector_store %arg10[%swap3A_1626, %swap3A_1627], %swap3A_1630 {strides = array<i32>} : memref<160x128xf32, #tpu.memory_space<vmem>>, vector<1x16xf32>,
        %add3A_1631 = arith.addf %get3A_1597, %get3A_1559 : vector<16xf32>
        %swap3A_1632 = arith.index_cast %add3A_1581 : i32 to index
        %swap3A_1633 = arith.constant 48 : index
        %swap3A_1634 = tpu.vector_load %arg10[%swap3A_1632, %swap3A_1633] {strides = array<i32>} : memref<160x128xf32, #tpu.memory_space<vmem>>, vector<1x16xf32>,
        %swap3A_1635 = vector.shape_cast %swap3A_1634 : vector<1x16xf32> to vector<16xf32>
        %swap3A_1636 = vector.shape_cast %add3A_1631 : vector<16xf32> to vector<1x16xf32>
        tpu.vector_store %arg10[%swap3A_1632, %swap3A_1633], %swap3A_1636 {strides = array<i32>} : memref<160x128xf32, #tpu.memory_space<vmem>>, vector<1x16xf32>,
        %add3A_1637 = arith.addf %get3A_1601, %get3A_1564 : vector<16xf32>
        %swap3A_1638 = arith.index_cast %add3A_1581 : i32 to index
        %swap3A_1639 = arith.constant 64 : index
        %swap3A_1640 = tpu.vector_load %arg10[%swap3A_1638, %swap3A_1639] {strides = array<i32>} : memref<160x128xf32, #tpu.memory_space<vmem>>, vector<1x16xf32>,
        %swap3A_1641 = vector.shape_cast %swap3A_1640 : vector<1x16xf32> to vector<16xf32>
        %swap3A_1642 = vector.shape_cast %add3A_1637 : vector<16xf32> to vector<1x16xf32>
        tpu.vector_store %arg10[%swap3A_1638, %swap3A_1639], %swap3A_1642 {strides = array<i32>} : memref<160x128xf32, #tpu.memory_space<vmem>>, vector<1x16xf32>,
        %add3A_1643 = arith.addf %get3A_1605, %get3A_1569 : vector<16xf32>
        %swap3A_1644 = arith.index_cast %add3A_1581 : i32 to index
        %swap3A_1645 = arith.constant 80 : index
        %swap3A_1646 = tpu.vector_load %arg10[%swap3A_1644, %swap3A_1645] {strides = array<i32>} : memref<160x128xf32, #tpu.memory_space<vmem>>, vector<1x16xf32>,
        %swap3A_1647 = vector.shape_cast %swap3A_1646 : vector<1x16xf32> to vector<16xf32>
        %swap3A_1648 = vector.shape_cast %add3A_1643 : vector<16xf32> to vector<1x16xf32>
        tpu.vector_store %arg10[%swap3A_1644, %swap3A_1645], %swap3A_1648 {strides = array<i32>} : memref<160x128xf32, #tpu.memory_space<vmem>>, vector<1x16xf32>,
        %add3A_1649 = arith.addf %get3A_1609, %get3A_1574 : vector<16xf32>
        %swap3A_1650 = arith.index_cast %add3A_1581 : i32 to index
        %swap3A_1651 = arith.constant 96 : index
        %swap3A_1652 = tpu.vector_load %arg10[%swap3A_1650, %swap3A_1651] {strides = array<i32>} : memref<160x128xf32, #tpu.memory_space<vmem>>, vector<1x16xf32>,
        %swap3A_1653 = vector.shape_cast %swap3A_1652 : vector<1x16xf32> to vector<16xf32>
        %swap3A_1654 = vector.shape_cast %add3A_1649 : vector<16xf32> to vector<1x16xf32>
        tpu.vector_store %arg10[%swap3A_1650, %swap3A_1651], %swap3A_1654 {strides = array<i32>} : memref<160x128xf32, #tpu.memory_space<vmem>>, vector<1x16xf32>,
        %add3A_1655 = arith.addf %get3A_1613, %get3A_1579 : vector<16xf32>
        %swap3A_1656 = arith.index_cast %add3A_1581 : i32 to index
        %swap3A_1657 = arith.constant 112 : index
        %swap3A_1658 = tpu.vector_load %arg10[%swap3A_1656, %swap3A_1657] {strides = array<i32>} : memref<160x128xf32, #tpu.memory_space<vmem>>, vector<1x16xf32>,
        %swap3A_1659 = vector.shape_cast %swap3A_1658 : vector<1x16xf32> to vector<16xf32>
        %swap3A_1660 = vector.shape_cast %add3A_1655 : vector<16xf32> to vector<1x16xf32>
        tpu.vector_store %arg10[%swap3A_1656, %swap3A_1657], %swap3A_1660 {strides = array<i32>} : memref<160x128xf32, #tpu.memory_space<vmem>>, vector<1x16xf32>,
        %add3A_1661 = arith.constant 40 : i32
        %add3A_1662 = arith.addi %add3A_1661, %scan3A_1539 : i32
        %get3A_1663 = arith.index_cast %add3A_1662 : i32 to index
        %get3A_1664 = arith.constant 0 : index
        %get3A_1665 = tpu.vector_load %arg10[%get3A_1663, %get3A_1664] {strides = array<i32>} : memref<160x128xf32, #tpu.memory_space<vmem>>, vector<1x16xf32>,
        %get3A_1666 = vector.shape_cast %get3A_1665 : vector<1x16xf32> to vector<16xf32>
        %get3A_1667 = arith.index_cast %add3A_1662 : i32 to index
        %get3A_1668 = arith.constant 16 : index
        %get3A_1669 = tpu.vector_load %arg10[%get3A_1667, %get3A_1668] {strides = array<i32>} : memref<160x128xf32, #tpu.memory_space<vmem>>, vector<1x16xf32>,
        %get3A_1670 = vector.shape_cast %get3A_1669 : vector<1x16xf32> to vector<16xf32>
        %get3A_1671 = arith.index_cast %add3A_1662 : i32 to index
        %get3A_1672 = arith.constant 32 : index
        %get3A_1673 = tpu.vector_load %arg10[%get3A_1671, %get3A_1672] {strides = array<i32>} : memref<160x128xf32, #tpu.memory_space<vmem>>, vector<1x16xf32>,
        %get3A_1674 = vector.shape_cast %get3A_1673 : vector<1x16xf32> to vector<16xf32>
        %get3A_1675 = arith.index_cast %add3A_1662 : i32 to index
        %get3A_1676 = arith.constant 48 : index
        %get3A_1677 = tpu.vector_load %arg10[%get3A_1675, %get3A_1676] {strides = array<i32>} : memref<160x128xf32, #tpu.memory_space<vmem>>, vector<1x16xf32>,
        %get3A_1678 = vector.shape_cast %get3A_1677 : vector<1x16xf32> to vector<16xf32>
        %get3A_1679 = arith.index_cast %add3A_1662 : i32 to index
        %get3A_1680 = arith.constant 64 : index
        %get3A_1681 = tpu.vector_load %arg10[%get3A_1679, %get3A_1680] {strides = array<i32>} : memref<160x128xf32, #tpu.memory_space<vmem>>, vector<1x16xf32>,
        %get3A_1682 = vector.shape_cast %get3A_1681 : vector<1x16xf32> to vector<16xf32>
        %get3A_1683 = arith.index_cast %add3A_1662 : i32 to index
        %get3A_1684 = arith.constant 80 : index
        %get3A_1685 = tpu.vector_load %arg10[%get3A_1683, %get3A_1684] {strides = array<i32>} : memref<160x128xf32, #tpu.memory_space<vmem>>, vector<1x16xf32>,
        %get3A_1686 = vector.shape_cast %get3A_1685 : vector<1x16xf32> to vector<16xf32>
        %get3A_1687 = arith.index_cast %add3A_1662 : i32 to index
        %get3A_1688 = arith.constant 96 : index
        %get3A_1689 = tpu.vector_load %arg10[%get3A_1687, %get3A_1688] {strides = array<i32>} : memref<160x128xf32, #tpu.memory_space<vmem>>, vector<1x16xf32>,
        %get3A_1690 = vector.shape_cast %get3A_1689 : vector<1x16xf32> to vector<16xf32>
        %get3A_1691 = arith.index_cast %add3A_1662 : i32 to index
        %get3A_1692 = arith.constant 112 : index
        %get3A_1693 = tpu.vector_load %arg10[%get3A_1691, %get3A_1692] {strides = array<i32>} : memref<160x128xf32, #tpu.memory_space<vmem>>, vector<1x16xf32>,
        %get3A_1694 = vector.shape_cast %get3A_1693 : vector<1x16xf32> to vector<16xf32>
        %add3A_1695 = arith.addf %get3A_1666, %get3A_1544 : vector<16xf32>
        %swap3A_1696 = arith.index_cast %add3A_1662 : i32 to index
        %swap3A_1697 = arith.constant 0 : index
        %swap3A_1698 = tpu.vector_load %arg10[%swap3A_1696, %swap3A_1697] {strides = array<i32>} : memref<160x128xf32, #tpu.memory_space<vmem>>, vector<1x16xf32>,
        %swap3A_1699 = vector.shape_cast %swap3A_1698 : vector<1x16xf32> to vector<16xf32>
        %swap3A_1700 = vector.shape_cast %add3A_1695 : vector<16xf32> to vector<1x16xf32>
        tpu.vector_store %arg10[%swap3A_1696, %swap3A_1697], %swap3A_1700 {strides = array<i32>} : memref<160x128xf32, #tpu.memory_space<vmem>>, vector<1x16xf32>,
        %add3A_1701 = arith.addf %get3A_1670, %get3A_1549 : vector<16xf32>
        %swap3A_1702 = arith.index_cast %add3A_1662 : i32 to index
        %swap3A_1703 = arith.constant 16 : index
        %swap3A_1704 = tpu.vector_load %arg10[%swap3A_1702, %swap3A_1703] {strides = array<i32>} : memref<160x128xf32, #tpu.memory_space<vmem>>, vector<1x16xf32>,
        %swap3A_1705 = vector.shape_cast %swap3A_1704 : vector<1x16xf32> to vector<16xf32>
        %swap3A_1706 = vector.shape_cast %add3A_1701 : vector<16xf32> to vector<1x16xf32>
        tpu.vector_store %arg10[%swap3A_1702, %swap3A_1703], %swap3A_1706 {strides = array<i32>} : memref<160x128xf32, #tpu.memory_space<vmem>>, vector<1x16xf32>,
        %add3A_1707 = arith.addf %get3A_1674, %get3A_1554 : vector<16xf32>
        %swap3A_1708 = arith.index_cast %add3A_1662 : i32 to index
        %swap3A_1709 = arith.constant 32 : index
        %swap3A_1710 = tpu.vector_load %arg10[%swap3A_1708, %swap3A_1709] {strides = array<i32>} : memref<160x128xf32, #tpu.memory_space<vmem>>, vector<1x16xf32>,
        %swap3A_1711 = vector.shape_cast %swap3A_1710 : vector<1x16xf32> to vector<16xf32>
        %swap3A_1712 = vector.shape_cast %add3A_1707 : vector<16xf32> to vector<1x16xf32>
        tpu.vector_store %arg10[%swap3A_1708, %swap3A_1709], %swap3A_1712 {strides = array<i32>} : memref<160x128xf32, #tpu.memory_space<vmem>>, vector<1x16xf32>,
        %add3A_1713 = arith.addf %get3A_1678, %get3A_1559 : vector<16xf32>
        %swap3A_1714 = arith.index_cast %add3A_1662 : i32 to index
        %swap3A_1715 = arith.constant 48 : index
        %swap3A_1716 = tpu.vector_load %arg10[%swap3A_1714, %swap3A_1715] {strides = array<i32>} : memref<160x128xf32, #tpu.memory_space<vmem>>, vector<1x16xf32>,
        %swap3A_1717 = vector.shape_cast %swap3A_1716 : vector<1x16xf32> to vector<16xf32>
        %swap3A_1718 = vector.shape_cast %add3A_1713 : vector<16xf32> to vector<1x16xf32>
        tpu.vector_store %arg10[%swap3A_1714, %swap3A_1715], %swap3A_1718 {strides = array<i32>} : memref<160x128xf32, #tpu.memory_space<vmem>>, vector<1x16xf32>,
        %add3A_1719 = arith.addf %get3A_1682, %get3A_1564 : vector<16xf32>
        %swap3A_1720 = arith.index_cast %add3A_1662 : i32 to index
        %swap3A_1721 = arith.constant 64 : index
        %swap3A_1722 = tpu.vector_load %arg10[%swap3A_1720, %swap3A_1721] {strides = array<i32>} : memref<160x128xf32, #tpu.memory_space<vmem>>, vector<1x16xf32>,
        %swap3A_1723 = vector.shape_cast %swap3A_1722 : vector<1x16xf32> to vector<16xf32>
        %swap3A_1724 = vector.shape_cast %add3A_1719 : vector<16xf32> to vector<1x16xf32>
        tpu.vector_store %arg10[%swap3A_1720, %swap3A_1721], %swap3A_1724 {strides = array<i32>} : memref<160x128xf32, #tpu.memory_space<vmem>>, vector<1x16xf32>,
        %add3A_1725 = arith.addf %get3A_1686, %get3A_1569 : vector<16xf32>
        %swap3A_1726 = arith.index_cast %add3A_1662 : i32 to index
        %swap3A_1727 = arith.constant 80 : index
        %swap3A_1728 = tpu.vector_load %arg10[%swap3A_1726, %swap3A_1727] {strides = array<i32>} : memref<160x128xf32, #tpu.memory_space<vmem>>, vector<1x16xf32>,
        %swap3A_1729 = vector.shape_cast %swap3A_1728 : vector<1x16xf32> to vector<16xf32>
        %swap3A_1730 = vector.shape_cast %add3A_1725 : vector<16xf32> to vector<1x16xf32>
        tpu.vector_store %arg10[%swap3A_1726, %swap3A_1727], %swap3A_1730 {strides = array<i32>} : memref<160x128xf32, #tpu.memory_space<vmem>>, vector<1x16xf32>,
        %add3A_1731 = arith.addf %get3A_1690, %get3A_1574 : vector<16xf32>
        %swap3A_1732 = arith.index_cast %add3A_1662 : i32 to index
        %swap3A_1733 = arith.constant 96 : index
        %swap3A_1734 = tpu.vector_load %arg10[%swap3A_1732, %swap3A_1733] {strides = array<i32>} : memref<160x128xf32, #tpu.memory_space<vmem>>, vector<1x16xf32>,
        %swap3A_1735 = vector.shape_cast %swap3A_1734 : vector<1x16xf32> to vector<16xf32>
        %swap3A_1736 = vector.shape_cast %add3A_1731 : vector<16xf32> to vector<1x16xf32>
        tpu.vector_store %arg10[%swap3A_1732, %swap3A_1733], %swap3A_1736 {strides = array<i32>} : memref<160x128xf32, #tpu.memory_space<vmem>>, vector<1x16xf32>,
        %add3A_1737 = arith.addf %get3A_1694, %get3A_1579 : vector<16xf32>
        %swap3A_1738 = arith.index_cast %add3A_1662 : i32 to index
        %swap3A_1739 = arith.constant 112 : index
        %swap3A_1740 = tpu.vector_load %arg10[%swap3A_1738, %swap3A_1739] {strides = array<i32>} : memref<160x128xf32, #tpu.memory_space<vmem>>, vector<1x16xf32>,
        %swap3A_1741 = vector.shape_cast %swap3A_1740 : vector<1x16xf32> to vector<16xf32>
        %swap3A_1742 = vector.shape_cast %add3A_1737 : vector<16xf32> to vector<1x16xf32>
        tpu.vector_store %arg10[%swap3A_1738, %swap3A_1739], %swap3A_1742 {strides = array<i32>} : memref<160x128xf32, #tpu.memory_space<vmem>>, vector<1x16xf32>,
        %add3A_1743 = arith.constant 80 : i32
        %add3A_1744 = arith.addi %add3A_1743, %scan3A_1539 : i32
        %get3A_1745 = arith.index_cast %add3A_1744 : i32 to index
        %get3A_1746 = arith.constant 0 : index
        %get3A_1747 = tpu.vector_load %arg10[%get3A_1745, %get3A_1746] {strides = array<i32>} : memref<160x128xf32, #tpu.memory_space<vmem>>, vector<1x16xf32>,
        %get3A_1748 = vector.shape_cast %get3A_1747 : vector<1x16xf32> to vector<16xf32>
        %get3A_1749 = arith.index_cast %add3A_1744 : i32 to index
        %get3A_1750 = arith.constant 16 : index
        %get3A_1751 = tpu.vector_load %arg10[%get3A_1749, %get3A_1750] {strides = array<i32>} : memref<160x128xf32, #tpu.memory_space<vmem>>, vector<1x16xf32>,
        %get3A_1752 = vector.shape_cast %get3A_1751 : vector<1x16xf32> to vector<16xf32>
        %get3A_1753 = arith.index_cast %add3A_1744 : i32 to index
        %get3A_1754 = arith.constant 32 : index
        %get3A_1755 = tpu.vector_load %arg10[%get3A_1753, %get3A_1754] {strides = array<i32>} : memref<160x128xf32, #tpu.memory_space<vmem>>, vector<1x16xf32>,
        %get3A_1756 = vector.shape_cast %get3A_1755 : vector<1x16xf32> to vector<16xf32>
        %get3A_1757 = arith.index_cast %add3A_1744 : i32 to index
        %get3A_1758 = arith.constant 48 : index
        %get3A_1759 = tpu.vector_load %arg10[%get3A_1757, %get3A_1758] {strides = array<i32>} : memref<160x128xf32, #tpu.memory_space<vmem>>, vector<1x16xf32>,
        %get3A_1760 = vector.shape_cast %get3A_1759 : vector<1x16xf32> to vector<16xf32>
        %get3A_1761 = arith.index_cast %add3A_1744 : i32 to index
        %get3A_1762 = arith.constant 64 : index
        %get3A_1763 = tpu.vector_load %arg10[%get3A_1761, %get3A_1762] {strides = array<i32>} : memref<160x128xf32, #tpu.memory_space<vmem>>, vector<1x16xf32>,
        %get3A_1764 = vector.shape_cast %get3A_1763 : vector<1x16xf32> to vector<16xf32>
        %get3A_1765 = arith.index_cast %add3A_1744 : i32 to index
        %get3A_1766 = arith.constant 80 : index
        %get3A_1767 = tpu.vector_load %arg10[%get3A_1765, %get3A_1766] {strides = array<i32>} : memref<160x128xf32, #tpu.memory_space<vmem>>, vector<1x16xf32>,
        %get3A_1768 = vector.shape_cast %get3A_1767 : vector<1x16xf32> to vector<16xf32>
        %get3A_1769 = arith.index_cast %add3A_1744 : i32 to index
        %get3A_1770 = arith.constant 96 : index
        %get3A_1771 = tpu.vector_load %arg10[%get3A_1769, %get3A_1770] {strides = array<i32>} : memref<160x128xf32, #tpu.memory_space<vmem>>, vector<1x16xf32>,
        %get3A_1772 = vector.shape_cast %get3A_1771 : vector<1x16xf32> to vector<16xf32>
        %get3A_1773 = arith.index_cast %add3A_1744 : i32 to index
        %get3A_1774 = arith.constant 112 : index
        %get3A_1775 = tpu.vector_load %arg10[%get3A_1773, %get3A_1774] {strides = array<i32>} : memref<160x128xf32, #tpu.memory_space<vmem>>, vector<1x16xf32>,
        %get3A_1776 = vector.shape_cast %get3A_1775 : vector<1x16xf32> to vector<16xf32>
        %add3A_1777 = arith.addf %get3A_1748, %get3A_1544 : vector<16xf32>
        %swap3A_1778 = arith.index_cast %add3A_1744 : i32 to index
        %swap3A_1779 = arith.constant 0 : index
        %swap3A_1780 = tpu.vector_load %arg10[%swap3A_1778, %swap3A_1779] {strides = array<i32>} : memref<160x128xf32, #tpu.memory_space<vmem>>, vector<1x16xf32>,
        %swap3A_1781 = vector.shape_cast %swap3A_1780 : vector<1x16xf32> to vector<16xf32>
        %swap3A_1782 = vector.shape_cast %add3A_1777 : vector<16xf32> to vector<1x16xf32>
        tpu.vector_store %arg10[%swap3A_1778, %swap3A_1779], %swap3A_1782 {strides = array<i32>} : memref<160x128xf32, #tpu.memory_space<vmem>>, vector<1x16xf32>,
        %add3A_1783 = arith.addf %get3A_1752, %get3A_1549 : vector<16xf32>
        %swap3A_1784 = arith.index_cast %add3A_1744 : i32 to index
        %swap3A_1785 = arith.constant 16 : index
        %swap3A_1786 = tpu.vector_load %arg10[%swap3A_1784, %swap3A_1785] {strides = array<i32>} : memref<160x128xf32, #tpu.memory_space<vmem>>, vector<1x16xf32>,
        %swap3A_1787 = vector.shape_cast %swap3A_1786 : vector<1x16xf32> to vector<16xf32>
        %swap3A_1788 = vector.shape_cast %add3A_1783 : vector<16xf32> to vector<1x16xf32>
        tpu.vector_store %arg10[%swap3A_1784, %swap3A_1785], %swap3A_1788 {strides = array<i32>} : memref<160x128xf32, #tpu.memory_space<vmem>>, vector<1x16xf32>,
        %add3A_1789 = arith.addf %get3A_1756, %get3A_1554 : vector<16xf32>
        %swap3A_1790 = arith.index_cast %add3A_1744 : i32 to index
        %swap3A_1791 = arith.constant 32 : index
        %swap3A_1792 = tpu.vector_load %arg10[%swap3A_1790, %swap3A_1791] {strides = array<i32>} : memref<160x128xf32, #tpu.memory_space<vmem>>, vector<1x16xf32>,
        %swap3A_1793 = vector.shape_cast %swap3A_1792 : vector<1x16xf32> to vector<16xf32>
        %swap3A_1794 = vector.shape_cast %add3A_1789 : vector<16xf32> to vector<1x16xf32>
        tpu.vector_store %arg10[%swap3A_1790, %swap3A_1791], %swap3A_1794 {strides = array<i32>} : memref<160x128xf32, #tpu.memory_space<vmem>>, vector<1x16xf32>,
        %add3A_1795 = arith.addf %get3A_1760, %get3A_1559 : vector<16xf32>
        %swap3A_1796 = arith.index_cast %add3A_1744 : i32 to index
        %swap3A_1797 = arith.constant 48 : index
        %swap3A_1798 = tpu.vector_load %arg10[%swap3A_1796, %swap3A_1797] {strides = array<i32>} : memref<160x128xf32, #tpu.memory_space<vmem>>, vector<1x16xf32>,
        %swap3A_1799 = vector.shape_cast %swap3A_1798 : vector<1x16xf32> to vector<16xf32>
        %swap3A_1800 = vector.shape_cast %add3A_1795 : vector<16xf32> to vector<1x16xf32>
        tpu.vector_store %arg10[%swap3A_1796, %swap3A_1797], %swap3A_1800 {strides = array<i32>} : memref<160x128xf32, #tpu.memory_space<vmem>>, vector<1x16xf32>,
        %add3A_1801 = arith.addf %get3A_1764, %get3A_1564 : vector<16xf32>
        %swap3A_1802 = arith.index_cast %add3A_1744 : i32 to index
        %swap3A_1803 = arith.constant 64 : index
        %swap3A_1804 = tpu.vector_load %arg10[%swap3A_1802, %swap3A_1803] {strides = array<i32>} : memref<160x128xf32, #tpu.memory_space<vmem>>, vector<1x16xf32>,
        %swap3A_1805 = vector.shape_cast %swap3A_1804 : vector<1x16xf32> to vector<16xf32>
        %swap3A_1806 = vector.shape_cast %add3A_1801 : vector<16xf32> to vector<1x16xf32>
        tpu.vector_store %arg10[%swap3A_1802, %swap3A_1803], %swap3A_1806 {strides = array<i32>} : memref<160x128xf32, #tpu.memory_space<vmem>>, vector<1x16xf32>,
        %add3A_1807 = arith.addf %get3A_1768, %get3A_1569 : vector<16xf32>
        %swap3A_1808 = arith.index_cast %add3A_1744 : i32 to index
        %swap3A_1809 = arith.constant 80 : index
        %swap3A_1810 = tpu.vector_load %arg10[%swap3A_1808, %swap3A_1809] {strides = array<i32>} : memref<160x128xf32, #tpu.memory_space<vmem>>, vector<1x16xf32>,
        %swap3A_1811 = vector.shape_cast %swap3A_1810 : vector<1x16xf32> to vector<16xf32>
        %swap3A_1812 = vector.shape_cast %add3A_1807 : vector<16xf32> to vector<1x16xf32>
        tpu.vector_store %arg10[%swap3A_1808, %swap3A_1809], %swap3A_1812 {strides = array<i32>} : memref<160x128xf32, #tpu.memory_space<vmem>>, vector<1x16xf32>,
        %add3A_1813 = arith.addf %get3A_1772, %get3A_1574 : vector<16xf32>
        %swap3A_1814 = arith.index_cast %add3A_1744 : i32 to index
        %swap3A_1815 = arith.constant 96 : index
        %swap3A_1816 = tpu.vector_load %arg10[%swap3A_1814, %swap3A_1815] {strides = array<i32>} : memref<160x128xf32, #tpu.memory_space<vmem>>, vector<1x16xf32>,
        %swap3A_1817 = vector.shape_cast %swap3A_1816 : vector<1x16xf32> to vector<16xf32>
        %swap3A_1818 = vector.shape_cast %add3A_1813 : vector<16xf32> to vector<1x16xf32>
        tpu.vector_store %arg10[%swap3A_1814, %swap3A_1815], %swap3A_1818 {strides = array<i32>} : memref<160x128xf32, #tpu.memory_space<vmem>>, vector<1x16xf32>,
        %add3A_1819 = arith.addf %get3A_1776, %get3A_1579 : vector<16xf32>
        %swap3A_1820 = arith.index_cast %add3A_1744 : i32 to index
        %swap3A_1821 = arith.constant 112 : index
        %swap3A_1822 = tpu.vector_load %arg10[%swap3A_1820, %swap3A_1821] {strides = array<i32>} : memref<160x128xf32, #tpu.memory_space<vmem>>, vector<1x16xf32>,
        %swap3A_1823 = vector.shape_cast %swap3A_1822 : vector<1x16xf32> to vector<16xf32>
        %swap3A_1824 = vector.shape_cast %add3A_1819 : vector<16xf32> to vector<1x16xf32>
        tpu.vector_store %arg10[%swap3A_1820, %swap3A_1821], %swap3A_1824 {strides = array<i32>} : memref<160x128xf32, #tpu.memory_space<vmem>>, vector<1x16xf32>,
        %add3A_1825 = arith.constant 120 : i32
        %add3A_1826 = arith.addi %add3A_1825, %scan3A_1539 : i32
        %get3A_1827 = arith.index_cast %add3A_1826 : i32 to index
        %get3A_1828 = arith.constant 0 : index
        %get3A_1829 = tpu.vector_load %arg10[%get3A_1827, %get3A_1828] {strides = array<i32>} : memref<160x128xf32, #tpu.memory_space<vmem>>, vector<1x16xf32>,
        %get3A_1830 = vector.shape_cast %get3A_1829 : vector<1x16xf32> to vector<16xf32>
        %get3A_1831 = arith.index_cast %add3A_1826 : i32 to index
        %get3A_1832 = arith.constant 16 : index
        %get3A_1833 = tpu.vector_load %arg10[%get3A_1831, %get3A_1832] {strides = array<i32>} : memref<160x128xf32, #tpu.memory_space<vmem>>, vector<1x16xf32>,
        %get3A_1834 = vector.shape_cast %get3A_1833 : vector<1x16xf32> to vector<16xf32>
        %get3A_1835 = arith.index_cast %add3A_1826 : i32 to index
        %get3A_1836 = arith.constant 32 : index
        %get3A_1837 = tpu.vector_load %arg10[%get3A_1835, %get3A_1836] {strides = array<i32>} : memref<160x128xf32, #tpu.memory_space<vmem>>, vector<1x16xf32>,
        %get3A_1838 = vector.shape_cast %get3A_1837 : vector<1x16xf32> to vector<16xf32>
        %get3A_1839 = arith.index_cast %add3A_1826 : i32 to index
        %get3A_1840 = arith.constant 48 : index
        %get3A_1841 = tpu.vector_load %arg10[%get3A_1839, %get3A_1840] {strides = array<i32>} : memref<160x128xf32, #tpu.memory_space<vmem>>, vector<1x16xf32>,
        %get3A_1842 = vector.shape_cast %get3A_1841 : vector<1x16xf32> to vector<16xf32>
        %get3A_1843 = arith.index_cast %add3A_1826 : i32 to index
        %get3A_1844 = arith.constant 64 : index
        %get3A_1845 = tpu.vector_load %arg10[%get3A_1843, %get3A_1844] {strides = array<i32>} : memref<160x128xf32, #tpu.memory_space<vmem>>, vector<1x16xf32>,
        %get3A_1846 = vector.shape_cast %get3A_1845 : vector<1x16xf32> to vector<16xf32>
        %get3A_1847 = arith.index_cast %add3A_1826 : i32 to index
        %get3A_1848 = arith.constant 80 : index
        %get3A_1849 = tpu.vector_load %arg10[%get3A_1847, %get3A_1848] {strides = array<i32>} : memref<160x128xf32, #tpu.memory_space<vmem>>, vector<1x16xf32>,
        %get3A_1850 = vector.shape_cast %get3A_1849 : vector<1x16xf32> to vector<16xf32>
        %get3A_1851 = arith.index_cast %add3A_1826 : i32 to index
        %get3A_1852 = arith.constant 96 : index
        %get3A_1853 = tpu.vector_load %arg10[%get3A_1851, %get3A_1852] {strides = array<i32>} : memref<160x128xf32, #tpu.memory_space<vmem>>, vector<1x16xf32>,
        %get3A_1854 = vector.shape_cast %get3A_1853 : vector<1x16xf32> to vector<16xf32>
        %get3A_1855 = arith.index_cast %add3A_1826 : i32 to index
        %get3A_1856 = arith.constant 112 : index
        %get3A_1857 = tpu.vector_load %arg10[%get3A_1855, %get3A_1856] {strides = array<i32>} : memref<160x128xf32, #tpu.memory_space<vmem>>, vector<1x16xf32>,
        %get3A_1858 = vector.shape_cast %get3A_1857 : vector<1x16xf32> to vector<16xf32>
        %add3A_1859 = arith.addf %get3A_1830, %get3A_1544 : vector<16xf32>
        %swap3A_1860 = arith.index_cast %add3A_1826 : i32 to index
        %swap3A_1861 = arith.constant 0 : index
        %swap3A_1862 = tpu.vector_load %arg10[%swap3A_1860, %swap3A_1861] {strides = array<i32>} : memref<160x128xf32, #tpu.memory_space<vmem>>, vector<1x16xf32>,
        %swap3A_1863 = vector.shape_cast %swap3A_1862 : vector<1x16xf32> to vector<16xf32>
        %swap3A_1864 = vector.shape_cast %add3A_1859 : vector<16xf32> to vector<1x16xf32>
        tpu.vector_store %arg10[%swap3A_1860, %swap3A_1861], %swap3A_1864 {strides = array<i32>} : memref<160x128xf32, #tpu.memory_space<vmem>>, vector<1x16xf32>,
        %add3A_1865 = arith.addf %get3A_1834, %get3A_1549 : vector<16xf32>
        %swap3A_1866 = arith.index_cast %add3A_1826 : i32 to index
        %swap3A_1867 = arith.constant 16 : index
        %swap3A_1868 = tpu.vector_load %arg10[%swap3A_1866, %swap3A_1867] {strides = array<i32>} : memref<160x128xf32, #tpu.memory_space<vmem>>, vector<1x16xf32>,
        %swap3A_1869 = vector.shape_cast %swap3A_1868 : vector<1x16xf32> to vector<16xf32>
        %swap3A_1870 = vector.shape_cast %add3A_1865 : vector<16xf32> to vector<1x16xf32>
        tpu.vector_store %arg10[%swap3A_1866, %swap3A_1867], %swap3A_1870 {strides = array<i32>} : memref<160x128xf32, #tpu.memory_space<vmem>>, vector<1x16xf32>,
        %add3A_1871 = arith.addf %get3A_1838, %get3A_1554 : vector<16xf32>
        %swap3A_1872 = arith.index_cast %add3A_1826 : i32 to index
        %swap3A_1873 = arith.constant 32 : index
        %swap3A_1874 = tpu.vector_load %arg10[%swap3A_1872, %swap3A_1873] {strides = array<i32>} : memref<160x128xf32, #tpu.memory_space<vmem>>, vector<1x16xf32>,
        %swap3A_1875 = vector.shape_cast %swap3A_1874 : vector<1x16xf32> to vector<16xf32>
        %swap3A_1876 = vector.shape_cast %add3A_1871 : vector<16xf32> to vector<1x16xf32>
        tpu.vector_store %arg10[%swap3A_1872, %swap3A_1873], %swap3A_1876 {strides = array<i32>} : memref<160x128xf32, #tpu.memory_space<vmem>>, vector<1x16xf32>,
        %add3A_1877 = arith.addf %get3A_1842, %get3A_1559 : vector<16xf32>
        %swap3A_1878 = arith.index_cast %add3A_1826 : i32 to index
        %swap3A_1879 = arith.constant 48 : index
        %swap3A_1880 = tpu.vector_load %arg10[%swap3A_1878, %swap3A_1879] {strides = array<i32>} : memref<160x128xf32, #tpu.memory_space<vmem>>, vector<1x16xf32>,
        %swap3A_1881 = vector.shape_cast %swap3A_1880 : vector<1x16xf32> to vector<16xf32>
        %swap3A_1882 = vector.shape_cast %add3A_1877 : vector<16xf32> to vector<1x16xf32>
        tpu.vector_store %arg10[%swap3A_1878, %swap3A_1879], %swap3A_1882 {strides = array<i32>} : memref<160x128xf32, #tpu.memory_space<vmem>>, vector<1x16xf32>,
        %add3A_1883 = arith.addf %get3A_1846, %get3A_1564 : vector<16xf32>
        %swap3A_1884 = arith.index_cast %add3A_1826 : i32 to index
        %swap3A_1885 = arith.constant 64 : index
        %swap3A_1886 = tpu.vector_load %arg10[%swap3A_1884, %swap3A_1885] {strides = array<i32>} : memref<160x128xf32, #tpu.memory_space<vmem>>, vector<1x16xf32>,
        %swap3A_1887 = vector.shape_cast %swap3A_1886 : vector<1x16xf32> to vector<16xf32>
        %swap3A_1888 = vector.shape_cast %add3A_1883 : vector<16xf32> to vector<1x16xf32>
        tpu.vector_store %arg10[%swap3A_1884, %swap3A_1885], %swap3A_1888 {strides = array<i32>} : memref<160x128xf32, #tpu.memory_space<vmem>>, vector<1x16xf32>,
        %add3A_1889 = arith.addf %get3A_1850, %get3A_1569 : vector<16xf32>
        %swap3A_1890 = arith.index_cast %add3A_1826 : i32 to index
        %swap3A_1891 = arith.constant 80 : index
        %swap3A_1892 = tpu.vector_load %arg10[%swap3A_1890, %swap3A_1891] {strides = array<i32>} : memref<160x128xf32, #tpu.memory_space<vmem>>, vector<1x16xf32>,
        %swap3A_1893 = vector.shape_cast %swap3A_1892 : vector<1x16xf32> to vector<16xf32>
        %swap3A_1894 = vector.shape_cast %add3A_1889 : vector<16xf32> to vector<1x16xf32>
        tpu.vector_store %arg10[%swap3A_1890, %swap3A_1891], %swap3A_1894 {strides = array<i32>} : memref<160x128xf32, #tpu.memory_space<vmem>>, vector<1x16xf32>,
        %add3A_1895 = arith.addf %get3A_1854, %get3A_1574 : vector<16xf32>
        %swap3A_1896 = arith.index_cast %add3A_1826 : i32 to index
        %swap3A_1897 = arith.constant 96 : index
        %swap3A_1898 = tpu.vector_load %arg10[%swap3A_1896, %swap3A_1897] {strides = array<i32>} : memref<160x128xf32, #tpu.memory_space<vmem>>, vector<1x16xf32>,
        %swap3A_1899 = vector.shape_cast %swap3A_1898 : vector<1x16xf32> to vector<16xf32>
        %swap3A_1900 = vector.shape_cast %add3A_1895 : vector<16xf32> to vector<1x16xf32>
        tpu.vector_store %arg10[%swap3A_1896, %swap3A_1897], %swap3A_1900 {strides = array<i32>} : memref<160x128xf32, #tpu.memory_space<vmem>>, vector<1x16xf32>,
        %add3A_1901 = arith.addf %get3A_1858, %get3A_1579 : vector<16xf32>
        %swap3A_1902 = arith.index_cast %add3A_1826 : i32 to index
        %swap3A_1903 = arith.constant 112 : index
        %swap3A_1904 = tpu.vector_load %arg10[%swap3A_1902, %swap3A_1903] {strides = array<i32>} : memref<160x128xf32, #tpu.memory_space<vmem>>, vector<1x16xf32>,
        %swap3A_1905 = vector.shape_cast %swap3A_1904 : vector<1x16xf32> to vector<16xf32>
        %swap3A_1906 = vector.shape_cast %add3A_1901 : vector<16xf32> to vector<1x16xf32>
        tpu.vector_store %arg10[%swap3A_1902, %swap3A_1903], %swap3A_1906 {strides = array<i32>} : memref<160x128xf32, #tpu.memory_space<vmem>>, vector<1x16xf32>,
        %scan3A_1907 = arith.constant 0 : i32
        scf.yield %scan3A_1907 : i32
      }
      %scan3A_1227 = arith.constant 40 : i32
      %div3A_1228 = arith.constant 5 : i32
      %div3A_1229 = arith.divsi %add3A_1136, %div3A_1228 : i32
      %rem3A_1230 = arith.constant 5 : i32
      %rem3A_1231 = arith.remsi %add3A_1136, %rem3A_1230 : i32
      %mul3A_1232 = arith.constant 4 : i32
      %mul3A_1233 = arith.muli %mul3A_1232, %div3A_1229 : i32
      %add3A_1234 = arith.addi %mul3A_6, %mul3A_1233 : i32
      %add3A_1235 = arith.constant 0 : i32
      %add3A_1236 = arith.addi %add3A_1234, %add3A_1235 : i32
      %mul3A_1237 = arith.constant 40 : i32
      %mul3A_1238 = arith.muli %rem3A_1231, %mul3A_1237 : i32
      %dma_start3A_1239 = arith.constant 0 : i32
      %dma_start3A_1240 = arith.constant 0 : i32
      %dma_start3A_1241 = tpu.memref_slice %arg10[%dma_start3A_1239, %dma_start3A_1240] : memref<160x128xf32, #tpu.memory_space<vmem>> -> memref<40x128xf32, #tpu.memory_space<vmem>>
      %dma_start3A_1242 = arith.constant 0 : i32
      %dma_start3A_1243 = tpu.memref_slice %arg5[%add3A_1236, %mul3A_1238, %dma_start3A_1242] : memref<1024x200x128xf32, #tpu.memory_space<hbm>> -> memref<1x40x128xf32, #tpu.memory_space<hbm>>
      %dma_start3A_1244 = tpu.memref_squeeze %dma_start3A_1243 : memref<1x40x128xf32, #tpu.memory_space<hbm>> -> memref<40x128xf32, #tpu.memory_space<hbm>>
      %dma_start3A_1245 = arith.constant 0 : i32
      %dma_start3A_1246 = tpu.memref_slice %arg5[%add3A_1236, %mul3A_1238, %dma_start3A_1245] : memref<1024x200x128xf32, #tpu.memory_space<hbm>> -> memref<1x40x128xf32, #tpu.memory_space<hbm>>
      %dma_start3A_1247 = tpu.memref_squeeze %dma_start3A_1246 : memref<1x40x128xf32, #tpu.memory_space<hbm>> -> memref<40x128xf32, #tpu.memory_space<hbm>>
      %dma_start3A_1248 = arith.constant 0 : i32
      %dma_start3A_1249 = arith.constant 0 : i32
      %dma_start3A_1250 = tpu.memref_slice %arg10[%dma_start3A_1248, %dma_start3A_1249] : memref<160x128xf32, #tpu.memory_space<vmem>> -> memref<40x128xf32, #tpu.memory_space<vmem>>
      tpu.enqueue_dma source(%dma_start3A_1250 : memref<40x128xf32, #tpu.memory_space<vmem>>) target(%dma_start3A_1247 : memref<40x128xf32, #tpu.memory_space<hbm>>) target_semaphore(%arg18 : memref<!tpu.dma_semaphore, #tpu.memory_space<semaphore_mem>>)
      %div3A_1251 = arith.constant 5 : i32
      %div3A_1252 = arith.divsi %add3A_1136, %div3A_1251 : i32
      %rem3A_1253 = arith.constant 5 : i32
      %rem3A_1254 = arith.remsi %add3A_1136, %rem3A_1253 : i32
      %mul3A_1255 = arith.constant 4 : i32
      %mul3A_1256 = arith.muli %mul3A_1255, %div3A_1252 : i32
      %add3A_1257 = arith.addi %mul3A_6, %mul3A_1256 : i32
      %add3A_1258 = arith.constant 1 : i32
      %add3A_1259 = arith.addi %add3A_1257, %add3A_1258 : i32
      %mul3A_1260 = arith.constant 40 : i32
      %mul3A_1261 = arith.muli %rem3A_1254, %mul3A_1260 : i32
      %dma_start3A_1262 = arith.constant 40 : i32
      %dma_start3A_1263 = arith.constant 0 : i32
      %dma_start3A_1264 = tpu.memref_slice %arg10[%dma_start3A_1262, %dma_start3A_1263] : memref<160x128xf32, #tpu.memory_space<vmem>> -> memref<40x128xf32, #tpu.memory_space<vmem>>
      %dma_start3A_1265 = arith.constant 0 : i32
      %dma_start3A_1266 = tpu.memref_slice %arg5[%add3A_1259, %mul3A_1261, %dma_start3A_1265] : memref<1024x200x128xf32, #tpu.memory_space<hbm>> -> memref<1x40x128xf32, #tpu.memory_space<hbm>>
      %dma_start3A_1267 = tpu.memref_squeeze %dma_start3A_1266 : memref<1x40x128xf32, #tpu.memory_space<hbm>> -> memref<40x128xf32, #tpu.memory_space<hbm>>
      %dma_start3A_1268 = arith.constant 0 : i32
      %dma_start3A_1269 = tpu.memref_slice %arg5[%add3A_1259, %mul3A_1261, %dma_start3A_1268] : memref<1024x200x128xf32, #tpu.memory_space<hbm>> -> memref<1x40x128xf32, #tpu.memory_space<hbm>>
      %dma_start3A_1270 = tpu.memref_squeeze %dma_start3A_1269 : memref<1x40x128xf32, #tpu.memory_space<hbm>> -> memref<40x128xf32, #tpu.memory_space<hbm>>
      %dma_start3A_1271 = arith.constant 40 : i32
      %dma_start3A_1272 = arith.constant 0 : i32
      %dma_start3A_1273 = tpu.memref_slice %arg10[%dma_start3A_1271, %dma_start3A_1272] : memref<160x128xf32, #tpu.memory_space<vmem>> -> memref<40x128xf32, #tpu.memory_space<vmem>>
      tpu.enqueue_dma source(%dma_start3A_1273 : memref<40x128xf32, #tpu.memory_space<vmem>>) target(%dma_start3A_1270 : memref<40x128xf32, #tpu.memory_space<hbm>>) target_semaphore(%arg18 : memref<!tpu.dma_semaphore, #tpu.memory_space<semaphore_mem>>)
      %div3A_1274 = arith.constant 5 : i32
      %div3A_1275 = arith.divsi %add3A_1136, %div3A_1274 : i32
      %rem3A_1276 = arith.constant 5 : i32
      %rem3A_1277 = arith.remsi %add3A_1136, %rem3A_1276 : i32
      %mul3A_1278 = arith.constant 4 : i32
      %mul3A_1279 = arith.muli %mul3A_1278, %div3A_1275 : i32
      %add3A_1280 = arith.addi %mul3A_6, %mul3A_1279 : i32
      %add3A_1281 = arith.constant 2 : i32
      %add3A_1282 = arith.addi %add3A_1280, %add3A_1281 : i32
      %mul3A_1283 = arith.constant 40 : i32
      %mul3A_1284 = arith.muli %rem3A_1277, %mul3A_1283 : i32
      %dma_start3A_1285 = arith.constant 80 : i32
      %dma_start3A_1286 = arith.constant 0 : i32
      %dma_start3A_1287 = tpu.memref_slice %arg10[%dma_start3A_1285, %dma_start3A_1286] : memref<160x128xf32, #tpu.memory_space<vmem>> -> memref<40x128xf32, #tpu.memory_space<vmem>>
      %dma_start3A_1288 = arith.constant 0 : i32
      %dma_start3A_1289 = tpu.memref_slice %arg5[%add3A_1282, %mul3A_1284, %dma_start3A_1288] : memref<1024x200x128xf32, #tpu.memory_space<hbm>> -> memref<1x40x128xf32, #tpu.memory_space<hbm>>
      %dma_start3A_1290 = tpu.memref_squeeze %dma_start3A_1289 : memref<1x40x128xf32, #tpu.memory_space<hbm>> -> memref<40x128xf32, #tpu.memory_space<hbm>>
      %dma_start3A_1291 = arith.constant 0 : i32
      %dma_start3A_1292 = tpu.memref_slice %arg5[%add3A_1282, %mul3A_1284, %dma_start3A_1291] : memref<1024x200x128xf32, #tpu.memory_space<hbm>> -> memref<1x40x128xf32, #tpu.memory_space<hbm>>
      %dma_start3A_1293 = tpu.memref_squeeze %dma_start3A_1292 : memref<1x40x128xf32, #tpu.memory_space<hbm>> -> memref<40x128xf32, #tpu.memory_space<hbm>>
      %dma_start3A_1294 = arith.constant 80 : i32
      %dma_start3A_1295 = arith.constant 0 : i32
      %dma_start3A_1296 = tpu.memref_slice %arg10[%dma_start3A_1294, %dma_start3A_1295] : memref<160x128xf32, #tpu.memory_space<vmem>> -> memref<40x128xf32, #tpu.memory_space<vmem>>
      tpu.enqueue_dma source(%dma_start3A_1296 : memref<40x128xf32, #tpu.memory_space<vmem>>) target(%dma_start3A_1293 : memref<40x128xf32, #tpu.memory_space<hbm>>) target_semaphore(%arg18 : memref<!tpu.dma_semaphore, #tpu.memory_space<semaphore_mem>>)
      %div3A_1297 = arith.constant 5 : i32
      %div3A_1298 = arith.divsi %add3A_1136, %div3A_1297 : i32
      %rem3A_1299 = arith.constant 5 : i32
      %rem3A_1300 = arith.remsi %add3A_1136, %rem3A_1299 : i32
      %mul3A_1301 = arith.constant 4 : i32
      %mul3A_1302 = arith.muli %mul3A_1301, %div3A_1298 : i32
      %add3A_1303 = arith.addi %mul3A_6, %mul3A_1302 : i32
      %add3A_1304 = arith.constant 3 : i32
      %add3A_1305 = arith.addi %add3A_1303, %add3A_1304 : i32
      %mul3A_1306 = arith.constant 40 : i32
      %mul3A_1307 = arith.muli %rem3A_1300, %mul3A_1306 : i32
      %dma_start3A_1308 = arith.constant 120 : i32
      %dma_start3A_1309 = arith.constant 0 : i32
      %dma_start3A_1310 = tpu.memref_slice %arg10[%dma_start3A_1308, %dma_start3A_1309] : memref<160x128xf32, #tpu.memory_space<vmem>> -> memref<40x128xf32, #tpu.memory_space<vmem>>
      %dma_start3A_1311 = arith.constant 0 : i32
      %dma_start3A_1312 = tpu.memref_slice %arg5[%add3A_1305, %mul3A_1307, %dma_start3A_1311] : memref<1024x200x128xf32, #tpu.memory_space<hbm>> -> memref<1x40x128xf32, #tpu.memory_space<hbm>>
      %dma_start3A_1313 = tpu.memref_squeeze %dma_start3A_1312 : memref<1x40x128xf32, #tpu.memory_space<hbm>> -> memref<40x128xf32, #tpu.memory_space<hbm>>
      %dma_start3A_1314 = arith.constant 0 : i32
      %dma_start3A_1315 = tpu.memref_slice %arg5[%add3A_1305, %mul3A_1307, %dma_start3A_1314] : memref<1024x200x128xf32, #tpu.memory_space<hbm>> -> memref<1x40x128xf32, #tpu.memory_space<hbm>>
      %dma_start3A_1316 = tpu.memref_squeeze %dma_start3A_1315 : memref<1x40x128xf32, #tpu.memory_space<hbm>> -> memref<40x128xf32, #tpu.memory_space<hbm>>
      %dma_start3A_1317 = arith.constant 120 : i32
      %dma_start3A_1318 = arith.constant 0 : i32
      %dma_start3A_1319 = tpu.memref_slice %arg10[%dma_start3A_1317, %dma_start3A_1318] : memref<160x128xf32, #tpu.memory_space<vmem>> -> memref<40x128xf32, #tpu.memory_space<vmem>>
      tpu.enqueue_dma source(%dma_start3A_1319 : memref<40x128xf32, #tpu.memory_space<vmem>>) target(%dma_start3A_1316 : memref<40x128xf32, #tpu.memory_space<hbm>>) target_semaphore(%arg18 : memref<!tpu.dma_semaphore, #tpu.memory_space<semaphore_mem>>)
      %add3A_1320 = arith.constant 3 : i32
      %add3A_1321 = arith.addi %mul3A_764, %add3A_1320 : i32
      %div3A_1322 = arith.constant 5 : i32
      %div3A_1323 = arith.divsi %add3A_1321, %div3A_1322 : i32
      %rem3A_1324 = arith.constant 5 : i32
      %rem3A_1325 = arith.remsi %add3A_1321, %rem3A_1324 : i32
      %mul3A_1326 = arith.constant 4 : i32
      %mul3A_1327 = arith.muli %mul3A_1326, %div3A_1323 : i32
      %add3A_1328 = arith.constant 0 : i32
      %add3A_1329 = arith.addi %mul3A_1327, %add3A_1328 : i32
      %mul3A_1330 = arith.constant 5 : i32
      %mul3A_1331 = arith.muli %add3A_1329, %mul3A_1330 : i32
      %add3A_1332 = arith.addi %mul3A_1331, %rem3A_1325 : i32
      %dma_wait3A_1333 = arith.constant 0 : i32
      %dma_wait3A_1334 = arith.constant 0 : i32
      %dma_wait3A_1335 = tpu.memref_slice %arg11[%dma_wait3A_1333, %dma_wait3A_1334] : memref<160x128xf32, #tpu.memory_space<vmem>> -> memref<40x128xf32, #tpu.memory_space<vmem>>
      %dma_wait3A_1336 = arith.constant 0 : i32
      %dma_wait3A_1337 = tpu.memref_slice %arg6[%add3A_1332, %dma_wait3A_1336] : memref<160x40xi32, #tpu.memory_space<vmem>> -> memref<1x40xi32, #tpu.memory_space<vmem>>
      %dma_wait3A_1338 = tpu.memref_squeeze %dma_wait3A_1337 : memref<1x40xi32, #tpu.memory_space<vmem>> -> memref<40xi32, #tpu.memory_space<vmem>>
      %dma_wait3A_1339 = arith.constant 0 : i32
      %dma_wait3A_1340 = arith.constant 0 : i32
      %dma_wait3A_1341 = tpu.memref_slice %arg2[%dma_wait3A_1339, %dma_wait3A_1340] : memref<100000x128xf32, #tpu.memory_space<hbm>> -> memref<100000x128xf32, #tpu.memory_space<hbm>>
      tpu.wait_indirect_dma semaphore(%arg15 : memref<!tpu.dma_semaphore, #tpu.memory_space<semaphore_mem>>) src(%dma_wait3A_1341 : memref<100000x128xf32, #tpu.memory_space<hbm>>) dst(%dma_wait3A_1335 : memref<40x128xf32, #tpu.memory_space<vmem>>)
      %div3A_1342 = arith.constant 5 : i32
      %div3A_1343 = arith.divsi %add3A_1321, %div3A_1342 : i32
      %rem3A_1344 = arith.constant 5 : i32
      %rem3A_1345 = arith.remsi %add3A_1321, %rem3A_1344 : i32
      %mul3A_1346 = arith.constant 4 : i32
      %mul3A_1347 = arith.muli %mul3A_1346, %div3A_1343 : i32
      %add3A_1348 = arith.constant 1 : i32
      %add3A_1349 = arith.addi %mul3A_1347, %add3A_1348 : i32
      %mul3A_1350 = arith.constant 5 : i32
      %mul3A_1351 = arith.muli %add3A_1349, %mul3A_1350 : i32
      %add3A_1352 = arith.addi %mul3A_1351, %rem3A_1345 : i32
      %dma_wait3A_1353 = arith.constant 40 : i32
      %dma_wait3A_1354 = arith.constant 0 : i32
      %dma_wait3A_1355 = tpu.memref_slice %arg11[%dma_wait3A_1353, %dma_wait3A_1354] : memref<160x128xf32, #tpu.memory_space<vmem>> -> memref<40x128xf32, #tpu.memory_space<vmem>>
      %dma_wait3A_1356 = arith.constant 0 : i32
      %dma_wait3A_1357 = tpu.memref_slice %arg6[%add3A_1352, %dma_wait3A_1356] : memref<160x40xi32, #tpu.memory_space<vmem>> -> memref<1x40xi32, #tpu.memory_space<vmem>>
      %dma_wait3A_1358 = tpu.memref_squeeze %dma_wait3A_1357 : memref<1x40xi32, #tpu.memory_space<vmem>> -> memref<40xi32, #tpu.memory_space<vmem>>
      %dma_wait3A_1359 = arith.constant 0 : i32
      %dma_wait3A_1360 = arith.constant 0 : i32
      %dma_wait3A_1361 = tpu.memref_slice %arg2[%dma_wait3A_1359, %dma_wait3A_1360] : memref<100000x128xf32, #tpu.memory_space<hbm>> -> memref<100000x128xf32, #tpu.memory_space<hbm>>
      tpu.wait_indirect_dma semaphore(%arg15 : memref<!tpu.dma_semaphore, #tpu.memory_space<semaphore_mem>>) src(%dma_wait3A_1361 : memref<100000x128xf32, #tpu.memory_space<hbm>>) dst(%dma_wait3A_1355 : memref<40x128xf32, #tpu.memory_space<vmem>>)
      %div3A_1362 = arith.constant 5 : i32
      %div3A_1363 = arith.divsi %add3A_1321, %div3A_1362 : i32
      %rem3A_1364 = arith.constant 5 : i32
      %rem3A_1365 = arith.remsi %add3A_1321, %rem3A_1364 : i32
      %mul3A_1366 = arith.constant 4 : i32
      %mul3A_1367 = arith.muli %mul3A_1366, %div3A_1363 : i32
      %add3A_1368 = arith.constant 2 : i32
      %add3A_1369 = arith.addi %mul3A_1367, %add3A_1368 : i32
      %mul3A_1370 = arith.constant 5 : i32
      %mul3A_1371 = arith.muli %add3A_1369, %mul3A_1370 : i32
      %add3A_1372 = arith.addi %mul3A_1371, %rem3A_1365 : i32
      %dma_wait3A_1373 = arith.constant 80 : i32
      %dma_wait3A_1374 = arith.constant 0 : i32
      %dma_wait3A_1375 = tpu.memref_slice %arg11[%dma_wait3A_1373, %dma_wait3A_1374] : memref<160x128xf32, #tpu.memory_space<vmem>> -> memref<40x128xf32, #tpu.memory_space<vmem>>
      %dma_wait3A_1376 = arith.constant 0 : i32
      %dma_wait3A_1377 = tpu.memref_slice %arg6[%add3A_1372, %dma_wait3A_1376] : memref<160x40xi32, #tpu.memory_space<vmem>> -> memref<1x40xi32, #tpu.memory_space<vmem>>
      %dma_wait3A_1378 = tpu.memref_squeeze %dma_wait3A_1377 : memref<1x40xi32, #tpu.memory_space<vmem>> -> memref<40xi32, #tpu.memory_space<vmem>>
      %dma_wait3A_1379 = arith.constant 0 : i32
      %dma_wait3A_1380 = arith.constant 0 : i32
      %dma_wait3A_1381 = tpu.memref_slice %arg2[%dma_wait3A_1379, %dma_wait3A_1380] : memref<100000x128xf32, #tpu.memory_space<hbm>> -> memref<100000x128xf32, #tpu.memory_space<hbm>>
      tpu.wait_indirect_dma semaphore(%arg15 : memref<!tpu.dma_semaphore, #tpu.memory_space<semaphore_mem>>) src(%dma_wait3A_1381 : memref<100000x128xf32, #tpu.memory_space<hbm>>) dst(%dma_wait3A_1375 : memref<40x128xf32, #tpu.memory_space<vmem>>)
      %div3A_1382 = arith.constant 5 : i32
      %div3A_1383 = arith.divsi %add3A_1321, %div3A_1382 : i32
      %rem3A_1384 = arith.constant 5 : i32
      %rem3A_1385 = arith.remsi %add3A_1321, %rem3A_1384 : i32
      %mul3A_1386 = arith.constant 4 : i32
      %mul3A_1387 = arith.muli %mul3A_1386, %div3A_1383 : i32
      %add3A_1388 = arith.constant 3 : i32
      %add3A_1389 = arith.addi %mul3A_1387, %add3A_1388 : i32
      %mul3A_1390 = arith.constant 5 : i32
      %mul3A_1391 = arith.muli %add3A_1389, %mul3A_1390 : i32
      %add3A_1392 = arith.addi %mul3A_1391, %rem3A_1385 : i32
      %dma_wait3A_1393 = arith.constant 120 : i32
      %dma_wait3A_1394 = arith.constant 0 : i32
      %dma_wait3A_1395 = tpu.memref_slice %arg11[%dma_wait3A_1393, %dma_wait3A_1394] : memref<160x128xf32, #tpu.memory_space<vmem>> -> memref<40x128xf32, #tpu.memory_space<vmem>>
      %dma_wait3A_1396 = arith.constant 0 : i32
      %dma_wait3A_1397 = tpu.memref_slice %arg6[%add3A_1392, %dma_wait3A_1396] : memref<160x40xi32, #tpu.memory_space<vmem>> -> memref<1x40xi32, #tpu.memory_space<vmem>>
      %dma_wait3A_1398 = tpu.memref_squeeze %dma_wait3A_1397 : memref<1x40xi32, #tpu.memory_space<vmem>> -> memref<40xi32, #tpu.memory_space<vmem>>
      %dma_wait3A_1399 = arith.constant 0 : i32
      %dma_wait3A_1400 = arith.constant 0 : i32
      %dma_wait3A_1401 = tpu.memref_slice %arg2[%dma_wait3A_1399, %dma_wait3A_1400] : memref<100000x128xf32, #tpu.memory_space<hbm>> -> memref<100000x128xf32, #tpu.memory_space<hbm>>
      tpu.wait_indirect_dma semaphore(%arg15 : memref<!tpu.dma_semaphore, #tpu.memory_space<semaphore_mem>>) src(%dma_wait3A_1401 : memref<100000x128xf32, #tpu.memory_space<hbm>>) dst(%dma_wait3A_1395 : memref<40x128xf32, #tpu.memory_space<vmem>>)
      %rem3A_1402 = arith.constant 5 : i32
      %rem3A_1403 = arith.remsi %add3A_1321, %rem3A_1402 : i32
      %mul3A_1404 = arith.constant 40 : i32
      %mul3A_1405 = arith.muli %rem3A_1403, %mul3A_1404 : i32
      %scan3A_1406 = arith.constant 0 : i32
      %scan3A_1407 = arith.constant 0 : i32
      %scan3A_1408 = arith.constant 40 : i32
      %scan3A_1409 = arith.addi %scan3A_1407, %scan3A_1408 : i32
      %scan3A_1410 = arith.constant 1 : i32
      %scan3A_1411 = scf.for %scan3A_1539 = %scan3A_1407 to %scan3A_1409 step %scan3A_1410 iter_args(%scan3A_1540 = %scan3A_1406) -> (i32)  : i32 {
        %add3A_1541 = arith.addi %mul3A_1405, %scan3A_1539 : i32
        %get3A = arith.index_cast %add3A_1541 : i32 to index
        %get3A_1542 = arith.constant 0 : index
        %get3A_1543 = tpu.vector_load %arg7[%get3A, %get3A_1542] {strides = array<i32>} : memref<200x128xf32, #tpu.memory_space<vmem>>, vector<1x16xf32>,
        %get3A_1544 = vector.shape_cast %get3A_1543 : vector<1x16xf32> to vector<16xf32>
        %add3A_1545 = arith.addi %mul3A_1405, %scan3A_1539 : i32
        %get3A_1546 = arith.index_cast %add3A_1545 : i32 to index
        %get3A_1547 = arith.constant 16 : index
        %get3A_1548 = tpu.vector_load %arg7[%get3A_1546, %get3A_1547] {strides = array<i32>} : memref<200x128xf32, #tpu.memory_space<vmem>>, vector<1x16xf32>,
        %get3A_1549 = vector.shape_cast %get3A_1548 : vector<1x16xf32> to vector<16xf32>
        %add3A_1550 = arith.addi %mul3A_1405, %scan3A_1539 : i32
        %get3A_1551 = arith.index_cast %add3A_1550 : i32 to index
        %get3A_1552 = arith.constant 32 : index
        %get3A_1553 = tpu.vector_load %arg7[%get3A_1551, %get3A_1552] {strides = array<i32>} : memref<200x128xf32, #tpu.memory_space<vmem>>, vector<1x16xf32>,
        %get3A_1554 = vector.shape_cast %get3A_1553 : vector<1x16xf32> to vector<16xf32>
        %add3A_1555 = arith.addi %mul3A_1405, %scan3A_1539 : i32
        %get3A_1556 = arith.index_cast %add3A_1555 : i32 to index
        %get3A_1557 = arith.constant 48 : index
        %get3A_1558 = tpu.vector_load %arg7[%get3A_1556, %get3A_1557] {strides = array<i32>} : memref<200x128xf32, #tpu.memory_space<vmem>>, vector<1x16xf32>,
        %get3A_1559 = vector.shape_cast %get3A_1558 : vector<1x16xf32> to vector<16xf32>
        %add3A_1560 = arith.addi %mul3A_1405, %scan3A_1539 : i32
        %get3A_1561 = arith.index_cast %add3A_1560 : i32 to index
        %get3A_1562 = arith.constant 64 : index
        %get3A_1563 = tpu.vector_load %arg7[%get3A_1561, %get3A_1562] {strides = array<i32>} : memref<200x128xf32, #tpu.memory_space<vmem>>, vector<1x16xf32>,
        %get3A_1564 = vector.shape_cast %get3A_1563 : vector<1x16xf32> to vector<16xf32>
        %add3A_1565 = arith.addi %mul3A_1405, %scan3A_1539 : i32
        %get3A_1566 = arith.index_cast %add3A_1565 : i32 to index
        %get3A_1567 = arith.constant 80 : index
        %get3A_1568 = tpu.vector_load %arg7[%get3A_1566, %get3A_1567] {strides = array<i32>} : memref<200x128xf32, #tpu.memory_space<vmem>>, vector<1x16xf32>,
        %get3A_1569 = vector.shape_cast %get3A_1568 : vector<1x16xf32> to vector<16xf32>
        %add3A_1570 = arith.addi %mul3A_1405, %scan3A_1539 : i32
        %get3A_1571 = arith.index_cast %add3A_1570 : i32 to index
        %get3A_1572 = arith.constant 96 : index
        %get3A_1573 = tpu.vector_load %arg7[%get3A_1571, %get3A_1572] {strides = array<i32>} : memref<200x128xf32, #tpu.memory_space<vmem>>, vector<1x16xf32>,
        %get3A_1574 = vector.shape_cast %get3A_1573 : vector<1x16xf32> to vector<16xf32>
        %add3A_1575 = arith.addi %mul3A_1405, %scan3A_1539 : i32
        %get3A_1576 = arith.index_cast %add3A_1575 : i32 to index
        %get3A_1577 = arith.constant 112 : index
        %get3A_1578 = tpu.vector_load %arg7[%get3A_1576, %get3A_1577] {strides = array<i32>} : memref<200x128xf32, #tpu.memory_space<vmem>>, vector<1x16xf32>,
        %get3A_1579 = vector.shape_cast %get3A_1578 : vector<1x16xf32> to vector<16xf32>
        %add3A_1580 = arith.constant 0 : i32
        %add3A_1581 = arith.addi %add3A_1580, %scan3A_1539 : i32
        %get3A_1582 = arith.index_cast %add3A_1581 : i32 to index
        %get3A_1583 = arith.constant 0 : index
        %get3A_1584 = tpu.vector_load %arg11[%get3A_1582, %get3A_1583] {strides = array<i32>} : memref<160x128xf32, #tpu.memory_space<vmem>>, vector<1x16xf32>,
        %get3A_1585 = vector.shape_cast %get3A_1584 : vector<1x16xf32> to vector<16xf32>
        %get3A_1586 = arith.index_cast %add3A_1581 : i32 to index
        %get3A_1587 = arith.constant 16 : index
        %get3A_1588 = tpu.vector_load %arg11[%get3A_1586, %get3A_1587] {strides = array<i32>} : memref<160x128xf32, #tpu.memory_space<vmem>>, vector<1x16xf32>,
        %get3A_1589 = vector.shape_cast %get3A_1588 : vector<1x16xf32> to vector<16xf32>
        %get3A_1590 = arith.index_cast %add3A_1581 : i32 to index
        %get3A_1591 = arith.constant 32 : index
        %get3A_1592 = tpu.vector_load %arg11[%get3A_1590, %get3A_1591] {strides = array<i32>} : memref<160x128xf32, #tpu.memory_space<vmem>>, vector<1x16xf32>,
        %get3A_1593 = vector.shape_cast %get3A_1592 : vector<1x16xf32> to vector<16xf32>
        %get3A_1594 = arith.index_cast %add3A_1581 : i32 to index
        %get3A_1595 = arith.constant 48 : index
        %get3A_1596 = tpu.vector_load %arg11[%get3A_1594, %get3A_1595] {strides = array<i32>} : memref<160x128xf32, #tpu.memory_space<vmem>>, vector<1x16xf32>,
        %get3A_1597 = vector.shape_cast %get3A_1596 : vector<1x16xf32> to vector<16xf32>
        %get3A_1598 = arith.index_cast %add3A_1581 : i32 to index
        %get3A_1599 = arith.constant 64 : index
        %get3A_1600 = tpu.vector_load %arg11[%get3A_1598, %get3A_1599] {strides = array<i32>} : memref<160x128xf32, #tpu.memory_space<vmem>>, vector<1x16xf32>,
        %get3A_1601 = vector.shape_cast %get3A_1600 : vector<1x16xf32> to vector<16xf32>
        %get3A_1602 = arith.index_cast %add3A_1581 : i32 to index
        %get3A_1603 = arith.constant 80 : index
        %get3A_1604 = tpu.vector_load %arg11[%get3A_1602, %get3A_1603] {strides = array<i32>} : memref<160x128xf32, #tpu.memory_space<vmem>>, vector<1x16xf32>,
        %get3A_1605 = vector.shape_cast %get3A_1604 : vector<1x16xf32> to vector<16xf32>
        %get3A_1606 = arith.index_cast %add3A_1581 : i32 to index
        %get3A_1607 = arith.constant 96 : index
        %get3A_1608 = tpu.vector_load %arg11[%get3A_1606, %get3A_1607] {strides = array<i32>} : memref<160x128xf32, #tpu.memory_space<vmem>>, vector<1x16xf32>,
        %get3A_1609 = vector.shape_cast %get3A_1608 : vector<1x16xf32> to vector<16xf32>
        %get3A_1610 = arith.index_cast %add3A_1581 : i32 to index
        %get3A_1611 = arith.constant 112 : index
        %get3A_1612 = tpu.vector_load %arg11[%get3A_1610, %get3A_1611] {strides = array<i32>} : memref<160x128xf32, #tpu.memory_space<vmem>>, vector<1x16xf32>,
        %get3A_1613 = vector.shape_cast %get3A_1612 : vector<1x16xf32> to vector<16xf32>
        %add3A_1614 = arith.addf %get3A_1585, %get3A_1544 : vector<16xf32>
        %swap3A = arith.index_cast %add3A_1581 : i32 to index
        %swap3A_1615 = arith.constant 0 : index
        %swap3A_1616 = tpu.vector_load %arg11[%swap3A, %swap3A_1615] {strides = array<i32>} : memref<160x128xf32, #tpu.memory_space<vmem>>, vector<1x16xf32>,
        %swap3A_1617 = vector.shape_cast %swap3A_1616 : vector<1x16xf32> to vector<16xf32>
        %swap3A_1618 = vector.shape_cast %add3A_1614 : vector<16xf32> to vector<1x16xf32>
        tpu.vector_store %arg11[%swap3A, %swap3A_1615], %swap3A_1618 {strides = array<i32>} : memref<160x128xf32, #tpu.memory_space<vmem>>, vector<1x16xf32>,
        %add3A_1619 = arith.addf %get3A_1589, %get3A_1549 : vector<16xf32>
        %swap3A_1620 = arith.index_cast %add3A_1581 : i32 to index
        %swap3A_1621 = arith.constant 16 : index
        %swap3A_1622 = tpu.vector_load %arg11[%swap3A_1620, %swap3A_1621] {strides = array<i32>} : memref<160x128xf32, #tpu.memory_space<vmem>>, vector<1x16xf32>,
        %swap3A_1623 = vector.shape_cast %swap3A_1622 : vector<1x16xf32> to vector<16xf32>
        %swap3A_1624 = vector.shape_cast %add3A_1619 : vector<16xf32> to vector<1x16xf32>
        tpu.vector_store %arg11[%swap3A_1620, %swap3A_1621], %swap3A_1624 {strides = array<i32>} : memref<160x128xf32, #tpu.memory_space<vmem>>, vector<1x16xf32>,
        %add3A_1625 = arith.addf %get3A_1593, %get3A_1554 : vector<16xf32>
        %swap3A_1626 = arith.index_cast %add3A_1581 : i32 to index
        %swap3A_1627 = arith.constant 32 : index
        %swap3A_1628 = tpu.vector_load %arg11[%swap3A_1626, %swap3A_1627] {strides = array<i32>} : memref<160x128xf32, #tpu.memory_space<vmem>>, vector<1x16xf32>,
        %swap3A_1629 = vector.shape_cast %swap3A_1628 : vector<1x16xf32> to vector<16xf32>
        %swap3A_1630 = vector.shape_cast %add3A_1625 : vector<16xf32> to vector<1x16xf32>
        tpu.vector_store %arg11[%swap3A_1626, %swap3A_1627], %swap3A_1630 {strides = array<i32>} : memref<160x128xf32, #tpu.memory_space<vmem>>, vector<1x16xf32>,
        %add3A_1631 = arith.addf %get3A_1597, %get3A_1559 : vector<16xf32>
        %swap3A_1632 = arith.index_cast %add3A_1581 : i32 to index
        %swap3A_1633 = arith.constant 48 : index
        %swap3A_1634 = tpu.vector_load %arg11[%swap3A_1632, %swap3A_1633] {strides = array<i32>} : memref<160x128xf32, #tpu.memory_space<vmem>>, vector<1x16xf32>,
        %swap3A_1635 = vector.shape_cast %swap3A_1634 : vector<1x16xf32> to vector<16xf32>
        %swap3A_1636 = vector.shape_cast %add3A_1631 : vector<16xf32> to vector<1x16xf32>
        tpu.vector_store %arg11[%swap3A_1632, %swap3A_1633], %swap3A_1636 {strides = array<i32>} : memref<160x128xf32, #tpu.memory_space<vmem>>, vector<1x16xf32>,
        %add3A_1637 = arith.addf %get3A_1601, %get3A_1564 : vector<16xf32>
        %swap3A_1638 = arith.index_cast %add3A_1581 : i32 to index
        %swap3A_1639 = arith.constant 64 : index
        %swap3A_1640 = tpu.vector_load %arg11[%swap3A_1638, %swap3A_1639] {strides = array<i32>} : memref<160x128xf32, #tpu.memory_space<vmem>>, vector<1x16xf32>,
        %swap3A_1641 = vector.shape_cast %swap3A_1640 : vector<1x16xf32> to vector<16xf32>
        %swap3A_1642 = vector.shape_cast %add3A_1637 : vector<16xf32> to vector<1x16xf32>
        tpu.vector_store %arg11[%swap3A_1638, %swap3A_1639], %swap3A_1642 {strides = array<i32>} : memref<160x128xf32, #tpu.memory_space<vmem>>, vector<1x16xf32>,
        %add3A_1643 = arith.addf %get3A_1605, %get3A_1569 : vector<16xf32>
        %swap3A_1644 = arith.index_cast %add3A_1581 : i32 to index
        %swap3A_1645 = arith.constant 80 : index
        %swap3A_1646 = tpu.vector_load %arg11[%swap3A_1644, %swap3A_1645] {strides = array<i32>} : memref<160x128xf32, #tpu.memory_space<vmem>>, vector<1x16xf32>,
        %swap3A_1647 = vector.shape_cast %swap3A_1646 : vector<1x16xf32> to vector<16xf32>
        %swap3A_1648 = vector.shape_cast %add3A_1643 : vector<16xf32> to vector<1x16xf32>
        tpu.vector_store %arg11[%swap3A_1644, %swap3A_1645], %swap3A_1648 {strides = array<i32>} : memref<160x128xf32, #tpu.memory_space<vmem>>, vector<1x16xf32>,
        %add3A_1649 = arith.addf %get3A_1609, %get3A_1574 : vector<16xf32>
        %swap3A_1650 = arith.index_cast %add3A_1581 : i32 to index
        %swap3A_1651 = arith.constant 96 : index
        %swap3A_1652 = tpu.vector_load %arg11[%swap3A_1650, %swap3A_1651] {strides = array<i32>} : memref<160x128xf32, #tpu.memory_space<vmem>>, vector<1x16xf32>,
        %swap3A_1653 = vector.shape_cast %swap3A_1652 : vector<1x16xf32> to vector<16xf32>
        %swap3A_1654 = vector.shape_cast %add3A_1649 : vector<16xf32> to vector<1x16xf32>
        tpu.vector_store %arg11[%swap3A_1650, %swap3A_1651], %swap3A_1654 {strides = array<i32>} : memref<160x128xf32, #tpu.memory_space<vmem>>, vector<1x16xf32>,
        %add3A_1655 = arith.addf %get3A_1613, %get3A_1579 : vector<16xf32>
        %swap3A_1656 = arith.index_cast %add3A_1581 : i32 to index
        %swap3A_1657 = arith.constant 112 : index
        %swap3A_1658 = tpu.vector_load %arg11[%swap3A_1656, %swap3A_1657] {strides = array<i32>} : memref<160x128xf32, #tpu.memory_space<vmem>>, vector<1x16xf32>,
        %swap3A_1659 = vector.shape_cast %swap3A_1658 : vector<1x16xf32> to vector<16xf32>
        %swap3A_1660 = vector.shape_cast %add3A_1655 : vector<16xf32> to vector<1x16xf32>
        tpu.vector_store %arg11[%swap3A_1656, %swap3A_1657], %swap3A_1660 {strides = array<i32>} : memref<160x128xf32, #tpu.memory_space<vmem>>, vector<1x16xf32>,
        %add3A_1661 = arith.constant 40 : i32
        %add3A_1662 = arith.addi %add3A_1661, %scan3A_1539 : i32
        %get3A_1663 = arith.index_cast %add3A_1662 : i32 to index
        %get3A_1664 = arith.constant 0 : index
        %get3A_1665 = tpu.vector_load %arg11[%get3A_1663, %get3A_1664] {strides = array<i32>} : memref<160x128xf32, #tpu.memory_space<vmem>>, vector<1x16xf32>,
        %get3A_1666 = vector.shape_cast %get3A_1665 : vector<1x16xf32> to vector<16xf32>
        %get3A_1667 = arith.index_cast %add3A_1662 : i32 to index
        %get3A_1668 = arith.constant 16 : index
        %get3A_1669 = tpu.vector_load %arg11[%get3A_1667, %get3A_1668] {strides = array<i32>} : memref<160x128xf32, #tpu.memory_space<vmem>>, vector<1x16xf32>,
        %get3A_1670 = vector.shape_cast %get3A_1669 : vector<1x16xf32> to vector<16xf32>
        %get3A_1671 = arith.index_cast %add3A_1662 : i32 to index
        %get3A_1672 = arith.constant 32 : index
        %get3A_1673 = tpu.vector_load %arg11[%get3A_1671, %get3A_1672] {strides = array<i32>} : memref<160x128xf32, #tpu.memory_space<vmem>>, vector<1x16xf32>,
        %get3A_1674 = vector.shape_cast %get3A_1673 : vector<1x16xf32> to vector<16xf32>
        %get3A_1675 = arith.index_cast %add3A_1662 : i32 to index
        %get3A_1676 = arith.constant 48 : index
        %get3A_1677 = tpu.vector_load %arg11[%get3A_1675, %get3A_1676] {strides = array<i32>} : memref<160x128xf32, #tpu.memory_space<vmem>>, vector<1x16xf32>,
        %get3A_1678 = vector.shape_cast %get3A_1677 : vector<1x16xf32> to vector<16xf32>
        %get3A_1679 = arith.index_cast %add3A_1662 : i32 to index
        %get3A_1680 = arith.constant 64 : index
        %get3A_1681 = tpu.vector_load %arg11[%get3A_1679, %get3A_1680] {strides = array<i32>} : memref<160x128xf32, #tpu.memory_space<vmem>>, vector<1x16xf32>,
        %get3A_1682 = vector.shape_cast %get3A_1681 : vector<1x16xf32> to vector<16xf32>
        %get3A_1683 = arith.index_cast %add3A_1662 : i32 to index
        %get3A_1684 = arith.constant 80 : index
        %get3A_1685 = tpu.vector_load %arg11[%get3A_1683, %get3A_1684] {strides = array<i32>} : memref<160x128xf32, #tpu.memory_space<vmem>>, vector<1x16xf32>,
        %get3A_1686 = vector.shape_cast %get3A_1685 : vector<1x16xf32> to vector<16xf32>
        %get3A_1687 = arith.index_cast %add3A_1662 : i32 to index
        %get3A_1688 = arith.constant 96 : index
        %get3A_1689 = tpu.vector_load %arg11[%get3A_1687, %get3A_1688] {strides = array<i32>} : memref<160x128xf32, #tpu.memory_space<vmem>>, vector<1x16xf32>,
        %get3A_1690 = vector.shape_cast %get3A_1689 : vector<1x16xf32> to vector<16xf32>
        %get3A_1691 = arith.index_cast %add3A_1662 : i32 to index
        %get3A_1692 = arith.constant 112 : index
        %get3A_1693 = tpu.vector_load %arg11[%get3A_1691, %get3A_1692] {strides = array<i32>} : memref<160x128xf32, #tpu.memory_space<vmem>>, vector<1x16xf32>,
        %get3A_1694 = vector.shape_cast %get3A_1693 : vector<1x16xf32> to vector<16xf32>
        %add3A_1695 = arith.addf %get3A_1666, %get3A_1544 : vector<16xf32>
        %swap3A_1696 = arith.index_cast %add3A_1662 : i32 to index
        %swap3A_1697 = arith.constant 0 : index
        %swap3A_1698 = tpu.vector_load %arg11[%swap3A_1696, %swap3A_1697] {strides = array<i32>} : memref<160x128xf32, #tpu.memory_space<vmem>>, vector<1x16xf32>,
        %swap3A_1699 = vector.shape_cast %swap3A_1698 : vector<1x16xf32> to vector<16xf32>
        %swap3A_1700 = vector.shape_cast %add3A_1695 : vector<16xf32> to vector<1x16xf32>
        tpu.vector_store %arg11[%swap3A_1696, %swap3A_1697], %swap3A_1700 {strides = array<i32>} : memref<160x128xf32, #tpu.memory_space<vmem>>, vector<1x16xf32>,
        %add3A_1701 = arith.addf %get3A_1670, %get3A_1549 : vector<16xf32>
        %swap3A_1702 = arith.index_cast %add3A_1662 : i32 to index
        %swap3A_1703 = arith.constant 16 : index
        %swap3A_1704 = tpu.vector_load %arg11[%swap3A_1702, %swap3A_1703] {strides = array<i32>} : memref<160x128xf32, #tpu.memory_space<vmem>>, vector<1x16xf32>,
        %swap3A_1705 = vector.shape_cast %swap3A_1704 : vector<1x16xf32> to vector<16xf32>
        %swap3A_1706 = vector.shape_cast %add3A_1701 : vector<16xf32> to vector<1x16xf32>
        tpu.vector_store %arg11[%swap3A_1702, %swap3A_1703], %swap3A_1706 {strides = array<i32>} : memref<160x128xf32, #tpu.memory_space<vmem>>, vector<1x16xf32>,
        %add3A_1707 = arith.addf %get3A_1674, %get3A_1554 : vector<16xf32>
        %swap3A_1708 = arith.index_cast %add3A_1662 : i32 to index
        %swap3A_1709 = arith.constant 32 : index
        %swap3A_1710 = tpu.vector_load %arg11[%swap3A_1708, %swap3A_1709] {strides = array<i32>} : memref<160x128xf32, #tpu.memory_space<vmem>>, vector<1x16xf32>,
        %swap3A_1711 = vector.shape_cast %swap3A_1710 : vector<1x16xf32> to vector<16xf32>
        %swap3A_1712 = vector.shape_cast %add3A_1707 : vector<16xf32> to vector<1x16xf32>
        tpu.vector_store %arg11[%swap3A_1708, %swap3A_1709], %swap3A_1712 {strides = array<i32>} : memref<160x128xf32, #tpu.memory_space<vmem>>, vector<1x16xf32>,
        %add3A_1713 = arith.addf %get3A_1678, %get3A_1559 : vector<16xf32>
        %swap3A_1714 = arith.index_cast %add3A_1662 : i32 to index
        %swap3A_1715 = arith.constant 48 : index
        %swap3A_1716 = tpu.vector_load %arg11[%swap3A_1714, %swap3A_1715] {strides = array<i32>} : memref<160x128xf32, #tpu.memory_space<vmem>>, vector<1x16xf32>,
        %swap3A_1717 = vector.shape_cast %swap3A_1716 : vector<1x16xf32> to vector<16xf32>
        %swap3A_1718 = vector.shape_cast %add3A_1713 : vector<16xf32> to vector<1x16xf32>
        tpu.vector_store %arg11[%swap3A_1714, %swap3A_1715], %swap3A_1718 {strides = array<i32>} : memref<160x128xf32, #tpu.memory_space<vmem>>, vector<1x16xf32>,
        %add3A_1719 = arith.addf %get3A_1682, %get3A_1564 : vector<16xf32>
        %swap3A_1720 = arith.index_cast %add3A_1662 : i32 to index
        %swap3A_1721 = arith.constant 64 : index
        %swap3A_1722 = tpu.vector_load %arg11[%swap3A_1720, %swap3A_1721] {strides = array<i32>} : memref<160x128xf32, #tpu.memory_space<vmem>>, vector<1x16xf32>,
        %swap3A_1723 = vector.shape_cast %swap3A_1722 : vector<1x16xf32> to vector<16xf32>
        %swap3A_1724 = vector.shape_cast %add3A_1719 : vector<16xf32> to vector<1x16xf32>
        tpu.vector_store %arg11[%swap3A_1720, %swap3A_1721], %swap3A_1724 {strides = array<i32>} : memref<160x128xf32, #tpu.memory_space<vmem>>, vector<1x16xf32>,
        %add3A_1725 = arith.addf %get3A_1686, %get3A_1569 : vector<16xf32>
        %swap3A_1726 = arith.index_cast %add3A_1662 : i32 to index
        %swap3A_1727 = arith.constant 80 : index
        %swap3A_1728 = tpu.vector_load %arg11[%swap3A_1726, %swap3A_1727] {strides = array<i32>} : memref<160x128xf32, #tpu.memory_space<vmem>>, vector<1x16xf32>,
        %swap3A_1729 = vector.shape_cast %swap3A_1728 : vector<1x16xf32> to vector<16xf32>
        %swap3A_1730 = vector.shape_cast %add3A_1725 : vector<16xf32> to vector<1x16xf32>
        tpu.vector_store %arg11[%swap3A_1726, %swap3A_1727], %swap3A_1730 {strides = array<i32>} : memref<160x128xf32, #tpu.memory_space<vmem>>, vector<1x16xf32>,
        %add3A_1731 = arith.addf %get3A_1690, %get3A_1574 : vector<16xf32>
        %swap3A_1732 = arith.index_cast %add3A_1662 : i32 to index
        %swap3A_1733 = arith.constant 96 : index
        %swap3A_1734 = tpu.vector_load %arg11[%swap3A_1732, %swap3A_1733] {strides = array<i32>} : memref<160x128xf32, #tpu.memory_space<vmem>>, vector<1x16xf32>,
        %swap3A_1735 = vector.shape_cast %swap3A_1734 : vector<1x16xf32> to vector<16xf32>
        %swap3A_1736 = vector.shape_cast %add3A_1731 : vector<16xf32> to vector<1x16xf32>
        tpu.vector_store %arg11[%swap3A_1732, %swap3A_1733], %swap3A_1736 {strides = array<i32>} : memref<160x128xf32, #tpu.memory_space<vmem>>, vector<1x16xf32>,
        %add3A_1737 = arith.addf %get3A_1694, %get3A_1579 : vector<16xf32>
        %swap3A_1738 = arith.index_cast %add3A_1662 : i32 to index
        %swap3A_1739 = arith.constant 112 : index
        %swap3A_1740 = tpu.vector_load %arg11[%swap3A_1738, %swap3A_1739] {strides = array<i32>} : memref<160x128xf32, #tpu.memory_space<vmem>>, vector<1x16xf32>,
        %swap3A_1741 = vector.shape_cast %swap3A_1740 : vector<1x16xf32> to vector<16xf32>
        %swap3A_1742 = vector.shape_cast %add3A_1737 : vector<16xf32> to vector<1x16xf32>
        tpu.vector_store %arg11[%swap3A_1738, %swap3A_1739], %swap3A_1742 {strides = array<i32>} : memref<160x128xf32, #tpu.memory_space<vmem>>, vector<1x16xf32>,
        %add3A_1743 = arith.constant 80 : i32
        %add3A_1744 = arith.addi %add3A_1743, %scan3A_1539 : i32
        %get3A_1745 = arith.index_cast %add3A_1744 : i32 to index
        %get3A_1746 = arith.constant 0 : index
        %get3A_1747 = tpu.vector_load %arg11[%get3A_1745, %get3A_1746] {strides = array<i32>} : memref<160x128xf32, #tpu.memory_space<vmem>>, vector<1x16xf32>,
        %get3A_1748 = vector.shape_cast %get3A_1747 : vector<1x16xf32> to vector<16xf32>
        %get3A_1749 = arith.index_cast %add3A_1744 : i32 to index
        %get3A_1750 = arith.constant 16 : index
        %get3A_1751 = tpu.vector_load %arg11[%get3A_1749, %get3A_1750] {strides = array<i32>} : memref<160x128xf32, #tpu.memory_space<vmem>>, vector<1x16xf32>,
        %get3A_1752 = vector.shape_cast %get3A_1751 : vector<1x16xf32> to vector<16xf32>
        %get3A_1753 = arith.index_cast %add3A_1744 : i32 to index
        %get3A_1754 = arith.constant 32 : index
        %get3A_1755 = tpu.vector_load %arg11[%get3A_1753, %get3A_1754] {strides = array<i32>} : memref<160x128xf32, #tpu.memory_space<vmem>>, vector<1x16xf32>,
        %get3A_1756 = vector.shape_cast %get3A_1755 : vector<1x16xf32> to vector<16xf32>
        %get3A_1757 = arith.index_cast %add3A_1744 : i32 to index
        %get3A_1758 = arith.constant 48 : index
        %get3A_1759 = tpu.vector_load %arg11[%get3A_1757, %get3A_1758] {strides = array<i32>} : memref<160x128xf32, #tpu.memory_space<vmem>>, vector<1x16xf32>,
        %get3A_1760 = vector.shape_cast %get3A_1759 : vector<1x16xf32> to vector<16xf32>
        %get3A_1761 = arith.index_cast %add3A_1744 : i32 to index
        %get3A_1762 = arith.constant 64 : index
        %get3A_1763 = tpu.vector_load %arg11[%get3A_1761, %get3A_1762] {strides = array<i32>} : memref<160x128xf32, #tpu.memory_space<vmem>>, vector<1x16xf32>,
        %get3A_1764 = vector.shape_cast %get3A_1763 : vector<1x16xf32> to vector<16xf32>
        %get3A_1765 = arith.index_cast %add3A_1744 : i32 to index
        %get3A_1766 = arith.constant 80 : index
        %get3A_1767 = tpu.vector_load %arg11[%get3A_1765, %get3A_1766] {strides = array<i32>} : memref<160x128xf32, #tpu.memory_space<vmem>>, vector<1x16xf32>,
        %get3A_1768 = vector.shape_cast %get3A_1767 : vector<1x16xf32> to vector<16xf32>
        %get3A_1769 = arith.index_cast %add3A_1744 : i32 to index
        %get3A_1770 = arith.constant 96 : index
        %get3A_1771 = tpu.vector_load %arg11[%get3A_1769, %get3A_1770] {strides = array<i32>} : memref<160x128xf32, #tpu.memory_space<vmem>>, vector<1x16xf32>,
        %get3A_1772 = vector.shape_cast %get3A_1771 : vector<1x16xf32> to vector<16xf32>
        %get3A_1773 = arith.index_cast %add3A_1744 : i32 to index
        %get3A_1774 = arith.constant 112 : index
        %get3A_1775 = tpu.vector_load %arg11[%get3A_1773, %get3A_1774] {strides = array<i32>} : memref<160x128xf32, #tpu.memory_space<vmem>>, vector<1x16xf32>,
        %get3A_1776 = vector.shape_cast %get3A_1775 : vector<1x16xf32> to vector<16xf32>
        %add3A_1777 = arith.addf %get3A_1748, %get3A_1544 : vector<16xf32>
        %swap3A_1778 = arith.index_cast %add3A_1744 : i32 to index
        %swap3A_1779 = arith.constant 0 : index
        %swap3A_1780 = tpu.vector_load %arg11[%swap3A_1778, %swap3A_1779] {strides = array<i32>} : memref<160x128xf32, #tpu.memory_space<vmem>>, vector<1x16xf32>,
        %swap3A_1781 = vector.shape_cast %swap3A_1780 : vector<1x16xf32> to vector<16xf32>
        %swap3A_1782 = vector.shape_cast %add3A_1777 : vector<16xf32> to vector<1x16xf32>
        tpu.vector_store %arg11[%swap3A_1778, %swap3A_1779], %swap3A_1782 {strides = array<i32>} : memref<160x128xf32, #tpu.memory_space<vmem>>, vector<1x16xf32>,
        %add3A_1783 = arith.addf %get3A_1752, %get3A_1549 : vector<16xf32>
        %swap3A_1784 = arith.index_cast %add3A_1744 : i32 to index
        %swap3A_1785 = arith.constant 16 : index
        %swap3A_1786 = tpu.vector_load %arg11[%swap3A_1784, %swap3A_1785] {strides = array<i32>} : memref<160x128xf32, #tpu.memory_space<vmem>>, vector<1x16xf32>,
        %swap3A_1787 = vector.shape_cast %swap3A_1786 : vector<1x16xf32> to vector<16xf32>
        %swap3A_1788 = vector.shape_cast %add3A_1783 : vector<16xf32> to vector<1x16xf32>
        tpu.vector_store %arg11[%swap3A_1784, %swap3A_1785], %swap3A_1788 {strides = array<i32>} : memref<160x128xf32, #tpu.memory_space<vmem>>, vector<1x16xf32>,
        %add3A_1789 = arith.addf %get3A_1756, %get3A_1554 : vector<16xf32>
        %swap3A_1790 = arith.index_cast %add3A_1744 : i32 to index
        %swap3A_1791 = arith.constant 32 : index
        %swap3A_1792 = tpu.vector_load %arg11[%swap3A_1790, %swap3A_1791] {strides = array<i32>} : memref<160x128xf32, #tpu.memory_space<vmem>>, vector<1x16xf32>,
        %swap3A_1793 = vector.shape_cast %swap3A_1792 : vector<1x16xf32> to vector<16xf32>
        %swap3A_1794 = vector.shape_cast %add3A_1789 : vector<16xf32> to vector<1x16xf32>
        tpu.vector_store %arg11[%swap3A_1790, %swap3A_1791], %swap3A_1794 {strides = array<i32>} : memref<160x128xf32, #tpu.memory_space<vmem>>, vector<1x16xf32>,
        %add3A_1795 = arith.addf %get3A_1760, %get3A_1559 : vector<16xf32>
        %swap3A_1796 = arith.index_cast %add3A_1744 : i32 to index
        %swap3A_1797 = arith.constant 48 : index
        %swap3A_1798 = tpu.vector_load %arg11[%swap3A_1796, %swap3A_1797] {strides = array<i32>} : memref<160x128xf32, #tpu.memory_space<vmem>>, vector<1x16xf32>,
        %swap3A_1799 = vector.shape_cast %swap3A_1798 : vector<1x16xf32> to vector<16xf32>
        %swap3A_1800 = vector.shape_cast %add3A_1795 : vector<16xf32> to vector<1x16xf32>
        tpu.vector_store %arg11[%swap3A_1796, %swap3A_1797], %swap3A_1800 {strides = array<i32>} : memref<160x128xf32, #tpu.memory_space<vmem>>, vector<1x16xf32>,
        %add3A_1801 = arith.addf %get3A_1764, %get3A_1564 : vector<16xf32>
        %swap3A_1802 = arith.index_cast %add3A_1744 : i32 to index
        %swap3A_1803 = arith.constant 64 : index
        %swap3A_1804 = tpu.vector_load %arg11[%swap3A_1802, %swap3A_1803] {strides = array<i32>} : memref<160x128xf32, #tpu.memory_space<vmem>>, vector<1x16xf32>,
        %swap3A_1805 = vector.shape_cast %swap3A_1804 : vector<1x16xf32> to vector<16xf32>
        %swap3A_1806 = vector.shape_cast %add3A_1801 : vector<16xf32> to vector<1x16xf32>
        tpu.vector_store %arg11[%swap3A_1802, %swap3A_1803], %swap3A_1806 {strides = array<i32>} : memref<160x128xf32, #tpu.memory_space<vmem>>, vector<1x16xf32>,
        %add3A_1807 = arith.addf %get3A_1768, %get3A_1569 : vector<16xf32>
        %swap3A_1808 = arith.index_cast %add3A_1744 : i32 to index
        %swap3A_1809 = arith.constant 80 : index
        %swap3A_1810 = tpu.vector_load %arg11[%swap3A_1808, %swap3A_1809] {strides = array<i32>} : memref<160x128xf32, #tpu.memory_space<vmem>>, vector<1x16xf32>,
        %swap3A_1811 = vector.shape_cast %swap3A_1810 : vector<1x16xf32> to vector<16xf32>
        %swap3A_1812 = vector.shape_cast %add3A_1807 : vector<16xf32> to vector<1x16xf32>
        tpu.vector_store %arg11[%swap3A_1808, %swap3A_1809], %swap3A_1812 {strides = array<i32>} : memref<160x128xf32, #tpu.memory_space<vmem>>, vector<1x16xf32>,
        %add3A_1813 = arith.addf %get3A_1772, %get3A_1574 : vector<16xf32>
        %swap3A_1814 = arith.index_cast %add3A_1744 : i32 to index
        %swap3A_1815 = arith.constant 96 : index
        %swap3A_1816 = tpu.vector_load %arg11[%swap3A_1814, %swap3A_1815] {strides = array<i32>} : memref<160x128xf32, #tpu.memory_space<vmem>>, vector<1x16xf32>,
        %swap3A_1817 = vector.shape_cast %swap3A_1816 : vector<1x16xf32> to vector<16xf32>
        %swap3A_1818 = vector.shape_cast %add3A_1813 : vector<16xf32> to vector<1x16xf32>
        tpu.vector_store %arg11[%swap3A_1814, %swap3A_1815], %swap3A_1818 {strides = array<i32>} : memref<160x128xf32, #tpu.memory_space<vmem>>, vector<1x16xf32>,
        %add3A_1819 = arith.addf %get3A_1776, %get3A_1579 : vector<16xf32>
        %swap3A_1820 = arith.index_cast %add3A_1744 : i32 to index
        %swap3A_1821 = arith.constant 112 : index
        %swap3A_1822 = tpu.vector_load %arg11[%swap3A_1820, %swap3A_1821] {strides = array<i32>} : memref<160x128xf32, #tpu.memory_space<vmem>>, vector<1x16xf32>,
        %swap3A_1823 = vector.shape_cast %swap3A_1822 : vector<1x16xf32> to vector<16xf32>
        %swap3A_1824 = vector.shape_cast %add3A_1819 : vector<16xf32> to vector<1x16xf32>
        tpu.vector_store %arg11[%swap3A_1820, %swap3A_1821], %swap3A_1824 {strides = array<i32>} : memref<160x128xf32, #tpu.memory_space<vmem>>, vector<1x16xf32>,
        %add3A_1825 = arith.constant 120 : i32
        %add3A_1826 = arith.addi %add3A_1825, %scan3A_1539 : i32
        %get3A_1827 = arith.index_cast %add3A_1826 : i32 to index
        %get3A_1828 = arith.constant 0 : index
        %get3A_1829 = tpu.vector_load %arg11[%get3A_1827, %get3A_1828] {strides = array<i32>} : memref<160x128xf32, #tpu.memory_space<vmem>>, vector<1x16xf32>,
        %get3A_1830 = vector.shape_cast %get3A_1829 : vector<1x16xf32> to vector<16xf32>
        %get3A_1831 = arith.index_cast %add3A_1826 : i32 to index
        %get3A_1832 = arith.constant 16 : index
        %get3A_1833 = tpu.vector_load %arg11[%get3A_1831, %get3A_1832] {strides = array<i32>} : memref<160x128xf32, #tpu.memory_space<vmem>>, vector<1x16xf32>,
        %get3A_1834 = vector.shape_cast %get3A_1833 : vector<1x16xf32> to vector<16xf32>
        %get3A_1835 = arith.index_cast %add3A_1826 : i32 to index
        %get3A_1836 = arith.constant 32 : index
        %get3A_1837 = tpu.vector_load %arg11[%get3A_1835, %get3A_1836] {strides = array<i32>} : memref<160x128xf32, #tpu.memory_space<vmem>>, vector<1x16xf32>,
        %get3A_1838 = vector.shape_cast %get3A_1837 : vector<1x16xf32> to vector<16xf32>
        %get3A_1839 = arith.index_cast %add3A_1826 : i32 to index
        %get3A_1840 = arith.constant 48 : index
        %get3A_1841 = tpu.vector_load %arg11[%get3A_1839, %get3A_1840] {strides = array<i32>} : memref<160x128xf32, #tpu.memory_space<vmem>>, vector<1x16xf32>,
        %get3A_1842 = vector.shape_cast %get3A_1841 : vector<1x16xf32> to vector<16xf32>
        %get3A_1843 = arith.index_cast %add3A_1826 : i32 to index
        %get3A_1844 = arith.constant 64 : index
        %get3A_1845 = tpu.vector_load %arg11[%get3A_1843, %get3A_1844] {strides = array<i32>} : memref<160x128xf32, #tpu.memory_space<vmem>>, vector<1x16xf32>,
        %get3A_1846 = vector.shape_cast %get3A_1845 : vector<1x16xf32> to vector<16xf32>
        %get3A_1847 = arith.index_cast %add3A_1826 : i32 to index
        %get3A_1848 = arith.constant 80 : index
        %get3A_1849 = tpu.vector_load %arg11[%get3A_1847, %get3A_1848] {strides = array<i32>} : memref<160x128xf32, #tpu.memory_space<vmem>>, vector<1x16xf32>,
        %get3A_1850 = vector.shape_cast %get3A_1849 : vector<1x16xf32> to vector<16xf32>
        %get3A_1851 = arith.index_cast %add3A_1826 : i32 to index
        %get3A_1852 = arith.constant 96 : index
        %get3A_1853 = tpu.vector_load %arg11[%get3A_1851, %get3A_1852] {strides = array<i32>} : memref<160x128xf32, #tpu.memory_space<vmem>>, vector<1x16xf32>,
        %get3A_1854 = vector.shape_cast %get3A_1853 : vector<1x16xf32> to vector<16xf32>
        %get3A_1855 = arith.index_cast %add3A_1826 : i32 to index
        %get3A_1856 = arith.constant 112 : index
        %get3A_1857 = tpu.vector_load %arg11[%get3A_1855, %get3A_1856] {strides = array<i32>} : memref<160x128xf32, #tpu.memory_space<vmem>>, vector<1x16xf32>,
        %get3A_1858 = vector.shape_cast %get3A_1857 : vector<1x16xf32> to vector<16xf32>
        %add3A_1859 = arith.addf %get3A_1830, %get3A_1544 : vector<16xf32>
        %swap3A_1860 = arith.index_cast %add3A_1826 : i32 to index
        %swap3A_1861 = arith.constant 0 : index
        %swap3A_1862 = tpu.vector_load %arg11[%swap3A_1860, %swap3A_1861] {strides = array<i32>} : memref<160x128xf32, #tpu.memory_space<vmem>>, vector<1x16xf32>,
        %swap3A_1863 = vector.shape_cast %swap3A_1862 : vector<1x16xf32> to vector<16xf32>
        %swap3A_1864 = vector.shape_cast %add3A_1859 : vector<16xf32> to vector<1x16xf32>
        tpu.vector_store %arg11[%swap3A_1860, %swap3A_1861], %swap3A_1864 {strides = array<i32>} : memref<160x128xf32, #tpu.memory_space<vmem>>, vector<1x16xf32>,
        %add3A_1865 = arith.addf %get3A_1834, %get3A_1549 : vector<16xf32>
        %swap3A_1866 = arith.index_cast %add3A_1826 : i32 to index
        %swap3A_1867 = arith.constant 16 : index
        %swap3A_1868 = tpu.vector_load %arg11[%swap3A_1866, %swap3A_1867] {strides = array<i32>} : memref<160x128xf32, #tpu.memory_space<vmem>>, vector<1x16xf32>,
        %swap3A_1869 = vector.shape_cast %swap3A_1868 : vector<1x16xf32> to vector<16xf32>
        %swap3A_1870 = vector.shape_cast %add3A_1865 : vector<16xf32> to vector<1x16xf32>
        tpu.vector_store %arg11[%swap3A_1866, %swap3A_1867], %swap3A_1870 {strides = array<i32>} : memref<160x128xf32, #tpu.memory_space<vmem>>, vector<1x16xf32>,
        %add3A_1871 = arith.addf %get3A_1838, %get3A_1554 : vector<16xf32>
        %swap3A_1872 = arith.index_cast %add3A_1826 : i32 to index
        %swap3A_1873 = arith.constant 32 : index
        %swap3A_1874 = tpu.vector_load %arg11[%swap3A_1872, %swap3A_1873] {strides = array<i32>} : memref<160x128xf32, #tpu.memory_space<vmem>>, vector<1x16xf32>,
        %swap3A_1875 = vector.shape_cast %swap3A_1874 : vector<1x16xf32> to vector<16xf32>
        %swap3A_1876 = vector.shape_cast %add3A_1871 : vector<16xf32> to vector<1x16xf32>
        tpu.vector_store %arg11[%swap3A_1872, %swap3A_1873], %swap3A_1876 {strides = array<i32>} : memref<160x128xf32, #tpu.memory_space<vmem>>, vector<1x16xf32>,
        %add3A_1877 = arith.addf %get3A_1842, %get3A_1559 : vector<16xf32>
        %swap3A_1878 = arith.index_cast %add3A_1826 : i32 to index
        %swap3A_1879 = arith.constant 48 : index
        %swap3A_1880 = tpu.vector_load %arg11[%swap3A_1878, %swap3A_1879] {strides = array<i32>} : memref<160x128xf32, #tpu.memory_space<vmem>>, vector<1x16xf32>,
        %swap3A_1881 = vector.shape_cast %swap3A_1880 : vector<1x16xf32> to vector<16xf32>
        %swap3A_1882 = vector.shape_cast %add3A_1877 : vector<16xf32> to vector<1x16xf32>
        tpu.vector_store %arg11[%swap3A_1878, %swap3A_1879], %swap3A_1882 {strides = array<i32>} : memref<160x128xf32, #tpu.memory_space<vmem>>, vector<1x16xf32>,
        %add3A_1883 = arith.addf %get3A_1846, %get3A_1564 : vector<16xf32>
        %swap3A_1884 = arith.index_cast %add3A_1826 : i32 to index
        %swap3A_1885 = arith.constant 64 : index
        %swap3A_1886 = tpu.vector_load %arg11[%swap3A_1884, %swap3A_1885] {strides = array<i32>} : memref<160x128xf32, #tpu.memory_space<vmem>>, vector<1x16xf32>,
        %swap3A_1887 = vector.shape_cast %swap3A_1886 : vector<1x16xf32> to vector<16xf32>
        %swap3A_1888 = vector.shape_cast %add3A_1883 : vector<16xf32> to vector<1x16xf32>
        tpu.vector_store %arg11[%swap3A_1884, %swap3A_1885], %swap3A_1888 {strides = array<i32>} : memref<160x128xf32, #tpu.memory_space<vmem>>, vector<1x16xf32>,
        %add3A_1889 = arith.addf %get3A_1850, %get3A_1569 : vector<16xf32>
        %swap3A_1890 = arith.index_cast %add3A_1826 : i32 to index
        %swap3A_1891 = arith.constant 80 : index
        %swap3A_1892 = tpu.vector_load %arg11[%swap3A_1890, %swap3A_1891] {strides = array<i32>} : memref<160x128xf32, #tpu.memory_space<vmem>>, vector<1x16xf32>,
        %swap3A_1893 = vector.shape_cast %swap3A_1892 : vector<1x16xf32> to vector<16xf32>
        %swap3A_1894 = vector.shape_cast %add3A_1889 : vector<16xf32> to vector<1x16xf32>
        tpu.vector_store %arg11[%swap3A_1890, %swap3A_1891], %swap3A_1894 {strides = array<i32>} : memref<160x128xf32, #tpu.memory_space<vmem>>, vector<1x16xf32>,
        %add3A_1895 = arith.addf %get3A_1854, %get3A_1574 : vector<16xf32>
        %swap3A_1896 = arith.index_cast %add3A_1826 : i32 to index
        %swap3A_1897 = arith.constant 96 : index
        %swap3A_1898 = tpu.vector_load %arg11[%swap3A_1896, %swap3A_1897] {strides = array<i32>} : memref<160x128xf32, #tpu.memory_space<vmem>>, vector<1x16xf32>,
        %swap3A_1899 = vector.shape_cast %swap3A_1898 : vector<1x16xf32> to vector<16xf32>
        %swap3A_1900 = vector.shape_cast %add3A_1895 : vector<16xf32> to vector<1x16xf32>
        tpu.vector_store %arg11[%swap3A_1896, %swap3A_1897], %swap3A_1900 {strides = array<i32>} : memref<160x128xf32, #tpu.memory_space<vmem>>, vector<1x16xf32>,
        %add3A_1901 = arith.addf %get3A_1858, %get3A_1579 : vector<16xf32>
        %swap3A_1902 = arith.index_cast %add3A_1826 : i32 to index
        %swap3A_1903 = arith.constant 112 : index
        %swap3A_1904 = tpu.vector_load %arg11[%swap3A_1902, %swap3A_1903] {strides = array<i32>} : memref<160x128xf32, #tpu.memory_space<vmem>>, vector<1x16xf32>,
        %swap3A_1905 = vector.shape_cast %swap3A_1904 : vector<1x16xf32> to vector<16xf32>
        %swap3A_1906 = vector.shape_cast %add3A_1901 : vector<16xf32> to vector<1x16xf32>
        tpu.vector_store %arg11[%swap3A_1902, %swap3A_1903], %swap3A_1906 {strides = array<i32>} : memref<160x128xf32, #tpu.memory_space<vmem>>, vector<1x16xf32>,
        %scan3A_1907 = arith.constant 0 : i32
        scf.yield %scan3A_1907 : i32
      }
      %scan3A_1412 = arith.constant 40 : i32
      %div3A_1413 = arith.constant 5 : i32
      %div3A_1414 = arith.divsi %add3A_1321, %div3A_1413 : i32
      %rem3A_1415 = arith.constant 5 : i32
      %rem3A_1416 = arith.remsi %add3A_1321, %rem3A_1415 : i32
      %mul3A_1417 = arith.constant 4 : i32
      %mul3A_1418 = arith.muli %mul3A_1417, %div3A_1414 : i32
      %add3A_1419 = arith.addi %mul3A_6, %mul3A_1418 : i32
      %add3A_1420 = arith.constant 0 : i32
      %add3A_1421 = arith.addi %add3A_1419, %add3A_1420 : i32
      %mul3A_1422 = arith.constant 40 : i32
      %mul3A_1423 = arith.muli %rem3A_1416, %mul3A_1422 : i32
      %dma_start3A_1424 = arith.constant 0 : i32
      %dma_start3A_1425 = arith.constant 0 : i32
      %dma_start3A_1426 = tpu.memref_slice %arg11[%dma_start3A_1424, %dma_start3A_1425] : memref<160x128xf32, #tpu.memory_space<vmem>> -> memref<40x128xf32, #tpu.memory_space<vmem>>
      %dma_start3A_1427 = arith.constant 0 : i32
      %dma_start3A_1428 = tpu.memref_slice %arg5[%add3A_1421, %mul3A_1423, %dma_start3A_1427] : memref<1024x200x128xf32, #tpu.memory_space<hbm>> -> memref<1x40x128xf32, #tpu.memory_space<hbm>>
      %dma_start3A_1429 = tpu.memref_squeeze %dma_start3A_1428 : memref<1x40x128xf32, #tpu.memory_space<hbm>> -> memref<40x128xf32, #tpu.memory_space<hbm>>
      %dma_start3A_1430 = arith.constant 0 : i32
      %dma_start3A_1431 = tpu.memref_slice %arg5[%add3A_1421, %mul3A_1423, %dma_start3A_1430] : memref<1024x200x128xf32, #tpu.memory_space<hbm>> -> memref<1x40x128xf32, #tpu.memory_space<hbm>>
      %dma_start3A_1432 = tpu.memref_squeeze %dma_start3A_1431 : memref<1x40x128xf32, #tpu.memory_space<hbm>> -> memref<40x128xf32, #tpu.memory_space<hbm>>
      %dma_start3A_1433 = arith.constant 0 : i32
      %dma_start3A_1434 = arith.constant 0 : i32
      %dma_start3A_1435 = tpu.memref_slice %arg11[%dma_start3A_1433, %dma_start3A_1434] : memref<160x128xf32, #tpu.memory_space<vmem>> -> memref<40x128xf32, #tpu.memory_space<vmem>>
      tpu.enqueue_dma source(%dma_start3A_1435 : memref<40x128xf32, #tpu.memory_space<vmem>>) target(%dma_start3A_1432 : memref<40x128xf32, #tpu.memory_space<hbm>>) target_semaphore(%arg19 : memref<!tpu.dma_semaphore, #tpu.memory_space<semaphore_mem>>)
      %div3A_1436 = arith.constant 5 : i32
      %div3A_1437 = arith.divsi %add3A_1321, %div3A_1436 : i32
      %rem3A_1438 = arith.constant 5 : i32
      %rem3A_1439 = arith.remsi %add3A_1321, %rem3A_1438 : i32
      %mul3A_1440 = arith.constant 4 : i32
      %mul3A_1441 = arith.muli %mul3A_1440, %div3A_1437 : i32
      %add3A_1442 = arith.addi %mul3A_6, %mul3A_1441 : i32
      %add3A_1443 = arith.constant 1 : i32
      %add3A_1444 = arith.addi %add3A_1442, %add3A_1443 : i32
      %mul3A_1445 = arith.constant 40 : i32
      %mul3A_1446 = arith.muli %rem3A_1439, %mul3A_1445 : i32
      %dma_start3A_1447 = arith.constant 40 : i32
      %dma_start3A_1448 = arith.constant 0 : i32
      %dma_start3A_1449 = tpu.memref_slice %arg11[%dma_start3A_1447, %dma_start3A_1448] : memref<160x128xf32, #tpu.memory_space<vmem>> -> memref<40x128xf32, #tpu.memory_space<vmem>>
      %dma_start3A_1450 = arith.constant 0 : i32
      %dma_start3A_1451 = tpu.memref_slice %arg5[%add3A_1444, %mul3A_1446, %dma_start3A_1450] : memref<1024x200x128xf32, #tpu.memory_space<hbm>> -> memref<1x40x128xf32, #tpu.memory_space<hbm>>
      %dma_start3A_1452 = tpu.memref_squeeze %dma_start3A_1451 : memref<1x40x128xf32, #tpu.memory_space<hbm>> -> memref<40x128xf32, #tpu.memory_space<hbm>>
      %dma_start3A_1453 = arith.constant 0 : i32
      %dma_start3A_1454 = tpu.memref_slice %arg5[%add3A_1444, %mul3A_1446, %dma_start3A_1453] : memref<1024x200x128xf32, #tpu.memory_space<hbm>> -> memref<1x40x128xf32, #tpu.memory_space<hbm>>
      %dma_start3A_1455 = tpu.memref_squeeze %dma_start3A_1454 : memref<1x40x128xf32, #tpu.memory_space<hbm>> -> memref<40x128xf32, #tpu.memory_space<hbm>>
      %dma_start3A_1456 = arith.constant 40 : i32
      %dma_start3A_1457 = arith.constant 0 : i32
      %dma_start3A_1458 = tpu.memref_slice %arg11[%dma_start3A_1456, %dma_start3A_1457] : memref<160x128xf32, #tpu.memory_space<vmem>> -> memref<40x128xf32, #tpu.memory_space<vmem>>
      tpu.enqueue_dma source(%dma_start3A_1458 : memref<40x128xf32, #tpu.memory_space<vmem>>) target(%dma_start3A_1455 : memref<40x128xf32, #tpu.memory_space<hbm>>) target_semaphore(%arg19 : memref<!tpu.dma_semaphore, #tpu.memory_space<semaphore_mem>>)
      %div3A_1459 = arith.constant 5 : i32
      %div3A_1460 = arith.divsi %add3A_1321, %div3A_1459 : i32
      %rem3A_1461 = arith.constant 5 : i32
      %rem3A_1462 = arith.remsi %add3A_1321, %rem3A_1461 : i32
      %mul3A_1463 = arith.constant 4 : i32
      %mul3A_1464 = arith.muli %mul3A_1463, %div3A_1460 : i32
      %add3A_1465 = arith.addi %mul3A_6, %mul3A_1464 : i32
      %add3A_1466 = arith.constant 2 : i32
      %add3A_1467 = arith.addi %add3A_1465, %add3A_1466 : i32
      %mul3A_1468 = arith.constant 40 : i32
      %mul3A_1469 = arith.muli %rem3A_1462, %mul3A_1468 : i32
      %dma_start3A_1470 = arith.constant 80 : i32
      %dma_start3A_1471 = arith.constant 0 : i32
      %dma_start3A_1472 = tpu.memref_slice %arg11[%dma_start3A_1470, %dma_start3A_1471] : memref<160x128xf32, #tpu.memory_space<vmem>> -> memref<40x128xf32, #tpu.memory_space<vmem>>
      %dma_start3A_1473 = arith.constant 0 : i32
      %dma_start3A_1474 = tpu.memref_slice %arg5[%add3A_1467, %mul3A_1469, %dma_start3A_1473] : memref<1024x200x128xf32, #tpu.memory_space<hbm>> -> memref<1x40x128xf32, #tpu.memory_space<hbm>>
      %dma_start3A_1475 = tpu.memref_squeeze %dma_start3A_1474 : memref<1x40x128xf32, #tpu.memory_space<hbm>> -> memref<40x128xf32, #tpu.memory_space<hbm>>
      %dma_start3A_1476 = arith.constant 0 : i32
      %dma_start3A_1477 = tpu.memref_slice %arg5[%add3A_1467, %mul3A_1469, %dma_start3A_1476] : memref<1024x200x128xf32, #tpu.memory_space<hbm>> -> memref<1x40x128xf32, #tpu.memory_space<hbm>>
      %dma_start3A_1478 = tpu.memref_squeeze %dma_start3A_1477 : memref<1x40x128xf32, #tpu.memory_space<hbm>> -> memref<40x128xf32, #tpu.memory_space<hbm>>
      %dma_start3A_1479 = arith.constant 80 : i32
      %dma_start3A_1480 = arith.constant 0 : i32
      %dma_start3A_1481 = tpu.memref_slice %arg11[%dma_start3A_1479, %dma_start3A_1480] : memref<160x128xf32, #tpu.memory_space<vmem>> -> memref<40x128xf32, #tpu.memory_space<vmem>>
      tpu.enqueue_dma source(%dma_start3A_1481 : memref<40x128xf32, #tpu.memory_space<vmem>>) target(%dma_start3A_1478 : memref<40x128xf32, #tpu.memory_space<hbm>>) target_semaphore(%arg19 : memref<!tpu.dma_semaphore, #tpu.memory_space<semaphore_mem>>)
      %div3A_1482 = arith.constant 5 : i32
      %div3A_1483 = arith.divsi %add3A_1321, %div3A_1482 : i32
      %rem3A_1484 = arith.constant 5 : i32
      %rem3A_1485 = arith.remsi %add3A_1321, %rem3A_1484 : i32
      %mul3A_1486 = arith.constant 4 : i32
      %mul3A_1487 = arith.muli %mul3A_1486, %div3A_1483 : i32
      %add3A_1488 = arith.addi %mul3A_6, %mul3A_1487 : i32
      %add3A_1489 = arith.constant 3 : i32
      %add3A_1490 = arith.addi %add3A_1488, %add3A_1489 : i32
      %mul3A_1491 = arith.constant 40 : i32
      %mul3A_1492 = arith.muli %rem3A_1485, %mul3A_1491 : i32
      %dma_start3A_1493 = arith.constant 120 : i32
      %dma_start3A_1494 = arith.constant 0 : i32
      %dma_start3A_1495 = tpu.memref_slice %arg11[%dma_start3A_1493, %dma_start3A_1494] : memref<160x128xf32, #tpu.memory_space<vmem>> -> memref<40x128xf32, #tpu.memory_space<vmem>>
      %dma_start3A_1496 = arith.constant 0 : i32
      %dma_start3A_1497 = tpu.memref_slice %arg5[%add3A_1490, %mul3A_1492, %dma_start3A_1496] : memref<1024x200x128xf32, #tpu.memory_space<hbm>> -> memref<1x40x128xf32, #tpu.memory_space<hbm>>
      %dma_start3A_1498 = tpu.memref_squeeze %dma_start3A_1497 : memref<1x40x128xf32, #tpu.memory_space<hbm>> -> memref<40x128xf32, #tpu.memory_space<hbm>>
      %dma_start3A_1499 = arith.constant 0 : i32
      %dma_start3A_1500 = tpu.memref_slice %arg5[%add3A_1490, %mul3A_1492, %dma_start3A_1499] : memref<1024x200x128xf32, #tpu.memory_space<hbm>> -> memref<1x40x128xf32, #tpu.memory_space<hbm>>
      %dma_start3A_1501 = tpu.memref_squeeze %dma_start3A_1500 : memref<1x40x128xf32, #tpu.memory_space<hbm>> -> memref<40x128xf32, #tpu.memory_space<hbm>>
      %dma_start3A_1502 = arith.constant 120 : i32
      %dma_start3A_1503 = arith.constant 0 : i32
      %dma_start3A_1504 = tpu.memref_slice %arg11[%dma_start3A_1502, %dma_start3A_1503] : memref<160x128xf32, #tpu.memory_space<vmem>> -> memref<40x128xf32, #tpu.memory_space<vmem>>
      tpu.enqueue_dma source(%dma_start3A_1504 : memref<40x128xf32, #tpu.memory_space<vmem>>) target(%dma_start3A_1501 : memref<40x128xf32, #tpu.memory_space<hbm>>) target_semaphore(%arg19 : memref<!tpu.dma_semaphore, #tpu.memory_space<semaphore_mem>>)
      %add3A_1505 = arith.constant 0 : i32
      %add3A_1506 = arith.addi %mul3A_764, %add3A_1505 : i32
      %add3A_1507 = arith.constant 4 : i32
      %add3A_1508 = arith.addi %add3A_1506, %add3A_1507 : i32
      %lt3A = arith.constant 40 : i32
      %lt3A_1509 = arith.cmpi slt, %add3A_1508, %lt3A : i32
      %convert_element_type3A = arith.extui %lt3A_1509 : i1 to i32
      %cond3A = arith.constant 0 : i32
      %cond3A_1510 = arith.cmpi ne, %convert_element_type3A, %cond3A : i32
      scf.if %cond3A_1510 {
        %div3A_1539 = arith.constant 5 : i32
        %div3A_1540 = arith.divsi %add3A_1506, %div3A_1539 : i32
        %rem3A_1541 = arith.constant 5 : i32
        %rem3A_1542 = arith.remsi %add3A_1506, %rem3A_1541 : i32
        %mul3A_1543 = arith.constant 4 : i32
        %mul3A_1544 = arith.muli %mul3A_1543, %div3A_1540 : i32
        %add3A_1545 = arith.addi %mul3A_6, %mul3A_1544 : i32
        %add3A_1546 = arith.constant 0 : i32
        %add3A_1547 = arith.addi %add3A_1545, %add3A_1546 : i32
        %mul3A_1548 = arith.constant 40 : i32
        %mul3A_1549 = arith.muli %rem3A_1542, %mul3A_1548 : i32
        %dma_wait3A_1550 = arith.constant 0 : i32
        %dma_wait3A_1551 = arith.constant 0 : i32
        %dma_wait3A_1552 = tpu.memref_slice %arg8[%dma_wait3A_1550, %dma_wait3A_1551] : memref<160x128xf32, #tpu.memory_space<vmem>> -> memref<40x128xf32, #tpu.memory_space<vmem>>
        %dma_wait3A_1553 = arith.constant 0 : i32
        %dma_wait3A_1554 = tpu.memref_slice %arg5[%add3A_1547, %mul3A_1549, %dma_wait3A_1553] : memref<1024x200x128xf32, #tpu.memory_space<hbm>> -> memref<1x40x128xf32, #tpu.memory_space<hbm>>
        %dma_wait3A_1555 = tpu.memref_squeeze %dma_wait3A_1554 : memref<1x40x128xf32, #tpu.memory_space<hbm>> -> memref<40x128xf32, #tpu.memory_space<hbm>>
        %dma_wait3A_1556 = arith.constant 0 : i32
        %dma_wait3A_1557 = tpu.memref_slice %arg5[%add3A_1547, %mul3A_1549, %dma_wait3A_1556] : memref<1024x200x128xf32, #tpu.memory_space<hbm>> -> memref<1x40x128xf32, #tpu.memory_space<hbm>>
        %dma_wait3A_1558 = tpu.memref_squeeze %dma_wait3A_1557 : memref<1x40x128xf32, #tpu.memory_space<hbm>> -> memref<40x128xf32, #tpu.memory_space<hbm>>
        %dma_wait3A_1559 = arith.constant 0 : i32
        %dma_wait3A_1560 = arith.constant 0 : i32
        %dma_wait3A_1561 = tpu.memref_slice %arg8[%dma_wait3A_1559, %dma_wait3A_1560] : memref<160x128xf32, #tpu.memory_space<vmem>> -> memref<40x128xf32, #tpu.memory_space<vmem>>
        tpu.wait_dma2 semaphore(%arg16 : memref<!tpu.dma_semaphore, #tpu.memory_space<semaphore_mem>>) src(%dma_wait3A_1561 : memref<40x128xf32, #tpu.memory_space<vmem>>) dst(%dma_wait3A_1558 : memref<40x128xf32, #tpu.memory_space<hbm>>)
        %div3A_1562 = arith.constant 5 : i32
        %div3A_1563 = arith.divsi %add3A_1506, %div3A_1562 : i32
        %rem3A_1564 = arith.constant 5 : i32
        %rem3A_1565 = arith.remsi %add3A_1506, %rem3A_1564 : i32
        %mul3A_1566 = arith.constant 4 : i32
        %mul3A_1567 = arith.muli %mul3A_1566, %div3A_1563 : i32
        %add3A_1568 = arith.addi %mul3A_6, %mul3A_1567 : i32
        %add3A_1569 = arith.constant 1 : i32
        %add3A_1570 = arith.addi %add3A_1568, %add3A_1569 : i32
        %mul3A_1571 = arith.constant 40 : i32
        %mul3A_1572 = arith.muli %rem3A_1565, %mul3A_1571 : i32
        %dma_wait3A_1573 = arith.constant 40 : i32
        %dma_wait3A_1574 = arith.constant 0 : i32
        %dma_wait3A_1575 = tpu.memref_slice %arg8[%dma_wait3A_1573, %dma_wait3A_1574] : memref<160x128xf32, #tpu.memory_space<vmem>> -> memref<40x128xf32, #tpu.memory_space<vmem>>
        %dma_wait3A_1576 = arith.constant 0 : i32
        %dma_wait3A_1577 = tpu.memref_slice %arg5[%add3A_1570, %mul3A_1572, %dma_wait3A_1576] : memref<1024x200x128xf32, #tpu.memory_space<hbm>> -> memref<1x40x128xf32, #tpu.memory_space<hbm>>
        %dma_wait3A_1578 = tpu.memref_squeeze %dma_wait3A_1577 : memref<1x40x128xf32, #tpu.memory_space<hbm>> -> memref<40x128xf32, #tpu.memory_space<hbm>>
        %dma_wait3A_1579 = arith.constant 0 : i32
        %dma_wait3A_1580 = tpu.memref_slice %arg5[%add3A_1570, %mul3A_1572, %dma_wait3A_1579] : memref<1024x200x128xf32, #tpu.memory_space<hbm>> -> memref<1x40x128xf32, #tpu.memory_space<hbm>>
        %dma_wait3A_1581 = tpu.memref_squeeze %dma_wait3A_1580 : memref<1x40x128xf32, #tpu.memory_space<hbm>> -> memref<40x128xf32, #tpu.memory_space<hbm>>
        %dma_wait3A_1582 = arith.constant 40 : i32
        %dma_wait3A_1583 = arith.constant 0 : i32
        %dma_wait3A_1584 = tpu.memref_slice %arg8[%dma_wait3A_1582, %dma_wait3A_1583] : memref<160x128xf32, #tpu.memory_space<vmem>> -> memref<40x128xf32, #tpu.memory_space<vmem>>
        tpu.wait_dma2 semaphore(%arg16 : memref<!tpu.dma_semaphore, #tpu.memory_space<semaphore_mem>>) src(%dma_wait3A_1584 : memref<40x128xf32, #tpu.memory_space<vmem>>) dst(%dma_wait3A_1581 : memref<40x128xf32, #tpu.memory_space<hbm>>)
        %div3A_1585 = arith.constant 5 : i32
        %div3A_1586 = arith.divsi %add3A_1506, %div3A_1585 : i32
        %rem3A_1587 = arith.constant 5 : i32
        %rem3A_1588 = arith.remsi %add3A_1506, %rem3A_1587 : i32
        %mul3A_1589 = arith.constant 4 : i32
        %mul3A_1590 = arith.muli %mul3A_1589, %div3A_1586 : i32
        %add3A_1591 = arith.addi %mul3A_6, %mul3A_1590 : i32
        %add3A_1592 = arith.constant 2 : i32
        %add3A_1593 = arith.addi %add3A_1591, %add3A_1592 : i32
        %mul3A_1594 = arith.constant 40 : i32
        %mul3A_1595 = arith.muli %rem3A_1588, %mul3A_1594 : i32
        %dma_wait3A_1596 = arith.constant 80 : i32
        %dma_wait3A_1597 = arith.constant 0 : i32
        %dma_wait3A_1598 = tpu.memref_slice %arg8[%dma_wait3A_1596, %dma_wait3A_1597] : memref<160x128xf32, #tpu.memory_space<vmem>> -> memref<40x128xf32, #tpu.memory_space<vmem>>
        %dma_wait3A_1599 = arith.constant 0 : i32
        %dma_wait3A_1600 = tpu.memref_slice %arg5[%add3A_1593, %mul3A_1595, %dma_wait3A_1599] : memref<1024x200x128xf32, #tpu.memory_space<hbm>> -> memref<1x40x128xf32, #tpu.memory_space<hbm>>
        %dma_wait3A_1601 = tpu.memref_squeeze %dma_wait3A_1600 : memref<1x40x128xf32, #tpu.memory_space<hbm>> -> memref<40x128xf32, #tpu.memory_space<hbm>>
        %dma_wait3A_1602 = arith.constant 0 : i32
        %dma_wait3A_1603 = tpu.memref_slice %arg5[%add3A_1593, %mul3A_1595, %dma_wait3A_1602] : memref<1024x200x128xf32, #tpu.memory_space<hbm>> -> memref<1x40x128xf32, #tpu.memory_space<hbm>>
        %dma_wait3A_1604 = tpu.memref_squeeze %dma_wait3A_1603 : memref<1x40x128xf32, #tpu.memory_space<hbm>> -> memref<40x128xf32, #tpu.memory_space<hbm>>
        %dma_wait3A_1605 = arith.constant 80 : i32
        %dma_wait3A_1606 = arith.constant 0 : i32
        %dma_wait3A_1607 = tpu.memref_slice %arg8[%dma_wait3A_1605, %dma_wait3A_1606] : memref<160x128xf32, #tpu.memory_space<vmem>> -> memref<40x128xf32, #tpu.memory_space<vmem>>
        tpu.wait_dma2 semaphore(%arg16 : memref<!tpu.dma_semaphore, #tpu.memory_space<semaphore_mem>>) src(%dma_wait3A_1607 : memref<40x128xf32, #tpu.memory_space<vmem>>) dst(%dma_wait3A_1604 : memref<40x128xf32, #tpu.memory_space<hbm>>)
        %div3A_1608 = arith.constant 5 : i32
        %div3A_1609 = arith.divsi %add3A_1506, %div3A_1608 : i32
        %rem3A_1610 = arith.constant 5 : i32
        %rem3A_1611 = arith.remsi %add3A_1506, %rem3A_1610 : i32
        %mul3A_1612 = arith.constant 4 : i32
        %mul3A_1613 = arith.muli %mul3A_1612, %div3A_1609 : i32
        %add3A_1614 = arith.addi %mul3A_6, %mul3A_1613 : i32
        %add3A_1615 = arith.constant 3 : i32
        %add3A_1616 = arith.addi %add3A_1614, %add3A_1615 : i32
        %mul3A_1617 = arith.constant 40 : i32
        %mul3A_1618 = arith.muli %rem3A_1611, %mul3A_1617 : i32
        %dma_wait3A_1619 = arith.constant 120 : i32
        %dma_wait3A_1620 = arith.constant 0 : i32
        %dma_wait3A_1621 = tpu.memref_slice %arg8[%dma_wait3A_1619, %dma_wait3A_1620] : memref<160x128xf32, #tpu.memory_space<vmem>> -> memref<40x128xf32, #tpu.memory_space<vmem>>
        %dma_wait3A_1622 = arith.constant 0 : i32
        %dma_wait3A_1623 = tpu.memref_slice %arg5[%add3A_1616, %mul3A_1618, %dma_wait3A_1622] : memref<1024x200x128xf32, #tpu.memory_space<hbm>> -> memref<1x40x128xf32, #tpu.memory_space<hbm>>
        %dma_wait3A_1624 = tpu.memref_squeeze %dma_wait3A_1623 : memref<1x40x128xf32, #tpu.memory_space<hbm>> -> memref<40x128xf32, #tpu.memory_space<hbm>>
        %dma_wait3A_1625 = arith.constant 0 : i32
        %dma_wait3A_1626 = tpu.memref_slice %arg5[%add3A_1616, %mul3A_1618, %dma_wait3A_1625] : memref<1024x200x128xf32, #tpu.memory_space<hbm>> -> memref<1x40x128xf32, #tpu.memory_space<hbm>>
        %dma_wait3A_1627 = tpu.memref_squeeze %dma_wait3A_1626 : memref<1x40x128xf32, #tpu.memory_space<hbm>> -> memref<40x128xf32, #tpu.memory_space<hbm>>
        %dma_wait3A_1628 = arith.constant 120 : i32
        %dma_wait3A_1629 = arith.constant 0 : i32
        %dma_wait3A_1630 = tpu.memref_slice %arg8[%dma_wait3A_1628, %dma_wait3A_1629] : memref<160x128xf32, #tpu.memory_space<vmem>> -> memref<40x128xf32, #tpu.memory_space<vmem>>
        tpu.wait_dma2 semaphore(%arg16 : memref<!tpu.dma_semaphore, #tpu.memory_space<semaphore_mem>>) src(%dma_wait3A_1630 : memref<40x128xf32, #tpu.memory_space<vmem>>) dst(%dma_wait3A_1627 : memref<40x128xf32, #tpu.memory_space<hbm>>)
        %add3A_1631 = arith.constant 4 : i32
        %add3A_1632 = arith.addi %add3A_1506, %add3A_1631 : i32
        %div3A_1633 = arith.constant 5 : i32
        %div3A_1634 = arith.divsi %add3A_1632, %div3A_1633 : i32
        %rem3A_1635 = arith.constant 5 : i32
        %rem3A_1636 = arith.remsi %add3A_1632, %rem3A_1635 : i32
        %mul3A_1637 = arith.constant 4 : i32
        %mul3A_1638 = arith.muli %mul3A_1637, %div3A_1634 : i32
        %add3A_1639 = arith.constant 0 : i32
        %add3A_1640 = arith.addi %mul3A_1638, %add3A_1639 : i32
        %mul3A_1641 = arith.constant 5 : i32
        %mul3A_1642 = arith.muli %add3A_1640, %mul3A_1641 : i32
        %add3A_1643 = arith.addi %mul3A_1642, %rem3A_1636 : i32
        %dma_start3A_1644 = arith.constant 0 : i32
        %dma_start3A_1645 = arith.constant 0 : i32
        %dma_start3A_1646 = tpu.memref_slice %arg8[%dma_start3A_1644, %dma_start3A_1645] : memref<160x128xf32, #tpu.memory_space<vmem>> -> memref<40x128xf32, #tpu.memory_space<vmem>>
        %dma_start3A_1647 = arith.constant 0 : i32
        %dma_start3A_1648 = tpu.memref_slice %arg6[%add3A_1643, %dma_start3A_1647] : memref<160x40xi32, #tpu.memory_space<vmem>> -> memref<1x40xi32, #tpu.memory_space<vmem>>
        %dma_start3A_1649 = tpu.memref_squeeze %dma_start3A_1648 : memref<1x40xi32, #tpu.memory_space<vmem>> -> memref<40xi32, #tpu.memory_space<vmem>>
        %dma_start3A_1650 = arith.constant 0 : i32
        %dma_start3A_1651 = arith.constant 0 : i32
        %dma_start3A_1652 = tpu.memref_slice %arg2[%dma_start3A_1650, %dma_start3A_1651] : memref<100000x128xf32, #tpu.memory_space<hbm>> -> memref<100000x128xf32, #tpu.memory_space<hbm>>
        tpu.enqueue_indirect_dma source(%dma_start3A_1652 : memref<100000x128xf32, #tpu.memory_space<hbm>>) target(%dma_start3A_1646 : memref<40x128xf32, #tpu.memory_space<vmem>>) offsets(%dma_start3A_1649 : memref<40xi32, #tpu.memory_space<vmem>>) semaphore(%arg12 : memref<!tpu.dma_semaphore, #tpu.memory_space<semaphore_mem>>)
        %div3A_1653 = arith.constant 5 : i32
        %div3A_1654 = arith.divsi %add3A_1632, %div3A_1653 : i32
        %rem3A_1655 = arith.constant 5 : i32
        %rem3A_1656 = arith.remsi %add3A_1632, %rem3A_1655 : i32
        %mul3A_1657 = arith.constant 4 : i32
        %mul3A_1658 = arith.muli %mul3A_1657, %div3A_1654 : i32
        %add3A_1659 = arith.constant 1 : i32
        %add3A_1660 = arith.addi %mul3A_1658, %add3A_1659 : i32
        %mul3A_1661 = arith.constant 5 : i32
        %mul3A_1662 = arith.muli %add3A_1660, %mul3A_1661 : i32
        %add3A_1663 = arith.addi %mul3A_1662, %rem3A_1656 : i32
        %dma_start3A_1664 = arith.constant 40 : i32
        %dma_start3A_1665 = arith.constant 0 : i32
        %dma_start3A_1666 = tpu.memref_slice %arg8[%dma_start3A_1664, %dma_start3A_1665] : memref<160x128xf32, #tpu.memory_space<vmem>> -> memref<40x128xf32, #tpu.memory_space<vmem>>
        %dma_start3A_1667 = arith.constant 0 : i32
        %dma_start3A_1668 = tpu.memref_slice %arg6[%add3A_1663, %dma_start3A_1667] : memref<160x40xi32, #tpu.memory_space<vmem>> -> memref<1x40xi32, #tpu.memory_space<vmem>>
        %dma_start3A_1669 = tpu.memref_squeeze %dma_start3A_1668 : memref<1x40xi32, #tpu.memory_space<vmem>> -> memref<40xi32, #tpu.memory_space<vmem>>
        %dma_start3A_1670 = arith.constant 0 : i32
        %dma_start3A_1671 = arith.constant 0 : i32
        %dma_start3A_1672 = tpu.memref_slice %arg2[%dma_start3A_1670, %dma_start3A_1671] : memref<100000x128xf32, #tpu.memory_space<hbm>> -> memref<100000x128xf32, #tpu.memory_space<hbm>>
        tpu.enqueue_indirect_dma source(%dma_start3A_1672 : memref<100000x128xf32, #tpu.memory_space<hbm>>) target(%dma_start3A_1666 : memref<40x128xf32, #tpu.memory_space<vmem>>) offsets(%dma_start3A_1669 : memref<40xi32, #tpu.memory_space<vmem>>) semaphore(%arg12 : memref<!tpu.dma_semaphore, #tpu.memory_space<semaphore_mem>>)
        %div3A_1673 = arith.constant 5 : i32
        %div3A_1674 = arith.divsi %add3A_1632, %div3A_1673 : i32
        %rem3A_1675 = arith.constant 5 : i32
        %rem3A_1676 = arith.remsi %add3A_1632, %rem3A_1675 : i32
        %mul3A_1677 = arith.constant 4 : i32
        %mul3A_1678 = arith.muli %mul3A_1677, %div3A_1674 : i32
        %add3A_1679 = arith.constant 2 : i32
        %add3A_1680 = arith.addi %mul3A_1678, %add3A_1679 : i32
        %mul3A_1681 = arith.constant 5 : i32
        %mul3A_1682 = arith.muli %add3A_1680, %mul3A_1681 : i32
        %add3A_1683 = arith.addi %mul3A_1682, %rem3A_1676 : i32
        %dma_start3A_1684 = arith.constant 80 : i32
        %dma_start3A_1685 = arith.constant 0 : i32
        %dma_start3A_1686 = tpu.memref_slice %arg8[%dma_start3A_1684, %dma_start3A_1685] : memref<160x128xf32, #tpu.memory_space<vmem>> -> memref<40x128xf32, #tpu.memory_space<vmem>>
        %dma_start3A_1687 = arith.constant 0 : i32
        %dma_start3A_1688 = tpu.memref_slice %arg6[%add3A_1683, %dma_start3A_1687] : memref<160x40xi32, #tpu.memory_space<vmem>> -> memref<1x40xi32, #tpu.memory_space<vmem>>
        %dma_start3A_1689 = tpu.memref_squeeze %dma_start3A_1688 : memref<1x40xi32, #tpu.memory_space<vmem>> -> memref<40xi32, #tpu.memory_space<vmem>>
        %dma_start3A_1690 = arith.constant 0 : i32
        %dma_start3A_1691 = arith.constant 0 : i32
        %dma_start3A_1692 = tpu.memref_slice %arg2[%dma_start3A_1690, %dma_start3A_1691] : memref<100000x128xf32, #tpu.memory_space<hbm>> -> memref<100000x128xf32, #tpu.memory_space<hbm>>
        tpu.enqueue_indirect_dma source(%dma_start3A_1692 : memref<100000x128xf32, #tpu.memory_space<hbm>>) target(%dma_start3A_1686 : memref<40x128xf32, #tpu.memory_space<vmem>>) offsets(%dma_start3A_1689 : memref<40xi32, #tpu.memory_space<vmem>>) semaphore(%arg12 : memref<!tpu.dma_semaphore, #tpu.memory_space<semaphore_mem>>)
        %div3A_1693 = arith.constant 5 : i32
        %div3A_1694 = arith.divsi %add3A_1632, %div3A_1693 : i32
        %rem3A_1695 = arith.constant 5 : i32
        %rem3A_1696 = arith.remsi %add3A_1632, %rem3A_1695 : i32
        %mul3A_1697 = arith.constant 4 : i32
        %mul3A_1698 = arith.muli %mul3A_1697, %div3A_1694 : i32
        %add3A_1699 = arith.constant 3 : i32
        %add3A_1700 = arith.addi %mul3A_1698, %add3A_1699 : i32
        %mul3A_1701 = arith.constant 5 : i32
        %mul3A_1702 = arith.muli %add3A_1700, %mul3A_1701 : i32
        %add3A_1703 = arith.addi %mul3A_1702, %rem3A_1696 : i32
        %dma_start3A_1704 = arith.constant 120 : i32
        %dma_start3A_1705 = arith.constant 0 : i32
        %dma_start3A_1706 = tpu.memref_slice %arg8[%dma_start3A_1704, %dma_start3A_1705] : memref<160x128xf32, #tpu.memory_space<vmem>> -> memref<40x128xf32, #tpu.memory_space<vmem>>
        %dma_start3A_1707 = arith.constant 0 : i32
        %dma_start3A_1708 = tpu.memref_slice %arg6[%add3A_1703, %dma_start3A_1707] : memref<160x40xi32, #tpu.memory_space<vmem>> -> memref<1x40xi32, #tpu.memory_space<vmem>>
        %dma_start3A_1709 = tpu.memref_squeeze %dma_start3A_1708 : memref<1x40xi32, #tpu.memory_space<vmem>> -> memref<40xi32, #tpu.memory_space<vmem>>
        %dma_start3A_1710 = arith.constant 0 : i32
        %dma_start3A_1711 = arith.constant 0 : i32
        %dma_start3A_1712 = tpu.memref_slice %arg2[%dma_start3A_1710, %dma_start3A_1711] : memref<100000x128xf32, #tpu.memory_space<hbm>> -> memref<100000x128xf32, #tpu.memory_space<hbm>>
        tpu.enqueue_indirect_dma source(%dma_start3A_1712 : memref<100000x128xf32, #tpu.memory_space<hbm>>) target(%dma_start3A_1706 : memref<40x128xf32, #tpu.memory_space<vmem>>) offsets(%dma_start3A_1709 : memref<40xi32, #tpu.memory_space<vmem>>) semaphore(%arg12 : memref<!tpu.dma_semaphore, #tpu.memory_space<semaphore_mem>>)
      } else {
      }
      %add3A_1511 = arith.constant 1 : i32
      %add3A_1512 = arith.addi %mul3A_764, %add3A_1511 : i32
      %add3A_1513 = arith.constant 4 : i32
      %add3A_1514 = arith.addi %add3A_1512, %add3A_1513 : i32
      %lt3A_1515 = arith.constant 40 : i32
      %lt3A_1516 = arith.cmpi slt, %add3A_1514, %lt3A_1515 : i32
      %convert_element_type3A_1517 = arith.extui %lt3A_1516 : i1 to i32
      %cond3A_1518 = arith.constant 0 : i32
      %cond3A_1519 = arith.cmpi ne, %convert_element_type3A_1517, %cond3A_1518 : i32
      scf.if %cond3A_1519 {
        %div3A_1539 = arith.constant 5 : i32
        %div3A_1540 = arith.divsi %add3A_1512, %div3A_1539 : i32
        %rem3A_1541 = arith.constant 5 : i32
        %rem3A_1542 = arith.remsi %add3A_1512, %rem3A_1541 : i32
        %mul3A_1543 = arith.constant 4 : i32
        %mul3A_1544 = arith.muli %mul3A_1543, %div3A_1540 : i32
        %add3A_1545 = arith.addi %mul3A_6, %mul3A_1544 : i32
        %add3A_1546 = arith.constant 0 : i32
        %add3A_1547 = arith.addi %add3A_1545, %add3A_1546 : i32
        %mul3A_1548 = arith.constant 40 : i32
        %mul3A_1549 = arith.muli %rem3A_1542, %mul3A_1548 : i32
        %dma_wait3A_1550 = arith.constant 0 : i32
        %dma_wait3A_1551 = arith.constant 0 : i32
        %dma_wait3A_1552 = tpu.memref_slice %arg9[%dma_wait3A_1550, %dma_wait3A_1551] : memref<160x128xf32, #tpu.memory_space<vmem>> -> memref<40x128xf32, #tpu.memory_space<vmem>>
        %dma_wait3A_1553 = arith.constant 0 : i32
        %dma_wait3A_1554 = tpu.memref_slice %arg5[%add3A_1547, %mul3A_1549, %dma_wait3A_1553] : memref<1024x200x128xf32, #tpu.memory_space<hbm>> -> memref<1x40x128xf32, #tpu.memory_space<hbm>>
        %dma_wait3A_1555 = tpu.memref_squeeze %dma_wait3A_1554 : memref<1x40x128xf32, #tpu.memory_space<hbm>> -> memref<40x128xf32, #tpu.memory_space<hbm>>
        %dma_wait3A_1556 = arith.constant 0 : i32
        %dma_wait3A_1557 = tpu.memref_slice %arg5[%add3A_1547, %mul3A_1549, %dma_wait3A_1556] : memref<1024x200x128xf32, #tpu.memory_space<hbm>> -> memref<1x40x128xf32, #tpu.memory_space<hbm>>
        %dma_wait3A_1558 = tpu.memref_squeeze %dma_wait3A_1557 : memref<1x40x128xf32, #tpu.memory_space<hbm>> -> memref<40x128xf32, #tpu.memory_space<hbm>>
        %dma_wait3A_1559 = arith.constant 0 : i32
        %dma_wait3A_1560 = arith.constant 0 : i32
        %dma_wait3A_1561 = tpu.memref_slice %arg9[%dma_wait3A_1559, %dma_wait3A_1560] : memref<160x128xf32, #tpu.memory_space<vmem>> -> memref<40x128xf32, #tpu.memory_space<vmem>>
        tpu.wait_dma2 semaphore(%arg17 : memref<!tpu.dma_semaphore, #tpu.memory_space<semaphore_mem>>) src(%dma_wait3A_1561 : memref<40x128xf32, #tpu.memory_space<vmem>>) dst(%dma_wait3A_1558 : memref<40x128xf32, #tpu.memory_space<hbm>>)
        %div3A_1562 = arith.constant 5 : i32
        %div3A_1563 = arith.divsi %add3A_1512, %div3A_1562 : i32
        %rem3A_1564 = arith.constant 5 : i32
        %rem3A_1565 = arith.remsi %add3A_1512, %rem3A_1564 : i32
        %mul3A_1566 = arith.constant 4 : i32
        %mul3A_1567 = arith.muli %mul3A_1566, %div3A_1563 : i32
        %add3A_1568 = arith.addi %mul3A_6, %mul3A_1567 : i32
        %add3A_1569 = arith.constant 1 : i32
        %add3A_1570 = arith.addi %add3A_1568, %add3A_1569 : i32
        %mul3A_1571 = arith.constant 40 : i32
        %mul3A_1572 = arith.muli %rem3A_1565, %mul3A_1571 : i32
        %dma_wait3A_1573 = arith.constant 40 : i32
        %dma_wait3A_1574 = arith.constant 0 : i32
        %dma_wait3A_1575 = tpu.memref_slice %arg9[%dma_wait3A_1573, %dma_wait3A_1574] : memref<160x128xf32, #tpu.memory_space<vmem>> -> memref<40x128xf32, #tpu.memory_space<vmem>>
        %dma_wait3A_1576 = arith.constant 0 : i32
        %dma_wait3A_1577 = tpu.memref_slice %arg5[%add3A_1570, %mul3A_1572, %dma_wait3A_1576] : memref<1024x200x128xf32, #tpu.memory_space<hbm>> -> memref<1x40x128xf32, #tpu.memory_space<hbm>>
        %dma_wait3A_1578 = tpu.memref_squeeze %dma_wait3A_1577 : memref<1x40x128xf32, #tpu.memory_space<hbm>> -> memref<40x128xf32, #tpu.memory_space<hbm>>
        %dma_wait3A_1579 = arith.constant 0 : i32
        %dma_wait3A_1580 = tpu.memref_slice %arg5[%add3A_1570, %mul3A_1572, %dma_wait3A_1579] : memref<1024x200x128xf32, #tpu.memory_space<hbm>> -> memref<1x40x128xf32, #tpu.memory_space<hbm>>
        %dma_wait3A_1581 = tpu.memref_squeeze %dma_wait3A_1580 : memref<1x40x128xf32, #tpu.memory_space<hbm>> -> memref<40x128xf32, #tpu.memory_space<hbm>>
        %dma_wait3A_1582 = arith.constant 40 : i32
        %dma_wait3A_1583 = arith.constant 0 : i32
        %dma_wait3A_1584 = tpu.memref_slice %arg9[%dma_wait3A_1582, %dma_wait3A_1583] : memref<160x128xf32, #tpu.memory_space<vmem>> -> memref<40x128xf32, #tpu.memory_space<vmem>>
        tpu.wait_dma2 semaphore(%arg17 : memref<!tpu.dma_semaphore, #tpu.memory_space<semaphore_mem>>) src(%dma_wait3A_1584 : memref<40x128xf32, #tpu.memory_space<vmem>>) dst(%dma_wait3A_1581 : memref<40x128xf32, #tpu.memory_space<hbm>>)
        %div3A_1585 = arith.constant 5 : i32
        %div3A_1586 = arith.divsi %add3A_1512, %div3A_1585 : i32
        %rem3A_1587 = arith.constant 5 : i32
        %rem3A_1588 = arith.remsi %add3A_1512, %rem3A_1587 : i32
        %mul3A_1589 = arith.constant 4 : i32
        %mul3A_1590 = arith.muli %mul3A_1589, %div3A_1586 : i32
        %add3A_1591 = arith.addi %mul3A_6, %mul3A_1590 : i32
        %add3A_1592 = arith.constant 2 : i32
        %add3A_1593 = arith.addi %add3A_1591, %add3A_1592 : i32
        %mul3A_1594 = arith.constant 40 : i32
        %mul3A_1595 = arith.muli %rem3A_1588, %mul3A_1594 : i32
        %dma_wait3A_1596 = arith.constant 80 : i32
        %dma_wait3A_1597 = arith.constant 0 : i32
        %dma_wait3A_1598 = tpu.memref_slice %arg9[%dma_wait3A_1596, %dma_wait3A_1597] : memref<160x128xf32, #tpu.memory_space<vmem>> -> memref<40x128xf32, #tpu.memory_space<vmem>>
        %dma_wait3A_1599 = arith.constant 0 : i32
        %dma_wait3A_1600 = tpu.memref_slice %arg5[%add3A_1593, %mul3A_1595, %dma_wait3A_1599] : memref<1024x200x128xf32, #tpu.memory_space<hbm>> -> memref<1x40x128xf32, #tpu.memory_space<hbm>>
        %dma_wait3A_1601 = tpu.memref_squeeze %dma_wait3A_1600 : memref<1x40x128xf32, #tpu.memory_space<hbm>> -> memref<40x128xf32, #tpu.memory_space<hbm>>
        %dma_wait3A_1602 = arith.constant 0 : i32
        %dma_wait3A_1603 = tpu.memref_slice %arg5[%add3A_1593, %mul3A_1595, %dma_wait3A_1602] : memref<1024x200x128xf32, #tpu.memory_space<hbm>> -> memref<1x40x128xf32, #tpu.memory_space<hbm>>
        %dma_wait3A_1604 = tpu.memref_squeeze %dma_wait3A_1603 : memref<1x40x128xf32, #tpu.memory_space<hbm>> -> memref<40x128xf32, #tpu.memory_space<hbm>>
        %dma_wait3A_1605 = arith.constant 80 : i32
        %dma_wait3A_1606 = arith.constant 0 : i32
        %dma_wait3A_1607 = tpu.memref_slice %arg9[%dma_wait3A_1605, %dma_wait3A_1606] : memref<160x128xf32, #tpu.memory_space<vmem>> -> memref<40x128xf32, #tpu.memory_space<vmem>>
        tpu.wait_dma2 semaphore(%arg17 : memref<!tpu.dma_semaphore, #tpu.memory_space<semaphore_mem>>) src(%dma_wait3A_1607 : memref<40x128xf32, #tpu.memory_space<vmem>>) dst(%dma_wait3A_1604 : memref<40x128xf32, #tpu.memory_space<hbm>>)
        %div3A_1608 = arith.constant 5 : i32
        %div3A_1609 = arith.divsi %add3A_1512, %div3A_1608 : i32
        %rem3A_1610 = arith.constant 5 : i32
        %rem3A_1611 = arith.remsi %add3A_1512, %rem3A_1610 : i32
        %mul3A_1612 = arith.constant 4 : i32
        %mul3A_1613 = arith.muli %mul3A_1612, %div3A_1609 : i32
        %add3A_1614 = arith.addi %mul3A_6, %mul3A_1613 : i32
        %add3A_1615 = arith.constant 3 : i32
        %add3A_1616 = arith.addi %add3A_1614, %add3A_1615 : i32
        %mul3A_1617 = arith.constant 40 : i32
        %mul3A_1618 = arith.muli %rem3A_1611, %mul3A_1617 : i32
        %dma_wait3A_1619 = arith.constant 120 : i32
        %dma_wait3A_1620 = arith.constant 0 : i32
        %dma_wait3A_1621 = tpu.memref_slice %arg9[%dma_wait3A_1619, %dma_wait3A_1620] : memref<160x128xf32, #tpu.memory_space<vmem>> -> memref<40x128xf32, #tpu.memory_space<vmem>>
        %dma_wait3A_1622 = arith.constant 0 : i32
        %dma_wait3A_1623 = tpu.memref_slice %arg5[%add3A_1616, %mul3A_1618, %dma_wait3A_1622] : memref<1024x200x128xf32, #tpu.memory_space<hbm>> -> memref<1x40x128xf32, #tpu.memory_space<hbm>>
        %dma_wait3A_1624 = tpu.memref_squeeze %dma_wait3A_1623 : memref<1x40x128xf32, #tpu.memory_space<hbm>> -> memref<40x128xf32, #tpu.memory_space<hbm>>
        %dma_wait3A_1625 = arith.constant 0 : i32
        %dma_wait3A_1626 = tpu.memref_slice %arg5[%add3A_1616, %mul3A_1618, %dma_wait3A_1625] : memref<1024x200x128xf32, #tpu.memory_space<hbm>> -> memref<1x40x128xf32, #tpu.memory_space<hbm>>
        %dma_wait3A_1627 = tpu.memref_squeeze %dma_wait3A_1626 : memref<1x40x128xf32, #tpu.memory_space<hbm>> -> memref<40x128xf32, #tpu.memory_space<hbm>>
        %dma_wait3A_1628 = arith.constant 120 : i32
        %dma_wait3A_1629 = arith.constant 0 : i32
        %dma_wait3A_1630 = tpu.memref_slice %arg9[%dma_wait3A_1628, %dma_wait3A_1629] : memref<160x128xf32, #tpu.memory_space<vmem>> -> memref<40x128xf32, #tpu.memory_space<vmem>>
        tpu.wait_dma2 semaphore(%arg17 : memref<!tpu.dma_semaphore, #tpu.memory_space<semaphore_mem>>) src(%dma_wait3A_1630 : memref<40x128xf32, #tpu.memory_space<vmem>>) dst(%dma_wait3A_1627 : memref<40x128xf32, #tpu.memory_space<hbm>>)
        %add3A_1631 = arith.constant 4 : i32
        %add3A_1632 = arith.addi %add3A_1512, %add3A_1631 : i32
        %div3A_1633 = arith.constant 5 : i32
        %div3A_1634 = arith.divsi %add3A_1632, %div3A_1633 : i32
        %rem3A_1635 = arith.constant 5 : i32
        %rem3A_1636 = arith.remsi %add3A_1632, %rem3A_1635 : i32
        %mul3A_1637 = arith.constant 4 : i32
        %mul3A_1638 = arith.muli %mul3A_1637, %div3A_1634 : i32
        %add3A_1639 = arith.constant 0 : i32
        %add3A_1640 = arith.addi %mul3A_1638, %add3A_1639 : i32
        %mul3A_1641 = arith.constant 5 : i32
        %mul3A_1642 = arith.muli %add3A_1640, %mul3A_1641 : i32
        %add3A_1643 = arith.addi %mul3A_1642, %rem3A_1636 : i32
        %dma_start3A_1644 = arith.constant 0 : i32
        %dma_start3A_1645 = arith.constant 0 : i32
        %dma_start3A_1646 = tpu.memref_slice %arg9[%dma_start3A_1644, %dma_start3A_1645] : memref<160x128xf32, #tpu.memory_space<vmem>> -> memref<40x128xf32, #tpu.memory_space<vmem>>
        %dma_start3A_1647 = arith.constant 0 : i32
        %dma_start3A_1648 = tpu.memref_slice %arg6[%add3A_1643, %dma_start3A_1647] : memref<160x40xi32, #tpu.memory_space<vmem>> -> memref<1x40xi32, #tpu.memory_space<vmem>>
        %dma_start3A_1649 = tpu.memref_squeeze %dma_start3A_1648 : memref<1x40xi32, #tpu.memory_space<vmem>> -> memref<40xi32, #tpu.memory_space<vmem>>
        %dma_start3A_1650 = arith.constant 0 : i32
        %dma_start3A_1651 = arith.constant 0 : i32
        %dma_start3A_1652 = tpu.memref_slice %arg2[%dma_start3A_1650, %dma_start3A_1651] : memref<100000x128xf32, #tpu.memory_space<hbm>> -> memref<100000x128xf32, #tpu.memory_space<hbm>>
        tpu.enqueue_indirect_dma source(%dma_start3A_1652 : memref<100000x128xf32, #tpu.memory_space<hbm>>) target(%dma_start3A_1646 : memref<40x128xf32, #tpu.memory_space<vmem>>) offsets(%dma_start3A_1649 : memref<40xi32, #tpu.memory_space<vmem>>) semaphore(%arg13 : memref<!tpu.dma_semaphore, #tpu.memory_space<semaphore_mem>>)
        %div3A_1653 = arith.constant 5 : i32
        %div3A_1654 = arith.divsi %add3A_1632, %div3A_1653 : i32
        %rem3A_1655 = arith.constant 5 : i32
        %rem3A_1656 = arith.remsi %add3A_1632, %rem3A_1655 : i32
        %mul3A_1657 = arith.constant 4 : i32
        %mul3A_1658 = arith.muli %mul3A_1657, %div3A_1654 : i32
        %add3A_1659 = arith.constant 1 : i32
        %add3A_1660 = arith.addi %mul3A_1658, %add3A_1659 : i32
        %mul3A_1661 = arith.constant 5 : i32
        %mul3A_1662 = arith.muli %add3A_1660, %mul3A_1661 : i32
        %add3A_1663 = arith.addi %mul3A_1662, %rem3A_1656 : i32
        %dma_start3A_1664 = arith.constant 40 : i32
        %dma_start3A_1665 = arith.constant 0 : i32
        %dma_start3A_1666 = tpu.memref_slice %arg9[%dma_start3A_1664, %dma_start3A_1665] : memref<160x128xf32, #tpu.memory_space<vmem>> -> memref<40x128xf32, #tpu.memory_space<vmem>>
        %dma_start3A_1667 = arith.constant 0 : i32
        %dma_start3A_1668 = tpu.memref_slice %arg6[%add3A_1663, %dma_start3A_1667] : memref<160x40xi32, #tpu.memory_space<vmem>> -> memref<1x40xi32, #tpu.memory_space<vmem>>
        %dma_start3A_1669 = tpu.memref_squeeze %dma_start3A_1668 : memref<1x40xi32, #tpu.memory_space<vmem>> -> memref<40xi32, #tpu.memory_space<vmem>>
        %dma_start3A_1670 = arith.constant 0 : i32
        %dma_start3A_1671 = arith.constant 0 : i32
        %dma_start3A_1672 = tpu.memref_slice %arg2[%dma_start3A_1670, %dma_start3A_1671] : memref<100000x128xf32, #tpu.memory_space<hbm>> -> memref<100000x128xf32, #tpu.memory_space<hbm>>
        tpu.enqueue_indirect_dma source(%dma_start3A_1672 : memref<100000x128xf32, #tpu.memory_space<hbm>>) target(%dma_start3A_1666 : memref<40x128xf32, #tpu.memory_space<vmem>>) offsets(%dma_start3A_1669 : memref<40xi32, #tpu.memory_space<vmem>>) semaphore(%arg13 : memref<!tpu.dma_semaphore, #tpu.memory_space<semaphore_mem>>)
        %div3A_1673 = arith.constant 5 : i32
        %div3A_1674 = arith.divsi %add3A_1632, %div3A_1673 : i32
        %rem3A_1675 = arith.constant 5 : i32
        %rem3A_1676 = arith.remsi %add3A_1632, %rem3A_1675 : i32
        %mul3A_1677 = arith.constant 4 : i32
        %mul3A_1678 = arith.muli %mul3A_1677, %div3A_1674 : i32
        %add3A_1679 = arith.constant 2 : i32
        %add3A_1680 = arith.addi %mul3A_1678, %add3A_1679 : i32
        %mul3A_1681 = arith.constant 5 : i32
        %mul3A_1682 = arith.muli %add3A_1680, %mul3A_1681 : i32
        %add3A_1683 = arith.addi %mul3A_1682, %rem3A_1676 : i32
        %dma_start3A_1684 = arith.constant 80 : i32
        %dma_start3A_1685 = arith.constant 0 : i32
        %dma_start3A_1686 = tpu.memref_slice %arg9[%dma_start3A_1684, %dma_start3A_1685] : memref<160x128xf32, #tpu.memory_space<vmem>> -> memref<40x128xf32, #tpu.memory_space<vmem>>
        %dma_start3A_1687 = arith.constant 0 : i32
        %dma_start3A_1688 = tpu.memref_slice %arg6[%add3A_1683, %dma_start3A_1687] : memref<160x40xi32, #tpu.memory_space<vmem>> -> memref<1x40xi32, #tpu.memory_space<vmem>>
        %dma_start3A_1689 = tpu.memref_squeeze %dma_start3A_1688 : memref<1x40xi32, #tpu.memory_space<vmem>> -> memref<40xi32, #tpu.memory_space<vmem>>
        %dma_start3A_1690 = arith.constant 0 : i32
        %dma_start3A_1691 = arith.constant 0 : i32
        %dma_start3A_1692 = tpu.memref_slice %arg2[%dma_start3A_1690, %dma_start3A_1691] : memref<100000x128xf32, #tpu.memory_space<hbm>> -> memref<100000x128xf32, #tpu.memory_space<hbm>>
        tpu.enqueue_indirect_dma source(%dma_start3A_1692 : memref<100000x128xf32, #tpu.memory_space<hbm>>) target(%dma_start3A_1686 : memref<40x128xf32, #tpu.memory_space<vmem>>) offsets(%dma_start3A_1689 : memref<40xi32, #tpu.memory_space<vmem>>) semaphore(%arg13 : memref<!tpu.dma_semaphore, #tpu.memory_space<semaphore_mem>>)
        %div3A_1693 = arith.constant 5 : i32
        %div3A_1694 = arith.divsi %add3A_1632, %div3A_1693 : i32
        %rem3A_1695 = arith.constant 5 : i32
        %rem3A_1696 = arith.remsi %add3A_1632, %rem3A_1695 : i32
        %mul3A_1697 = arith.constant 4 : i32
        %mul3A_1698 = arith.muli %mul3A_1697, %div3A_1694 : i32
        %add3A_1699 = arith.constant 3 : i32
        %add3A_1700 = arith.addi %mul3A_1698, %add3A_1699 : i32
        %mul3A_1701 = arith.constant 5 : i32
        %mul3A_1702 = arith.muli %add3A_1700, %mul3A_1701 : i32
        %add3A_1703 = arith.addi %mul3A_1702, %rem3A_1696 : i32
        %dma_start3A_1704 = arith.constant 120 : i32
        %dma_start3A_1705 = arith.constant 0 : i32
        %dma_start3A_1706 = tpu.memref_slice %arg9[%dma_start3A_1704, %dma_start3A_1705] : memref<160x128xf32, #tpu.memory_space<vmem>> -> memref<40x128xf32, #tpu.memory_space<vmem>>
        %dma_start3A_1707 = arith.constant 0 : i32
        %dma_start3A_1708 = tpu.memref_slice %arg6[%add3A_1703, %dma_start3A_1707] : memref<160x40xi32, #tpu.memory_space<vmem>> -> memref<1x40xi32, #tpu.memory_space<vmem>>
        %dma_start3A_1709 = tpu.memref_squeeze %dma_start3A_1708 : memref<1x40xi32, #tpu.memory_space<vmem>> -> memref<40xi32, #tpu.memory_space<vmem>>
        %dma_start3A_1710 = arith.constant 0 : i32
        %dma_start3A_1711 = arith.constant 0 : i32
        %dma_start3A_1712 = tpu.memref_slice %arg2[%dma_start3A_1710, %dma_start3A_1711] : memref<100000x128xf32, #tpu.memory_space<hbm>> -> memref<100000x128xf32, #tpu.memory_space<hbm>>
        tpu.enqueue_indirect_dma source(%dma_start3A_1712 : memref<100000x128xf32, #tpu.memory_space<hbm>>) target(%dma_start3A_1706 : memref<40x128xf32, #tpu.memory_space<vmem>>) offsets(%dma_start3A_1709 : memref<40xi32, #tpu.memory_space<vmem>>) semaphore(%arg13 : memref<!tpu.dma_semaphore, #tpu.memory_space<semaphore_mem>>)
      } else {
      }
      %add3A_1520 = arith.constant 2 : i32
      %add3A_1521 = arith.addi %mul3A_764, %add3A_1520 : i32
      %add3A_1522 = arith.constant 4 : i32
      %add3A_1523 = arith.addi %add3A_1521, %add3A_1522 : i32
      %lt3A_1524 = arith.constant 40 : i32
      %lt3A_1525 = arith.cmpi slt, %add3A_1523, %lt3A_1524 : i32
      %convert_element_type3A_1526 = arith.extui %lt3A_1525 : i1 to i32
      %cond3A_1527 = arith.constant 0 : i32
      %cond3A_1528 = arith.cmpi ne, %convert_element_type3A_1526, %cond3A_1527 : i32
      scf.if %cond3A_1528 {
        %div3A_1539 = arith.constant 5 : i32
        %div3A_1540 = arith.divsi %add3A_1521, %div3A_1539 : i32
        %rem3A_1541 = arith.constant 5 : i32
        %rem3A_1542 = arith.remsi %add3A_1521, %rem3A_1541 : i32
        %mul3A_1543 = arith.constant 4 : i32
        %mul3A_1544 = arith.muli %mul3A_1543, %div3A_1540 : i32
        %add3A_1545 = arith.addi %mul3A_6, %mul3A_1544 : i32
        %add3A_1546 = arith.constant 0 : i32
        %add3A_1547 = arith.addi %add3A_1545, %add3A_1546 : i32
        %mul3A_1548 = arith.constant 40 : i32
        %mul3A_1549 = arith.muli %rem3A_1542, %mul3A_1548 : i32
        %dma_wait3A_1550 = arith.constant 0 : i32
        %dma_wait3A_1551 = arith.constant 0 : i32
        %dma_wait3A_1552 = tpu.memref_slice %arg10[%dma_wait3A_1550, %dma_wait3A_1551] : memref<160x128xf32, #tpu.memory_space<vmem>> -> memref<40x128xf32, #tpu.memory_space<vmem>>
        %dma_wait3A_1553 = arith.constant 0 : i32
        %dma_wait3A_1554 = tpu.memref_slice %arg5[%add3A_1547, %mul3A_1549, %dma_wait3A_1553] : memref<1024x200x128xf32, #tpu.memory_space<hbm>> -> memref<1x40x128xf32, #tpu.memory_space<hbm>>
        %dma_wait3A_1555 = tpu.memref_squeeze %dma_wait3A_1554 : memref<1x40x128xf32, #tpu.memory_space<hbm>> -> memref<40x128xf32, #tpu.memory_space<hbm>>
        %dma_wait3A_1556 = arith.constant 0 : i32
        %dma_wait3A_1557 = tpu.memref_slice %arg5[%add3A_1547, %mul3A_1549, %dma_wait3A_1556] : memref<1024x200x128xf32, #tpu.memory_space<hbm>> -> memref<1x40x128xf32, #tpu.memory_space<hbm>>
        %dma_wait3A_1558 = tpu.memref_squeeze %dma_wait3A_1557 : memref<1x40x128xf32, #tpu.memory_space<hbm>> -> memref<40x128xf32, #tpu.memory_space<hbm>>
        %dma_wait3A_1559 = arith.constant 0 : i32
        %dma_wait3A_1560 = arith.constant 0 : i32
        %dma_wait3A_1561 = tpu.memref_slice %arg10[%dma_wait3A_1559, %dma_wait3A_1560] : memref<160x128xf32, #tpu.memory_space<vmem>> -> memref<40x128xf32, #tpu.memory_space<vmem>>
        tpu.wait_dma2 semaphore(%arg18 : memref<!tpu.dma_semaphore, #tpu.memory_space<semaphore_mem>>) src(%dma_wait3A_1561 : memref<40x128xf32, #tpu.memory_space<vmem>>) dst(%dma_wait3A_1558 : memref<40x128xf32, #tpu.memory_space<hbm>>)
        %div3A_1562 = arith.constant 5 : i32
        %div3A_1563 = arith.divsi %add3A_1521, %div3A_1562 : i32
        %rem3A_1564 = arith.constant 5 : i32
        %rem3A_1565 = arith.remsi %add3A_1521, %rem3A_1564 : i32
        %mul3A_1566 = arith.constant 4 : i32
        %mul3A_1567 = arith.muli %mul3A_1566, %div3A_1563 : i32
        %add3A_1568 = arith.addi %mul3A_6, %mul3A_1567 : i32
        %add3A_1569 = arith.constant 1 : i32
        %add3A_1570 = arith.addi %add3A_1568, %add3A_1569 : i32
        %mul3A_1571 = arith.constant 40 : i32
        %mul3A_1572 = arith.muli %rem3A_1565, %mul3A_1571 : i32
        %dma_wait3A_1573 = arith.constant 40 : i32
        %dma_wait3A_1574 = arith.constant 0 : i32
        %dma_wait3A_1575 = tpu.memref_slice %arg10[%dma_wait3A_1573, %dma_wait3A_1574] : memref<160x128xf32, #tpu.memory_space<vmem>> -> memref<40x128xf32, #tpu.memory_space<vmem>>
        %dma_wait3A_1576 = arith.constant 0 : i32
        %dma_wait3A_1577 = tpu.memref_slice %arg5[%add3A_1570, %mul3A_1572, %dma_wait3A_1576] : memref<1024x200x128xf32, #tpu.memory_space<hbm>> -> memref<1x40x128xf32, #tpu.memory_space<hbm>>
        %dma_wait3A_1578 = tpu.memref_squeeze %dma_wait3A_1577 : memref<1x40x128xf32, #tpu.memory_space<hbm>> -> memref<40x128xf32, #tpu.memory_space<hbm>>
        %dma_wait3A_1579 = arith.constant 0 : i32
        %dma_wait3A_1580 = tpu.memref_slice %arg5[%add3A_1570, %mul3A_1572, %dma_wait3A_1579] : memref<1024x200x128xf32, #tpu.memory_space<hbm>> -> memref<1x40x128xf32, #tpu.memory_space<hbm>>
        %dma_wait3A_1581 = tpu.memref_squeeze %dma_wait3A_1580 : memref<1x40x128xf32, #tpu.memory_space<hbm>> -> memref<40x128xf32, #tpu.memory_space<hbm>>
        %dma_wait3A_1582 = arith.constant 40 : i32
        %dma_wait3A_1583 = arith.constant 0 : i32
        %dma_wait3A_1584 = tpu.memref_slice %arg10[%dma_wait3A_1582, %dma_wait3A_1583] : memref<160x128xf32, #tpu.memory_space<vmem>> -> memref<40x128xf32, #tpu.memory_space<vmem>>
        tpu.wait_dma2 semaphore(%arg18 : memref<!tpu.dma_semaphore, #tpu.memory_space<semaphore_mem>>) src(%dma_wait3A_1584 : memref<40x128xf32, #tpu.memory_space<vmem>>) dst(%dma_wait3A_1581 : memref<40x128xf32, #tpu.memory_space<hbm>>)
        %div3A_1585 = arith.constant 5 : i32
        %div3A_1586 = arith.divsi %add3A_1521, %div3A_1585 : i32
        %rem3A_1587 = arith.constant 5 : i32
        %rem3A_1588 = arith.remsi %add3A_1521, %rem3A_1587 : i32
        %mul3A_1589 = arith.constant 4 : i32
        %mul3A_1590 = arith.muli %mul3A_1589, %div3A_1586 : i32
        %add3A_1591 = arith.addi %mul3A_6, %mul3A_1590 : i32
        %add3A_1592 = arith.constant 2 : i32
        %add3A_1593 = arith.addi %add3A_1591, %add3A_1592 : i32
        %mul3A_1594 = arith.constant 40 : i32
        %mul3A_1595 = arith.muli %rem3A_1588, %mul3A_1594 : i32
        %dma_wait3A_1596 = arith.constant 80 : i32
        %dma_wait3A_1597 = arith.constant 0 : i32
        %dma_wait3A_1598 = tpu.memref_slice %arg10[%dma_wait3A_1596, %dma_wait3A_1597] : memref<160x128xf32, #tpu.memory_space<vmem>> -> memref<40x128xf32, #tpu.memory_space<vmem>>
        %dma_wait3A_1599 = arith.constant 0 : i32
        %dma_wait3A_1600 = tpu.memref_slice %arg5[%add3A_1593, %mul3A_1595, %dma_wait3A_1599] : memref<1024x200x128xf32, #tpu.memory_space<hbm>> -> memref<1x40x128xf32, #tpu.memory_space<hbm>>
        %dma_wait3A_1601 = tpu.memref_squeeze %dma_wait3A_1600 : memref<1x40x128xf32, #tpu.memory_space<hbm>> -> memref<40x128xf32, #tpu.memory_space<hbm>>
        %dma_wait3A_1602 = arith.constant 0 : i32
        %dma_wait3A_1603 = tpu.memref_slice %arg5[%add3A_1593, %mul3A_1595, %dma_wait3A_1602] : memref<1024x200x128xf32, #tpu.memory_space<hbm>> -> memref<1x40x128xf32, #tpu.memory_space<hbm>>
        %dma_wait3A_1604 = tpu.memref_squeeze %dma_wait3A_1603 : memref<1x40x128xf32, #tpu.memory_space<hbm>> -> memref<40x128xf32, #tpu.memory_space<hbm>>
        %dma_wait3A_1605 = arith.constant 80 : i32
        %dma_wait3A_1606 = arith.constant 0 : i32
        %dma_wait3A_1607 = tpu.memref_slice %arg10[%dma_wait3A_1605, %dma_wait3A_1606] : memref<160x128xf32, #tpu.memory_space<vmem>> -> memref<40x128xf32, #tpu.memory_space<vmem>>
        tpu.wait_dma2 semaphore(%arg18 : memref<!tpu.dma_semaphore, #tpu.memory_space<semaphore_mem>>) src(%dma_wait3A_1607 : memref<40x128xf32, #tpu.memory_space<vmem>>) dst(%dma_wait3A_1604 : memref<40x128xf32, #tpu.memory_space<hbm>>)
        %div3A_1608 = arith.constant 5 : i32
        %div3A_1609 = arith.divsi %add3A_1521, %div3A_1608 : i32
        %rem3A_1610 = arith.constant 5 : i32
        %rem3A_1611 = arith.remsi %add3A_1521, %rem3A_1610 : i32
        %mul3A_1612 = arith.constant 4 : i32
        %mul3A_1613 = arith.muli %mul3A_1612, %div3A_1609 : i32
        %add3A_1614 = arith.addi %mul3A_6, %mul3A_1613 : i32
        %add3A_1615 = arith.constant 3 : i32
        %add3A_1616 = arith.addi %add3A_1614, %add3A_1615 : i32
        %mul3A_1617 = arith.constant 40 : i32
        %mul3A_1618 = arith.muli %rem3A_1611, %mul3A_1617 : i32
        %dma_wait3A_1619 = arith.constant 120 : i32
        %dma_wait3A_1620 = arith.constant 0 : i32
        %dma_wait3A_1621 = tpu.memref_slice %arg10[%dma_wait3A_1619, %dma_wait3A_1620] : memref<160x128xf32, #tpu.memory_space<vmem>> -> memref<40x128xf32, #tpu.memory_space<vmem>>
        %dma_wait3A_1622 = arith.constant 0 : i32
        %dma_wait3A_1623 = tpu.memref_slice %arg5[%add3A_1616, %mul3A_1618, %dma_wait3A_1622] : memref<1024x200x128xf32, #tpu.memory_space<hbm>> -> memref<1x40x128xf32, #tpu.memory_space<hbm>>
        %dma_wait3A_1624 = tpu.memref_squeeze %dma_wait3A_1623 : memref<1x40x128xf32, #tpu.memory_space<hbm>> -> memref<40x128xf32, #tpu.memory_space<hbm>>
        %dma_wait3A_1625 = arith.constant 0 : i32
        %dma_wait3A_1626 = tpu.memref_slice %arg5[%add3A_1616, %mul3A_1618, %dma_wait3A_1625] : memref<1024x200x128xf32, #tpu.memory_space<hbm>> -> memref<1x40x128xf32, #tpu.memory_space<hbm>>
        %dma_wait3A_1627 = tpu.memref_squeeze %dma_wait3A_1626 : memref<1x40x128xf32, #tpu.memory_space<hbm>> -> memref<40x128xf32, #tpu.memory_space<hbm>>
        %dma_wait3A_1628 = arith.constant 120 : i32
        %dma_wait3A_1629 = arith.constant 0 : i32
        %dma_wait3A_1630 = tpu.memref_slice %arg10[%dma_wait3A_1628, %dma_wait3A_1629] : memref<160x128xf32, #tpu.memory_space<vmem>> -> memref<40x128xf32, #tpu.memory_space<vmem>>
        tpu.wait_dma2 semaphore(%arg18 : memref<!tpu.dma_semaphore, #tpu.memory_space<semaphore_mem>>) src(%dma_wait3A_1630 : memref<40x128xf32, #tpu.memory_space<vmem>>) dst(%dma_wait3A_1627 : memref<40x128xf32, #tpu.memory_space<hbm>>)
        %add3A_1631 = arith.constant 4 : i32
        %add3A_1632 = arith.addi %add3A_1521, %add3A_1631 : i32
        %div3A_1633 = arith.constant 5 : i32
        %div3A_1634 = arith.divsi %add3A_1632, %div3A_1633 : i32
        %rem3A_1635 = arith.constant 5 : i32
        %rem3A_1636 = arith.remsi %add3A_1632, %rem3A_1635 : i32
        %mul3A_1637 = arith.constant 4 : i32
        %mul3A_1638 = arith.muli %mul3A_1637, %div3A_1634 : i32
        %add3A_1639 = arith.constant 0 : i32
        %add3A_1640 = arith.addi %mul3A_1638, %add3A_1639 : i32
        %mul3A_1641 = arith.constant 5 : i32
        %mul3A_1642 = arith.muli %add3A_1640, %mul3A_1641 : i32
        %add3A_1643 = arith.addi %mul3A_1642, %rem3A_1636 : i32
        %dma_start3A_1644 = arith.constant 0 : i32
        %dma_start3A_1645 = arith.constant 0 : i32
        %dma_start3A_1646 = tpu.memref_slice %arg10[%dma_start3A_1644, %dma_start3A_1645] : memref<160x128xf32, #tpu.memory_space<vmem>> -> memref<40x128xf32, #tpu.memory_space<vmem>>
        %dma_start3A_1647 = arith.constant 0 : i32
        %dma_start3A_1648 = tpu.memref_slice %arg6[%add3A_1643, %dma_start3A_1647] : memref<160x40xi32, #tpu.memory_space<vmem>> -> memref<1x40xi32, #tpu.memory_space<vmem>>
        %dma_start3A_1649 = tpu.memref_squeeze %dma_start3A_1648 : memref<1x40xi32, #tpu.memory_space<vmem>> -> memref<40xi32, #tpu.memory_space<vmem>>
        %dma_start3A_1650 = arith.constant 0 : i32
        %dma_start3A_1651 = arith.constant 0 : i32
        %dma_start3A_1652 = tpu.memref_slice %arg2[%dma_start3A_1650, %dma_start3A_1651] : memref<100000x128xf32, #tpu.memory_space<hbm>> -> memref<100000x128xf32, #tpu.memory_space<hbm>>
        tpu.enqueue_indirect_dma source(%dma_start3A_1652 : memref<100000x128xf32, #tpu.memory_space<hbm>>) target(%dma_start3A_1646 : memref<40x128xf32, #tpu.memory_space<vmem>>) offsets(%dma_start3A_1649 : memref<40xi32, #tpu.memory_space<vmem>>) semaphore(%arg14 : memref<!tpu.dma_semaphore, #tpu.memory_space<semaphore_mem>>)
        %div3A_1653 = arith.constant 5 : i32
        %div3A_1654 = arith.divsi %add3A_1632, %div3A_1653 : i32
        %rem3A_1655 = arith.constant 5 : i32
        %rem3A_1656 = arith.remsi %add3A_1632, %rem3A_1655 : i32
        %mul3A_1657 = arith.constant 4 : i32
        %mul3A_1658 = arith.muli %mul3A_1657, %div3A_1654 : i32
        %add3A_1659 = arith.constant 1 : i32
        %add3A_1660 = arith.addi %mul3A_1658, %add3A_1659 : i32
        %mul3A_1661 = arith.constant 5 : i32
        %mul3A_1662 = arith.muli %add3A_1660, %mul3A_1661 : i32
        %add3A_1663 = arith.addi %mul3A_1662, %rem3A_1656 : i32
        %dma_start3A_1664 = arith.constant 40 : i32
        %dma_start3A_1665 = arith.constant 0 : i32
        %dma_start3A_1666 = tpu.memref_slice %arg10[%dma_start3A_1664, %dma_start3A_1665] : memref<160x128xf32, #tpu.memory_space<vmem>> -> memref<40x128xf32, #tpu.memory_space<vmem>>
        %dma_start3A_1667 = arith.constant 0 : i32
        %dma_start3A_1668 = tpu.memref_slice %arg6[%add3A_1663, %dma_start3A_1667] : memref<160x40xi32, #tpu.memory_space<vmem>> -> memref<1x40xi32, #tpu.memory_space<vmem>>
        %dma_start3A_1669 = tpu.memref_squeeze %dma_start3A_1668 : memref<1x40xi32, #tpu.memory_space<vmem>> -> memref<40xi32, #tpu.memory_space<vmem>>
        %dma_start3A_1670 = arith.constant 0 : i32
        %dma_start3A_1671 = arith.constant 0 : i32
        %dma_start3A_1672 = tpu.memref_slice %arg2[%dma_start3A_1670, %dma_start3A_1671] : memref<100000x128xf32, #tpu.memory_space<hbm>> -> memref<100000x128xf32, #tpu.memory_space<hbm>>
        tpu.enqueue_indirect_dma source(%dma_start3A_1672 : memref<100000x128xf32, #tpu.memory_space<hbm>>) target(%dma_start3A_1666 : memref<40x128xf32, #tpu.memory_space<vmem>>) offsets(%dma_start3A_1669 : memref<40xi32, #tpu.memory_space<vmem>>) semaphore(%arg14 : memref<!tpu.dma_semaphore, #tpu.memory_space<semaphore_mem>>)
        %div3A_1673 = arith.constant 5 : i32
        %div3A_1674 = arith.divsi %add3A_1632, %div3A_1673 : i32
        %rem3A_1675 = arith.constant 5 : i32
        %rem3A_1676 = arith.remsi %add3A_1632, %rem3A_1675 : i32
        %mul3A_1677 = arith.constant 4 : i32
        %mul3A_1678 = arith.muli %mul3A_1677, %div3A_1674 : i32
        %add3A_1679 = arith.constant 2 : i32
        %add3A_1680 = arith.addi %mul3A_1678, %add3A_1679 : i32
        %mul3A_1681 = arith.constant 5 : i32
        %mul3A_1682 = arith.muli %add3A_1680, %mul3A_1681 : i32
        %add3A_1683 = arith.addi %mul3A_1682, %rem3A_1676 : i32
        %dma_start3A_1684 = arith.constant 80 : i32
        %dma_start3A_1685 = arith.constant 0 : i32
        %dma_start3A_1686 = tpu.memref_slice %arg10[%dma_start3A_1684, %dma_start3A_1685] : memref<160x128xf32, #tpu.memory_space<vmem>> -> memref<40x128xf32, #tpu.memory_space<vmem>>
        %dma_start3A_1687 = arith.constant 0 : i32
        %dma_start3A_1688 = tpu.memref_slice %arg6[%add3A_1683, %dma_start3A_1687] : memref<160x40xi32, #tpu.memory_space<vmem>> -> memref<1x40xi32, #tpu.memory_space<vmem>>
        %dma_start3A_1689 = tpu.memref_squeeze %dma_start3A_1688 : memref<1x40xi32, #tpu.memory_space<vmem>> -> memref<40xi32, #tpu.memory_space<vmem>>
        %dma_start3A_1690 = arith.constant 0 : i32
        %dma_start3A_1691 = arith.constant 0 : i32
        %dma_start3A_1692 = tpu.memref_slice %arg2[%dma_start3A_1690, %dma_start3A_1691] : memref<100000x128xf32, #tpu.memory_space<hbm>> -> memref<100000x128xf32, #tpu.memory_space<hbm>>
        tpu.enqueue_indirect_dma source(%dma_start3A_1692 : memref<100000x128xf32, #tpu.memory_space<hbm>>) target(%dma_start3A_1686 : memref<40x128xf32, #tpu.memory_space<vmem>>) offsets(%dma_start3A_1689 : memref<40xi32, #tpu.memory_space<vmem>>) semaphore(%arg14 : memref<!tpu.dma_semaphore, #tpu.memory_space<semaphore_mem>>)
        %div3A_1693 = arith.constant 5 : i32
        %div3A_1694 = arith.divsi %add3A_1632, %div3A_1693 : i32
        %rem3A_1695 = arith.constant 5 : i32
        %rem3A_1696 = arith.remsi %add3A_1632, %rem3A_1695 : i32
        %mul3A_1697 = arith.constant 4 : i32
        %mul3A_1698 = arith.muli %mul3A_1697, %div3A_1694 : i32
        %add3A_1699 = arith.constant 3 : i32
        %add3A_1700 = arith.addi %mul3A_1698, %add3A_1699 : i32
        %mul3A_1701 = arith.constant 5 : i32
        %mul3A_1702 = arith.muli %add3A_1700, %mul3A_1701 : i32
        %add3A_1703 = arith.addi %mul3A_1702, %rem3A_1696 : i32
        %dma_start3A_1704 = arith.constant 120 : i32
        %dma_start3A_1705 = arith.constant 0 : i32
        %dma_start3A_1706 = tpu.memref_slice %arg10[%dma_start3A_1704, %dma_start3A_1705] : memref<160x128xf32, #tpu.memory_space<vmem>> -> memref<40x128xf32, #tpu.memory_space<vmem>>
        %dma_start3A_1707 = arith.constant 0 : i32
        %dma_start3A_1708 = tpu.memref_slice %arg6[%add3A_1703, %dma_start3A_1707] : memref<160x40xi32, #tpu.memory_space<vmem>> -> memref<1x40xi32, #tpu.memory_space<vmem>>
        %dma_start3A_1709 = tpu.memref_squeeze %dma_start3A_1708 : memref<1x40xi32, #tpu.memory_space<vmem>> -> memref<40xi32, #tpu.memory_space<vmem>>
        %dma_start3A_1710 = arith.constant 0 : i32
        %dma_start3A_1711 = arith.constant 0 : i32
        %dma_start3A_1712 = tpu.memref_slice %arg2[%dma_start3A_1710, %dma_start3A_1711] : memref<100000x128xf32, #tpu.memory_space<hbm>> -> memref<100000x128xf32, #tpu.memory_space<hbm>>
        tpu.enqueue_indirect_dma source(%dma_start3A_1712 : memref<100000x128xf32, #tpu.memory_space<hbm>>) target(%dma_start3A_1706 : memref<40x128xf32, #tpu.memory_space<vmem>>) offsets(%dma_start3A_1709 : memref<40xi32, #tpu.memory_space<vmem>>) semaphore(%arg14 : memref<!tpu.dma_semaphore, #tpu.memory_space<semaphore_mem>>)
      } else {
      }
      %add3A_1529 = arith.constant 3 : i32
      %add3A_1530 = arith.addi %mul3A_764, %add3A_1529 : i32
      %add3A_1531 = arith.constant 4 : i32
      %add3A_1532 = arith.addi %add3A_1530, %add3A_1531 : i32
      %lt3A_1533 = arith.constant 40 : i32
      %lt3A_1534 = arith.cmpi slt, %add3A_1532, %lt3A_1533 : i32
      %convert_element_type3A_1535 = arith.extui %lt3A_1534 : i1 to i32
      %cond3A_1536 = arith.constant 0 : i32
      %cond3A_1537 = arith.cmpi ne, %convert_element_type3A_1535, %cond3A_1536 : i32
      scf.if %cond3A_1537 {
        %div3A_1539 = arith.constant 5 : i32
        %div3A_1540 = arith.divsi %add3A_1530, %div3A_1539 : i32
        %rem3A_1541 = arith.constant 5 : i32
        %rem3A_1542 = arith.remsi %add3A_1530, %rem3A_1541 : i32
        %mul3A_1543 = arith.constant 4 : i32
        %mul3A_1544 = arith.muli %mul3A_1543, %div3A_1540 : i32
        %add3A_1545 = arith.addi %mul3A_6, %mul3A_1544 : i32
        %add3A_1546 = arith.constant 0 : i32
        %add3A_1547 = arith.addi %add3A_1545, %add3A_1546 : i32
        %mul3A_1548 = arith.constant 40 : i32
        %mul3A_1549 = arith.muli %rem3A_1542, %mul3A_1548 : i32
        %dma_wait3A_1550 = arith.constant 0 : i32
        %dma_wait3A_1551 = arith.constant 0 : i32
        %dma_wait3A_1552 = tpu.memref_slice %arg11[%dma_wait3A_1550, %dma_wait3A_1551] : memref<160x128xf32, #tpu.memory_space<vmem>> -> memref<40x128xf32, #tpu.memory_space<vmem>>
        %dma_wait3A_1553 = arith.constant 0 : i32
        %dma_wait3A_1554 = tpu.memref_slice %arg5[%add3A_1547, %mul3A_1549, %dma_wait3A_1553] : memref<1024x200x128xf32, #tpu.memory_space<hbm>> -> memref<1x40x128xf32, #tpu.memory_space<hbm>>
        %dma_wait3A_1555 = tpu.memref_squeeze %dma_wait3A_1554 : memref<1x40x128xf32, #tpu.memory_space<hbm>> -> memref<40x128xf32, #tpu.memory_space<hbm>>
        %dma_wait3A_1556 = arith.constant 0 : i32
        %dma_wait3A_1557 = tpu.memref_slice %arg5[%add3A_1547, %mul3A_1549, %dma_wait3A_1556] : memref<1024x200x128xf32, #tpu.memory_space<hbm>> -> memref<1x40x128xf32, #tpu.memory_space<hbm>>
        %dma_wait3A_1558 = tpu.memref_squeeze %dma_wait3A_1557 : memref<1x40x128xf32, #tpu.memory_space<hbm>> -> memref<40x128xf32, #tpu.memory_space<hbm>>
        %dma_wait3A_1559 = arith.constant 0 : i32
        %dma_wait3A_1560 = arith.constant 0 : i32
        %dma_wait3A_1561 = tpu.memref_slice %arg11[%dma_wait3A_1559, %dma_wait3A_1560] : memref<160x128xf32, #tpu.memory_space<vmem>> -> memref<40x128xf32, #tpu.memory_space<vmem>>
        tpu.wait_dma2 semaphore(%arg19 : memref<!tpu.dma_semaphore, #tpu.memory_space<semaphore_mem>>) src(%dma_wait3A_1561 : memref<40x128xf32, #tpu.memory_space<vmem>>) dst(%dma_wait3A_1558 : memref<40x128xf32, #tpu.memory_space<hbm>>)
        %div3A_1562 = arith.constant 5 : i32
        %div3A_1563 = arith.divsi %add3A_1530, %div3A_1562 : i32
        %rem3A_1564 = arith.constant 5 : i32
        %rem3A_1565 = arith.remsi %add3A_1530, %rem3A_1564 : i32
        %mul3A_1566 = arith.constant 4 : i32
        %mul3A_1567 = arith.muli %mul3A_1566, %div3A_1563 : i32
        %add3A_1568 = arith.addi %mul3A_6, %mul3A_1567 : i32
        %add3A_1569 = arith.constant 1 : i32
        %add3A_1570 = arith.addi %add3A_1568, %add3A_1569 : i32
        %mul3A_1571 = arith.constant 40 : i32
        %mul3A_1572 = arith.muli %rem3A_1565, %mul3A_1571 : i32
        %dma_wait3A_1573 = arith.constant 40 : i32
        %dma_wait3A_1574 = arith.constant 0 : i32
        %dma_wait3A_1575 = tpu.memref_slice %arg11[%dma_wait3A_1573, %dma_wait3A_1574] : memref<160x128xf32, #tpu.memory_space<vmem>> -> memref<40x128xf32, #tpu.memory_space<vmem>>
        %dma_wait3A_1576 = arith.constant 0 : i32
        %dma_wait3A_1577 = tpu.memref_slice %arg5[%add3A_1570, %mul3A_1572, %dma_wait3A_1576] : memref<1024x200x128xf32, #tpu.memory_space<hbm>> -> memref<1x40x128xf32, #tpu.memory_space<hbm>>
        %dma_wait3A_1578 = tpu.memref_squeeze %dma_wait3A_1577 : memref<1x40x128xf32, #tpu.memory_space<hbm>> -> memref<40x128xf32, #tpu.memory_space<hbm>>
        %dma_wait3A_1579 = arith.constant 0 : i32
        %dma_wait3A_1580 = tpu.memref_slice %arg5[%add3A_1570, %mul3A_1572, %dma_wait3A_1579] : memref<1024x200x128xf32, #tpu.memory_space<hbm>> -> memref<1x40x128xf32, #tpu.memory_space<hbm>>
        %dma_wait3A_1581 = tpu.memref_squeeze %dma_wait3A_1580 : memref<1x40x128xf32, #tpu.memory_space<hbm>> -> memref<40x128xf32, #tpu.memory_space<hbm>>
        %dma_wait3A_1582 = arith.constant 40 : i32
        %dma_wait3A_1583 = arith.constant 0 : i32
        %dma_wait3A_1584 = tpu.memref_slice %arg11[%dma_wait3A_1582, %dma_wait3A_1583] : memref<160x128xf32, #tpu.memory_space<vmem>> -> memref<40x128xf32, #tpu.memory_space<vmem>>
        tpu.wait_dma2 semaphore(%arg19 : memref<!tpu.dma_semaphore, #tpu.memory_space<semaphore_mem>>) src(%dma_wait3A_1584 : memref<40x128xf32, #tpu.memory_space<vmem>>) dst(%dma_wait3A_1581 : memref<40x128xf32, #tpu.memory_space<hbm>>)
        %div3A_1585 = arith.constant 5 : i32
        %div3A_1586 = arith.divsi %add3A_1530, %div3A_1585 : i32
        %rem3A_1587 = arith.constant 5 : i32
        %rem3A_1588 = arith.remsi %add3A_1530, %rem3A_1587 : i32
        %mul3A_1589 = arith.constant 4 : i32
        %mul3A_1590 = arith.muli %mul3A_1589, %div3A_1586 : i32
        %add3A_1591 = arith.addi %mul3A_6, %mul3A_1590 : i32
        %add3A_1592 = arith.constant 2 : i32
        %add3A_1593 = arith.addi %add3A_1591, %add3A_1592 : i32
        %mul3A_1594 = arith.constant 40 : i32
        %mul3A_1595 = arith.muli %rem3A_1588, %mul3A_1594 : i32
        %dma_wait3A_1596 = arith.constant 80 : i32
        %dma_wait3A_1597 = arith.constant 0 : i32
        %dma_wait3A_1598 = tpu.memref_slice %arg11[%dma_wait3A_1596, %dma_wait3A_1597] : memref<160x128xf32, #tpu.memory_space<vmem>> -> memref<40x128xf32, #tpu.memory_space<vmem>>
        %dma_wait3A_1599 = arith.constant 0 : i32
        %dma_wait3A_1600 = tpu.memref_slice %arg5[%add3A_1593, %mul3A_1595, %dma_wait3A_1599] : memref<1024x200x128xf32, #tpu.memory_space<hbm>> -> memref<1x40x128xf32, #tpu.memory_space<hbm>>
        %dma_wait3A_1601 = tpu.memref_squeeze %dma_wait3A_1600 : memref<1x40x128xf32, #tpu.memory_space<hbm>> -> memref<40x128xf32, #tpu.memory_space<hbm>>
        %dma_wait3A_1602 = arith.constant 0 : i32
        %dma_wait3A_1603 = tpu.memref_slice %arg5[%add3A_1593, %mul3A_1595, %dma_wait3A_1602] : memref<1024x200x128xf32, #tpu.memory_space<hbm>> -> memref<1x40x128xf32, #tpu.memory_space<hbm>>
        %dma_wait3A_1604 = tpu.memref_squeeze %dma_wait3A_1603 : memref<1x40x128xf32, #tpu.memory_space<hbm>> -> memref<40x128xf32, #tpu.memory_space<hbm>>
        %dma_wait3A_1605 = arith.constant 80 : i32
        %dma_wait3A_1606 = arith.constant 0 : i32
        %dma_wait3A_1607 = tpu.memref_slice %arg11[%dma_wait3A_1605, %dma_wait3A_1606] : memref<160x128xf32, #tpu.memory_space<vmem>> -> memref<40x128xf32, #tpu.memory_space<vmem>>
        tpu.wait_dma2 semaphore(%arg19 : memref<!tpu.dma_semaphore, #tpu.memory_space<semaphore_mem>>) src(%dma_wait3A_1607 : memref<40x128xf32, #tpu.memory_space<vmem>>) dst(%dma_wait3A_1604 : memref<40x128xf32, #tpu.memory_space<hbm>>)
        %div3A_1608 = arith.constant 5 : i32
        %div3A_1609 = arith.divsi %add3A_1530, %div3A_1608 : i32
        %rem3A_1610 = arith.constant 5 : i32
        %rem3A_1611 = arith.remsi %add3A_1530, %rem3A_1610 : i32
        %mul3A_1612 = arith.constant 4 : i32
        %mul3A_1613 = arith.muli %mul3A_1612, %div3A_1609 : i32
        %add3A_1614 = arith.addi %mul3A_6, %mul3A_1613 : i32
        %add3A_1615 = arith.constant 3 : i32
        %add3A_1616 = arith.addi %add3A_1614, %add3A_1615 : i32
        %mul3A_1617 = arith.constant 40 : i32
        %mul3A_1618 = arith.muli %rem3A_1611, %mul3A_1617 : i32
        %dma_wait3A_1619 = arith.constant 120 : i32
        %dma_wait3A_1620 = arith.constant 0 : i32
        %dma_wait3A_1621 = tpu.memref_slice %arg11[%dma_wait3A_1619, %dma_wait3A_1620] : memref<160x128xf32, #tpu.memory_space<vmem>> -> memref<40x128xf32, #tpu.memory_space<vmem>>
        %dma_wait3A_1622 = arith.constant 0 : i32
        %dma_wait3A_1623 = tpu.memref_slice %arg5[%add3A_1616, %mul3A_1618, %dma_wait3A_1622] : memref<1024x200x128xf32, #tpu.memory_space<hbm>> -> memref<1x40x128xf32, #tpu.memory_space<hbm>>
        %dma_wait3A_1624 = tpu.memref_squeeze %dma_wait3A_1623 : memref<1x40x128xf32, #tpu.memory_space<hbm>> -> memref<40x128xf32, #tpu.memory_space<hbm>>
        %dma_wait3A_1625 = arith.constant 0 : i32
        %dma_wait3A_1626 = tpu.memref_slice %arg5[%add3A_1616, %mul3A_1618, %dma_wait3A_1625] : memref<1024x200x128xf32, #tpu.memory_space<hbm>> -> memref<1x40x128xf32, #tpu.memory_space<hbm>>
        %dma_wait3A_1627 = tpu.memref_squeeze %dma_wait3A_1626 : memref<1x40x128xf32, #tpu.memory_space<hbm>> -> memref<40x128xf32, #tpu.memory_space<hbm>>
        %dma_wait3A_1628 = arith.constant 120 : i32
        %dma_wait3A_1629 = arith.constant 0 : i32
        %dma_wait3A_1630 = tpu.memref_slice %arg11[%dma_wait3A_1628, %dma_wait3A_1629] : memref<160x128xf32, #tpu.memory_space<vmem>> -> memref<40x128xf32, #tpu.memory_space<vmem>>
        tpu.wait_dma2 semaphore(%arg19 : memref<!tpu.dma_semaphore, #tpu.memory_space<semaphore_mem>>) src(%dma_wait3A_1630 : memref<40x128xf32, #tpu.memory_space<vmem>>) dst(%dma_wait3A_1627 : memref<40x128xf32, #tpu.memory_space<hbm>>)
        %add3A_1631 = arith.constant 4 : i32
        %add3A_1632 = arith.addi %add3A_1530, %add3A_1631 : i32
        %div3A_1633 = arith.constant 5 : i32
        %div3A_1634 = arith.divsi %add3A_1632, %div3A_1633 : i32
        %rem3A_1635 = arith.constant 5 : i32
        %rem3A_1636 = arith.remsi %add3A_1632, %rem3A_1635 : i32
        %mul3A_1637 = arith.constant 4 : i32
        %mul3A_1638 = arith.muli %mul3A_1637, %div3A_1634 : i32
        %add3A_1639 = arith.constant 0 : i32
        %add3A_1640 = arith.addi %mul3A_1638, %add3A_1639 : i32
        %mul3A_1641 = arith.constant 5 : i32
        %mul3A_1642 = arith.muli %add3A_1640, %mul3A_1641 : i32
        %add3A_1643 = arith.addi %mul3A_1642, %rem3A_1636 : i32
        %dma_start3A_1644 = arith.constant 0 : i32
        %dma_start3A_1645 = arith.constant 0 : i32
        %dma_start3A_1646 = tpu.memref_slice %arg11[%dma_start3A_1644, %dma_start3A_1645] : memref<160x128xf32, #tpu.memory_space<vmem>> -> memref<40x128xf32, #tpu.memory_space<vmem>>
        %dma_start3A_1647 = arith.constant 0 : i32
        %dma_start3A_1648 = tpu.memref_slice %arg6[%add3A_1643, %dma_start3A_1647] : memref<160x40xi32, #tpu.memory_space<vmem>> -> memref<1x40xi32, #tpu.memory_space<vmem>>
        %dma_start3A_1649 = tpu.memref_squeeze %dma_start3A_1648 : memref<1x40xi32, #tpu.memory_space<vmem>> -> memref<40xi32, #tpu.memory_space<vmem>>
        %dma_start3A_1650 = arith.constant 0 : i32
        %dma_start3A_1651 = arith.constant 0 : i32
        %dma_start3A_1652 = tpu.memref_slice %arg2[%dma_start3A_1650, %dma_start3A_1651] : memref<100000x128xf32, #tpu.memory_space<hbm>> -> memref<100000x128xf32, #tpu.memory_space<hbm>>
        tpu.enqueue_indirect_dma source(%dma_start3A_1652 : memref<100000x128xf32, #tpu.memory_space<hbm>>) target(%dma_start3A_1646 : memref<40x128xf32, #tpu.memory_space<vmem>>) offsets(%dma_start3A_1649 : memref<40xi32, #tpu.memory_space<vmem>>) semaphore(%arg15 : memref<!tpu.dma_semaphore, #tpu.memory_space<semaphore_mem>>)
        %div3A_1653 = arith.constant 5 : i32
        %div3A_1654 = arith.divsi %add3A_1632, %div3A_1653 : i32
        %rem3A_1655 = arith.constant 5 : i32
        %rem3A_1656 = arith.remsi %add3A_1632, %rem3A_1655 : i32
        %mul3A_1657 = arith.constant 4 : i32
        %mul3A_1658 = arith.muli %mul3A_1657, %div3A_1654 : i32
        %add3A_1659 = arith.constant 1 : i32
        %add3A_1660 = arith.addi %mul3A_1658, %add3A_1659 : i32
        %mul3A_1661 = arith.constant 5 : i32
        %mul3A_1662 = arith.muli %add3A_1660, %mul3A_1661 : i32
        %add3A_1663 = arith.addi %mul3A_1662, %rem3A_1656 : i32
        %dma_start3A_1664 = arith.constant 40 : i32
        %dma_start3A_1665 = arith.constant 0 : i32
        %dma_start3A_1666 = tpu.memref_slice %arg11[%dma_start3A_1664, %dma_start3A_1665] : memref<160x128xf32, #tpu.memory_space<vmem>> -> memref<40x128xf32, #tpu.memory_space<vmem>>
        %dma_start3A_1667 = arith.constant 0 : i32
        %dma_start3A_1668 = tpu.memref_slice %arg6[%add3A_1663, %dma_start3A_1667] : memref<160x40xi32, #tpu.memory_space<vmem>> -> memref<1x40xi32, #tpu.memory_space<vmem>>
        %dma_start3A_1669 = tpu.memref_squeeze %dma_start3A_1668 : memref<1x40xi32, #tpu.memory_space<vmem>> -> memref<40xi32, #tpu.memory_space<vmem>>
        %dma_start3A_1670 = arith.constant 0 : i32
        %dma_start3A_1671 = arith.constant 0 : i32
        %dma_start3A_1672 = tpu.memref_slice %arg2[%dma_start3A_1670, %dma_start3A_1671] : memref<100000x128xf32, #tpu.memory_space<hbm>> -> memref<100000x128xf32, #tpu.memory_space<hbm>>
        tpu.enqueue_indirect_dma source(%dma_start3A_1672 : memref<100000x128xf32, #tpu.memory_space<hbm>>) target(%dma_start3A_1666 : memref<40x128xf32, #tpu.memory_space<vmem>>) offsets(%dma_start3A_1669 : memref<40xi32, #tpu.memory_space<vmem>>) semaphore(%arg15 : memref<!tpu.dma_semaphore, #tpu.memory_space<semaphore_mem>>)
        %div3A_1673 = arith.constant 5 : i32
        %div3A_1674 = arith.divsi %add3A_1632, %div3A_1673 : i32
        %rem3A_1675 = arith.constant 5 : i32
        %rem3A_1676 = arith.remsi %add3A_1632, %rem3A_1675 : i32
        %mul3A_1677 = arith.constant 4 : i32
        %mul3A_1678 = arith.muli %mul3A_1677, %div3A_1674 : i32
        %add3A_1679 = arith.constant 2 : i32
        %add3A_1680 = arith.addi %mul3A_1678, %add3A_1679 : i32
        %mul3A_1681 = arith.constant 5 : i32
        %mul3A_1682 = arith.muli %add3A_1680, %mul3A_1681 : i32
        %add3A_1683 = arith.addi %mul3A_1682, %rem3A_1676 : i32
        %dma_start3A_1684 = arith.constant 80 : i32
        %dma_start3A_1685 = arith.constant 0 : i32
        %dma_start3A_1686 = tpu.memref_slice %arg11[%dma_start3A_1684, %dma_start3A_1685] : memref<160x128xf32, #tpu.memory_space<vmem>> -> memref<40x128xf32, #tpu.memory_space<vmem>>
        %dma_start3A_1687 = arith.constant 0 : i32
        %dma_start3A_1688 = tpu.memref_slice %arg6[%add3A_1683, %dma_start3A_1687] : memref<160x40xi32, #tpu.memory_space<vmem>> -> memref<1x40xi32, #tpu.memory_space<vmem>>
        %dma_start3A_1689 = tpu.memref_squeeze %dma_start3A_1688 : memref<1x40xi32, #tpu.memory_space<vmem>> -> memref<40xi32, #tpu.memory_space<vmem>>
        %dma_start3A_1690 = arith.constant 0 : i32
        %dma_start3A_1691 = arith.constant 0 : i32
        %dma_start3A_1692 = tpu.memref_slice %arg2[%dma_start3A_1690, %dma_start3A_1691] : memref<100000x128xf32, #tpu.memory_space<hbm>> -> memref<100000x128xf32, #tpu.memory_space<hbm>>
        tpu.enqueue_indirect_dma source(%dma_start3A_1692 : memref<100000x128xf32, #tpu.memory_space<hbm>>) target(%dma_start3A_1686 : memref<40x128xf32, #tpu.memory_space<vmem>>) offsets(%dma_start3A_1689 : memref<40xi32, #tpu.memory_space<vmem>>) semaphore(%arg15 : memref<!tpu.dma_semaphore, #tpu.memory_space<semaphore_mem>>)
        %div3A_1693 = arith.constant 5 : i32
        %div3A_1694 = arith.divsi %add3A_1632, %div3A_1693 : i32
        %rem3A_1695 = arith.constant 5 : i32
        %rem3A_1696 = arith.remsi %add3A_1632, %rem3A_1695 : i32
        %mul3A_1697 = arith.constant 4 : i32
        %mul3A_1698 = arith.muli %mul3A_1697, %div3A_1694 : i32
        %add3A_1699 = arith.constant 3 : i32
        %add3A_1700 = arith.addi %mul3A_1698, %add3A_1699 : i32
        %mul3A_1701 = arith.constant 5 : i32
        %mul3A_1702 = arith.muli %add3A_1700, %mul3A_1701 : i32
        %add3A_1703 = arith.addi %mul3A_1702, %rem3A_1696 : i32
        %dma_start3A_1704 = arith.constant 120 : i32
        %dma_start3A_1705 = arith.constant 0 : i32
        %dma_start3A_1706 = tpu.memref_slice %arg11[%dma_start3A_1704, %dma_start3A_1705] : memref<160x128xf32, #tpu.memory_space<vmem>> -> memref<40x128xf32, #tpu.memory_space<vmem>>
        %dma_start3A_1707 = arith.constant 0 : i32
        %dma_start3A_1708 = tpu.memref_slice %arg6[%add3A_1703, %dma_start3A_1707] : memref<160x40xi32, #tpu.memory_space<vmem>> -> memref<1x40xi32, #tpu.memory_space<vmem>>
        %dma_start3A_1709 = tpu.memref_squeeze %dma_start3A_1708 : memref<1x40xi32, #tpu.memory_space<vmem>> -> memref<40xi32, #tpu.memory_space<vmem>>
        %dma_start3A_1710 = arith.constant 0 : i32
        %dma_start3A_1711 = arith.constant 0 : i32
        %dma_start3A_1712 = tpu.memref_slice %arg2[%dma_start3A_1710, %dma_start3A_1711] : memref<100000x128xf32, #tpu.memory_space<hbm>> -> memref<100000x128xf32, #tpu.memory_space<hbm>>
        tpu.enqueue_indirect_dma source(%dma_start3A_1712 : memref<100000x128xf32, #tpu.memory_space<hbm>>) target(%dma_start3A_1706 : memref<40x128xf32, #tpu.memory_space<vmem>>) offsets(%dma_start3A_1709 : memref<40xi32, #tpu.memory_space<vmem>>) semaphore(%arg15 : memref<!tpu.dma_semaphore, #tpu.memory_space<semaphore_mem>>)
      } else {
      }
      %scan3A_1538 = arith.constant 0 : i32
      scf.yield %scan3A_1538 : i32
    }
    %scan3A_361 = arith.constant 10 : i32
    %div3A_362 = arith.constant 36 : i32
    %div3A_363 = arith.constant 5 : i32
    %div3A_364 = arith.divsi %div3A_362, %div3A_363 : i32
    %rem3A_365 = arith.constant 36 : i32
    %rem3A_366 = arith.constant 5 : i32
    %rem3A_367 = arith.remsi %rem3A_365, %rem3A_366 : i32
    %mul3A_368 = arith.constant 4 : i32
    %mul3A_369 = arith.muli %mul3A_368, %div3A_364 : i32
    %add3A_370 = arith.addi %mul3A_6, %mul3A_369 : i32
    %add3A_371 = arith.constant 0 : i32
    %add3A_372 = arith.addi %add3A_370, %add3A_371 : i32
    %mul3A_373 = arith.constant 40 : i32
    %mul3A_374 = arith.muli %rem3A_367, %mul3A_373 : i32
    %dma_wait3A = arith.constant 0 : i32
    %dma_wait3A_375 = arith.constant 0 : i32
    %dma_wait3A_376 = tpu.memref_slice %arg8[%dma_wait3A, %dma_wait3A_375] : memref<160x128xf32, #tpu.memory_space<vmem>> -> memref<40x128xf32, #tpu.memory_space<vmem>>
    %dma_wait3A_377 = arith.constant 0 : i32
    %dma_wait3A_378 = tpu.memref_slice %arg5[%add3A_372, %mul3A_374, %dma_wait3A_377] : memref<1024x200x128xf32, #tpu.memory_space<hbm>> -> memref<1x40x128xf32, #tpu.memory_space<hbm>>
    %dma_wait3A_379 = tpu.memref_squeeze %dma_wait3A_378 : memref<1x40x128xf32, #tpu.memory_space<hbm>> -> memref<40x128xf32, #tpu.memory_space<hbm>>
    %dma_wait3A_380 = arith.constant 0 : i32
    %dma_wait3A_381 = tpu.memref_slice %arg5[%add3A_372, %mul3A_374, %dma_wait3A_380] : memref<1024x200x128xf32, #tpu.memory_space<hbm>> -> memref<1x40x128xf32, #tpu.memory_space<hbm>>
    %dma_wait3A_382 = tpu.memref_squeeze %dma_wait3A_381 : memref<1x40x128xf32, #tpu.memory_space<hbm>> -> memref<40x128xf32, #tpu.memory_space<hbm>>
    %dma_wait3A_383 = arith.constant 0 : i32
    %dma_wait3A_384 = arith.constant 0 : i32
    %dma_wait3A_385 = tpu.memref_slice %arg8[%dma_wait3A_383, %dma_wait3A_384] : memref<160x128xf32, #tpu.memory_space<vmem>> -> memref<40x128xf32, #tpu.memory_space<vmem>>
    tpu.wait_dma2 semaphore(%arg16 : memref<!tpu.dma_semaphore, #tpu.memory_space<semaphore_mem>>) src(%dma_wait3A_385 : memref<40x128xf32, #tpu.memory_space<vmem>>) dst(%dma_wait3A_382 : memref<40x128xf32, #tpu.memory_space<hbm>>)
    %div3A_386 = arith.constant 36 : i32
    %div3A_387 = arith.constant 5 : i32
    %div3A_388 = arith.divsi %div3A_386, %div3A_387 : i32
    %rem3A_389 = arith.constant 36 : i32
    %rem3A_390 = arith.constant 5 : i32
    %rem3A_391 = arith.remsi %rem3A_389, %rem3A_390 : i32
    %mul3A_392 = arith.constant 4 : i32
    %mul3A_393 = arith.muli %mul3A_392, %div3A_388 : i32
    %add3A_394 = arith.addi %mul3A_6, %mul3A_393 : i32
    %add3A_395 = arith.constant 1 : i32
    %add3A_396 = arith.addi %add3A_394, %add3A_395 : i32
    %mul3A_397 = arith.constant 40 : i32
    %mul3A_398 = arith.muli %rem3A_391, %mul3A_397 : i32
    %dma_wait3A_399 = arith.constant 40 : i32
    %dma_wait3A_400 = arith.constant 0 : i32
    %dma_wait3A_401 = tpu.memref_slice %arg8[%dma_wait3A_399, %dma_wait3A_400] : memref<160x128xf32, #tpu.memory_space<vmem>> -> memref<40x128xf32, #tpu.memory_space<vmem>>
    %dma_wait3A_402 = arith.constant 0 : i32
    %dma_wait3A_403 = tpu.memref_slice %arg5[%add3A_396, %mul3A_398, %dma_wait3A_402] : memref<1024x200x128xf32, #tpu.memory_space<hbm>> -> memref<1x40x128xf32, #tpu.memory_space<hbm>>
    %dma_wait3A_404 = tpu.memref_squeeze %dma_wait3A_403 : memref<1x40x128xf32, #tpu.memory_space<hbm>> -> memref<40x128xf32, #tpu.memory_space<hbm>>
    %dma_wait3A_405 = arith.constant 0 : i32
    %dma_wait3A_406 = tpu.memref_slice %arg5[%add3A_396, %mul3A_398, %dma_wait3A_405] : memref<1024x200x128xf32, #tpu.memory_space<hbm>> -> memref<1x40x128xf32, #tpu.memory_space<hbm>>
    %dma_wait3A_407 = tpu.memref_squeeze %dma_wait3A_406 : memref<1x40x128xf32, #tpu.memory_space<hbm>> -> memref<40x128xf32, #tpu.memory_space<hbm>>
    %dma_wait3A_408 = arith.constant 40 : i32
    %dma_wait3A_409 = arith.constant 0 : i32
    %dma_wait3A_410 = tpu.memref_slice %arg8[%dma_wait3A_408, %dma_wait3A_409] : memref<160x128xf32, #tpu.memory_space<vmem>> -> memref<40x128xf32, #tpu.memory_space<vmem>>
    tpu.wait_dma2 semaphore(%arg16 : memref<!tpu.dma_semaphore, #tpu.memory_space<semaphore_mem>>) src(%dma_wait3A_410 : memref<40x128xf32, #tpu.memory_space<vmem>>) dst(%dma_wait3A_407 : memref<40x128xf32, #tpu.memory_space<hbm>>)
    %div3A_411 = arith.constant 36 : i32
    %div3A_412 = arith.constant 5 : i32
    %div3A_413 = arith.divsi %div3A_411, %div3A_412 : i32
    %rem3A_414 = arith.constant 36 : i32
    %rem3A_415 = arith.constant 5 : i32
    %rem3A_416 = arith.remsi %rem3A_414, %rem3A_415 : i32
    %mul3A_417 = arith.constant 4 : i32
    %mul3A_418 = arith.muli %mul3A_417, %div3A_413 : i32
    %add3A_419 = arith.addi %mul3A_6, %mul3A_418 : i32
    %add3A_420 = arith.constant 2 : i32
    %add3A_421 = arith.addi %add3A_419, %add3A_420 : i32
    %mul3A_422 = arith.constant 40 : i32
    %mul3A_423 = arith.muli %rem3A_416, %mul3A_422 : i32
    %dma_wait3A_424 = arith.constant 80 : i32
    %dma_wait3A_425 = arith.constant 0 : i32
    %dma_wait3A_426 = tpu.memref_slice %arg8[%dma_wait3A_424, %dma_wait3A_425] : memref<160x128xf32, #tpu.memory_space<vmem>> -> memref<40x128xf32, #tpu.memory_space<vmem>>
    %dma_wait3A_427 = arith.constant 0 : i32
    %dma_wait3A_428 = tpu.memref_slice %arg5[%add3A_421, %mul3A_423, %dma_wait3A_427] : memref<1024x200x128xf32, #tpu.memory_space<hbm>> -> memref<1x40x128xf32, #tpu.memory_space<hbm>>
    %dma_wait3A_429 = tpu.memref_squeeze %dma_wait3A_428 : memref<1x40x128xf32, #tpu.memory_space<hbm>> -> memref<40x128xf32, #tpu.memory_space<hbm>>
    %dma_wait3A_430 = arith.constant 0 : i32
    %dma_wait3A_431 = tpu.memref_slice %arg5[%add3A_421, %mul3A_423, %dma_wait3A_430] : memref<1024x200x128xf32, #tpu.memory_space<hbm>> -> memref<1x40x128xf32, #tpu.memory_space<hbm>>
    %dma_wait3A_432 = tpu.memref_squeeze %dma_wait3A_431 : memref<1x40x128xf32, #tpu.memory_space<hbm>> -> memref<40x128xf32, #tpu.memory_space<hbm>>
    %dma_wait3A_433 = arith.constant 80 : i32
    %dma_wait3A_434 = arith.constant 0 : i32
    %dma_wait3A_435 = tpu.memref_slice %arg8[%dma_wait3A_433, %dma_wait3A_434] : memref<160x128xf32, #tpu.memory_space<vmem>> -> memref<40x128xf32, #tpu.memory_space<vmem>>
    tpu.wait_dma2 semaphore(%arg16 : memref<!tpu.dma_semaphore, #tpu.memory_space<semaphore_mem>>) src(%dma_wait3A_435 : memref<40x128xf32, #tpu.memory_space<vmem>>) dst(%dma_wait3A_432 : memref<40x128xf32, #tpu.memory_space<hbm>>)
    %div3A_436 = arith.constant 36 : i32
    %div3A_437 = arith.constant 5 : i32
    %div3A_438 = arith.divsi %div3A_436, %div3A_437 : i32
    %rem3A_439 = arith.constant 36 : i32
    %rem3A_440 = arith.constant 5 : i32
    %rem3A_441 = arith.remsi %rem3A_439, %rem3A_440 : i32
    %mul3A_442 = arith.constant 4 : i32
    %mul3A_443 = arith.muli %mul3A_442, %div3A_438 : i32
    %add3A_444 = arith.addi %mul3A_6, %mul3A_443 : i32
    %add3A_445 = arith.constant 3 : i32
    %add3A_446 = arith.addi %add3A_444, %add3A_445 : i32
    %mul3A_447 = arith.constant 40 : i32
    %mul3A_448 = arith.muli %rem3A_441, %mul3A_447 : i32
    %dma_wait3A_449 = arith.constant 120 : i32
    %dma_wait3A_450 = arith.constant 0 : i32
    %dma_wait3A_451 = tpu.memref_slice %arg8[%dma_wait3A_449, %dma_wait3A_450] : memref<160x128xf32, #tpu.memory_space<vmem>> -> memref<40x128xf32, #tpu.memory_space<vmem>>
    %dma_wait3A_452 = arith.constant 0 : i32
    %dma_wait3A_453 = tpu.memref_slice %arg5[%add3A_446, %mul3A_448, %dma_wait3A_452] : memref<1024x200x128xf32, #tpu.memory_space<hbm>> -> memref<1x40x128xf32, #tpu.memory_space<hbm>>
    %dma_wait3A_454 = tpu.memref_squeeze %dma_wait3A_453 : memref<1x40x128xf32, #tpu.memory_space<hbm>> -> memref<40x128xf32, #tpu.memory_space<hbm>>
    %dma_wait3A_455 = arith.constant 0 : i32
    %dma_wait3A_456 = tpu.memref_slice %arg5[%add3A_446, %mul3A_448, %dma_wait3A_455] : memref<1024x200x128xf32, #tpu.memory_space<hbm>> -> memref<1x40x128xf32, #tpu.memory_space<hbm>>
    %dma_wait3A_457 = tpu.memref_squeeze %dma_wait3A_456 : memref<1x40x128xf32, #tpu.memory_space<hbm>> -> memref<40x128xf32, #tpu.memory_space<hbm>>
    %dma_wait3A_458 = arith.constant 120 : i32
    %dma_wait3A_459 = arith.constant 0 : i32
    %dma_wait3A_460 = tpu.memref_slice %arg8[%dma_wait3A_458, %dma_wait3A_459] : memref<160x128xf32, #tpu.memory_space<vmem>> -> memref<40x128xf32, #tpu.memory_space<vmem>>
    tpu.wait_dma2 semaphore(%arg16 : memref<!tpu.dma_semaphore, #tpu.memory_space<semaphore_mem>>) src(%dma_wait3A_460 : memref<40x128xf32, #tpu.memory_space<vmem>>) dst(%dma_wait3A_457 : memref<40x128xf32, #tpu.memory_space<hbm>>)
    %div3A_461 = arith.constant 37 : i32
    %div3A_462 = arith.constant 5 : i32
    %div3A_463 = arith.divsi %div3A_461, %div3A_462 : i32
    %rem3A_464 = arith.constant 37 : i32
    %rem3A_465 = arith.constant 5 : i32
    %rem3A_466 = arith.remsi %rem3A_464, %rem3A_465 : i32
    %mul3A_467 = arith.constant 4 : i32
    %mul3A_468 = arith.muli %mul3A_467, %div3A_463 : i32
    %add3A_469 = arith.addi %mul3A_6, %mul3A_468 : i32
    %add3A_470 = arith.constant 0 : i32
    %add3A_471 = arith.addi %add3A_469, %add3A_470 : i32
    %mul3A_472 = arith.constant 40 : i32
    %mul3A_473 = arith.muli %rem3A_466, %mul3A_472 : i32
    %dma_wait3A_474 = arith.constant 0 : i32
    %dma_wait3A_475 = arith.constant 0 : i32
    %dma_wait3A_476 = tpu.memref_slice %arg9[%dma_wait3A_474, %dma_wait3A_475] : memref<160x128xf32, #tpu.memory_space<vmem>> -> memref<40x128xf32, #tpu.memory_space<vmem>>
    %dma_wait3A_477 = arith.constant 0 : i32
    %dma_wait3A_478 = tpu.memref_slice %arg5[%add3A_471, %mul3A_473, %dma_wait3A_477] : memref<1024x200x128xf32, #tpu.memory_space<hbm>> -> memref<1x40x128xf32, #tpu.memory_space<hbm>>
    %dma_wait3A_479 = tpu.memref_squeeze %dma_wait3A_478 : memref<1x40x128xf32, #tpu.memory_space<hbm>> -> memref<40x128xf32, #tpu.memory_space<hbm>>
    %dma_wait3A_480 = arith.constant 0 : i32
    %dma_wait3A_481 = tpu.memref_slice %arg5[%add3A_471, %mul3A_473, %dma_wait3A_480] : memref<1024x200x128xf32, #tpu.memory_space<hbm>> -> memref<1x40x128xf32, #tpu.memory_space<hbm>>
    %dma_wait3A_482 = tpu.memref_squeeze %dma_wait3A_481 : memref<1x40x128xf32, #tpu.memory_space<hbm>> -> memref<40x128xf32, #tpu.memory_space<hbm>>
    %dma_wait3A_483 = arith.constant 0 : i32
    %dma_wait3A_484 = arith.constant 0 : i32
    %dma_wait3A_485 = tpu.memref_slice %arg9[%dma_wait3A_483, %dma_wait3A_484] : memref<160x128xf32, #tpu.memory_space<vmem>> -> memref<40x128xf32, #tpu.memory_space<vmem>>
    tpu.wait_dma2 semaphore(%arg17 : memref<!tpu.dma_semaphore, #tpu.memory_space<semaphore_mem>>) src(%dma_wait3A_485 : memref<40x128xf32, #tpu.memory_space<vmem>>) dst(%dma_wait3A_482 : memref<40x128xf32, #tpu.memory_space<hbm>>)
    %div3A_486 = arith.constant 37 : i32
    %div3A_487 = arith.constant 5 : i32
    %div3A_488 = arith.divsi %div3A_486, %div3A_487 : i32
    %rem3A_489 = arith.constant 37 : i32
    %rem3A_490 = arith.constant 5 : i32
    %rem3A_491 = arith.remsi %rem3A_489, %rem3A_490 : i32
    %mul3A_492 = arith.constant 4 : i32
    %mul3A_493 = arith.muli %mul3A_492, %div3A_488 : i32
    %add3A_494 = arith.addi %mul3A_6, %mul3A_493 : i32
    %add3A_495 = arith.constant 1 : i32
    %add3A_496 = arith.addi %add3A_494, %add3A_495 : i32
    %mul3A_497 = arith.constant 40 : i32
    %mul3A_498 = arith.muli %rem3A_491, %mul3A_497 : i32
    %dma_wait3A_499 = arith.constant 40 : i32
    %dma_wait3A_500 = arith.constant 0 : i32
    %dma_wait3A_501 = tpu.memref_slice %arg9[%dma_wait3A_499, %dma_wait3A_500] : memref<160x128xf32, #tpu.memory_space<vmem>> -> memref<40x128xf32, #tpu.memory_space<vmem>>
    %dma_wait3A_502 = arith.constant 0 : i32
    %dma_wait3A_503 = tpu.memref_slice %arg5[%add3A_496, %mul3A_498, %dma_wait3A_502] : memref<1024x200x128xf32, #tpu.memory_space<hbm>> -> memref<1x40x128xf32, #tpu.memory_space<hbm>>
    %dma_wait3A_504 = tpu.memref_squeeze %dma_wait3A_503 : memref<1x40x128xf32, #tpu.memory_space<hbm>> -> memref<40x128xf32, #tpu.memory_space<hbm>>
    %dma_wait3A_505 = arith.constant 0 : i32
    %dma_wait3A_506 = tpu.memref_slice %arg5[%add3A_496, %mul3A_498, %dma_wait3A_505] : memref<1024x200x128xf32, #tpu.memory_space<hbm>> -> memref<1x40x128xf32, #tpu.memory_space<hbm>>
    %dma_wait3A_507 = tpu.memref_squeeze %dma_wait3A_506 : memref<1x40x128xf32, #tpu.memory_space<hbm>> -> memref<40x128xf32, #tpu.memory_space<hbm>>
    %dma_wait3A_508 = arith.constant 40 : i32
    %dma_wait3A_509 = arith.constant 0 : i32
    %dma_wait3A_510 = tpu.memref_slice %arg9[%dma_wait3A_508, %dma_wait3A_509] : memref<160x128xf32, #tpu.memory_space<vmem>> -> memref<40x128xf32, #tpu.memory_space<vmem>>
    tpu.wait_dma2 semaphore(%arg17 : memref<!tpu.dma_semaphore, #tpu.memory_space<semaphore_mem>>) src(%dma_wait3A_510 : memref<40x128xf32, #tpu.memory_space<vmem>>) dst(%dma_wait3A_507 : memref<40x128xf32, #tpu.memory_space<hbm>>)
    %div3A_511 = arith.constant 37 : i32
    %div3A_512 = arith.constant 5 : i32
    %div3A_513 = arith.divsi %div3A_511, %div3A_512 : i32
    %rem3A_514 = arith.constant 37 : i32
    %rem3A_515 = arith.constant 5 : i32
    %rem3A_516 = arith.remsi %rem3A_514, %rem3A_515 : i32
    %mul3A_517 = arith.constant 4 : i32
    %mul3A_518 = arith.muli %mul3A_517, %div3A_513 : i32
    %add3A_519 = arith.addi %mul3A_6, %mul3A_518 : i32
    %add3A_520 = arith.constant 2 : i32
    %add3A_521 = arith.addi %add3A_519, %add3A_520 : i32
    %mul3A_522 = arith.constant 40 : i32
    %mul3A_523 = arith.muli %rem3A_516, %mul3A_522 : i32
    %dma_wait3A_524 = arith.constant 80 : i32
    %dma_wait3A_525 = arith.constant 0 : i32
    %dma_wait3A_526 = tpu.memref_slice %arg9[%dma_wait3A_524, %dma_wait3A_525] : memref<160x128xf32, #tpu.memory_space<vmem>> -> memref<40x128xf32, #tpu.memory_space<vmem>>
    %dma_wait3A_527 = arith.constant 0 : i32
    %dma_wait3A_528 = tpu.memref_slice %arg5[%add3A_521, %mul3A_523, %dma_wait3A_527] : memref<1024x200x128xf32, #tpu.memory_space<hbm>> -> memref<1x40x128xf32, #tpu.memory_space<hbm>>
    %dma_wait3A_529 = tpu.memref_squeeze %dma_wait3A_528 : memref<1x40x128xf32, #tpu.memory_space<hbm>> -> memref<40x128xf32, #tpu.memory_space<hbm>>
    %dma_wait3A_530 = arith.constant 0 : i32
    %dma_wait3A_531 = tpu.memref_slice %arg5[%add3A_521, %mul3A_523, %dma_wait3A_530] : memref<1024x200x128xf32, #tpu.memory_space<hbm>> -> memref<1x40x128xf32, #tpu.memory_space<hbm>>
    %dma_wait3A_532 = tpu.memref_squeeze %dma_wait3A_531 : memref<1x40x128xf32, #tpu.memory_space<hbm>> -> memref<40x128xf32, #tpu.memory_space<hbm>>
    %dma_wait3A_533 = arith.constant 80 : i32
    %dma_wait3A_534 = arith.constant 0 : i32
    %dma_wait3A_535 = tpu.memref_slice %arg9[%dma_wait3A_533, %dma_wait3A_534] : memref<160x128xf32, #tpu.memory_space<vmem>> -> memref<40x128xf32, #tpu.memory_space<vmem>>
    tpu.wait_dma2 semaphore(%arg17 : memref<!tpu.dma_semaphore, #tpu.memory_space<semaphore_mem>>) src(%dma_wait3A_535 : memref<40x128xf32, #tpu.memory_space<vmem>>) dst(%dma_wait3A_532 : memref<40x128xf32, #tpu.memory_space<hbm>>)
    %div3A_536 = arith.constant 37 : i32
    %div3A_537 = arith.constant 5 : i32
    %div3A_538 = arith.divsi %div3A_536, %div3A_537 : i32
    %rem3A_539 = arith.constant 37 : i32
    %rem3A_540 = arith.constant 5 : i32
    %rem3A_541 = arith.remsi %rem3A_539, %rem3A_540 : i32
    %mul3A_542 = arith.constant 4 : i32
    %mul3A_543 = arith.muli %mul3A_542, %div3A_538 : i32
    %add3A_544 = arith.addi %mul3A_6, %mul3A_543 : i32
    %add3A_545 = arith.constant 3 : i32
    %add3A_546 = arith.addi %add3A_544, %add3A_545 : i32
    %mul3A_547 = arith.constant 40 : i32
    %mul3A_548 = arith.muli %rem3A_541, %mul3A_547 : i32
    %dma_wait3A_549 = arith.constant 120 : i32
    %dma_wait3A_550 = arith.constant 0 : i32
    %dma_wait3A_551 = tpu.memref_slice %arg9[%dma_wait3A_549, %dma_wait3A_550] : memref<160x128xf32, #tpu.memory_space<vmem>> -> memref<40x128xf32, #tpu.memory_space<vmem>>
    %dma_wait3A_552 = arith.constant 0 : i32
    %dma_wait3A_553 = tpu.memref_slice %arg5[%add3A_546, %mul3A_548, %dma_wait3A_552] : memref<1024x200x128xf32, #tpu.memory_space<hbm>> -> memref<1x40x128xf32, #tpu.memory_space<hbm>>
    %dma_wait3A_554 = tpu.memref_squeeze %dma_wait3A_553 : memref<1x40x128xf32, #tpu.memory_space<hbm>> -> memref<40x128xf32, #tpu.memory_space<hbm>>
    %dma_wait3A_555 = arith.constant 0 : i32
    %dma_wait3A_556 = tpu.memref_slice %arg5[%add3A_546, %mul3A_548, %dma_wait3A_555] : memref<1024x200x128xf32, #tpu.memory_space<hbm>> -> memref<1x40x128xf32, #tpu.memory_space<hbm>>
    %dma_wait3A_557 = tpu.memref_squeeze %dma_wait3A_556 : memref<1x40x128xf32, #tpu.memory_space<hbm>> -> memref<40x128xf32, #tpu.memory_space<hbm>>
    %dma_wait3A_558 = arith.constant 120 : i32
    %dma_wait3A_559 = arith.constant 0 : i32
    %dma_wait3A_560 = tpu.memref_slice %arg9[%dma_wait3A_558, %dma_wait3A_559] : memref<160x128xf32, #tpu.memory_space<vmem>> -> memref<40x128xf32, #tpu.memory_space<vmem>>
    tpu.wait_dma2 semaphore(%arg17 : memref<!tpu.dma_semaphore, #tpu.memory_space<semaphore_mem>>) src(%dma_wait3A_560 : memref<40x128xf32, #tpu.memory_space<vmem>>) dst(%dma_wait3A_557 : memref<40x128xf32, #tpu.memory_space<hbm>>)
    %div3A_561 = arith.constant 38 : i32
    %div3A_562 = arith.constant 5 : i32
    %div3A_563 = arith.divsi %div3A_561, %div3A_562 : i32
    %rem3A_564 = arith.constant 38 : i32
    %rem3A_565 = arith.constant 5 : i32
    %rem3A_566 = arith.remsi %rem3A_564, %rem3A_565 : i32
    %mul3A_567 = arith.constant 4 : i32
    %mul3A_568 = arith.muli %mul3A_567, %div3A_563 : i32
    %add3A_569 = arith.addi %mul3A_6, %mul3A_568 : i32
    %add3A_570 = arith.constant 0 : i32
    %add3A_571 = arith.addi %add3A_569, %add3A_570 : i32
    %mul3A_572 = arith.constant 40 : i32
    %mul3A_573 = arith.muli %rem3A_566, %mul3A_572 : i32
    %dma_wait3A_574 = arith.constant 0 : i32
    %dma_wait3A_575 = arith.constant 0 : i32
    %dma_wait3A_576 = tpu.memref_slice %arg10[%dma_wait3A_574, %dma_wait3A_575] : memref<160x128xf32, #tpu.memory_space<vmem>> -> memref<40x128xf32, #tpu.memory_space<vmem>>
    %dma_wait3A_577 = arith.constant 0 : i32
    %dma_wait3A_578 = tpu.memref_slice %arg5[%add3A_571, %mul3A_573, %dma_wait3A_577] : memref<1024x200x128xf32, #tpu.memory_space<hbm>> -> memref<1x40x128xf32, #tpu.memory_space<hbm>>
    %dma_wait3A_579 = tpu.memref_squeeze %dma_wait3A_578 : memref<1x40x128xf32, #tpu.memory_space<hbm>> -> memref<40x128xf32, #tpu.memory_space<hbm>>
    %dma_wait3A_580 = arith.constant 0 : i32
    %dma_wait3A_581 = tpu.memref_slice %arg5[%add3A_571, %mul3A_573, %dma_wait3A_580] : memref<1024x200x128xf32, #tpu.memory_space<hbm>> -> memref<1x40x128xf32, #tpu.memory_space<hbm>>
    %dma_wait3A_582 = tpu.memref_squeeze %dma_wait3A_581 : memref<1x40x128xf32, #tpu.memory_space<hbm>> -> memref<40x128xf32, #tpu.memory_space<hbm>>
    %dma_wait3A_583 = arith.constant 0 : i32
    %dma_wait3A_584 = arith.constant 0 : i32
    %dma_wait3A_585 = tpu.memref_slice %arg10[%dma_wait3A_583, %dma_wait3A_584] : memref<160x128xf32, #tpu.memory_space<vmem>> -> memref<40x128xf32, #tpu.memory_space<vmem>>
    tpu.wait_dma2 semaphore(%arg18 : memref<!tpu.dma_semaphore, #tpu.memory_space<semaphore_mem>>) src(%dma_wait3A_585 : memref<40x128xf32, #tpu.memory_space<vmem>>) dst(%dma_wait3A_582 : memref<40x128xf32, #tpu.memory_space<hbm>>)
    %div3A_586 = arith.constant 38 : i32
    %div3A_587 = arith.constant 5 : i32
    %div3A_588 = arith.divsi %div3A_586, %div3A_587 : i32
    %rem3A_589 = arith.constant 38 : i32
    %rem3A_590 = arith.constant 5 : i32
    %rem3A_591 = arith.remsi %rem3A_589, %rem3A_590 : i32
    %mul3A_592 = arith.constant 4 : i32
    %mul3A_593 = arith.muli %mul3A_592, %div3A_588 : i32
    %add3A_594 = arith.addi %mul3A_6, %mul3A_593 : i32
    %add3A_595 = arith.constant 1 : i32
    %add3A_596 = arith.addi %add3A_594, %add3A_595 : i32
    %mul3A_597 = arith.constant 40 : i32
    %mul3A_598 = arith.muli %rem3A_591, %mul3A_597 : i32
    %dma_wait3A_599 = arith.constant 40 : i32
    %dma_wait3A_600 = arith.constant 0 : i32
    %dma_wait3A_601 = tpu.memref_slice %arg10[%dma_wait3A_599, %dma_wait3A_600] : memref<160x128xf32, #tpu.memory_space<vmem>> -> memref<40x128xf32, #tpu.memory_space<vmem>>
    %dma_wait3A_602 = arith.constant 0 : i32
    %dma_wait3A_603 = tpu.memref_slice %arg5[%add3A_596, %mul3A_598, %dma_wait3A_602] : memref<1024x200x128xf32, #tpu.memory_space<hbm>> -> memref<1x40x128xf32, #tpu.memory_space<hbm>>
    %dma_wait3A_604 = tpu.memref_squeeze %dma_wait3A_603 : memref<1x40x128xf32, #tpu.memory_space<hbm>> -> memref<40x128xf32, #tpu.memory_space<hbm>>
    %dma_wait3A_605 = arith.constant 0 : i32
    %dma_wait3A_606 = tpu.memref_slice %arg5[%add3A_596, %mul3A_598, %dma_wait3A_605] : memref<1024x200x128xf32, #tpu.memory_space<hbm>> -> memref<1x40x128xf32, #tpu.memory_space<hbm>>
    %dma_wait3A_607 = tpu.memref_squeeze %dma_wait3A_606 : memref<1x40x128xf32, #tpu.memory_space<hbm>> -> memref<40x128xf32, #tpu.memory_space<hbm>>
    %dma_wait3A_608 = arith.constant 40 : i32
    %dma_wait3A_609 = arith.constant 0 : i32
    %dma_wait3A_610 = tpu.memref_slice %arg10[%dma_wait3A_608, %dma_wait3A_609] : memref<160x128xf32, #tpu.memory_space<vmem>> -> memref<40x128xf32, #tpu.memory_space<vmem>>
    tpu.wait_dma2 semaphore(%arg18 : memref<!tpu.dma_semaphore, #tpu.memory_space<semaphore_mem>>) src(%dma_wait3A_610 : memref<40x128xf32, #tpu.memory_space<vmem>>) dst(%dma_wait3A_607 : memref<40x128xf32, #tpu.memory_space<hbm>>)
    %div3A_611 = arith.constant 38 : i32
    %div3A_612 = arith.constant 5 : i32
    %div3A_613 = arith.divsi %div3A_611, %div3A_612 : i32
    %rem3A_614 = arith.constant 38 : i32
    %rem3A_615 = arith.constant 5 : i32
    %rem3A_616 = arith.remsi %rem3A_614, %rem3A_615 : i32
    %mul3A_617 = arith.constant 4 : i32
    %mul3A_618 = arith.muli %mul3A_617, %div3A_613 : i32
    %add3A_619 = arith.addi %mul3A_6, %mul3A_618 : i32
    %add3A_620 = arith.constant 2 : i32
    %add3A_621 = arith.addi %add3A_619, %add3A_620 : i32
    %mul3A_622 = arith.constant 40 : i32
    %mul3A_623 = arith.muli %rem3A_616, %mul3A_622 : i32
    %dma_wait3A_624 = arith.constant 80 : i32
    %dma_wait3A_625 = arith.constant 0 : i32
    %dma_wait3A_626 = tpu.memref_slice %arg10[%dma_wait3A_624, %dma_wait3A_625] : memref<160x128xf32, #tpu.memory_space<vmem>> -> memref<40x128xf32, #tpu.memory_space<vmem>>
    %dma_wait3A_627 = arith.constant 0 : i32
    %dma_wait3A_628 = tpu.memref_slice %arg5[%add3A_621, %mul3A_623, %dma_wait3A_627] : memref<1024x200x128xf32, #tpu.memory_space<hbm>> -> memref<1x40x128xf32, #tpu.memory_space<hbm>>
    %dma_wait3A_629 = tpu.memref_squeeze %dma_wait3A_628 : memref<1x40x128xf32, #tpu.memory_space<hbm>> -> memref<40x128xf32, #tpu.memory_space<hbm>>
    %dma_wait3A_630 = arith.constant 0 : i32
    %dma_wait3A_631 = tpu.memref_slice %arg5[%add3A_621, %mul3A_623, %dma_wait3A_630] : memref<1024x200x128xf32, #tpu.memory_space<hbm>> -> memref<1x40x128xf32, #tpu.memory_space<hbm>>
    %dma_wait3A_632 = tpu.memref_squeeze %dma_wait3A_631 : memref<1x40x128xf32, #tpu.memory_space<hbm>> -> memref<40x128xf32, #tpu.memory_space<hbm>>
    %dma_wait3A_633 = arith.constant 80 : i32
    %dma_wait3A_634 = arith.constant 0 : i32
    %dma_wait3A_635 = tpu.memref_slice %arg10[%dma_wait3A_633, %dma_wait3A_634] : memref<160x128xf32, #tpu.memory_space<vmem>> -> memref<40x128xf32, #tpu.memory_space<vmem>>
    tpu.wait_dma2 semaphore(%arg18 : memref<!tpu.dma_semaphore, #tpu.memory_space<semaphore_mem>>) src(%dma_wait3A_635 : memref<40x128xf32, #tpu.memory_space<vmem>>) dst(%dma_wait3A_632 : memref<40x128xf32, #tpu.memory_space<hbm>>)
    %div3A_636 = arith.constant 38 : i32
    %div3A_637 = arith.constant 5 : i32
    %div3A_638 = arith.divsi %div3A_636, %div3A_637 : i32
    %rem3A_639 = arith.constant 38 : i32
    %rem3A_640 = arith.constant 5 : i32
    %rem3A_641 = arith.remsi %rem3A_639, %rem3A_640 : i32
    %mul3A_642 = arith.constant 4 : i32
    %mul3A_643 = arith.muli %mul3A_642, %div3A_638 : i32
    %add3A_644 = arith.addi %mul3A_6, %mul3A_643 : i32
    %add3A_645 = arith.constant 3 : i32
    %add3A_646 = arith.addi %add3A_644, %add3A_645 : i32
    %mul3A_647 = arith.constant 40 : i32
    %mul3A_648 = arith.muli %rem3A_641, %mul3A_647 : i32
    %dma_wait3A_649 = arith.constant 120 : i32
    %dma_wait3A_650 = arith.constant 0 : i32
    %dma_wait3A_651 = tpu.memref_slice %arg10[%dma_wait3A_649, %dma_wait3A_650] : memref<160x128xf32, #tpu.memory_space<vmem>> -> memref<40x128xf32, #tpu.memory_space<vmem>>
    %dma_wait3A_652 = arith.constant 0 : i32
    %dma_wait3A_653 = tpu.memref_slice %arg5[%add3A_646, %mul3A_648, %dma_wait3A_652] : memref<1024x200x128xf32, #tpu.memory_space<hbm>> -> memref<1x40x128xf32, #tpu.memory_space<hbm>>
    %dma_wait3A_654 = tpu.memref_squeeze %dma_wait3A_653 : memref<1x40x128xf32, #tpu.memory_space<hbm>> -> memref<40x128xf32, #tpu.memory_space<hbm>>
    %dma_wait3A_655 = arith.constant 0 : i32
    %dma_wait3A_656 = tpu.memref_slice %arg5[%add3A_646, %mul3A_648, %dma_wait3A_655] : memref<1024x200x128xf32, #tpu.memory_space<hbm>> -> memref<1x40x128xf32, #tpu.memory_space<hbm>>
    %dma_wait3A_657 = tpu.memref_squeeze %dma_wait3A_656 : memref<1x40x128xf32, #tpu.memory_space<hbm>> -> memref<40x128xf32, #tpu.memory_space<hbm>>
    %dma_wait3A_658 = arith.constant 120 : i32
    %dma_wait3A_659 = arith.constant 0 : i32
    %dma_wait3A_660 = tpu.memref_slice %arg10[%dma_wait3A_658, %dma_wait3A_659] : memref<160x128xf32, #tpu.memory_space<vmem>> -> memref<40x128xf32, #tpu.memory_space<vmem>>
    tpu.wait_dma2 semaphore(%arg18 : memref<!tpu.dma_semaphore, #tpu.memory_space<semaphore_mem>>) src(%dma_wait3A_660 : memref<40x128xf32, #tpu.memory_space<vmem>>) dst(%dma_wait3A_657 : memref<40x128xf32, #tpu.memory_space<hbm>>)
    %div3A_661 = arith.constant 39 : i32
    %div3A_662 = arith.constant 5 : i32
    %div3A_663 = arith.divsi %div3A_661, %div3A_662 : i32
    %rem3A_664 = arith.constant 39 : i32
    %rem3A_665 = arith.constant 5 : i32
    %rem3A_666 = arith.remsi %rem3A_664, %rem3A_665 : i32
    %mul3A_667 = arith.constant 4 : i32
    %mul3A_668 = arith.muli %mul3A_667, %div3A_663 : i32
    %add3A_669 = arith.addi %mul3A_6, %mul3A_668 : i32
    %add3A_670 = arith.constant 0 : i32
    %add3A_671 = arith.addi %add3A_669, %add3A_670 : i32
    %mul3A_672 = arith.constant 40 : i32
    %mul3A_673 = arith.muli %rem3A_666, %mul3A_672 : i32
    %dma_wait3A_674 = arith.constant 0 : i32
    %dma_wait3A_675 = arith.constant 0 : i32
    %dma_wait3A_676 = tpu.memref_slice %arg11[%dma_wait3A_674, %dma_wait3A_675] : memref<160x128xf32, #tpu.memory_space<vmem>> -> memref<40x128xf32, #tpu.memory_space<vmem>>
    %dma_wait3A_677 = arith.constant 0 : i32
    %dma_wait3A_678 = tpu.memref_slice %arg5[%add3A_671, %mul3A_673, %dma_wait3A_677] : memref<1024x200x128xf32, #tpu.memory_space<hbm>> -> memref<1x40x128xf32, #tpu.memory_space<hbm>>
    %dma_wait3A_679 = tpu.memref_squeeze %dma_wait3A_678 : memref<1x40x128xf32, #tpu.memory_space<hbm>> -> memref<40x128xf32, #tpu.memory_space<hbm>>
    %dma_wait3A_680 = arith.constant 0 : i32
    %dma_wait3A_681 = tpu.memref_slice %arg5[%add3A_671, %mul3A_673, %dma_wait3A_680] : memref<1024x200x128xf32, #tpu.memory_space<hbm>> -> memref<1x40x128xf32, #tpu.memory_space<hbm>>
    %dma_wait3A_682 = tpu.memref_squeeze %dma_wait3A_681 : memref<1x40x128xf32, #tpu.memory_space<hbm>> -> memref<40x128xf32, #tpu.memory_space<hbm>>
    %dma_wait3A_683 = arith.constant 0 : i32
    %dma_wait3A_684 = arith.constant 0 : i32
    %dma_wait3A_685 = tpu.memref_slice %arg11[%dma_wait3A_683, %dma_wait3A_684] : memref<160x128xf32, #tpu.memory_space<vmem>> -> memref<40x128xf32, #tpu.memory_space<vmem>>
    tpu.wait_dma2 semaphore(%arg19 : memref<!tpu.dma_semaphore, #tpu.memory_space<semaphore_mem>>) src(%dma_wait3A_685 : memref<40x128xf32, #tpu.memory_space<vmem>>) dst(%dma_wait3A_682 : memref<40x128xf32, #tpu.memory_space<hbm>>)
    %div3A_686 = arith.constant 39 : i32
    %div3A_687 = arith.constant 5 : i32
    %div3A_688 = arith.divsi %div3A_686, %div3A_687 : i32
    %rem3A_689 = arith.constant 39 : i32
    %rem3A_690 = arith.constant 5 : i32
    %rem3A_691 = arith.remsi %rem3A_689, %rem3A_690 : i32
    %mul3A_692 = arith.constant 4 : i32
    %mul3A_693 = arith.muli %mul3A_692, %div3A_688 : i32
    %add3A_694 = arith.addi %mul3A_6, %mul3A_693 : i32
    %add3A_695 = arith.constant 1 : i32
    %add3A_696 = arith.addi %add3A_694, %add3A_695 : i32
    %mul3A_697 = arith.constant 40 : i32
    %mul3A_698 = arith.muli %rem3A_691, %mul3A_697 : i32
    %dma_wait3A_699 = arith.constant 40 : i32
    %dma_wait3A_700 = arith.constant 0 : i32
    %dma_wait3A_701 = tpu.memref_slice %arg11[%dma_wait3A_699, %dma_wait3A_700] : memref<160x128xf32, #tpu.memory_space<vmem>> -> memref<40x128xf32, #tpu.memory_space<vmem>>
    %dma_wait3A_702 = arith.constant 0 : i32
    %dma_wait3A_703 = tpu.memref_slice %arg5[%add3A_696, %mul3A_698, %dma_wait3A_702] : memref<1024x200x128xf32, #tpu.memory_space<hbm>> -> memref<1x40x128xf32, #tpu.memory_space<hbm>>
    %dma_wait3A_704 = tpu.memref_squeeze %dma_wait3A_703 : memref<1x40x128xf32, #tpu.memory_space<hbm>> -> memref<40x128xf32, #tpu.memory_space<hbm>>
    %dma_wait3A_705 = arith.constant 0 : i32
    %dma_wait3A_706 = tpu.memref_slice %arg5[%add3A_696, %mul3A_698, %dma_wait3A_705] : memref<1024x200x128xf32, #tpu.memory_space<hbm>> -> memref<1x40x128xf32, #tpu.memory_space<hbm>>
    %dma_wait3A_707 = tpu.memref_squeeze %dma_wait3A_706 : memref<1x40x128xf32, #tpu.memory_space<hbm>> -> memref<40x128xf32, #tpu.memory_space<hbm>>
    %dma_wait3A_708 = arith.constant 40 : i32
    %dma_wait3A_709 = arith.constant 0 : i32
    %dma_wait3A_710 = tpu.memref_slice %arg11[%dma_wait3A_708, %dma_wait3A_709] : memref<160x128xf32, #tpu.memory_space<vmem>> -> memref<40x128xf32, #tpu.memory_space<vmem>>
    tpu.wait_dma2 semaphore(%arg19 : memref<!tpu.dma_semaphore, #tpu.memory_space<semaphore_mem>>) src(%dma_wait3A_710 : memref<40x128xf32, #tpu.memory_space<vmem>>) dst(%dma_wait3A_707 : memref<40x128xf32, #tpu.memory_space<hbm>>)
    %div3A_711 = arith.constant 39 : i32
    %div3A_712 = arith.constant 5 : i32
    %div3A_713 = arith.divsi %div3A_711, %div3A_712 : i32
    %rem3A_714 = arith.constant 39 : i32
    %rem3A_715 = arith.constant 5 : i32
    %rem3A_716 = arith.remsi %rem3A_714, %rem3A_715 : i32
    %mul3A_717 = arith.constant 4 : i32
    %mul3A_718 = arith.muli %mul3A_717, %div3A_713 : i32
    %add3A_719 = arith.addi %mul3A_6, %mul3A_718 : i32
    %add3A_720 = arith.constant 2 : i32
    %add3A_721 = arith.addi %add3A_719, %add3A_720 : i32
    %mul3A_722 = arith.constant 40 : i32
    %mul3A_723 = arith.muli %rem3A_716, %mul3A_722 : i32
    %dma_wait3A_724 = arith.constant 80 : i32
    %dma_wait3A_725 = arith.constant 0 : i32
    %dma_wait3A_726 = tpu.memref_slice %arg11[%dma_wait3A_724, %dma_wait3A_725] : memref<160x128xf32, #tpu.memory_space<vmem>> -> memref<40x128xf32, #tpu.memory_space<vmem>>
    %dma_wait3A_727 = arith.constant 0 : i32
    %dma_wait3A_728 = tpu.memref_slice %arg5[%add3A_721, %mul3A_723, %dma_wait3A_727] : memref<1024x200x128xf32, #tpu.memory_space<hbm>> -> memref<1x40x128xf32, #tpu.memory_space<hbm>>
    %dma_wait3A_729 = tpu.memref_squeeze %dma_wait3A_728 : memref<1x40x128xf32, #tpu.memory_space<hbm>> -> memref<40x128xf32, #tpu.memory_space<hbm>>
    %dma_wait3A_730 = arith.constant 0 : i32
    %dma_wait3A_731 = tpu.memref_slice %arg5[%add3A_721, %mul3A_723, %dma_wait3A_730] : memref<1024x200x128xf32, #tpu.memory_space<hbm>> -> memref<1x40x128xf32, #tpu.memory_space<hbm>>
    %dma_wait3A_732 = tpu.memref_squeeze %dma_wait3A_731 : memref<1x40x128xf32, #tpu.memory_space<hbm>> -> memref<40x128xf32, #tpu.memory_space<hbm>>
    %dma_wait3A_733 = arith.constant 80 : i32
    %dma_wait3A_734 = arith.constant 0 : i32
    %dma_wait3A_735 = tpu.memref_slice %arg11[%dma_wait3A_733, %dma_wait3A_734] : memref<160x128xf32, #tpu.memory_space<vmem>> -> memref<40x128xf32, #tpu.memory_space<vmem>>
    tpu.wait_dma2 semaphore(%arg19 : memref<!tpu.dma_semaphore, #tpu.memory_space<semaphore_mem>>) src(%dma_wait3A_735 : memref<40x128xf32, #tpu.memory_space<vmem>>) dst(%dma_wait3A_732 : memref<40x128xf32, #tpu.memory_space<hbm>>)
    %div3A_736 = arith.constant 39 : i32
    %div3A_737 = arith.constant 5 : i32
    %div3A_738 = arith.divsi %div3A_736, %div3A_737 : i32
    %rem3A_739 = arith.constant 39 : i32
    %rem3A_740 = arith.constant 5 : i32
    %rem3A_741 = arith.remsi %rem3A_739, %rem3A_740 : i32
    %mul3A_742 = arith.constant 4 : i32
    %mul3A_743 = arith.muli %mul3A_742, %div3A_738 : i32
    %add3A_744 = arith.addi %mul3A_6, %mul3A_743 : i32
    %add3A_745 = arith.constant 3 : i32
    %add3A_746 = arith.addi %add3A_744, %add3A_745 : i32
    %mul3A_747 = arith.constant 40 : i32
    %mul3A_748 = arith.muli %rem3A_741, %mul3A_747 : i32
    %dma_wait3A_749 = arith.constant 120 : i32
    %dma_wait3A_750 = arith.constant 0 : i32
    %dma_wait3A_751 = tpu.memref_slice %arg11[%dma_wait3A_749, %dma_wait3A_750] : memref<160x128xf32, #tpu.memory_space<vmem>> -> memref<40x128xf32, #tpu.memory_space<vmem>>
    %dma_wait3A_752 = arith.constant 0 : i32
    %dma_wait3A_753 = tpu.memref_slice %arg5[%add3A_746, %mul3A_748, %dma_wait3A_752] : memref<1024x200x128xf32, #tpu.memory_space<hbm>> -> memref<1x40x128xf32, #tpu.memory_space<hbm>>
    %dma_wait3A_754 = tpu.memref_squeeze %dma_wait3A_753 : memref<1x40x128xf32, #tpu.memory_space<hbm>> -> memref<40x128xf32, #tpu.memory_space<hbm>>
    %dma_wait3A_755 = arith.constant 0 : i32
    %dma_wait3A_756 = tpu.memref_slice %arg5[%add3A_746, %mul3A_748, %dma_wait3A_755] : memref<1024x200x128xf32, #tpu.memory_space<hbm>> -> memref<1x40x128xf32, #tpu.memory_space<hbm>>
    %dma_wait3A_757 = tpu.memref_squeeze %dma_wait3A_756 : memref<1x40x128xf32, #tpu.memory_space<hbm>> -> memref<40x128xf32, #tpu.memory_space<hbm>>
    %dma_wait3A_758 = arith.constant 120 : i32
    %dma_wait3A_759 = arith.constant 0 : i32
    %dma_wait3A_760 = tpu.memref_slice %arg11[%dma_wait3A_758, %dma_wait3A_759] : memref<160x128xf32, #tpu.memory_space<vmem>> -> memref<40x128xf32, #tpu.memory_space<vmem>>
    tpu.wait_dma2 semaphore(%arg19 : memref<!tpu.dma_semaphore, #tpu.memory_space<semaphore_mem>>) src(%dma_wait3A_760 : memref<40x128xf32, #tpu.memory_space<vmem>>) dst(%dma_wait3A_757 : memref<40x128xf32, #tpu.memory_space<hbm>>)
    return
  }
}

</mosaic_0001>

<sc_bundles>
// kernel: kernel.3.cloned.1.call-start
scs
__scs_entry_jumppad:
0x0: {  	(pc) =	sbr.rel $0x88, $3  }
0x1: {  	(tag) =	ssettag $0x0;
	lr =	simm.s32 $0x1  }
0x2: {  	[smem:$0x3F9F] =	sst lr;
	_ =	strace $0xD0000000  }
0x3: {  	_ = 	snop  }
0x4: {  	_ = 	snop  }
0x5: {  	_ = 	snop  }
0x6: {  	_ = 	snop  }
0x7: {  	_ = 	snop  }
__scs_overlays_trampoline_lowered:
0x8: {  	[smem:$0x3FAE] =	sst s0  }
0x9: {  	[smem:$0x3FAF] =	sst s1  }
0xa: {  	[smem:$0x3FB0] =	sst s2  }
0xb: {  	[smem:$0x3FB1] =	sst s3  }
0xc: {  	[smem:$0x3FB2] =	sst s4  }
0xd: {  	[smem:$0x3FB3] =	sst s5  }
0xe: {  	[smem:$0x3FB4] =	sst s6  }
0xf: {  	[smem:$0x3FB5] =	sst s7  }
0x10: {  	[smem:$0x3FB6] =	sst s8  }
0x11: {  	[smem:$0x3FB7] =	sst s9;
	s0 =	simm.s32 @!p0 $0x0  }
0x12: {  	s1 =	sld [smem:$0x3F9D];
	s0 =	simm.s32 @p0 $0x1  }
0x13: {  	[smem:$0x3FB8] =	sst s0;
	s0 =	simm.s32 @!p1 $0x0  }
0x14: {  	s2 =	sld [smem:$0x3F9C];
	s0 =	simm.s32 @p1 $0x1  }
0x15: {  	[smem:$0x3FB9] =	sst s0;
	s0 =	simm.s32 @!p2 $0x0  }
0x16: {  	s3 =	sld [smem:$0x3FDB];
	s0 =	simm.s32 @p2 $0x1  }
0x17: {  	s4 =	simm.s32 $0x1BF5;
	[smem:$0x3FBB] =	sst s0  }
0x18: {  	s0 =	sld [smem:$0x3F9E];
	_ =	swait.ge [sflag:s4], $0x0  }
0x19: {  	s7 =	sld [smem:$0x3F9F]  }
0x1a: {  	s8 =	sadd.s32 $0xFFFFE003, lr  }
0x1b: {  	s9 =	sadd.s32 $0xFFFFFEF7, lr;
	s5 =	simm.s32 $0xFFFFFFFF;
	p2 =	slt.u32 s8, $0xFFFFF086  }
0x1c: {  	p1 =	slt.u32 s9, $0xF7A;
	s5 =	simm.s32 @!p2 $0x0  }
0x1d: {  	s5 =	simm.s32 @p1 $0x1;
	p0 =	seq.s32 s7, s2  }
0x1e: {  	s7 =	smul.u32 @!p0 $0xF7A, s2;
	p2 =	seq.s32 @!p0 s5, $0x0  }
0x1f: {  	s9 =	smul.u32 $0xF7A, s1;
	s8 =	simm.s32 @!p0 $0x1BF5;
	p2 =	por !p2, p0  }
0x20: {  	[sflag:s8] =	ssyncset.s32 @!p0 $0xFFFFF086;
	s6 =	sadd.s32 @!p0 s3, s7;
	s7 =	simm.s32 @!p0 $0x108  }
0x21: {  	s3 =	sadd.s32 s3, s9;
	s6 =	sadd.s32 @!p0 $0x88, s6;
	s7 =	simm.s32 @p2 $0x1082  }
0x22: {  	[simem:s7], [sflag:s8] =	dma.local @!p0 [hbm:s6], $0xF7A  }
0x23: {  	s9 =	sor.u32 $0xD0000000, s2;
	s6 =	simm.s32 $0x108;
	_ =	swait.ge @!p0 [sflag:s8], $0x0  }
0x24: {  	s3 =	sadd.s32 $0x88, s3;
	s6 =	simm.s32 @!p1 $0x1082;
	[sflag:s4] =	ssyncset.s32 $0xFFFFF086  }
0x25: {  	[simem:s6], [sflag:s4] =	dma.local [hbm:s3], $0xF7A  }
0x26: {  	[smem:$0x3F9F] =	sst s1;
	(tag) =	ssettag s2;
	_ =	strace s9  }
0x27: {  	s1 =	sld [smem:$0x3FAF]  }
0x28: {  	s2 =	sld [smem:$0x3FB0]  }
0x29: {  	s4 =	sld [smem:$0x3FB2]  }
0x2a: {  	p0 =	seq.s32 s5, $0x0;
	s5 =	sld [smem:$0x3FB3]  }
0x2b: {  	s6 =	sld [smem:$0x3FB4]  }
0x2c: {  	s7 =	sld [smem:$0x3FB5]  }
0x2d: {  	s3 =	simm.s32 $0x108;
	s8 =	sld [smem:$0x3FB6]  }
0x2e: {  	s3 =	simm.s32 @!p0 $0x1082;
	s9 =	sld [smem:$0x3FB7]  }
0x2f: {  	lr =	sadd.s32 s0, s3;
	s0 =	sld [smem:$0x3FAE]  }
0x30: {  	s3 =	sld [smem:$0x3FB1]  }
0x31: {  	[smem:$0x3FBA] =	sst s10  }
0x32: {  	s10 =	sld [smem:$0x3FB8];
	_ =	sdelay $0x3  }
0x33: {  	p0 =	seq.s32 s10, $0x1;
	s10 =	sld [smem:$0x3FBA];
	_ =	sdelay $0x3  }
0x34: {  	[smem:$0x3FBA] =	sst s10  }
0x35: {  	s10 =	sld [smem:$0x3FB9];
	_ =	sdelay $0x3  }
0x36: {  	p1 =	seq.s32 s10, $0x1;
	s10 =	sld [smem:$0x3FBA];
	_ =	sdelay $0x3  }
0x37: {  	[smem:$0x3FBA] =	sst s10  }
0x38: {  	s10 =	sld [smem:$0x3FBB]  }
0x39: {  	_ = 	snop;
	(pc) =	sbr.ind lr, $3  }
0x3a: {  	_ = 	snop  }
0x3b: {  	_ = 	snop  }
0x3c: {  	p2 =	seq.s32 s10, $0x1;
	s10 =	sld [smem:$0x3FBA]  }
0x3d: {  	_ =	shalt  }
0x3e: {  	_ =	shalt  }
0x3f: {  	_ =	shalt  }
0x40: {  	_ =	shalt  }
0x41: {  	_ =	shalt  }
0x42: {  	_ =	shalt  }
0x43: {  	_ =	shalt  }
0x44: {  	_ =	shalt  }
0x45: {  	_ =	shalt  }
0x46: {  	_ =	shalt  }
0x47: {  	_ =	shalt  }
0x48: {  	_ =	shalt  }
0x49: {  	_ =	shalt  }
0x4a: {  	_ =	shalt  }
0x4b: {  	_ =	shalt  }
0x4c: {  	_ =	shalt  }
0x4d: {  	_ =	shalt  }
0x4e: {  	_ =	shalt  }
0x4f: {  	_ =	shalt  }
0x50: {  	_ =	shalt  }
0x51: {  	_ =	shalt  }
0x52: {  	_ =	shalt  }
0x53: {  	_ =	shalt  }
0x54: {  	_ =	shalt  }
0x55: {  	_ =	shalt  }
0x56: {  	_ =	shalt  }
0x57: {  	_ =	shalt  }
0x58: {  	_ =	shalt  }
0x59: {  	_ =	shalt  }
0x5a: {  	_ =	shalt  }
0x5b: {  	_ =	shalt  }
0x5c: {  	_ =	shalt  }
0x5d: {  	_ =	shalt  }
0x5e: {  	_ =	shalt  }
0x5f: {  	_ =	shalt  }
0x60: {  	_ =	shalt  }
0x61: {  	_ =	shalt  }
0x62: {  	_ =	shalt  }
0x63: {  	_ =	shalt  }
0x64: {  	_ =	shalt  }
0x65: {  	_ =	shalt  }
0x66: {  	_ =	shalt  }
0x67: {  	_ =	shalt  }
0x68: {  	_ =	shalt  }
0x69: {  	_ =	shalt  }
0x6a: {  	_ =	shalt  }
0x6b: {  	_ =	shalt  }
0x6c: {  	_ =	shalt  }
0x6d: {  	_ =	shalt  }
0x6e: {  	_ =	shalt  }
0x6f: {  	_ =	shalt  }
0x70: {  	_ =	shalt  }
0x71: {  	_ =	shalt  }
0x72: {  	_ =	shalt  }
0x73: {  	_ =	shalt  }
0x74: {  	_ =	shalt  }
0x75: {  	_ =	shalt  }
0x76: {  	_ =	shalt  }
0x77: {  	_ =	shalt  }
0x78: {  	_ =	shalt  }
0x79: {  	_ =	shalt  }
0x7a: {  	_ =	shalt  }
0x7b: {  	_ =	shalt  }
0x7c: {  	_ =	shalt  }
0x7d: {  	_ =	shalt  }
0x7e: {  	_ =	shalt  }
0x7f: {  	_ =	shalt  }
0x80: {  	_ =	shalt  }
0x81: {  	_ =	shalt  }
0x82: {  	_ =	shalt  }
0x83: {  	_ =	shalt  }
0x84: {  	_ =	shalt  }
0x85: {  	_ =	shalt  }
0x86: {  	_ =	shalt  }
0x87: {  	_ =	shalt  }
.Lfunc_end0:
.L_simem_size_0:
called_computation_lowered:
.L_overlay_start_0:
0x88: {  	s2 =	sld [smem:$0x3FD9]  }
0x89: {  	s3 =	sld [smem:$0x3FFE];
	_ =	sdelay $0x1  }
0x8a: {  	s1 =	srdreg.scid  }
0x8b: {  	s0 =	sand.u32 $0x1, s1  }
0x8c: {  	s17 =	sshll.u32 s0, $0xA;
	s2 =	sadd.s32 s3, s2  }
0x8d: {  	s2 =	sadd.s32 s2, s17  }
0x8e: {  	[smem:$0x3FC6] =	sst s2  }
0x8f: {  	_ = 	snop  }
0x90: {  	s2 =	sld [smem:$0x3FC8]  }
0x91: {  	s18 =	sld [smem:$0x3FD0];
	(tm) =	ssettm $0x1  }
0x92: {  	s4 =	sld [smem:$0x3FFB];
	_ =	sdelay $0x3  }
0x93: {  	_ =	strace s4  }
0x94: {  	s4 =	sld [smem:$0x3FFC];
	_ =	sdelay $0x3  }
0x95: {  	_ =	strace s4  }
0x96: {  	s4 =	sld [smem:$0x3FFD];
	_ =	sdelay $0x3  }
0x97: {  	_ =	strace s4  }
0x98: {  	_ =	strace $0x8FFFFFFF  }
0x99: {  	s19 =	sld [smem:$0x3FDB];
	_ =	sdelay $0x1  }
0x9a: {  	s5 =	simm.s32 $_scs_section_size  }
0x9b: {  	s6 =	simm.s32 $_size__tile_overlayer_lowered;
	s7 =	simm.s32 $_tile_overlayer_lowered  }
0x9c: {  	s22 =	simm.s32 $0x1BFF;
	s21 =	sshll.u32 s7, $0x1;
	s4 =	sadd.s32 s5, s19  }
0x9d: {  	s8 =	simm.s32 $0x0;
	s20 =	sshll.u32 s6, $0x1;
	s6 =	sadd.s32 s21, s4  }
0x9e: {  	[timem:s8], [sflag:s22] =	dma.local [hbm:s6], s20  }
0x9f: {  	_ =	swait.ge [sflag:s22], s20  }
0xa0: {  	s5 =	ssub.s32 $0x0, s20;
	[sflag:s22] =	ssyncset.done $0x0  }
0xa1: {  	[sflag:s22] =	ssyncadd.s32 s5;
	_ =	sdelay $0x1  }
0xa2: {  	s23 =	simm.s32 $0x1B8B  }
0xa3: {  	_ =	swait.ge [sflag:s23], $0x1  }
0xa4: {  	[sflag:s23] =	ssyncset.done $0x0  }
0xa5: {  	s25 =	simm.s32 $0x1B8E;
	s24 =	sld [smem:$0x3FFE];
	[sflag:s23] =	ssyncadd.s32 $0xFFFFFFFF  }
0xa6: {  	s26 =	simm.s32 $execute0_lowered;
	[smem:$0x3FD2] =	sst s25  }
0xa7: {  	s6 =	sshll.u32 s26, $0x1;
	_ =	strace $0x80000046;
	[dreg:$0x1] =	wrdreg $0xFFFFFFFF  }
0xa8: {  	s28 =	simm.s32 $_size_execute0_lowered;
	s4 =	sadd.s32 s4, s6;
	[dreg:$0x0] =	wrdreg $0x0  }
0xa9: {  	s6 =	sshll.u32 s28, $0x1;
	[dreg:$0x2] =	wrdreg s4  }
0xaa: {  	[dreg:$0x3] =	wrdreg s6  }
0xab: {  	[dreg:$0x4] =	wrdreg $0xC0  }
0xac: {  	_ =	task [dreg:s8], $0x5FFFF  }
0xad: {  	[dreg:$0x1] =	wrdreg $0xFFFFFFFF  }
0xae: {  	[dreg:$0x0] =	wrdreg $0x60  }
0xaf: {  	[dreg:$0x2] =	wrdreg s2  }
0xb0: {  	[dreg:$0x3] =	wrdreg s24  }
0xb1: {  	[dreg:$0x4] =	wrdreg s18  }
0xb2: {  	[dreg:$0x5] =	wrdreg $0x9  }
0xb3: {  	_ =	task.clear_ibuf [dreg:s8], $0x6FFFF;
	_ =	strace $0x90000046  }
0xb4: {  	s29 =	simm.s32 $0x9;
	_ =	strace $0x80000048  }
0xb5: {  	_ =	swait.ge [sflag:s29], $0x1  }
0xb6: {  	[sflag:s29] =	ssyncadd.s32 $0xFFFFFFFF  }
0xb7: {  	_ =	strace $0x90000048  }
0xb8: {  	_ =	sfence  }
0xb9: {  	s30 =	sld [smem:$0x0];
	_ =	sdelay $0x2  }
0xba: {  	s31 =	sshll.u32 s1, $0xD;
	s1 =	sshrl.u32 s1, $0x2  }
0xbb: {  	s3 =	sand.u32 $0x4000, s31;
	s1 =	sadd.s32 s1, s30  }
0xbc: {  	s0 =	sor.u32 s3, s0;
	s1 =	sshll.u32 s1, $0x11  }
0xbd: {  	s0 =	sor.u32 s1, s0  }
0xbe: {  	s0 =	sadd.s32 $0x8F2B, s0  }
0xbf: {  	[sflag:s0] =	ssyncadd.remote.s32 $0x1  }
0xc0: {  	_ =	sfence.sel $0xFFFF  }
0xc1: {  	[dreg:$0x0] =	wrdreg $0xFFFFFFFF;
	(pc) =	sbr.abs _section_cstart, $3  }
0xc2: {  	[dreg:$0x1] =	wrdreg $0xFFFFFFFF  }
0xc3: {  	_ =	task.clear_ibuf [dreg:s8], $0x2FFFF;
	_ =	strace $0x9FFFFFFF  }
0xc4: {  	(tm) =	ssettm $0x7FFFFFFF  }
0xc5: {  	_ =	shalt  }
tec
execute0_lowered:
.L_overlay_start_1:
0x0: {  	(tag) =	ssettag $0x1  }
0x1: {  	s1 =	rddreg [dreg:$0x0];
	s0 =	srdreg.scid  }
0x2: {  	s3 =	stileid.u32;
	s2 =	rddreg [dreg:$0x1]  }
0x3: {  	s10 =	simm.s32 $0x28;
	s30 =	simm.s32 $0x10400;
	s28 =	simm.s32 $0x15400  }
0x4: {  	s16 =	simm.s32 $0x1A400;
	s20 =	simm.s32 $0x1B800;
	s24 =	simm.s32 $0x1CC00  }
0x5: {  	s29 =	simm.s32 $0x1E000;
	s14 =	simm.s32 $0x2;
	s18 =	simm.s32 $0x3  }
0x6: {  	s22 =	simm.s32 $0x4;
	s8 =	simm.s32 $0x8;
	s9 =	simm.s32 $0x0  }
0x7: {  	s0 =	sand.u32 $0x1, s0;
	s4 =	sshll.u32 s3, $0x1;
	s3 =	rddreg [dreg:$0x2]  }
0x8: {  	s5 =	sor.u32 s0, s4;
	s4 =	simm.s32 $0x0;
	s0 =	ssub.s32 $0x2, s0  }
0x9: {  	s6 =	smul.u32 $0xA00, s5;
	[smem:$0x7FF] =	sst s4;
	s26 =	sshrl.u32 s0, $0x1  }
.Ltmp0:
0xa: {  	_ =	strace $0x80000047;
	s0 =	ssub.s32 s0, s26;
	(pc) =	sbr.rel .LBB2_1-.Ltmp0, $4  }
0xb: {  	s26 =	simm.s32 $0x5;
	s7 =	sadd.s32 s6, s2;
	s2 =	sadd.s32 $0x14400, s2  }
0xc: {  	s6 =	sshll.u32 s5, $0x5;
	s0 =	smax.u32 s0, $0x1;
	[dreg:$0x4] =	wrdreg s2  }
0xd: {  	s5 =	simm.s32 $0x6;
	s31 =	sadd.s32 $0x400, s7;
	[dreg:$0x6] =	wrdreg s0  }
0xe: {  	s0 =	simm.s32 $0x1;
	s7 =	simm.s32 $0x7;
	[dreg:$0x5] =	wrdreg s31  }
.LBB2_12:
0xf: {  	_ =	swait.ge [sflag:s26], $0x1400  }
0x10: {  	[sflag:s26] =	ssyncset.done $0x0  }
0x11: {  	[sflag:s26] =	ssyncadd.s32 $0xFFFFEC00  }
0x12: {  	_ =	swait.ge [sflag:s26], $0x1400  }
0x13: {  	[sflag:s26] =	ssyncset.done $0x0  }
0x14: {  	[sflag:s26] =	ssyncadd.s32 $0xFFFFEC00  }
0x15: {  	_ =	swait.ge [sflag:s26], $0x1400  }
0x16: {  	[sflag:s26] =	ssyncset.done $0x0  }
0x17: {  	[sflag:s26] =	ssyncadd.s32 $0xFFFFEC00  }
0x18: {  	_ =	swait.ge [sflag:s26], $0x1400  }
0x19: {  	[sflag:s26] =	ssyncset.done $0x0  }
0x1a: {  	[sflag:s26] =	ssyncadd.s32 $0xFFFFEC00  }
0x1b: {  	_ =	swait.ge [sflag:s5], $0x1400  }
0x1c: {  	[sflag:s5] =	ssyncset.done $0x0  }
0x1d: {  	[sflag:s5] =	ssyncadd.s32 $0xFFFFEC00  }
0x1e: {  	_ =	swait.ge [sflag:s5], $0x1400  }
0x1f: {  	[sflag:s5] =	ssyncset.done $0x0  }
0x20: {  	[sflag:s5] =	ssyncadd.s32 $0xFFFFEC00  }
0x21: {  	_ =	swait.ge [sflag:s5], $0x1400  }
0x22: {  	[sflag:s5] =	ssyncset.done $0x0  }
0x23: {  	[sflag:s5] =	ssyncadd.s32 $0xFFFFEC00  }
0x24: {  	_ =	swait.ge [sflag:s5], $0x1400  }
0x25: {  	[sflag:s5] =	ssyncset.done $0x0  }
0x26: {  	[sflag:s5] =	ssyncadd.s32 $0xFFFFEC00  }
0x27: {  	_ =	swait.ge [sflag:s7], $0x1400  }
0x28: {  	[sflag:s7] =	ssyncset.done $0x0  }
0x29: {  	[sflag:s7] =	ssyncadd.s32 $0xFFFFEC00  }
0x2a: {  	_ =	swait.ge [sflag:s7], $0x1400  }
0x2b: {  	[sflag:s7] =	ssyncset.done $0x0  }
0x2c: {  	[sflag:s7] =	ssyncadd.s32 $0xFFFFEC00  }
0x2d: {  	_ =	swait.ge [sflag:s7], $0x1400  }
0x2e: {  	[sflag:s7] =	ssyncset.done $0x0  }
0x2f: {  	[sflag:s7] =	ssyncadd.s32 $0xFFFFEC00  }
0x30: {  	_ =	swait.ge [sflag:s7], $0x1400  }
0x31: {  	[sflag:s7] =	ssyncset.done $0x0  }
0x32: {  	[sflag:s7] =	ssyncadd.s32 $0xFFFFEC00  }
0x33: {  	_ =	swait.ge [sflag:s8], $0x1400  }
0x34: {  	[sflag:s8] =	ssyncset.done $0x0  }
0x35: {  	[sflag:s8] =	ssyncadd.s32 $0xFFFFEC00  }
0x36: {  	_ =	swait.ge [sflag:s8], $0x1400  }
0x37: {  	[sflag:s8] =	ssyncset.done $0x0  }
0x38: {  	[sflag:s8] =	ssyncadd.s32 $0xFFFFEC00  }
0x39: {  	_ =	swait.ge [sflag:s8], $0x1400  }
0x3a: {  	[sflag:s8] =	ssyncset.done $0x0  }
0x3b: {  	[sflag:s8] =	ssyncadd.s32 $0xFFFFEC00  }
0x3c: {  	_ =	swait.ge [sflag:s8], $0x1400  }
0x3d: {  	s9 =	rddreg [dreg:$0x7]  }
0x3e: {  	s2 =	rddreg [dreg:$0x6];
	s9 =	sadd.s32 $0x1, s9  }
0x3f: {  	p0 =	sne.s32 s9, s2  }
.Ltmp1:
0x40: {  	_ = 	snop;
	(pc) =	sbr.rel @!p0 .LBB2_13-.Ltmp1, $3  }
0x41: {  	_ =	sdelay $0x1  }
0x42: {  	[sflag:s8] =	ssyncset.done $0x0  }
0x43: {  	[sflag:s8] =	ssyncadd.s32 $0xFFFFEC00  }
.LBB2_1:
0x44: {  	[dreg:$0x7] =	wrdreg s9  }
0x45: {  	s31 =	simm.s32 $0x5000;
	s2 =	rddreg [dreg:$0x4]  }
0x46: {  	[tilespmem:s31], [sflag:$0x9] =	stream.linear.gather [hbm4b:s2+s4], $0x6400, $0x38;
	[tilespmem:$0x1F400] =	vst v63  }
0x47: {  	s17 =	rddreg [dreg:$0x5];
	s19 =	simm.s32 $0xA  }
0x48: {  	[tilespmem:s4], [sflag:$0xA] =	stream.linear.gather [hbm4b:s17+s4], $0x5000, $0x38;
	[tilespmem:$0x1F400] =	vst v63  }
0x49: {  	_ =	swait.ge [sflag:s19], $0x5000  }
0x4a: {  	[sflag:s19] =	ssyncset.done $0x0  }
0x4b: {  	s21 =	simm.s32 $0xB400;
	[sflag:s19] =	ssyncadd.s32 $0xFFFFB000  }
0x4c: {  	[tilespmem:s21], [sflag:$0x1] =	stream.indirect.gather [hbm4b:s1+s10], $0x80, s4, s10, $0xb8;
	[tilespmem:$0x1F400] =	vst v63  }
0x4d: {  	s23 =	simm.s32 $0x280;
	s25 =	simm.s32 $0xC800  }
0x4e: {  	[tilespmem:s25], [sflag:$0x1] =	stream.indirect.gather [hbm4b:s1+s10], $0x80, s23, s10, $0xb8;
	[tilespmem:$0x1F400] =	vst v63  }
0x4f: {  	s9 =	simm.s32 $0x500;
	s11 =	simm.s32 $0xDC00  }
0x50: {  	[tilespmem:s11], [sflag:$0x1] =	stream.indirect.gather [hbm4b:s1+s10], $0x80, s9, s10, $0xb8;
	[tilespmem:$0x1F400] =	vst v63  }
0x51: {  	s12 =	simm.s32 $0x780;
	s13 =	simm.s32 $0xF000  }
0x52: {  	[tilespmem:s13], [sflag:$0x1] =	stream.indirect.gather [hbm4b:s1+s10], $0x80, s12, s10, $0xb8;
	[tilespmem:$0x1F400] =	vst v63  }
0x53: {  	s15 =	simm.s32 $0x80  }
0x54: {  	[tilespmem:s30], [sflag:$0x2] =	stream.indirect.gather [hbm4b:s1+s10], $0x80, s15, s10, $0xb8;
	[tilespmem:$0x1F400] =	vst v63  }
0x55: {  	s17 =	simm.s32 $0x300;
	s19 =	simm.s32 $0x11800  }
0x56: {  	[tilespmem:s19], [sflag:$0x2] =	stream.indirect.gather [hbm4b:s1+s10], $0x80, s17, s10, $0xb8;
	[tilespmem:$0x1F400] =	vst v63  }
0x57: {  	s21 =	simm.s32 $0x580;
	s23 =	simm.s32 $0x12C00  }
0x58: {  	[tilespmem:s23], [sflag:$0x2] =	stream.indirect.gather [hbm4b:s1+s10], $0x80, s21, s10, $0xb8;
	[tilespmem:$0x1F400] =	vst v63  }
0x59: {  	s25 =	simm.s32 $0x800;
	s30 =	simm.s32 $0x14000  }
0x5a: {  	[tilespmem:s30], [sflag:$0x2] =	stream.indirect.gather [hbm4b:s1+s10], $0x80, s25, s10, $0xb8;
	[tilespmem:$0x1F400] =	vst v63  }
0x5b: {  	s9 =	simm.s32 $0x100  }
0x5c: {  	[tilespmem:s28], [sflag:$0x3] =	stream.indirect.gather [hbm4b:s1+s10], $0x80, s9, s10, $0xb8;
	[tilespmem:$0x1F400] =	vst v63  }
0x5d: {  	s11 =	simm.s32 $0x380;
	s12 =	simm.s32 $0x16800  }
0x5e: {  	[tilespmem:s12], [sflag:$0x3] =	stream.indirect.gather [hbm4b:s1+s10], $0x80, s11, s10, $0xb8;
	[tilespmem:$0x1F400] =	vst v63  }
0x5f: {  	s13 =	simm.s32 $0x600;
	s15 =	simm.s32 $0x17C00  }
0x60: {  	[tilespmem:s15], [sflag:$0x3] =	stream.indirect.gather [hbm4b:s1+s10], $0x80, s13, s10, $0xb8;
	[tilespmem:$0x1F400] =	vst v63  }
0x61: {  	s17 =	simm.s32 $0x880;
	s19 =	simm.s32 $0x19000  }
0x62: {  	[tilespmem:s19], [sflag:$0x3] =	stream.indirect.gather [hbm4b:s1+s10], $0x80, s17, s10, $0xb8;
	[tilespmem:$0x1F400] =	vst v63  }
0x63: {  	s21 =	simm.s32 $0x180  }
0x64: {  	[tilespmem:s16], [sflag:$0x4] =	stream.indirect.gather [hbm4b:s1+s10], $0x80, s21, s10, $0xb8;
	[tilespmem:$0x1F400] =	vst v63  }
0x65: {  	s23 =	simm.s32 $0x400  }
0x66: {  	[tilespmem:s20], [sflag:$0x4] =	stream.indirect.gather [hbm4b:s1+s10], $0x80, s23, s10, $0xb8;
	[tilespmem:$0x1F400] =	vst v63  }
0x67: {  	s25 =	simm.s32 $0x680  }
0x68: {  	[tilespmem:s24], [sflag:$0x4] =	stream.indirect.gather [hbm4b:s1+s10], $0x80, s25, s10, $0xb8;
	[tilespmem:$0x1F400] =	vst v63  }
0x69: {  	s30 =	simm.s32 $0x9;
	s28 =	simm.s32 $0x900  }
0x6a: {  	[tilespmem:s29], [sflag:$0x4] =	stream.indirect.gather [hbm4b:s1+s10], $0x80, s28, s10, $0xb8;
	[tilespmem:$0x1F400] =	vst v63  }
0x6b: {  	s9 =	simm.s32 $0x3;
	_ =	swait.ge [sflag:s30], $0x6400  }
0x6c: {  	s11 =	simm.s32 $0x2;
	s13 =	simm.s32 $0x1;
	[sflag:s30] =	ssyncset.done $0x0  }
0x6d: {  	s15 =	simm.s32 $0x0;
	s17 =	simm.s32 $0x0;
	[sflag:s30] =	ssyncadd.s32 $0xFFFF9C00  }
.LBB2_2:
0x6e: {  	_ =	swait.ge [sflag:s0], $0x1400  }
0x6f: {  	[sflag:s0] =	ssyncset.done $0x0  }
0x70: {  	[sflag:s0] =	ssyncadd.s32 $0xFFFFEC00  }
0x71: {  	_ =	swait.ge [sflag:s0], $0x1400  }
0x72: {  	[sflag:s0] =	ssyncset.done $0x0  }
0x73: {  	[sflag:s0] =	ssyncadd.s32 $0xFFFFEC00  }
0x74: {  	_ =	swait.ge [sflag:s0], $0x1400  }
0x75: {  	[sflag:s0] =	ssyncset.done $0x0  }
0x76: {  	[sflag:s0] =	ssyncadd.s32 $0xFFFFEC00  }
0x77: {  	_ =	swait.ge [sflag:s0], $0x1400  }
0x78: {  	[sflag:s0] =	ssyncset.done $0x0  }
0x79: {  	s25 =	simm.s32 $0x0;
	[sflag:s0] =	ssyncadd.s32 $0xFFFFEC00  }
0x7a: {  	s2 =	smulhi.u32 $0xCCCCCCCD, s15;
	v7 =	vld [tilespmem:s25+$0xC830]  }
0x7b: {  	v8 =	vld [tilespmem:s25+$0xC820]  }
0x7c: {  	s2 =	sshrl.u32 s2, $0x2;
	v9 =	vld [tilespmem:s25+$0xC810]  }
0x7d: {  	s2 =	smul.u32 $0xFFFE7000, s2;
	v3 =	vld [tilespmem:s25+$0xF070]  }
0x7e: {  	v10 =	vld [tilespmem:s25+$0xF060]  }
0x7f: {  	s2 =	sshra.s32 s2, $0x2;
	v11 =	vld [tilespmem:s25+$0xF050]  }
0x80: {  	s2 =	sadd.s32 s2, s31;
	v12 =	vld [tilespmem:s25+$0xF040]  }
0x81: {  	v0 =	vmov s2;
	v13 =	vld [tilespmem:s25+$0xF030]  }
0x82: {  	v14 =	vld [tilespmem:s25+$0xB440]  }
0x83: {  	v15 =	vld [tilespmem:s25+$0xB420]  }
0x84: {  	v16 =	vld [tilespmem:s25+$0xB410]  }
0x85: {  	v17 =	vld [tilespmem:s25+$0xB400]  }
0x86: {  	v19 =	vld.idx.msk [tilespmem:v0+s25+$0x70 ss:$0x1], $0xffff  }
0x87: {  	v1 =	vld.idx.msk [tilespmem:v0+s25+$0x60 ss:$0x1], $0xffff  }
0x88: {  	v4 =	vld.idx.msk [tilespmem:v0+s25+$0x50 ss:$0x1], $0xffff  }
0x89: {  	v18 =	vld.idx.msk [tilespmem:v0+s25+$0x40 ss:$0x1], $0xffff  }
0x8a: {  	v5 =	vld.idx.msk [tilespmem:v0+s25+$0x30 ss:$0x1], $0xffff  }
0x8b: {  	v2 =	vld.idx.msk [tilespmem:v0+s25+$0x10 ss:$0x1], $0xffff  }
0x8c: {  	v6 =	vld.idx.msk [tilespmem:v0+s25+$0x20 ss:$0x1], $0xffff;
	v20 =	vadd.f32 v3, v19  }
0x8d: {  	v21 =	vld [tilespmem:s25+$0xC840];
	v10 =	vadd.f32 v10, v1  }
0x8e: {  	v3 =	vld.idx.msk [tilespmem:v0+s25+$0x0 ss:$0x1], $0xffff;
	v11 =	vadd.f32 v11, v4;
	[tilespmem:s25+$0xF070] =	vst v20  }
0x8f: {  	v63 =	vld [tilespmem:s25+$0xDC50];
	v12 =	vadd.f32 v12, v18;
	[tilespmem:s25+$0xF060] =	vst v10  }
0x90: {  	v22 =	vld [tilespmem:s25+$0xDC60];
	v9 =	vadd.f32 v9, v2;
	[tilespmem:s25+$0xF050] =	vst v11  }
0x91: {  	v23 =	vld [tilespmem:s25+$0xDC70];
	v7 =	vadd.f32 v7, v5;
	[tilespmem:s25+$0xF040] =	vst v12  }
0x92: {  	v20 =	vld [tilespmem:s25+$0xC850];
	v11 =	vadd.f32 v14, v18;
	[tilespmem:s25+$0xC810] =	vst v9  }
0x93: {  	v8 =	vadd.f32 v8, v6;
	v10 =	vld [tilespmem:s25+$0xC860];
	[tilespmem:s25+$0xC830] =	vst v7  }
0x94: {  	v14 =	vld [tilespmem:s25+$0xC870];
	[tilespmem:s25+$0xB440] =	vst v11;
	v11 =	vadd.f32 v13, v5  }
0x95: {  	v12 =	vld [tilespmem:s25+$0xDC00];
	[tilespmem:s25+$0xC820] =	vst v8;
	v13 =	vadd.f32 v15, v6  }
0x96: {  	s23 =	smulhi.u32 $0xCCCCCCCD, s9;
	v8 =	vld [tilespmem:s25+$0xF000];
	v9 =	vadd.f32 v17, v3;
	[tilespmem:s25+$0xF030] =	vst v11  }
0x97: {  	s19 =	smulhi.u32 $0xCCCCCCCD, s11;
	v15 =	vld [tilespmem:s25+$0xDC10];
	[tilespmem:s25+$0xB420] =	vst v13;
	v13 =	vadd.f32 v16, v2  }
0x98: {  	s21 =	smulhi.u32 $0xCCCCCCCD, s13;
	v11 =	vld [tilespmem:s25+$0xDC20];
	[tilespmem:s25+$0xB400] =	vst v9;
	v7 =	vadd.f32 v20, v4  }
0x99: {  	s19 =	sshrl.u32 s19, $0x2;
	s2 =	sshrl.u32 s23, $0x2;
	s23 =	smul.u32 $0x334, s17;
	v16 =	vld [tilespmem:s25+$0xDC30];
	v9 =	vadd.f32 v10, v1;
	[tilespmem:s25+$0xB410] =	vst v13  }
0x9a: {  	s19 =	smul.u32 $0xFFFE7000, s19;
	v17 =	vld [tilespmem:s25+$0xDC40];
	v10 =	vadd.f32 v14, v19;
	[tilespmem:s25+$0xC850] =	vst v7  }
0x9b: {  	s21 =	sshrl.u32 s21, $0x2;
	s2 =	smul.u32 $0xFFFE7000, s2;
	s23 =	sshrl.u32 s23, $0xA;
	v20 =	vld [tilespmem:s25+$0xB470];
	v12 =	vadd.f32 v12, v3;
	[tilespmem:s25+$0xC860] =	vst v9  }
0x9c: {  	s28 =	smul.u32 $0xFFFE7000, s21;
	s12 =	sand.u32 $0x3F, s23;
	v14 =	vld [tilespmem:s25+$0xB430];
	v13 =	vadd.f32 v21, v18;
	[tilespmem:s25+$0xC870] =	vst v10;
	v24 =	vadd.f32 v15, v2  }
0x9d: {  	s2 =	sshra.s32 s2, $0x2;
	s30 =	smul.u32 $0x5, s12;
	v9 =	vld [tilespmem:s25+$0xF020];
	[tilespmem:s25+$0xDC00] =	vst v12;
	v15 =	vadd.f32 v63, v4;
	v12 =	vadd.f32 v23, v19  }
0x9e: {  	s23 =	sshra.s32 s19, $0x2;
	s19 =	sshll.u32 s17, $0x2;
	s21 =	sadd.s32 s2, s31;
	v10 =	vld [tilespmem:s25+$0xB450];
	[tilespmem:s25+$0xC840] =	vst v13;
	v25 =	vadd.f32 v11, v6;
	v13 =	vadd.f32 v16, v5  }
0x9f: {  	s23 =	sadd.s32 s23, s31;
	s12 =	sshra.s32 s28, $0x2;
	s30 =	ssub.s32 s19, s30;
	v7 =	vld [tilespmem:s25+$0xB460];
	v16 =	vadd.f32 v17, v18;
	[tilespmem:s25+$0xDC10] =	vst v24;
	v17 =	vadd.f32 v22, v1  }
0xa0: {  	s2 =	simm.s32 $0x200;
	s28 =	sadd.s32 s12, s31;
	s30 =	sand.u32 $0xFF, s30;
	v11 =	vld [tilespmem:s25+$0xC800];
	v18 =	vadd.f32 v8, v3;
	v8 =	vadd.f32 v20, v19;
	[tilespmem:s25+$0xDC20] =	vst v25  }
.LBB2_3:
0xa1: {  	s12 =	sshra.s32 s2, $0x2;
	p0 =	sne.s32 s2, $0x4E00;
	s2 =	sadd.s32 $0x200, s2;
	[tilespmem:s25+$0xDC30] =	vst v13;
	v13 =	vld [tilespmem:s25+$0xF010]  }
0xa2: {  	v19 =	vld [tilespmem:s12+$0xC830];
	[tilespmem:s25+$0xDC40] =	vst v16;
	v6 =	vadd.f32 v9, v6  }
0xa3: {  	v9 =	vld [tilespmem:s12+$0xC820];
	v4 =	vadd.f32 v10, v4;
	[tilespmem:s25+$0xDC50] =	vst v15  }
0xa4: {  	v10 =	vld [tilespmem:s12+$0xC810];
	v5 =	vadd.f32 v14, v5;
	[tilespmem:s25+$0xDC60] =	vst v17  }
0xa5: {  	v1 =	vadd.f32 v7, v1;
	v14 =	vld [tilespmem:s12+$0xF070];
	v3 =	vadd.f32 v11, v3;
	[tilespmem:s25+$0xF000] =	vst v18  }
0xa6: {  	v7 =	vld [tilespmem:s12+$0xF060];
	[tilespmem:s25+$0xDC70] =	vst v12;
	v2 =	vadd.f32 v13, v2  }
0xa7: {  	v11 =	vld [tilespmem:s12+$0xF050];
	[tilespmem:s25+$0xB430] =	vst v5  }
0xa8: {  	v12 =	vld [tilespmem:s12+$0xF040];
	[tilespmem:s25+$0xB450] =	vst v4  }
0xa9: {  	v13 =	vld [tilespmem:s12+$0xF030];
	[tilespmem:s25+$0xF020] =	vst v6  }
0xaa: {  	v15 =	vld [tilespmem:s12+$0xB440];
	[tilespmem:s25+$0xB460] =	vst v1  }
0xab: {  	v16 =	vld [tilespmem:s12+$0xB420];
	[tilespmem:s25+$0xB470] =	vst v8  }
0xac: {  	v8 =	vld [tilespmem:s12+$0xB410];
	[tilespmem:s25+$0xF010] =	vst v2  }
0xad: {  	v17 =	vld [tilespmem:s12+$0xB400];
	[tilespmem:s25+$0xC800] =	vst v3;
	s25 =	smov.u32 s12  }
0xae: {  	v20 =	vld.idx.msk [tilespmem:v0+s25+$0x70 ss:$0x1], $0xffff  }
0xaf: {  	v1 =	vld.idx.msk [tilespmem:v0+s25+$0x60 ss:$0x1], $0xffff  }
0xb0: {  	v4 =	vld.idx.msk [tilespmem:v0+s25+$0x50 ss:$0x1], $0xffff  }
0xb1: {  	v18 =	vld.idx.msk [tilespmem:v0+s25+$0x40 ss:$0x1], $0xffff  }
0xb2: {  	v5 =	vld.idx.msk [tilespmem:v0+s25+$0x30 ss:$0x1], $0xffff  }
0xb3: {  	v6 =	vld.idx.msk [tilespmem:v0+s25+$0x20 ss:$0x1], $0xffff  }
0xb4: {  	v14 =	vadd.f32 v14, v20;
	v2 =	vld.idx.msk [tilespmem:v0+s25+$0x10 ss:$0x1], $0xffff  }
0xb5: {  	v7 =	vadd.f32 v7, v1;
	v3 =	vld.idx.msk [tilespmem:v0+s25+$0x0 ss:$0x1], $0xffff  }
0xb6: {  	v11 =	vadd.f32 v11, v4;
	v21 =	vld [tilespmem:s25+$0xC840];
	[tilespmem:s25+$0xF070] =	vst v14  }
0xb7: {  	v14 =	vadd.f32 v15, v18;
	v12 =	vadd.f32 v12, v18;
	v15 =	vld [tilespmem:s25+$0xC850];
	[tilespmem:s25+$0xF060] =	vst v7  }
0xb8: {  	v19 =	vadd.f32 v19, v5;
	v13 =	vadd.f32 v13, v5;
	v7 =	vld [tilespmem:s25+$0xC860];
	[tilespmem:s25+$0xF050] =	vst v11  }
0xb9: {  	v11 =	vadd.f32 v16, v6;
	v9 =	vadd.f32 v9, v6;
	v16 =	vld [tilespmem:s25+$0xC870];
	[tilespmem:s25+$0xF040] =	vst v12  }
0xba: {  	v8 =	vadd.f32 v8, v2;
	v10 =	vadd.f32 v10, v2;
	[tilespmem:s25+$0xB440] =	vst v14;
	v12 =	vld [tilespmem:s25+$0xDC00]  }
0xbb: {  	v14 =	vadd.f32 v17, v3;
	v17 =	vadd.f32 v21, v18;
	v21 =	vld [tilespmem:s25+$0xDC10];
	[tilespmem:s25+$0xF030] =	vst v13  }
0xbc: {  	[tilespmem:s25+$0xB420] =	vst v11;
	v11 =	vadd.f32 v15, v4;
	v13 =	vld [tilespmem:s25+$0xDC20]  }
0xbd: {  	[tilespmem:s25+$0xC810] =	vst v10;
	v10 =	vadd.f32 v7, v1;
	v7 =	vld [tilespmem:s25+$0xDC30]  }
0xbe: {  	[tilespmem:s25+$0xB410] =	vst v8;
	v8 =	vadd.f32 v16, v20;
	v15 =	vld [tilespmem:s25+$0xDC40]  }
0xbf: {  	[tilespmem:s25+$0xB400] =	vst v14;
	v14 =	vld [tilespmem:s25+$0xDC50];
	v12 =	vadd.f32 v12, v3  }
0xc0: {  	[tilespmem:s25+$0xC840] =	vst v17;
	v17 =	vld [tilespmem:s25+$0xDC60];
	v21 =	vadd.f32 v21, v2  }
0xc1: {  	[tilespmem:s25+$0xC830] =	vst v19;
	v19 =	vld [tilespmem:s25+$0xDC70];
	v22 =	vadd.f32 v13, v6  }
0xc2: {  	[tilespmem:s25+$0xC820] =	vst v9;
	v13 =	vadd.f32 v7, v5;
	v23 =	vld [tilespmem:s25+$0xF000]  }
0xc3: {  	v24 =	vld [tilespmem:s25+$0xB470];
	[tilespmem:s25+$0xC850] =	vst v11;
	v16 =	vadd.f32 v15, v18  }
.Ltmp2:
0xc4: {  	v7 =	vld [tilespmem:s25+$0xB460];
	[tilespmem:s25+$0xC860] =	vst v10;
	v15 =	vadd.f32 v14, v4;
	(pc) =	sbr.rel @p0 .LBB2_3-.Ltmp2, $4  }
0xc5: {  	[tilespmem:s25+$0xC870] =	vst v8;
	v17 =	vadd.f32 v17, v1;
	v9 =	vld [tilespmem:s25+$0xF020]  }
0xc6: {  	v10 =	vld [tilespmem:s25+$0xB450];
	[tilespmem:s25+$0xDC00] =	vst v12;
	v12 =	vadd.f32 v19, v20  }
0xc7: {  	v14 =	vld [tilespmem:s25+$0xB430];
	[tilespmem:s25+$0xDC10] =	vst v21;
	v18 =	vadd.f32 v23, v3  }
0xc8: {  	v8 =	vadd.f32 v24, v20;
	v11 =	vld [tilespmem:s25+$0xC800];
	[tilespmem:s25+$0xDC20] =	vst v22  }
0xc9: {  	[tilespmem:s25+$0xDC30] =	vst v13  }
0xca: {  	[tilespmem:s25+$0xDC40] =	vst v16  }
0xcb: {  	[tilespmem:s25+$0xDC50] =	vst v15  }
0xcc: {  	[tilespmem:s25+$0xDC60] =	vst v17;
	s2 =	smulhi.u32 $0x66666667, s19  }
0xcd: {  	[tilespmem:s25+$0xF000] =	vst v18  }
0xce: {  	v0 =	vld [tilespmem:s25+$0xF010];
	[tilespmem:s25+$0xDC70] =	vst v12;
	v1 =	vadd.f32 v7, v1;
	s2 =	sshll.u32 s2, $0x1  }
0xcf: {  	v6 =	vadd.f32 v9, v6;
	[tilespmem:s25+$0xB470] =	vst v8;
	s2 =	sand.u32 $0x3FFFFC, s2  }
0xd0: {  	s12 =	smul.u32 $0x1400, s30;
	v4 =	vadd.f32 v10, v4;
	[tilespmem:s25+$0xB460] =	vst v1;
	s2 =	sadd.s32 s6, s2  }
0xd1: {  	v5 =	vadd.f32 v14, v5;
	[tilespmem:s25+$0xF020] =	vst v6;
	s2 =	smul.u32 $0x6400, s2  }
0xd2: {  	[tilespmem:s25+$0xB450] =	vst v4;
	v1 =	vadd.f32 v11, v3  }
0xd3: {  	[tilespmem:s25+$0xB430] =	vst v5;
	v0 =	vadd.f32 v0, v2;
	s2 =	sadd.s32 s12, s2  }
0xd4: {  	[tilespmem:s25+$0xC800] =	vst v1;
	s2 =	sshrl.u32 s2, $0x3  }
0xd5: {  	[tilespmem:s25+$0xF010] =	vst v0;
	s25 =	simm.s32 $0xB400;
	s2 =	sadd.s32 s3, s2  }
0xd6: {  	[hbm4b:s2+s4] =	stream.linear.scatter [tilespmem:s25], [sflag:$0x5], $0x1400, $0x38;
	[tilespmem:$0x1F400] =	vst v63  }
0xd7: {  	s12 =	sadd.s32 $0xC80, s2;
	s25 =	simm.s32 $0xC800  }
0xd8: {  	[hbm4b:s12+s4] =	stream.linear.scatter [tilespmem:s25], [sflag:$0x5], $0x1400, $0x38;
	[tilespmem:$0x1F400] =	vst v63  }
0xd9: {  	s12 =	sadd.s32 $0x1900, s2;
	s25 =	simm.s32 $0xDC00  }
0xda: {  	[hbm4b:s12+s4] =	stream.linear.scatter [tilespmem:s25], [sflag:$0x5], $0x1400, $0x38;
	[tilespmem:$0x1F400] =	vst v63  }
0xdb: {  	s2 =	sadd.s32 $0x2580, s2;
	s25 =	simm.s32 $0xF000  }
0xdc: {  	[hbm4b:s2+s4] =	stream.linear.scatter [tilespmem:s25], [sflag:$0x5], $0x1400, $0x38;
	[tilespmem:$0x1F400] =	vst v63  }
0xdd: {  	_ =	swait.ge [sflag:s14], $0x1400  }
0xde: {  	[sflag:s14] =	ssyncset.done $0x0  }
0xdf: {  	[sflag:s14] =	ssyncadd.s32 $0xFFFFEC00  }
0xe0: {  	_ =	swait.ge [sflag:s14], $0x1400  }
0xe1: {  	[sflag:s14] =	ssyncset.done $0x0  }
0xe2: {  	[sflag:s14] =	ssyncadd.s32 $0xFFFFEC00  }
0xe3: {  	_ =	swait.ge [sflag:s14], $0x1400  }
0xe4: {  	[sflag:s14] =	ssyncset.done $0x0  }
0xe5: {  	[sflag:s14] =	ssyncadd.s32 $0xFFFFEC00  }
0xe6: {  	_ =	swait.ge [sflag:s14], $0x1400  }
0xe7: {  	[sflag:s14] =	ssyncset.done $0x0  }
0xe8: {  	s25 =	simm.s32 $0x1440;
	[sflag:s14] =	ssyncadd.s32 $0xFFFFEC00  }
0xe9: {  	v7 =	vld [tilespmem:s25+$0x103F0]  }
0xea: {  	v8 =	vld [tilespmem:s25+$0x103E0]  }
0xeb: {  	v9 =	vld [tilespmem:s25+$0x103D0]  }
0xec: {  	v3 =	vld [tilespmem:s25+$0x12C30]  }
0xed: {  	v10 =	vld [tilespmem:s25+$0x12C20]  }
0xee: {  	v11 =	vld [tilespmem:s25+$0x12C10]  }
0xef: {  	v12 =	vld [tilespmem:s25+$0x12C00]  }
0xf0: {  	v0 =	vmov s28;
	v13 =	vld [tilespmem:s25+$0x12BF0]  }
0xf1: {  	v14 =	vld [tilespmem:s25+$0xF000]  }
0xf2: {  	v15 =	vld [tilespmem:s25+$0xEFE0]  }
0xf3: {  	v16 =	vld [tilespmem:s25+$0xEFD0]  }
0xf4: {  	v17 =	vld [tilespmem:s25+$0xEFC0]  }
0xf5: {  	v19 =	vld.idx.msk [tilespmem:v0+s25+$0x30 ss:$0x1], $0xffff  }
0xf6: {  	v1 =	vld.idx.msk [tilespmem:v0+s25+$0x20 ss:$0x1], $0xffff  }
0xf7: {  	v4 =	vld.idx.msk [tilespmem:v0+s25+$0x10 ss:$0x1], $0xffff  }
0xf8: {  	v18 =	vld.idx.msk [tilespmem:v0+s25+$0x0 ss:$0x1], $0xffff  }
0xf9: {  	v5 =	vld.idx.msk [tilespmem:v0+s25+$0xFFFFFFF0 ss:$0x1], $0xffff  }
0xfa: {  	v2 =	vld.idx.msk [tilespmem:v0+s25+$0xFFFFFFD0 ss:$0x1], $0xffff  }
0xfb: {  	v6 =	vld.idx.msk [tilespmem:v0+s25+$0xFFFFFFE0 ss:$0x1], $0xffff;
	v20 =	vadd.f32 v3, v19  }
0xfc: {  	v21 =	vld [tilespmem:s25+$0x10400];
	v10 =	vadd.f32 v10, v1  }
0xfd: {  	v3 =	vld.idx.msk [tilespmem:v0+s25+$0xFFFFFFC0 ss:$0x1], $0xffff;
	v11 =	vadd.f32 v11, v4;
	[tilespmem:s25+$0x12C30] =	vst v20  }
0xfe: {  	v22 =	vld [tilespmem:s25+$0x11800];
	v12 =	vadd.f32 v12, v18;
	[tilespmem:s25+$0x12C20] =	vst v10  }
0xff: {  	v63 =	vld [tilespmem:s25+$0x11810];
	v9 =	vadd.f32 v9, v2;
	[tilespmem:s25+$0x12C10] =	vst v11  }
0x100: {  	v23 =	vld [tilespmem:s25+$0x11820];
	v7 =	vadd.f32 v7, v5;
	[tilespmem:s25+$0x12C00] =	vst v12  }
0x101: {  	v24 =	vld [tilespmem:s25+$0x11830];
	v11 =	vadd.f32 v14, v18;
	[tilespmem:s25+$0x103D0] =	vst v9  }
0x102: {  	v8 =	vadd.f32 v8, v6;
	v20 =	vld [tilespmem:s25+$0x10410];
	[tilespmem:s25+$0x103F0] =	vst v7  }
0x103: {  	v10 =	vld [tilespmem:s25+$0x10420];
	[tilespmem:s25+$0xF000] =	vst v11;
	v11 =	vadd.f32 v13, v5  }
0x104: {  	v14 =	vld [tilespmem:s25+$0x10430];
	[tilespmem:s25+$0x103E0] =	vst v8;
	v13 =	vadd.f32 v15, v6  }
0x105: {  	v12 =	vld [tilespmem:s25+$0x117C0];
	v9 =	vadd.f32 v17, v3;
	[tilespmem:s25+$0x12BF0] =	vst v11  }
0x106: {  	v15 =	vld [tilespmem:s25+$0x117D0];
	[tilespmem:s25+$0xEFE0] =	vst v13;
	v13 =	vadd.f32 v16, v2  }
0x107: {  	v11 =	vld [tilespmem:s25+$0x117E0];
	[tilespmem:s25+$0xEFC0] =	vst v9;
	v7 =	vadd.f32 v20, v4  }
0x108: {  	v16 =	vld [tilespmem:s25+$0x117F0];
	v9 =	vadd.f32 v10, v1;
	[tilespmem:s25+$0xEFD0] =	vst v13  }
0x109: {  	s2 =	sor.u32 $0x1, s19;
	v8 =	vld [tilespmem:s25+$0x12BC0];
	v10 =	vadd.f32 v14, v19;
	[tilespmem:s25+$0x10410] =	vst v7  }
0x10a: {  	s12 =	smulhi.u32 $0x66666667, s2;
	v20 =	vld [tilespmem:s25+$0xF030];
	v12 =	vadd.f32 v12, v3;
	[tilespmem:s25+$0x10420] =	vst v9  }
0x10b: {  	v17 =	vld [tilespmem:s25+$0xEFF0];
	v14 =	vadd.f32 v63, v4;
	v13 =	vadd.f32 v21, v18;
	[tilespmem:s25+$0x10430] =	vst v10  }
0x10c: {  	s28 =	sshrl.u32 s12, $0x1;
	v9 =	vld [tilespmem:s25+$0x12BE0];
	v15 =	vadd.f32 v15, v2;
	[tilespmem:s25+$0x117C0] =	vst v12;
	v12 =	vadd.f32 v24, v19  }
0x10d: {  	s12 =	smul.u32 $0x5, s28;
	v10 =	vld [tilespmem:s25+$0xF010];
	[tilespmem:s25+$0x10400] =	vst v13;
	v25 =	vadd.f32 v11, v6;
	v13 =	vadd.f32 v16, v5  }
0x10e: {  	v7 =	vld [tilespmem:s25+$0xF020];
	v16 =	vadd.f32 v22, v18;
	[tilespmem:s25+$0x117D0] =	vst v15;
	v15 =	vadd.f32 v23, v1  }
0x10f: {  	s30 =	ssub.s32 s2, s12;
	s2 =	simm.s32 $0x5300;
	v11 =	vld [tilespmem:s25+$0x103C0];
	v18 =	vadd.f32 v8, v3;
	v8 =	vadd.f32 v20, v19;
	[tilespmem:s25+$0x117E0] =	vst v25  }
.LBB2_5:
0x110: {  	s12 =	sshra.s32 s2, $0x2;
	p0 =	sne.s32 s2, $0x9F00;
	s2 =	sadd.s32 $0x200, s2;
	[tilespmem:s25+$0x117F0] =	vst v13;
	v13 =	vld [tilespmem:s25+$0x12BD0]  }
0x111: {  	v19 =	vld [tilespmem:s12+$0x103F0];
	[tilespmem:s25+$0x11800] =	vst v16;
	v6 =	vadd.f32 v9, v6  }
0x112: {  	v9 =	vld [tilespmem:s12+$0x103E0];
	v4 =	vadd.f32 v10, v4;
	[tilespmem:s25+$0x11810] =	vst v14  }
0x113: {  	v10 =	vld [tilespmem:s12+$0x103D0];
	v5 =	vadd.f32 v17, v5;
	[tilespmem:s25+$0x11820] =	vst v15  }
0x114: {  	v1 =	vadd.f32 v7, v1;
	v14 =	vld [tilespmem:s12+$0x12C30];
	v3 =	vadd.f32 v11, v3;
	[tilespmem:s25+$0x12BC0] =	vst v18  }
0x115: {  	v7 =	vld [tilespmem:s12+$0x12C20];
	[tilespmem:s25+$0x11830] =	vst v12;
	v2 =	vadd.f32 v13, v2  }
0x116: {  	v11 =	vld [tilespmem:s12+$0x12C10];
	[tilespmem:s25+$0xEFF0] =	vst v5  }
0x117: {  	v12 =	vld [tilespmem:s12+$0x12C00];
	[tilespmem:s25+$0xF010] =	vst v4  }
0x118: {  	v13 =	vld [tilespmem:s12+$0x12BF0];
	[tilespmem:s25+$0x12BE0] =	vst v6  }
0x119: {  	v15 =	vld [tilespmem:s12+$0xF000];
	[tilespmem:s25+$0xF020] =	vst v1  }
0x11a: {  	v16 =	vld [tilespmem:s12+$0xEFE0];
	[tilespmem:s25+$0xF030] =	vst v8  }
0x11b: {  	v8 =	vld [tilespmem:s12+$0xEFD0];
	[tilespmem:s25+$0x12BD0] =	vst v2  }
0x11c: {  	v17 =	vld [tilespmem:s12+$0xEFC0];
	[tilespmem:s25+$0x103C0] =	vst v3;
	s25 =	smov.u32 s12  }
0x11d: {  	v20 =	vld.idx.msk [tilespmem:v0+s25+$0x30 ss:$0x1], $0xffff  }
0x11e: {  	v1 =	vld.idx.msk [tilespmem:v0+s25+$0x20 ss:$0x1], $0xffff  }
0x11f: {  	v4 =	vld.idx.msk [tilespmem:v0+s25+$0x10 ss:$0x1], $0xffff  }
0x120: {  	v18 =	vld.idx.msk [tilespmem:v0+s25+$0x0 ss:$0x1], $0xffff  }
0x121: {  	v5 =	vld.idx.msk [tilespmem:v0+s25+$0xFFFFFFF0 ss:$0x1], $0xffff  }
0x122: {  	v6 =	vld.idx.msk [tilespmem:v0+s25+$0xFFFFFFE0 ss:$0x1], $0xffff  }
0x123: {  	v14 =	vadd.f32 v14, v20;
	v2 =	vld.idx.msk [tilespmem:v0+s25+$0xFFFFFFD0 ss:$0x1], $0xffff  }
0x124: {  	v7 =	vadd.f32 v7, v1;
	v3 =	vld.idx.msk [tilespmem:v0+s25+$0xFFFFFFC0 ss:$0x1], $0xffff  }
0x125: {  	v11 =	vadd.f32 v11, v4;
	v21 =	vld [tilespmem:s25+$0x10400];
	[tilespmem:s25+$0x12C30] =	vst v14  }
0x126: {  	v14 =	vadd.f32 v15, v18;
	v12 =	vadd.f32 v12, v18;
	v15 =	vld [tilespmem:s25+$0x10410];
	[tilespmem:s25+$0x12C20] =	vst v7  }
0x127: {  	v19 =	vadd.f32 v19, v5;
	v13 =	vadd.f32 v13, v5;
	v7 =	vld [tilespmem:s25+$0x10420];
	[tilespmem:s25+$0x12C10] =	vst v11  }
0x128: {  	v11 =	vadd.f32 v16, v6;
	v9 =	vadd.f32 v9, v6;
	v16 =	vld [tilespmem:s25+$0x10430];
	[tilespmem:s25+$0x12C00] =	vst v12  }
0x129: {  	v8 =	vadd.f32 v8, v2;
	v10 =	vadd.f32 v10, v2;
	[tilespmem:s25+$0xF000] =	vst v14;
	v12 =	vld [tilespmem:s25+$0x117C0]  }
0x12a: {  	v14 =	vadd.f32 v17, v3;
	v17 =	vadd.f32 v21, v18;
	v21 =	vld [tilespmem:s25+$0x117D0];
	[tilespmem:s25+$0x12BF0] =	vst v13  }
0x12b: {  	[tilespmem:s25+$0xEFE0] =	vst v11;
	v11 =	vadd.f32 v15, v4;
	v13 =	vld [tilespmem:s25+$0x117E0]  }
0x12c: {  	[tilespmem:s25+$0x103D0] =	vst v10;
	v10 =	vadd.f32 v7, v1;
	v7 =	vld [tilespmem:s25+$0x117F0]  }
0x12d: {  	[tilespmem:s25+$0xEFD0] =	vst v8;
	v8 =	vadd.f32 v16, v20;
	v15 =	vld [tilespmem:s25+$0x11800]  }
0x12e: {  	[tilespmem:s25+$0xEFC0] =	vst v14;
	v14 =	vld [tilespmem:s25+$0x11810];
	v12 =	vadd.f32 v12, v3  }
0x12f: {  	[tilespmem:s25+$0x10400] =	vst v17;
	v17 =	vld [tilespmem:s25+$0x11820];
	v21 =	vadd.f32 v21, v2  }
0x130: {  	[tilespmem:s25+$0x103F0] =	vst v19;
	v19 =	vld [tilespmem:s25+$0x11830];
	v22 =	vadd.f32 v13, v6  }
0x131: {  	[tilespmem:s25+$0x103E0] =	vst v9;
	v13 =	vadd.f32 v7, v5;
	v23 =	vld [tilespmem:s25+$0x12BC0]  }
0x132: {  	v24 =	vld [tilespmem:s25+$0xF030];
	[tilespmem:s25+$0x10410] =	vst v11;
	v16 =	vadd.f32 v15, v18  }
.Ltmp3:
0x133: {  	v7 =	vld [tilespmem:s25+$0xF020];
	[tilespmem:s25+$0x10420] =	vst v10;
	v14 =	vadd.f32 v14, v4;
	(pc) =	sbr.rel @p0 .LBB2_5-.Ltmp3, $4  }
0x134: {  	[tilespmem:s25+$0x10430] =	vst v8;
	v15 =	vadd.f32 v17, v1;
	v9 =	vld [tilespmem:s25+$0x12BE0]  }
0x135: {  	v10 =	vld [tilespmem:s25+$0xF010];
	[tilespmem:s25+$0x117C0] =	vst v12;
	v12 =	vadd.f32 v19, v20  }
0x136: {  	v17 =	vld [tilespmem:s25+$0xEFF0];
	[tilespmem:s25+$0x117D0] =	vst v21;
	v18 =	vadd.f32 v23, v3  }
0x137: {  	v8 =	vadd.f32 v24, v20;
	v11 =	vld [tilespmem:s25+$0x103C0];
	[tilespmem:s25+$0x117E0] =	vst v22  }
0x138: {  	[tilespmem:s25+$0x117F0] =	vst v13  }
0x139: {  	[tilespmem:s25+$0x11800] =	vst v16  }
0x13a: {  	[tilespmem:s25+$0x11810] =	vst v14  }
0x13b: {  	[tilespmem:s25+$0x11820] =	vst v15  }
0x13c: {  	[tilespmem:s25+$0x12BC0] =	vst v18  }
0x13d: {  	v0 =	vld [tilespmem:s25+$0x12BD0];
	[tilespmem:s25+$0x11830] =	vst v12;
	v1 =	vadd.f32 v7, v1  }
0x13e: {  	s2 =	sshll.u32 s28, $0x2;
	v6 =	vadd.f32 v9, v6;
	[tilespmem:s25+$0xF030] =	vst v8  }
0x13f: {  	s12 =	smul.u32 $0x1400, s30;
	s2 =	sadd.s32 s6, s2;
	v4 =	vadd.f32 v10, v4;
	[tilespmem:s25+$0xF020] =	vst v1  }
0x140: {  	s2 =	smul.u32 $0x6400, s2;
	v5 =	vadd.f32 v17, v5;
	[tilespmem:s25+$0x12BE0] =	vst v6  }
0x141: {  	[tilespmem:s25+$0xF010] =	vst v4;
	v1 =	vadd.f32 v11, v3  }
0x142: {  	s2 =	sadd.s32 s12, s2;
	[tilespmem:s25+$0xEFF0] =	vst v5;
	v0 =	vadd.f32 v0, v2  }
0x143: {  	s2 =	sshrl.u32 s2, $0x3;
	[tilespmem:s25+$0x103C0] =	vst v1  }
0x144: {  	s30 =	simm.s32 $0x10400;
	s12 =	simm.s32 $0x0;
	s2 =	sadd.s32 s3, s2;
	[tilespmem:s25+$0x12BD0] =	vst v0  }
0x145: {  	[hbm4b:s2+s12] =	stream.linear.scatter [tilespmem:s30], [sflag:$0x6], $0x1400, $0x38;
	[tilespmem:$0x1F400] =	vst v63  }
0x146: {  	s28 =	simm.s32 $0x11800;
	s25 =	sadd.s32 $0xC80, s2  }
0x147: {  	[hbm4b:s25+s12] =	stream.linear.scatter [tilespmem:s28], [sflag:$0x6], $0x1400, $0x38;
	[tilespmem:$0x1F400] =	vst v63  }
0x148: {  	s25 =	sadd.s32 $0x1900, s2;
	s28 =	simm.s32 $0x12C00  }
0x149: {  	[hbm4b:s25+s12] =	stream.linear.scatter [tilespmem:s28], [sflag:$0x6], $0x1400, $0x38;
	[tilespmem:$0x1F400] =	vst v63  }
0x14a: {  	s2 =	sadd.s32 $0x2580, s2;
	s25 =	simm.s32 $0x14000  }
0x14b: {  	[hbm4b:s2+s12] =	stream.linear.scatter [tilespmem:s25], [sflag:$0x6], $0x1400, $0x38;
	[tilespmem:$0x1F400] =	vst v63  }
0x14c: {  	_ =	swait.ge [sflag:s18], $0x1400  }
0x14d: {  	[sflag:s18] =	ssyncset.done $0x0  }
0x14e: {  	[sflag:s18] =	ssyncadd.s32 $0xFFFFEC00  }
0x14f: {  	_ =	swait.ge [sflag:s18], $0x1400  }
0x150: {  	[sflag:s18] =	ssyncset.done $0x0  }
0x151: {  	[sflag:s18] =	ssyncadd.s32 $0xFFFFEC00  }
0x152: {  	_ =	swait.ge [sflag:s18], $0x1400  }
0x153: {  	[sflag:s18] =	ssyncset.done $0x0  }
0x154: {  	[sflag:s18] =	ssyncadd.s32 $0xFFFFEC00  }
0x155: {  	_ =	swait.ge [sflag:s18], $0x1400  }
0x156: {  	[sflag:s18] =	ssyncset.done $0x0  }
0x157: {  	s25 =	simm.s32 $0x0;
	[sflag:s18] =	ssyncadd.s32 $0xFFFFEC00  }
0x158: {  	v7 =	vld [tilespmem:s25+$0x16830]  }
0x159: {  	v8 =	vld [tilespmem:s25+$0x16820]  }
0x15a: {  	v9 =	vld [tilespmem:s25+$0x16810]  }
0x15b: {  	v3 =	vld [tilespmem:s25+$0x19070]  }
0x15c: {  	v10 =	vld [tilespmem:s25+$0x19060]  }
0x15d: {  	v11 =	vld [tilespmem:s25+$0x19050]  }
0x15e: {  	v12 =	vld [tilespmem:s25+$0x19040]  }
0x15f: {  	v0 =	vmov s23;
	v13 =	vld [tilespmem:s25+$0x19030]  }
0x160: {  	v14 =	vld [tilespmem:s25+$0x15440]  }
0x161: {  	v15 =	vld [tilespmem:s25+$0x15420]  }
0x162: {  	v16 =	vld [tilespmem:s25+$0x15410]  }
0x163: {  	v17 =	vld [tilespmem:s25+$0x15400]  }
0x164: {  	v19 =	vld.idx.msk [tilespmem:v0+s25+$0x2870 ss:$0x1], $0xffff  }
0x165: {  	v1 =	vld.idx.msk [tilespmem:v0+s25+$0x2860 ss:$0x1], $0xffff  }
0x166: {  	v4 =	vld.idx.msk [tilespmem:v0+s25+$0x2850 ss:$0x1], $0xffff  }
0x167: {  	v18 =	vld.idx.msk [tilespmem:v0+s25+$0x2840 ss:$0x1], $0xffff  }
0x168: {  	v5 =	vld.idx.msk [tilespmem:v0+s25+$0x2830 ss:$0x1], $0xffff  }
0x169: {  	v2 =	vld.idx.msk [tilespmem:v0+s25+$0x2810 ss:$0x1], $0xffff  }
0x16a: {  	v6 =	vld.idx.msk [tilespmem:v0+s25+$0x2820 ss:$0x1], $0xffff;
	v20 =	vadd.f32 v3, v19  }
0x16b: {  	v21 =	vld [tilespmem:s25+$0x16840];
	v10 =	vadd.f32 v10, v1  }
0x16c: {  	v3 =	vld.idx.msk [tilespmem:v0+s25+$0x2800 ss:$0x1], $0xffff;
	v11 =	vadd.f32 v11, v4;
	[tilespmem:s25+$0x19070] =	vst v20  }
0x16d: {  	v22 =	vld [tilespmem:s25+$0x17C40];
	v12 =	vadd.f32 v12, v18;
	[tilespmem:s25+$0x19060] =	vst v10  }
0x16e: {  	v63 =	vld [tilespmem:s25+$0x17C50];
	v9 =	vadd.f32 v9, v2;
	[tilespmem:s25+$0x19050] =	vst v11  }
0x16f: {  	v23 =	vld [tilespmem:s25+$0x17C60];
	v7 =	vadd.f32 v7, v5;
	[tilespmem:s25+$0x19040] =	vst v12  }
0x170: {  	v24 =	vld [tilespmem:s25+$0x17C70];
	v11 =	vadd.f32 v14, v18;
	[tilespmem:s25+$0x16810] =	vst v9  }
0x171: {  	v8 =	vadd.f32 v8, v6;
	v20 =	vld [tilespmem:s25+$0x16850];
	[tilespmem:s25+$0x16830] =	vst v7  }
0x172: {  	v10 =	vld [tilespmem:s25+$0x16860];
	[tilespmem:s25+$0x15440] =	vst v11;
	v11 =	vadd.f32 v13, v5  }
0x173: {  	v14 =	vld [tilespmem:s25+$0x16870];
	[tilespmem:s25+$0x16820] =	vst v8;
	v13 =	vadd.f32 v15, v6  }
0x174: {  	v12 =	vld [tilespmem:s25+$0x17C00];
	v9 =	vadd.f32 v17, v3;
	[tilespmem:s25+$0x19030] =	vst v11  }
0x175: {  	v15 =	vld [tilespmem:s25+$0x17C10];
	[tilespmem:s25+$0x15420] =	vst v13;
	v13 =	vadd.f32 v16, v2  }
0x176: {  	v11 =	vld [tilespmem:s25+$0x17C20];
	[tilespmem:s25+$0x15400] =	vst v9;
	v7 =	vadd.f32 v20, v4  }
0x177: {  	v16 =	vld [tilespmem:s25+$0x17C30];
	v9 =	vadd.f32 v10, v1;
	[tilespmem:s25+$0x15410] =	vst v13  }
0x178: {  	s2 =	sor.u32 $0x2, s19;
	v8 =	vld [tilespmem:s25+$0x19000];
	v10 =	vadd.f32 v14, v19;
	[tilespmem:s25+$0x16850] =	vst v7  }
0x179: {  	s23 =	smulhi.u32 $0x66666667, s2;
	v20 =	vld [tilespmem:s25+$0x15470];
	v12 =	vadd.f32 v12, v3;
	[tilespmem:s25+$0x16860] =	vst v9  }
0x17a: {  	v17 =	vld [tilespmem:s25+$0x15430];
	v14 =	vadd.f32 v63, v4;
	v13 =	vadd.f32 v21, v18;
	[tilespmem:s25+$0x16870] =	vst v10  }
0x17b: {  	s23 =	sshrl.u32 s23, $0x1;
	v9 =	vld [tilespmem:s25+$0x19020];
	v15 =	vadd.f32 v15, v2;
	[tilespmem:s25+$0x17C00] =	vst v12;
	v12 =	vadd.f32 v24, v19  }
0x17c: {  	s12 =	smul.u32 $0x5, s23;
	v10 =	vld [tilespmem:s25+$0x15450];
	[tilespmem:s25+$0x16840] =	vst v13;
	v25 =	vadd.f32 v11, v6;
	v13 =	vadd.f32 v16, v5  }
0x17d: {  	v7 =	vld [tilespmem:s25+$0x15460];
	v16 =	vadd.f32 v22, v18;
	[tilespmem:s25+$0x17C10] =	vst v15;
	v15 =	vadd.f32 v23, v1  }
0x17e: {  	s28 =	ssub.s32 s2, s12;
	s2 =	simm.s32 $0x200;
	v11 =	vld [tilespmem:s25+$0x16800];
	v18 =	vadd.f32 v8, v3;
	v8 =	vadd.f32 v20, v19;
	[tilespmem:s25+$0x17C20] =	vst v25  }
.LBB2_7:
0x17f: {  	s12 =	sshra.s32 s2, $0x2;
	p0 =	sne.s32 s2, $0x4E00;
	s2 =	sadd.s32 $0x200, s2;
	[tilespmem:s25+$0x17C30] =	vst v13;
	v13 =	vld [tilespmem:s25+$0x19010]  }
0x180: {  	v19 =	vld [tilespmem:s12+$0x16830];
	[tilespmem:s25+$0x17C40] =	vst v16;
	v6 =	vadd.f32 v9, v6  }
0x181: {  	v9 =	vld [tilespmem:s12+$0x16820];
	v4 =	vadd.f32 v10, v4;
	[tilespmem:s25+$0x17C50] =	vst v14  }
0x182: {  	v10 =	vld [tilespmem:s12+$0x16810];
	v5 =	vadd.f32 v17, v5;
	[tilespmem:s25+$0x17C60] =	vst v15  }
0x183: {  	v1 =	vadd.f32 v7, v1;
	v14 =	vld [tilespmem:s12+$0x19070];
	v3 =	vadd.f32 v11, v3;
	[tilespmem:s25+$0x19000] =	vst v18  }
0x184: {  	v7 =	vld [tilespmem:s12+$0x19060];
	[tilespmem:s25+$0x17C70] =	vst v12;
	v2 =	vadd.f32 v13, v2  }
0x185: {  	v11 =	vld [tilespmem:s12+$0x19050];
	[tilespmem:s25+$0x15430] =	vst v5  }
0x186: {  	v12 =	vld [tilespmem:s12+$0x19040];
	[tilespmem:s25+$0x15450] =	vst v4  }
0x187: {  	v13 =	vld [tilespmem:s12+$0x19030];
	[tilespmem:s25+$0x19020] =	vst v6  }
0x188: {  	v15 =	vld [tilespmem:s12+$0x15440];
	[tilespmem:s25+$0x15460] =	vst v1  }
0x189: {  	v16 =	vld [tilespmem:s12+$0x15420];
	[tilespmem:s25+$0x15470] =	vst v8  }
0x18a: {  	v8 =	vld [tilespmem:s12+$0x15410];
	[tilespmem:s25+$0x19010] =	vst v2  }
0x18b: {  	v17 =	vld [tilespmem:s12+$0x15400];
	[tilespmem:s25+$0x16800] =	vst v3;
	s25 =	smov.u32 s12  }
0x18c: {  	v20 =	vld.idx.msk [tilespmem:v0+s25+$0x2870 ss:$0x1], $0xffff  }
0x18d: {  	v1 =	vld.idx.msk [tilespmem:v0+s25+$0x2860 ss:$0x1], $0xffff  }
0x18e: {  	v4 =	vld.idx.msk [tilespmem:v0+s25+$0x2850 ss:$0x1], $0xffff  }
0x18f: {  	v18 =	vld.idx.msk [tilespmem:v0+s25+$0x2840 ss:$0x1], $0xffff  }
0x190: {  	v5 =	vld.idx.msk [tilespmem:v0+s25+$0x2830 ss:$0x1], $0xffff  }
0x191: {  	v6 =	vld.idx.msk [tilespmem:v0+s25+$0x2820 ss:$0x1], $0xffff  }
0x192: {  	v14 =	vadd.f32 v14, v20;
	v2 =	vld.idx.msk [tilespmem:v0+s25+$0x2810 ss:$0x1], $0xffff  }
0x193: {  	v7 =	vadd.f32 v7, v1;
	v3 =	vld.idx.msk [tilespmem:v0+s25+$0x2800 ss:$0x1], $0xffff  }
0x194: {  	v11 =	vadd.f32 v11, v4;
	v21 =	vld [tilespmem:s25+$0x16840];
	[tilespmem:s25+$0x19070] =	vst v14  }
0x195: {  	v14 =	vadd.f32 v15, v18;
	v12 =	vadd.f32 v12, v18;
	v15 =	vld [tilespmem:s25+$0x16850];
	[tilespmem:s25+$0x19060] =	vst v7  }
0x196: {  	v19 =	vadd.f32 v19, v5;
	v13 =	vadd.f32 v13, v5;
	v7 =	vld [tilespmem:s25+$0x16860];
	[tilespmem:s25+$0x19050] =	vst v11  }
0x197: {  	v11 =	vadd.f32 v16, v6;
	v9 =	vadd.f32 v9, v6;
	v16 =	vld [tilespmem:s25+$0x16870];
	[tilespmem:s25+$0x19040] =	vst v12  }
0x198: {  	v8 =	vadd.f32 v8, v2;
	v10 =	vadd.f32 v10, v2;
	[tilespmem:s25+$0x15440] =	vst v14;
	v12 =	vld [tilespmem:s25+$0x17C00]  }
0x199: {  	v14 =	vadd.f32 v17, v3;
	v17 =	vadd.f32 v21, v18;
	v21 =	vld [tilespmem:s25+$0x17C10];
	[tilespmem:s25+$0x19030] =	vst v13  }
0x19a: {  	[tilespmem:s25+$0x15420] =	vst v11;
	v11 =	vadd.f32 v15, v4;
	v13 =	vld [tilespmem:s25+$0x17C20]  }
0x19b: {  	[tilespmem:s25+$0x16810] =	vst v10;
	v10 =	vadd.f32 v7, v1;
	v7 =	vld [tilespmem:s25+$0x17C30]  }
0x19c: {  	[tilespmem:s25+$0x15410] =	vst v8;
	v8 =	vadd.f32 v16, v20;
	v15 =	vld [tilespmem:s25+$0x17C40]  }
0x19d: {  	[tilespmem:s25+$0x15400] =	vst v14;
	v14 =	vld [tilespmem:s25+$0x17C50];
	v12 =	vadd.f32 v12, v3  }
0x19e: {  	[tilespmem:s25+$0x16840] =	vst v17;
	v17 =	vld [tilespmem:s25+$0x17C60];
	v21 =	vadd.f32 v21, v2  }
0x19f: {  	[tilespmem:s25+$0x16830] =	vst v19;
	v19 =	vld [tilespmem:s25+$0x17C70];
	v22 =	vadd.f32 v13, v6  }
0x1a0: {  	[tilespmem:s25+$0x16820] =	vst v9;
	v13 =	vadd.f32 v7, v5;
	v23 =	vld [tilespmem:s25+$0x19000]  }
0x1a1: {  	v24 =	vld [tilespmem:s25+$0x15470];
	[tilespmem:s25+$0x16850] =	vst v11;
	v16 =	vadd.f32 v15, v18  }
.Ltmp4:
0x1a2: {  	v7 =	vld [tilespmem:s25+$0x15460];
	[tilespmem:s25+$0x16860] =	vst v10;
	v14 =	vadd.f32 v14, v4;
	(pc) =	sbr.rel @p0 .LBB2_7-.Ltmp4, $4  }
0x1a3: {  	[tilespmem:s25+$0x16870] =	vst v8;
	v15 =	vadd.f32 v17, v1;
	v9 =	vld [tilespmem:s25+$0x19020]  }
0x1a4: {  	v10 =	vld [tilespmem:s25+$0x15450];
	[tilespmem:s25+$0x17C00] =	vst v12;
	v12 =	vadd.f32 v19, v20  }
0x1a5: {  	v17 =	vld [tilespmem:s25+$0x15430];
	[tilespmem:s25+$0x17C10] =	vst v21;
	v18 =	vadd.f32 v23, v3  }
0x1a6: {  	v8 =	vadd.f32 v24, v20;
	v11 =	vld [tilespmem:s25+$0x16800];
	[tilespmem:s25+$0x17C20] =	vst v22  }
0x1a7: {  	[tilespmem:s25+$0x17C30] =	vst v13  }
0x1a8: {  	[tilespmem:s25+$0x17C40] =	vst v16  }
0x1a9: {  	[tilespmem:s25+$0x17C50] =	vst v14  }
0x1aa: {  	[tilespmem:s25+$0x17C60] =	vst v15  }
0x1ab: {  	[tilespmem:s25+$0x19000] =	vst v18  }
0x1ac: {  	v0 =	vld [tilespmem:s25+$0x19010];
	[tilespmem:s25+$0x17C70] =	vst v12;
	v1 =	vadd.f32 v7, v1  }
0x1ad: {  	s2 =	sshll.u32 s23, $0x2;
	v6 =	vadd.f32 v9, v6;
	[tilespmem:s25+$0x15470] =	vst v8  }
0x1ae: {  	s12 =	smul.u32 $0x1400, s28;
	s2 =	sadd.s32 s6, s2;
	v4 =	vadd.f32 v10, v4;
	[tilespmem:s25+$0x15460] =	vst v1  }
0x1af: {  	s2 =	smul.u32 $0x6400, s2;
	v5 =	vadd.f32 v17, v5;
	[tilespmem:s25+$0x19020] =	vst v6  }
0x1b0: {  	[tilespmem:s25+$0x15450] =	vst v4;
	v1 =	vadd.f32 v11, v3  }
0x1b1: {  	s2 =	sadd.s32 s12, s2;
	[tilespmem:s25+$0x15430] =	vst v5;
	v0 =	vadd.f32 v0, v2  }
0x1b2: {  	s2 =	sshrl.u32 s2, $0x3;
	[tilespmem:s25+$0x16800] =	vst v1  }
0x1b3: {  	s28 =	simm.s32 $0x15400;
	s12 =	simm.s32 $0x0;
	s2 =	sadd.s32 s3, s2;
	[tilespmem:s25+$0x19010] =	vst v0  }
0x1b4: {  	[hbm4b:s2+s12] =	stream.linear.scatter [tilespmem:s28], [sflag:$0x7], $0x1400, $0x38;
	[tilespmem:$0x1F400] =	vst v63  }
0x1b5: {  	s23 =	sadd.s32 $0xC80, s2;
	s25 =	simm.s32 $0x16800  }
0x1b6: {  	[hbm4b:s23+s12] =	stream.linear.scatter [tilespmem:s25], [sflag:$0x7], $0x1400, $0x38;
	[tilespmem:$0x1F400] =	vst v63  }
0x1b7: {  	s23 =	sadd.s32 $0x1900, s2;
	s25 =	simm.s32 $0x17C00  }
0x1b8: {  	[hbm4b:s23+s12] =	stream.linear.scatter [tilespmem:s25], [sflag:$0x7], $0x1400, $0x38;
	[tilespmem:$0x1F400] =	vst v63  }
0x1b9: {  	s2 =	sadd.s32 $0x2580, s2;
	s25 =	simm.s32 $0x19000  }
0x1ba: {  	[hbm4b:s2+s12] =	stream.linear.scatter [tilespmem:s25], [sflag:$0x7], $0x1400, $0x38;
	[tilespmem:$0x1F400] =	vst v63  }
0x1bb: {  	_ =	swait.ge [sflag:s22], $0x1400  }
0x1bc: {  	[sflag:s22] =	ssyncset.done $0x0  }
0x1bd: {  	[sflag:s22] =	ssyncadd.s32 $0xFFFFEC00  }
0x1be: {  	_ =	swait.ge [sflag:s22], $0x1400  }
0x1bf: {  	[sflag:s22] =	ssyncset.done $0x0  }
0x1c0: {  	[sflag:s22] =	ssyncadd.s32 $0xFFFFEC00  }
0x1c1: {  	_ =	swait.ge [sflag:s22], $0x1400  }
0x1c2: {  	[sflag:s22] =	ssyncset.done $0x0  }
0x1c3: {  	[sflag:s22] =	ssyncadd.s32 $0xFFFFEC00  }
0x1c4: {  	_ =	swait.ge [sflag:s22], $0x1400  }
0x1c5: {  	[sflag:s22] =	ssyncset.done $0x0  }
0x1c6: {  	s23 =	simm.s32 $0x0;
	[sflag:s22] =	ssyncadd.s32 $0xFFFFEC00  }
0x1c7: {  	v7 =	vld [tilespmem:s23+$0x1B830]  }
0x1c8: {  	v8 =	vld [tilespmem:s23+$0x1B820]  }
0x1c9: {  	v9 =	vld [tilespmem:s23+$0x1B810]  }
0x1ca: {  	v3 =	vld [tilespmem:s23+$0x1E070]  }
0x1cb: {  	v10 =	vld [tilespmem:s23+$0x1E060]  }
0x1cc: {  	v11 =	vld [tilespmem:s23+$0x1E050]  }
0x1cd: {  	v12 =	vld [tilespmem:s23+$0x1E040]  }
0x1ce: {  	v0 =	vmov s21;
	v13 =	vld [tilespmem:s23+$0x1E030]  }
0x1cf: {  	v14 =	vld [tilespmem:s23+$0x1A440]  }
0x1d0: {  	v15 =	vld [tilespmem:s23+$0x1A420]  }
0x1d1: {  	v16 =	vld [tilespmem:s23+$0x1A410]  }
0x1d2: {  	v17 =	vld [tilespmem:s23+$0x1A400]  }
0x1d3: {  	v19 =	vld.idx.msk [tilespmem:v0+s23+$0x3C70 ss:$0x1], $0xffff  }
0x1d4: {  	v1 =	vld.idx.msk [tilespmem:v0+s23+$0x3C60 ss:$0x1], $0xffff  }
0x1d5: {  	v4 =	vld.idx.msk [tilespmem:v0+s23+$0x3C50 ss:$0x1], $0xffff  }
0x1d6: {  	v18 =	vld.idx.msk [tilespmem:v0+s23+$0x3C40 ss:$0x1], $0xffff  }
0x1d7: {  	v5 =	vld.idx.msk [tilespmem:v0+s23+$0x3C30 ss:$0x1], $0xffff  }
0x1d8: {  	v2 =	vld.idx.msk [tilespmem:v0+s23+$0x3C10 ss:$0x1], $0xffff  }
0x1d9: {  	v6 =	vld.idx.msk [tilespmem:v0+s23+$0x3C20 ss:$0x1], $0xffff;
	v20 =	vadd.f32 v3, v19  }
0x1da: {  	v21 =	vld [tilespmem:s23+$0x1B840];
	v10 =	vadd.f32 v10, v1  }
0x1db: {  	v3 =	vld.idx.msk [tilespmem:v0+s23+$0x3C00 ss:$0x1], $0xffff;
	v11 =	vadd.f32 v11, v4;
	[tilespmem:s23+$0x1E070] =	vst v20  }
0x1dc: {  	v22 =	vld [tilespmem:s23+$0x1CC40];
	v12 =	vadd.f32 v12, v18;
	[tilespmem:s23+$0x1E060] =	vst v10  }
0x1dd: {  	v63 =	vld [tilespmem:s23+$0x1CC50];
	v9 =	vadd.f32 v9, v2;
	[tilespmem:s23+$0x1E050] =	vst v11  }
0x1de: {  	v23 =	vld [tilespmem:s23+$0x1CC60];
	v7 =	vadd.f32 v7, v5;
	[tilespmem:s23+$0x1E040] =	vst v12  }
0x1df: {  	v24 =	vld [tilespmem:s23+$0x1CC70];
	v11 =	vadd.f32 v14, v18;
	[tilespmem:s23+$0x1B810] =	vst v9  }
0x1e0: {  	v8 =	vadd.f32 v8, v6;
	v20 =	vld [tilespmem:s23+$0x1B850];
	[tilespmem:s23+$0x1B830] =	vst v7  }
0x1e1: {  	v10 =	vld [tilespmem:s23+$0x1B860];
	[tilespmem:s23+$0x1A440] =	vst v11;
	v11 =	vadd.f32 v13, v5  }
0x1e2: {  	v14 =	vld [tilespmem:s23+$0x1B870];
	[tilespmem:s23+$0x1B820] =	vst v8;
	v13 =	vadd.f32 v15, v6  }
0x1e3: {  	v12 =	vld [tilespmem:s23+$0x1CC00];
	v9 =	vadd.f32 v17, v3;
	[tilespmem:s23+$0x1E030] =	vst v11  }
0x1e4: {  	v15 =	vld [tilespmem:s23+$0x1CC10];
	[tilespmem:s23+$0x1A420] =	vst v13;
	v13 =	vadd.f32 v16, v2  }
0x1e5: {  	v11 =	vld [tilespmem:s23+$0x1CC20];
	[tilespmem:s23+$0x1A400] =	vst v9;
	v7 =	vadd.f32 v20, v4  }
0x1e6: {  	v16 =	vld [tilespmem:s23+$0x1CC30];
	v9 =	vadd.f32 v10, v1;
	[tilespmem:s23+$0x1A410] =	vst v13  }
0x1e7: {  	s2 =	sor.u32 $0x3, s19;
	v8 =	vld [tilespmem:s23+$0x1E000];
	v10 =	vadd.f32 v14, v19;
	[tilespmem:s23+$0x1B850] =	vst v7  }
0x1e8: {  	s25 =	smulhi.u32 $0x66666667, s2;
	v20 =	vld [tilespmem:s23+$0x1A470];
	v12 =	vadd.f32 v12, v3;
	[tilespmem:s23+$0x1B860] =	vst v9  }
0x1e9: {  	v17 =	vld [tilespmem:s23+$0x1A430];
	v14 =	vadd.f32 v63, v4;
	v13 =	vadd.f32 v21, v18;
	[tilespmem:s23+$0x1B870] =	vst v10  }
0x1ea: {  	s21 =	sshrl.u32 s25, $0x1;
	v9 =	vld [tilespmem:s23+$0x1E020];
	v15 =	vadd.f32 v15, v2;
	[tilespmem:s23+$0x1CC00] =	vst v12;
	v12 =	vadd.f32 v24, v19  }
0x1eb: {  	s12 =	smul.u32 $0x5, s21;
	v10 =	vld [tilespmem:s23+$0x1A450];
	[tilespmem:s23+$0x1B840] =	vst v13;
	v25 =	vadd.f32 v11, v6;
	v13 =	vadd.f32 v16, v5  }
0x1ec: {  	v7 =	vld [tilespmem:s23+$0x1A460];
	v16 =	vadd.f32 v22, v18;
	[tilespmem:s23+$0x1CC10] =	vst v15;
	v15 =	vadd.f32 v23, v1  }
0x1ed: {  	s25 =	ssub.s32 s2, s12;
	s2 =	simm.s32 $0x200;
	v11 =	vld [tilespmem:s23+$0x1B800];
	v18 =	vadd.f32 v8, v3;
	v8 =	vadd.f32 v20, v19;
	[tilespmem:s23+$0x1CC20] =	vst v25  }
.LBB2_9:
0x1ee: {  	s12 =	sshra.s32 s2, $0x2;
	p0 =	sne.s32 s2, $0x4E00;
	s2 =	sadd.s32 $0x200, s2;
	[tilespmem:s23+$0x1CC30] =	vst v13;
	v13 =	vld [tilespmem:s23+$0x1E010]  }
0x1ef: {  	v19 =	vld [tilespmem:s12+$0x1B830];
	[tilespmem:s23+$0x1CC40] =	vst v16;
	v6 =	vadd.f32 v9, v6  }
0x1f0: {  	v9 =	vld [tilespmem:s12+$0x1B820];
	v4 =	vadd.f32 v10, v4;
	[tilespmem:s23+$0x1CC50] =	vst v14  }
0x1f1: {  	v10 =	vld [tilespmem:s12+$0x1B810];
	v5 =	vadd.f32 v17, v5;
	[tilespmem:s23+$0x1CC60] =	vst v15  }
0x1f2: {  	v1 =	vadd.f32 v7, v1;
	v14 =	vld [tilespmem:s12+$0x1E070];
	v3 =	vadd.f32 v11, v3;
	[tilespmem:s23+$0x1E000] =	vst v18  }
0x1f3: {  	v7 =	vld [tilespmem:s12+$0x1E060];
	[tilespmem:s23+$0x1CC70] =	vst v12;
	v2 =	vadd.f32 v13, v2  }
0x1f4: {  	v11 =	vld [tilespmem:s12+$0x1E050];
	[tilespmem:s23+$0x1A430] =	vst v5  }
0x1f5: {  	v12 =	vld [tilespmem:s12+$0x1E040];
	[tilespmem:s23+$0x1A450] =	vst v4  }
0x1f6: {  	v13 =	vld [tilespmem:s12+$0x1E030];
	[tilespmem:s23+$0x1E020] =	vst v6  }
0x1f7: {  	v15 =	vld [tilespmem:s12+$0x1A440];
	[tilespmem:s23+$0x1A460] =	vst v1  }
0x1f8: {  	v16 =	vld [tilespmem:s12+$0x1A420];
	[tilespmem:s23+$0x1A470] =	vst v8  }
0x1f9: {  	v8 =	vld [tilespmem:s12+$0x1A410];
	[tilespmem:s23+$0x1E010] =	vst v2  }
0x1fa: {  	v17 =	vld [tilespmem:s12+$0x1A400];
	[tilespmem:s23+$0x1B800] =	vst v3;
	s23 =	smov.u32 s12  }
0x1fb: {  	v20 =	vld.idx.msk [tilespmem:v0+s23+$0x3C70 ss:$0x1], $0xffff  }
0x1fc: {  	v1 =	vld.idx.msk [tilespmem:v0+s23+$0x3C60 ss:$0x1], $0xffff  }
0x1fd: {  	v4 =	vld.idx.msk [tilespmem:v0+s23+$0x3C50 ss:$0x1], $0xffff  }
0x1fe: {  	v18 =	vld.idx.msk [tilespmem:v0+s23+$0x3C40 ss:$0x1], $0xffff  }
0x1ff: {  	v5 =	vld.idx.msk [tilespmem:v0+s23+$0x3C30 ss:$0x1], $0xffff  }
0x200: {  	v6 =	vld.idx.msk [tilespmem:v0+s23+$0x3C20 ss:$0x1], $0xffff  }
0x201: {  	v14 =	vadd.f32 v14, v20;
	v2 =	vld.idx.msk [tilespmem:v0+s23+$0x3C10 ss:$0x1], $0xffff  }
0x202: {  	v7 =	vadd.f32 v7, v1;
	v3 =	vld.idx.msk [tilespmem:v0+s23+$0x3C00 ss:$0x1], $0xffff  }
0x203: {  	v11 =	vadd.f32 v11, v4;
	v21 =	vld [tilespmem:s23+$0x1B840];
	[tilespmem:s23+$0x1E070] =	vst v14  }
0x204: {  	v14 =	vadd.f32 v15, v18;
	v12 =	vadd.f32 v12, v18;
	v15 =	vld [tilespmem:s23+$0x1B850];
	[tilespmem:s23+$0x1E060] =	vst v7  }
0x205: {  	v19 =	vadd.f32 v19, v5;
	v13 =	vadd.f32 v13, v5;
	v7 =	vld [tilespmem:s23+$0x1B860];
	[tilespmem:s23+$0x1E050] =	vst v11  }
0x206: {  	v11 =	vadd.f32 v16, v6;
	v9 =	vadd.f32 v9, v6;
	v16 =	vld [tilespmem:s23+$0x1B870];
	[tilespmem:s23+$0x1E040] =	vst v12  }
0x207: {  	v8 =	vadd.f32 v8, v2;
	v10 =	vadd.f32 v10, v2;
	[tilespmem:s23+$0x1A440] =	vst v14;
	v12 =	vld [tilespmem:s23+$0x1CC00]  }
0x208: {  	v14 =	vadd.f32 v17, v3;
	v17 =	vadd.f32 v21, v18;
	v21 =	vld [tilespmem:s23+$0x1CC10];
	[tilespmem:s23+$0x1E030] =	vst v13  }
0x209: {  	[tilespmem:s23+$0x1A420] =	vst v11;
	v11 =	vadd.f32 v15, v4;
	v13 =	vld [tilespmem:s23+$0x1CC20]  }
0x20a: {  	[tilespmem:s23+$0x1B810] =	vst v10;
	v10 =	vadd.f32 v7, v1;
	v7 =	vld [tilespmem:s23+$0x1CC30]  }
0x20b: {  	[tilespmem:s23+$0x1A410] =	vst v8;
	v8 =	vadd.f32 v16, v20;
	v15 =	vld [tilespmem:s23+$0x1CC40]  }
0x20c: {  	[tilespmem:s23+$0x1A400] =	vst v14;
	v14 =	vld [tilespmem:s23+$0x1CC50];
	v12 =	vadd.f32 v12, v3  }
0x20d: {  	[tilespmem:s23+$0x1B840] =	vst v17;
	v17 =	vld [tilespmem:s23+$0x1CC60];
	v21 =	vadd.f32 v21, v2  }
0x20e: {  	[tilespmem:s23+$0x1B830] =	vst v19;
	v19 =	vld [tilespmem:s23+$0x1CC70];
	v22 =	vadd.f32 v13, v6  }
0x20f: {  	[tilespmem:s23+$0x1B820] =	vst v9;
	v13 =	vadd.f32 v7, v5;
	v23 =	vld [tilespmem:s23+$0x1E000]  }
0x210: {  	v24 =	vld [tilespmem:s23+$0x1A470];
	[tilespmem:s23+$0x1B850] =	vst v11;
	v16 =	vadd.f32 v15, v18  }
.Ltmp5:
0x211: {  	v7 =	vld [tilespmem:s23+$0x1A460];
	[tilespmem:s23+$0x1B860] =	vst v10;
	v14 =	vadd.f32 v14, v4;
	(pc) =	sbr.rel @p0 .LBB2_9-.Ltmp5, $4  }
0x212: {  	[tilespmem:s23+$0x1B870] =	vst v8;
	v15 =	vadd.f32 v17, v1;
	v9 =	vld [tilespmem:s23+$0x1E020]  }
0x213: {  	v10 =	vld [tilespmem:s23+$0x1A450];
	[tilespmem:s23+$0x1CC00] =	vst v12;
	v12 =	vadd.f32 v19, v20  }
0x214: {  	v17 =	vld [tilespmem:s23+$0x1A430];
	[tilespmem:s23+$0x1CC10] =	vst v21;
	v18 =	vadd.f32 v23, v3  }
0x215: {  	v8 =	vadd.f32 v24, v20;
	v11 =	vld [tilespmem:s23+$0x1B800];
	[tilespmem:s23+$0x1CC20] =	vst v22  }
0x216: {  	[tilespmem:s23+$0x1CC30] =	vst v13  }
0x217: {  	[tilespmem:s23+$0x1CC40] =	vst v16  }
0x218: {  	[tilespmem:s23+$0x1CC50] =	vst v14  }
0x219: {  	[tilespmem:s23+$0x1CC60] =	vst v15  }
0x21a: {  	[tilespmem:s23+$0x1E000] =	vst v18  }
0x21b: {  	v0 =	vld [tilespmem:s23+$0x1E010];
	[tilespmem:s23+$0x1CC70] =	vst v12;
	v1 =	vadd.f32 v7, v1  }
0x21c: {  	s2 =	sshll.u32 s21, $0x2;
	v6 =	vadd.f32 v9, v6;
	[tilespmem:s23+$0x1A470] =	vst v8  }
0x21d: {  	s12 =	smul.u32 $0x1400, s25;
	s2 =	sadd.s32 s6, s2;
	v4 =	vadd.f32 v10, v4;
	[tilespmem:s23+$0x1A460] =	vst v1  }
0x21e: {  	s2 =	smul.u32 $0x6400, s2;
	v5 =	vadd.f32 v17, v5;
	[tilespmem:s23+$0x1E020] =	vst v6  }
0x21f: {  	[tilespmem:s23+$0x1A450] =	vst v4;
	v63 =	vadd.f32 v11, v3  }
0x220: {  	s2 =	sadd.s32 s12, s2;
	[tilespmem:s23+$0x1A430] =	vst v5;
	v0 =	vadd.f32 v0, v2  }
0x221: {  	s2 =	sshrl.u32 s2, $0x3;
	[tilespmem:s23+$0x1B800] =	vst v63  }
0x222: {  	s2 =	sadd.s32 s3, s2;
	[tilespmem:s23+$0x1E010] =	vst v0  }
0x223: {  	[hbm4b:s2+s4] =	stream.linear.scatter [tilespmem:s16], [sflag:$0x8], $0x1400, $0x38;
	[tilespmem:$0x1F400] =	vst v63  }
0x224: {  	p0 =	seq.s32 s17, $0x9;
	s23 =	sadd.s32 $0xC80, s2  }
0x225: {  	[hbm4b:s23+s4] =	stream.linear.scatter [tilespmem:s20], [sflag:$0x8], $0x1400, $0x38;
	[tilespmem:$0x1F400] =	vst v63  }
.Ltmp6:
0x226: {  	_ = 	snop;
	(pc) =	sbr.rel @p0 .LBB2_12-.Ltmp6, $4  }
0x227: {  	s25 =	sadd.s32 $0x1900, s2  }
0x228: {  	[hbm4b:s25+s4] =	stream.linear.scatter [tilespmem:s24], [sflag:$0x8], $0x1400, $0x38;
	[tilespmem:$0x1F400] =	vst v63  }
0x229: {  	s2 =	sadd.s32 $0x2580, s2  }
0x22a: {  	[hbm4b:s2+s4] =	stream.linear.scatter [tilespmem:s29], [sflag:$0x8], $0x1400, $0x38;
	[tilespmem:$0x1F400] =	vst v63  }
0x22b: {  	_ =	swait.ge [sflag:s26], $0x1400  }
0x22c: {  	[sflag:s26] =	ssyncset.done $0x0  }
0x22d: {  	s2 =	sadd.s32 $0x4, s19;
	[sflag:s26] =	ssyncadd.s32 $0xFFFFEC00  }
0x22e: {  	s12 =	smulhi.u32 $0x66666667, s2;
	_ =	swait.ge [sflag:s26], $0x1400  }
0x22f: {  	[sflag:s26] =	ssyncset.done $0x0  }
0x230: {  	s12 =	sshrl.u32 s12, $0x1;
	[sflag:s26] =	ssyncadd.s32 $0xFFFFEC00  }
0x231: {  	s21 =	smul.u32 $0x5, s12;
	_ =	swait.ge [sflag:s26], $0x1400  }
0x232: {  	s12 =	smul.u32 $0x14, s12;
	[sflag:s26] =	ssyncset.done $0x0  }
0x233: {  	s2 =	ssub.s32 s2, s21;
	[sflag:s26] =	ssyncadd.s32 $0xFFFFEC00  }
0x234: {  	s2 =	sadd.s32 s2, s12;
	_ =	swait.ge [sflag:s26], $0x1400  }
0x235: {  	s2 =	sshll.u32 s2, $0x9;
	[sflag:s26] =	ssyncset.done $0x0  }
0x236: {  	s21 =	simm.s32 $0xB400;
	s2 =	sshra.s32 s2, $0x2;
	[sflag:s26] =	ssyncadd.s32 $0xFFFFEC00  }
0x237: {  	[tilespmem:s21], [sflag:$0x1] =	stream.indirect.gather [hbm4b:s1+s10], $0x80, s2, s10, $0xb8;
	[tilespmem:$0x1F400] =	vst v63  }
0x238: {  	s25 =	simm.s32 $0xC800;
	s23 =	sadd.s32 $0x280, s2  }
0x239: {  	[tilespmem:s25], [sflag:$0x1] =	stream.indirect.gather [hbm4b:s1+s10], $0x80, s23, s10, $0xb8;
	[tilespmem:$0x1F400] =	vst v63  }
0x23a: {  	s21 =	sadd.s32 $0x500, s2;
	s23 =	simm.s32 $0xDC00  }
0x23b: {  	[tilespmem:s23], [sflag:$0x1] =	stream.indirect.gather [hbm4b:s1+s10], $0x80, s21, s10, $0xb8;
	[tilespmem:$0x1F400] =	vst v63  }
0x23c: {  	s2 =	sadd.s32 $0x780, s2;
	s25 =	simm.s32 $0xF000  }
0x23d: {  	[tilespmem:s25], [sflag:$0x1] =	stream.indirect.gather [hbm4b:s1+s10], $0x80, s2, s10, $0xb8;
	[tilespmem:$0x1F400] =	vst v63  }
0x23e: {  	_ =	swait.ge [sflag:s5], $0x1400  }
0x23f: {  	[sflag:s5] =	ssyncset.done $0x0  }
0x240: {  	s21 =	sadd.s32 $0x5, s19;
	[sflag:s5] =	ssyncadd.s32 $0xFFFFEC00  }
0x241: {  	s23 =	smulhi.u32 $0x66666667, s21;
	_ =	swait.ge [sflag:s5], $0x1400  }
0x242: {  	[sflag:s5] =	ssyncset.done $0x0  }
0x243: {  	s12 =	sshrl.u32 s23, $0x1;
	[sflag:s5] =	ssyncadd.s32 $0xFFFFEC00  }
0x244: {  	s25 =	smul.u32 $0x5, s12;
	_ =	swait.ge [sflag:s5], $0x1400  }
0x245: {  	s12 =	smul.u32 $0x14, s12;
	[sflag:s5] =	ssyncset.done $0x0  }
0x246: {  	s2 =	ssub.s32 s21, s25;
	[sflag:s5] =	ssyncadd.s32 $0xFFFFEC00  }
0x247: {  	s2 =	sadd.s32 s2, s12;
	_ =	swait.ge [sflag:s5], $0x1400  }
0x248: {  	s2 =	sshll.u32 s2, $0x9;
	[sflag:s5] =	ssyncset.done $0x0  }
0x249: {  	s2 =	sshra.s32 s2, $0x2;
	[sflag:s5] =	ssyncadd.s32 $0xFFFFEC00  }
0x24a: {  	[tilespmem:s30], [sflag:$0x2] =	stream.indirect.gather [hbm4b:s1+s10], $0x80, s2, s10, $0xb8;
	[tilespmem:$0x1F400] =	vst v63  }
0x24b: {  	s23 =	simm.s32 $0x11800;
	s21 =	sadd.s32 $0x280, s2  }
0x24c: {  	[tilespmem:s23], [sflag:$0x2] =	stream.indirect.gather [hbm4b:s1+s10], $0x80, s21, s10, $0xb8;
	[tilespmem:$0x1F400] =	vst v63  }
0x24d: {  	s25 =	sadd.s32 $0x500, s2;
	s30 =	simm.s32 $0x12C00  }
0x24e: {  	[tilespmem:s30], [sflag:$0x2] =	stream.indirect.gather [hbm4b:s1+s10], $0x80, s25, s10, $0xb8;
	[tilespmem:$0x1F400] =	vst v63  }
0x24f: {  	s2 =	sadd.s32 $0x780, s2;
	s21 =	simm.s32 $0x14000  }
0x250: {  	[tilespmem:s21], [sflag:$0x2] =	stream.indirect.gather [hbm4b:s1+s10], $0x80, s2, s10, $0xb8;
	[tilespmem:$0x1F400] =	vst v63  }
0x251: {  	_ =	swait.ge [sflag:s7], $0x1400  }
0x252: {  	[sflag:s7] =	ssyncset.done $0x0  }
0x253: {  	s23 =	sadd.s32 $0x6, s19;
	[sflag:s7] =	ssyncadd.s32 $0xFFFFEC00  }
0x254: {  	s25 =	smulhi.u32 $0x66666667, s23;
	_ =	swait.ge [sflag:s7], $0x1400  }
0x255: {  	[sflag:s7] =	ssyncset.done $0x0  }
0x256: {  	s12 =	sshrl.u32 s25, $0x1;
	[sflag:s7] =	ssyncadd.s32 $0xFFFFEC00  }
0x257: {  	s30 =	smul.u32 $0x5, s12;
	_ =	swait.ge [sflag:s7], $0x1400  }
0x258: {  	s12 =	smul.u32 $0x14, s12;
	[sflag:s7] =	ssyncset.done $0x0  }
0x259: {  	s2 =	ssub.s32 s23, s30;
	[sflag:s7] =	ssyncadd.s32 $0xFFFFEC00  }
0x25a: {  	s2 =	sadd.s32 s2, s12;
	_ =	swait.ge [sflag:s7], $0x1400  }
0x25b: {  	s2 =	sshll.u32 s2, $0x9;
	[sflag:s7] =	ssyncset.done $0x0  }
0x25c: {  	s2 =	sshra.s32 s2, $0x2;
	[sflag:s7] =	ssyncadd.s32 $0xFFFFEC00  }
0x25d: {  	[tilespmem:s28], [sflag:$0x3] =	stream.indirect.gather [hbm4b:s1+s10], $0x80, s2, s10, $0xb8;
	[tilespmem:$0x1F400] =	vst v63  }
0x25e: {  	s23 =	simm.s32 $0x16800;
	s21 =	sadd.s32 $0x280, s2  }
0x25f: {  	[tilespmem:s23], [sflag:$0x3] =	stream.indirect.gather [hbm4b:s1+s10], $0x80, s21, s10, $0xb8;
	[tilespmem:$0x1F400] =	vst v63  }
0x260: {  	s25 =	sadd.s32 $0x500, s2;
	s28 =	simm.s32 $0x17C00  }
0x261: {  	[tilespmem:s28], [sflag:$0x3] =	stream.indirect.gather [hbm4b:s1+s10], $0x80, s25, s10, $0xb8;
	[tilespmem:$0x1F400] =	vst v63  }
0x262: {  	s30 =	simm.s32 $0x19000;
	s2 =	sadd.s32 $0x780, s2  }
0x263: {  	[tilespmem:s30], [sflag:$0x3] =	stream.indirect.gather [hbm4b:s1+s10], $0x80, s2, s10, $0xb8;
	[tilespmem:$0x1F400] =	vst v63  }
0x264: {  	_ =	swait.ge [sflag:s8], $0x1400  }
0x265: {  	[sflag:s8] =	ssyncset.done $0x0  }
0x266: {  	s21 =	sadd.s32 $0x7, s19;
	[sflag:s8] =	ssyncadd.s32 $0xFFFFEC00  }
0x267: {  	s23 =	smulhi.u32 $0x66666667, s21;
	_ =	swait.ge [sflag:s8], $0x1400  }
0x268: {  	[sflag:s8] =	ssyncset.done $0x0  }
0x269: {  	s12 =	sshrl.u32 s23, $0x1;
	[sflag:s8] =	ssyncadd.s32 $0xFFFFEC00  }
0x26a: {  	s25 =	smul.u32 $0x5, s12;
	_ =	swait.ge [sflag:s8], $0x1400  }
0x26b: {  	s12 =	smul.u32 $0x14, s12;
	[sflag:s8] =	ssyncset.done $0x0  }
0x26c: {  	s2 =	ssub.s32 s21, s25;
	[sflag:s8] =	ssyncadd.s32 $0xFFFFEC00  }
0x26d: {  	s2 =	sadd.s32 s2, s12;
	_ =	swait.ge [sflag:s8], $0x1400  }
0x26e: {  	s2 =	sshll.u32 s2, $0x9;
	[sflag:s8] =	ssyncset.done $0x0  }
0x26f: {  	s2 =	sshra.s32 s2, $0x2;
	[sflag:s8] =	ssyncadd.s32 $0xFFFFEC00  }
0x270: {  	[tilespmem:s16], [sflag:$0x4] =	stream.indirect.gather [hbm4b:s1+s10], $0x80, s2, s10, $0xb8;
	[tilespmem:$0x1F400] =	vst v63  }
0x271: {  	s28 =	sadd.s32 $0x280, s2  }
0x272: {  	[tilespmem:s20], [sflag:$0x4] =	stream.indirect.gather [hbm4b:s1+s10], $0x80, s28, s10, $0xb8;
	[tilespmem:$0x1F400] =	vst v63  }
.Ltmp7:
0x273: {  	s17 =	sadd.s32 $0x1, s17;
	s31 =	sadd.s32 $0x5000, s31;
	(pc) =	sbr.rel .LBB2_2-.Ltmp7, $4  }
0x274: {  	s15 =	sadd.s32 $0x4, s15;
	s13 =	sadd.s32 $0x4, s13;
	s30 =	sadd.s32 $0x500, s2  }
0x275: {  	[tilespmem:s24], [sflag:$0x4] =	stream.indirect.gather [hbm4b:s1+s10], $0x80, s30, s10, $0xb8;
	[tilespmem:$0x1F400] =	vst v63  }
0x276: {  	s11 =	sadd.s32 $0x4, s11;
	s9 =	sadd.s32 $0x4, s9;
	s2 =	sadd.s32 $0x780, s2  }
0x277: {  	[tilespmem:s29], [sflag:$0x4] =	stream.indirect.gather [hbm4b:s1+s10], $0x80, s2, s10, $0xb8;
	[tilespmem:$0x1F400] =	vst v63  }
.LBB2_13:
0x278: {  	_ =	sfence.sel $0x180000  }
0x279: {  	[bflag:$0x0] =	sbarrier.arrive $0xFFFF  }
0x27a: {  	_ =	strace $0x90000047  }
0x27b: {  	s0 =	stileid.u32;
	[bflag:$0x2] =	sbarrier.arrive $0xFFFF  }
0x27c: {  	p0 =	sne.s32 s0, $0x0;
	s0 =	rddreg [dreg:$0x3]  }
0x27d: {  	s0 =	sadd.s32 @!p0 $0x100000, s0  }
0x27e: {  	[sflag:s0] =	ssyncadd.tile.s32 @!p0 $0x1;
	_ =	shalt  }
.Lfunc_end2:
_tile_overlayer_lowered:
.L_overlay_start_2:
0x27f: {  	(tag) =	ssettag $0x2  }
0x280: {  	s0 =	rddreg [dreg:$0x0];
	s2 =	stileid.u32  }
0x281: {  	s1 =	rddreg [dreg:$0x1];
	p0 =	sne.s32 s2, $0x0  }
0x282: {  	s3 =	rddreg [dreg:$0x2];
	[bflag:$0x3] =	sbarrier.arrive $0xFFFF;
	s2 =	simm.s32 @!p0 $0x1C0A  }
0x283: {  	[timem:s3], [sflag:s2] =	dma.local @!p0 [hbm:s0], s1  }
0x284: {  	s0 =	simm.s32 @!p0 $0xA  }
0x285: {  	_ =	swait.ge @!p0 [sflag:s0], s1  }
0x286: {  	s1 =	ssub.s32 @!p0 $0x0, s1;
	[sflag:s0] =	ssyncset.done @!p0 $0x0  }
0x287: {  	[sflag:s0] =	ssyncadd.s32 @!p0 s1  }
0x288: {  	[bflag:$0x3] =	sbarrier.arrive $0xFFFF  }
0x289: {  	_ =	shalt  }

</sc_bundles>
